<compile_context>
chip_gen: v7x
topology: tpu7x:2x2x1
jax: 0.10.2.dev20260603
libtpu: 0.0.44.dev20260713+nightly
codegen_flags: <defaults>
</compile_context>

<pallas_src>
import functools

import jax
import jax.numpy as jnp
from jax import lax
from jax.experimental import pallas as pl
from jax.experimental.pallas import tpu as pltpu
from jax.experimental.pallas import tpu_sc as plsc

N_NODES_K = 100000
N_PAD = 100096
N_EDGES_K = 6400000
CH = 2560
NB = 3
NC = 2
NS = 16
NW = NC * NS
PER_TILE = N_PAD // NS
L = 16
ZC = 2560


def _fill_const(ref, n, value):
    v = jnp.full((L,), value, dtype=jnp.float32)

    def body(i, _):
        ref[pl.ds(i * L, L)] = v
        return 0

    lax.fori_loop(0, n // L, body, 0)


def _edge_pass_body(with_gather, *refs):
    if with_gather:
        (y_hbm, edge_hbm, out_hbm, y_tile,
         src_b0, src_b1, src_b2, dst_b0, dst_b1, dst_b2,
         val_b0, val_b1, val_b2,
         sc_sem0, sc_sem1, sc_sem2, in_sem0, in_sem1, in_sem2, acc) = refs
        src_b = (src_b0, src_b1, src_b2)
        val_b = (val_b0, val_b1, val_b2)
    else:
        (edge_hbm, out_hbm, dst_b0, dst_b1, dst_b2, val_b0,
         sc_sem0, sc_sem1, sc_sem2, in_sem0, in_sem1, in_sem2, acc) = refs
        val_b = (val_b0, val_b0, val_b0)
    dst_b = (dst_b0, dst_b1, dst_b2)
    sc_sems = (sc_sem0, sc_sem1, sc_sem2)
    in_sems = (in_sem0, in_sem1, in_sem2)

    cid = lax.axis_index("c")
    sid = lax.axis_index("s")
    wid = sid * NC + cid

    if with_gather:
        tbl = pltpu.async_copy(y_hbm, y_tile, in_sems[0])

    _fill_const(val_b0, ZC, 0.0)
    for off in range(0, PER_TILE, ZC):
        pc = min(ZC, PER_TILE - off)
        pltpu.sync_copy(val_b0.at[pl.ds(0, pc)],
                        acc.at[pl.ds(sid * PER_TILE + off, pc)])

    if with_gather:
        tbl.wait()
    else:
        _fill_const(val_b0, CH, 1.0)

    n_chunks = N_EDGES_K // CH
    nw = (n_chunks - wid + NW - 1) // NW

    def in_descs(k, pb):
        base = (wid + k * NW) * CH
        d_dst = pltpu.make_async_copy(edge_hbm.at[1, pl.ds(base, CH)],
                                      dst_b[pb], in_sems[pb])
        if with_gather:
            d_src = pltpu.make_async_copy(edge_hbm.at[0, pl.ds(base, CH)],
                                          src_b[pb], in_sems[pb])
            return (d_dst, d_src)
        return (d_dst,)

    def sc_wait(pb):
        pltpu.make_async_copy(val_b[pb], acc.at[dst_b[pb]],
                              sc_sems[pb]).wait()

    def prefetch(k, pb):
        @pl.when(k < nw)
        def _():
            @pl.when(k >= NB)
            def _():
                sc_wait(pb)
            for d in in_descs(k, pb):
                d.start()

    def body(j, pb):
        @pl.when(j < nw)
        def _():
            for d in in_descs(j, pb):
                d.wait()
            prefetch(j + 1, (pb + 1) % NB)
            if with_gather:
                @plsc.parallel_loop(0, CH // L, unroll=8)
                def _(jj):
                    idx = src_b[pb][pl.ds(jj * L, L)]
                    val_b[pb][pl.ds(jj * L, L)] = plsc.load_gather(
                        y_tile, [idx])
            pltpu.async_copy(val_b[pb], acc.at[dst_b[pb]], sc_sems[pb],
                             add=True)

    plsc.subcore_barrier()
    prefetch(0, 0)

    def tri_body(m, _):
        for pb in range(NB):
            body(NB * m + pb, pb)
        return 0

    lax.fori_loop(0, nw // NB, tri_body, 0)
    jt = (nw // NB) * NB
    body(jt, 0)
    body(jt + 1, 1)

    sc_wait(0)
    sc_wait(1)
    sc_wait(2)

    plsc.subcore_barrier()
    obase = cid * N_PAD + sid * PER_TILE
    for off in range(0, PER_TILE, ZC):
        pc = min(ZC, PER_TILE - off)
        pltpu.sync_copy(acc.at[pl.ds(sid * PER_TILE + off, pc)],
                        val_b0.at[pl.ds(0, pc)])
        pltpu.sync_copy(val_b0.at[pl.ds(0, pc)],
                        out_hbm.at[pl.ds(obase + off, pc)])


_SC_MESH = plsc.VectorSubcoreMesh(core_axis_name="c", subcore_axis_name="s")
_SC_PARAMS = pltpu.CompilerParams(needs_layout_passes=False)

_edge_gather_pass = pl.kernel(
    functools.partial(_edge_pass_body, True),
    out_type=jax.ShapeDtypeStruct((NC * N_PAD,), jnp.float32),
    mesh=_SC_MESH,
    compiler_params=_SC_PARAMS,
    scratch_types=(
        [pltpu.VMEM((N_PAD,), jnp.float32)]
        + [pltpu.VMEM((CH,), jnp.int32) for _ in range(NB)]
        + [pltpu.VMEM((CH,), jnp.int32) for _ in range(NB)]
        + [pltpu.VMEM((CH,), jnp.float32) for _ in range(NB)]
        + [pltpu.SemaphoreType.DMA for _ in range(2 * NB)]
        + [pltpu.VMEM_SHARED((N_PAD,), jnp.float32)]
    ),
)

_deg_pass = pl.kernel(
    functools.partial(_edge_pass_body, False),
    out_type=jax.ShapeDtypeStruct((NC * N_PAD,), jnp.float32),
    mesh=_SC_MESH,
    compiler_params=_SC_PARAMS,
    scratch_types=(
        [pltpu.VMEM((CH,), jnp.int32) for _ in range(NB)]
        + [pltpu.VMEM((CH,), jnp.float32)]
        + [pltpu.SemaphoreType.DMA for _ in range(2 * NB)]
        + [pltpu.VMEM_SHARED((N_PAD,), jnp.float32)]
    ),
)



def _stage1_body(degp_ref, xp_ref, d_ref, y_ref):
    deg = degp_ref[0] + degp_ref[1] + 1.0
    dd = lax.rsqrt(deg)
    d_ref[...] = dd
    y_ref[...] = dd * xp_ref[...]


def _stage2_body(sp_ref, y_ref, d_ref, w1_ref, b1_ref, w2_ref, g_ref):
    dd = d_ref[...]
    s = dd * (sp_ref[0] + sp_ref[1] + y_ref[...])
    acc = jnp.zeros_like(s)
    for j in range(35):
        acc = acc + jax.nn.sigmoid(s * w1_ref[j] + b1_ref[j]) * w2_ref[j]
    g_ref[...] = dd * acc


def _stage3_body(up_ref, g_ref, d_ref, b2_ref, o_ref):
    u = d_ref[...] * (up_ref[0] + up_ref[1] + g_ref[...]) + b2_ref[0]
    o_ref[...] = jax.nn.sigmoid(u)


_V = pl.BlockSpec(memory_space=pltpu.VMEM)
_S = pl.BlockSpec(memory_space=pltpu.SMEM)
_R2 = (N_PAD // 128, 128)

_stage1 = pl.pallas_call(
    _stage1_body,
    in_specs=[_V, _V],
    out_specs=(_V, _V),
    out_shape=(jax.ShapeDtypeStruct(_R2, jnp.float32),
               jax.ShapeDtypeStruct(_R2, jnp.float32)),
)

_stage2 = pl.pallas_call(
    _stage2_body,
    in_specs=[_V, _V, _V, _S, _S, _S],
    out_specs=_V,
    out_shape=jax.ShapeDtypeStruct(_R2, jnp.float32),
)

_stage3 = pl.pallas_call(
    _stage3_body,
    in_specs=[_V, _V, _V, _S],
    out_specs=_V,
    out_shape=jax.ShapeDtypeStruct(_R2, jnp.float32),
)


def kernel(x, edge_index, edge_attr, W1, b1, W2, b2):
    del edge_attr
    xp = jnp.pad(x[:, 0], (0, N_PAD - N_NODES_K))
    e3 = edge_index

    degp = _deg_pass(e3)
    dd, y = _stage1(degp.reshape(NC, *_R2), xp.reshape(_R2))

    sp = _edge_gather_pass(y.reshape(N_PAD), e3)
    g = _stage2(sp.reshape(NC, *_R2), y, dd,
                W1.reshape(35), b1, W2.reshape(35))

    up = _edge_gather_pass(g.reshape(N_PAD), e3)
    o = _stage3(up.reshape(NC, *_R2), g, dd, b2)

    return o.reshape(N_PAD)[:N_NODES_K].reshape(N_NODES_K, 1)

# --- scband reference (transcript-rebuilt; emitter-appended) ---
"""Pipeline reference for scband-discriminator-75557064671746 (READ-ONLY COPY).

The authoritative reference and input builder live on the scoring server;
editing this copy changes nothing except your own understanding.
"""

import jax, jax.numpy as jnp
import numpy as np

N_NODES = 100000
N_EDGES = 6400000


def glorot(key, shape):
    fan_in, fan_out = shape[0], shape[1]
    limit = float(np.sqrt(6.0 / (fan_in + fan_out)))
    return jax.random.uniform(key, shape, dtype=jnp.float32, minval=-limit, maxval=limit)


def setup_inputs(seed: int = 0):
    key = jax.random.key(seed)
    ks = jax.random.split(key, 8)
    x = jax.random.normal(ks[0], (N_NODES, 1), dtype=jnp.float32)
    edge_index = jax.random.randint(ks[1], (2, N_EDGES), 0, N_NODES, dtype=jnp.int32)
    edge_attr = jax.random.normal(ks[2], (N_EDGES, 4), dtype=jnp.float32)
    W1 = glorot(ks[3], (1, 35))
    b1 = jnp.zeros((35,), dtype=jnp.float32)
    W2 = glorot(ks[4], (35, 1))
    b2 = jnp.zeros((1,), dtype=jnp.float32)
    return {"x": x, "edge_index": edge_index, "edge_attr": edge_attr,
            "W1": W1, "b1": b1, "W2": W2, "b2": b2}


def gcn_conv(x, edge_index, W, b, num_nodes):
    # GCNConv: x' = D^{-1/2} (A + I) D^{-1/2} X W + b  (add_self_loops=True, normalize=True)
    loop = jnp.arange(num_nodes, dtype=edge_index.dtype)
    src = jnp.concatenate([edge_index[0], loop])
    dst = jnp.concatenate([edge_index[1], loop])
    deg = jnp.zeros((num_nodes,), dtype=jnp.float32).at[dst].add(1.0)
    deg_inv_sqrt = jnp.where(deg > 0, deg ** -0.5, 0.0)
    norm = deg_inv_sqrt[src] * deg_inv_sqrt[dst]
    xw = x @ W
    msg = jnp.take(xw, src, axis=0) * norm[:, None]
    out = jnp.zeros((num_nodes, W.shape[1]), dtype=jnp.float32).at[dst].add(msg)
    return out + b


def reference(x, edge_index, edge_attr, W1, b1, W2, b2):
    # edge_attr is unpacked from data but unused by the GCN layers.
    x1 = jax.nn.sigmoid(gcn_conv(x, edge_index, W1, b1, N_NODES))
    # F.dropout(training=False) at inference -> identity
    x2 = jax.nn.sigmoid(gcn_conv(x1, edge_index, W2, b2, N_NODES))
    return x2

if __name__ == "__main__":
    import jax
    _d = setup_inputs()
    print(jax.jit(kernel)(*tuple(_d.values())))

</pallas_src>

<mosaic_0001>
#map = affine_map<(d0, d1) -> (0, 0)>
#map1 = affine_map<(d0, d1) -> (0)>
module attributes {stable_mosaic.version = 14 : i64} {
  func.func @_edge_pass_body(%arg0: i32, %arg1: i32, %arg2: memref<2x6400000xi32, #tpu.memory_space<hbm>>, %arg3: memref<200192xf32, #tpu.memory_space<hbm>>, %arg4: memref<2560xi32, #tpu.memory_space<vmem>>, %arg5: memref<2560xi32, #tpu.memory_space<vmem>>, %arg6: memref<2560xi32, #tpu.memory_space<vmem>>, %arg7: memref<2560xf32, #tpu.memory_space<vmem>>, %arg8: memref<!tpu.dma_semaphore, #tpu.memory_space<semaphore_mem>>, %arg9: memref<!tpu.dma_semaphore, #tpu.memory_space<semaphore_mem>>, %arg10: memref<!tpu.dma_semaphore, #tpu.memory_space<semaphore_mem>>, %arg11: memref<!tpu.dma_semaphore, #tpu.memory_space<semaphore_mem>>, %arg12: memref<!tpu.dma_semaphore, #tpu.memory_space<semaphore_mem>>, %arg13: memref<!tpu.dma_semaphore, #tpu.memory_space<semaphore_mem>>, %arg14: memref<100096xf32, #tpu.memory_space<vmem_shared>>) attributes {dimension_semantics = [#tpu.dimension_semantics<core_parallel>, #tpu.dimension_semantics<subcore_parallel>], iteration_bounds = array<i64: 2, 16>, scalar_prefetch = 0 : i64, scratch_operands = 11 : i64, tpu.core_type = #tpu.core_type<sc_vector_subcore>, window_params = [{transform_indices = #map}, {transform_indices = #map1}]} {
    %mul3A = arith.constant 2 : i32
    %mul3A_0 = arith.muli %arg1, %mul3A : i32
    %add3A = arith.addi %mul3A_0, %arg0 : i32
    %broadcast_in_dim3A = arith.constant 0.000000e+00 : f32
    %broadcast_in_dim3A_1 = vector.broadcast %broadcast_in_dim3A : f32 to vector<16xf32>
    %scan3A = arith.constant 0 : i32
    %scan3A_2 = arith.constant 0 : i32
    %scan3A_3 = arith.constant 160 : i32
    %scan3A_4 = arith.addi %scan3A_2, %scan3A_3 : i32
    %scan3A_5 = arith.constant 1 : i32
    %scan3A_6 = scf.for %scan3A_152 = %scan3A_2 to %scan3A_4 step %scan3A_5 iter_args(%scan3A_153 = %scan3A) -> (i32)  : i32 {
      %mul3A_154 = arith.constant 16 : i32
      %mul3A_155 = arith.muli %scan3A_152, %mul3A_154 : i32
      %swap3A = arith.index_cast %mul3A_155 : i32 to index
      %swap3A_156 = tpu.vector_load %arg7[%swap3A] {strides = array<i32>} : memref<2560xf32, #tpu.memory_space<vmem>>, vector<16xf32>,
      tpu.vector_store %arg7[%swap3A], %broadcast_in_dim3A_1 {strides = array<i32>} : memref<2560xf32, #tpu.memory_space<vmem>>, vector<16xf32>,
      %scan3A_157 = arith.constant 0 : i32
      scf.yield %scan3A_157 : i32
    }
    %scan3A_7 = arith.constant 160 : i32
    %mul3A_8 = arith.constant 6256 : i32
    %mul3A_9 = arith.muli %arg1, %mul3A_8 : i32
    %add3A_10 = arith.constant 0 : i32
    %add3A_11 = arith.addi %mul3A_9, %add3A_10 : i32
    "tpu.region"() ({
      %run_scoped3A = tpu.sem_alloc : memref<!tpu.dma_semaphore, #tpu.memory_space<semaphore_mem>>
      %dma_start3A = arith.constant 0 : i32
      %dma_start3A_152 = tpu.memref_slice %arg7[%dma_start3A] : memref<2560xf32, #tpu.memory_space<vmem>> -> memref<2560xf32, #tpu.memory_space<vmem>>
      %dma_start3A_153 = tpu.memref_slice %arg14[%add3A_11] : memref<100096xf32, #tpu.memory_space<vmem_shared>> -> memref<2560xf32, #tpu.memory_space<vmem_shared>>
      %dma_start3A_154 = tpu.memref_slice %arg14[%add3A_11] : memref<100096xf32, #tpu.memory_space<vmem_shared>> -> memref<2560xf32, #tpu.memory_space<vmem_shared>>
      %dma_start3A_155 = arith.constant 0 : i32
      %dma_start3A_156 = tpu.memref_slice %arg7[%dma_start3A_155] : memref<2560xf32, #tpu.memory_space<vmem>> -> memref<2560xf32, #tpu.memory_space<vmem>>
      tpu.enqueue_dma source(%dma_start3A_156 : memref<2560xf32, #tpu.memory_space<vmem>>) target(%dma_start3A_154 : memref<2560xf32, #tpu.memory_space<vmem_shared>>) target_semaphore(%run_scoped3A : memref<!tpu.dma_semaphore, #tpu.memory_space<semaphore_mem>>)
      %dma_wait3A_157 = arith.constant 0 : i32
      %dma_wait3A_158 = tpu.memref_slice %arg7[%dma_wait3A_157] : memref<2560xf32, #tpu.memory_space<vmem>> -> memref<2560xf32, #tpu.memory_space<vmem>>
      %dma_wait3A_159 = tpu.memref_slice %arg14[%add3A_11] : memref<100096xf32, #tpu.memory_space<vmem_shared>> -> memref<2560xf32, #tpu.memory_space<vmem_shared>>
      %dma_wait3A_160 = tpu.memref_slice %arg14[%add3A_11] : memref<100096xf32, #tpu.memory_space<vmem_shared>> -> memref<2560xf32, #tpu.memory_space<vmem_shared>>
      %dma_wait3A_161 = arith.constant 0 : i32
      %dma_wait3A_162 = tpu.memref_slice %arg7[%dma_wait3A_161] : memref<2560xf32, #tpu.memory_space<vmem>> -> memref<2560xf32, #tpu.memory_space<vmem>>
      tpu.wait_dma2 semaphore(%run_scoped3A : memref<!tpu.dma_semaphore, #tpu.memory_space<semaphore_mem>>) src(%dma_wait3A_162 : memref<2560xf32, #tpu.memory_space<vmem>>) dst(%dma_wait3A_160 : memref<2560xf32, #tpu.memory_space<vmem_shared>>)
      tpu.yield
    }) : () -> ()
    %mul3A_12 = arith.constant 6256 : i32
    %mul3A_13 = arith.muli %arg1, %mul3A_12 : i32
    %add3A_14 = arith.constant 2560 : i32
    %add3A_15 = arith.addi %mul3A_13, %add3A_14 : i32
    "tpu.region"() ({
      %run_scoped3A = tpu.sem_alloc : memref<!tpu.dma_semaphore, #tpu.memory_space<semaphore_mem>>
      %dma_start3A = arith.constant 0 : i32
      %dma_start3A_152 = tpu.memref_slice %arg7[%dma_start3A] : memref<2560xf32, #tpu.memory_space<vmem>> -> memref<2560xf32, #tpu.memory_space<vmem>>
      %dma_start3A_153 = tpu.memref_slice %arg14[%add3A_15] : memref<100096xf32, #tpu.memory_space<vmem_shared>> -> memref<2560xf32, #tpu.memory_space<vmem_shared>>
      %dma_start3A_154 = tpu.memref_slice %arg14[%add3A_15] : memref<100096xf32, #tpu.memory_space<vmem_shared>> -> memref<2560xf32, #tpu.memory_space<vmem_shared>>
      %dma_start3A_155 = arith.constant 0 : i32
      %dma_start3A_156 = tpu.memref_slice %arg7[%dma_start3A_155] : memref<2560xf32, #tpu.memory_space<vmem>> -> memref<2560xf32, #tpu.memory_space<vmem>>
      tpu.enqueue_dma source(%dma_start3A_156 : memref<2560xf32, #tpu.memory_space<vmem>>) target(%dma_start3A_154 : memref<2560xf32, #tpu.memory_space<vmem_shared>>) target_semaphore(%run_scoped3A : memref<!tpu.dma_semaphore, #tpu.memory_space<semaphore_mem>>)
      %dma_wait3A_157 = arith.constant 0 : i32
      %dma_wait3A_158 = tpu.memref_slice %arg7[%dma_wait3A_157] : memref<2560xf32, #tpu.memory_space<vmem>> -> memref<2560xf32, #tpu.memory_space<vmem>>
      %dma_wait3A_159 = tpu.memref_slice %arg14[%add3A_15] : memref<100096xf32, #tpu.memory_space<vmem_shared>> -> memref<2560xf32, #tpu.memory_space<vmem_shared>>
      %dma_wait3A_160 = tpu.memref_slice %arg14[%add3A_15] : memref<100096xf32, #tpu.memory_space<vmem_shared>> -> memref<2560xf32, #tpu.memory_space<vmem_shared>>
      %dma_wait3A_161 = arith.constant 0 : i32
      %dma_wait3A_162 = tpu.memref_slice %arg7[%dma_wait3A_161] : memref<2560xf32, #tpu.memory_space<vmem>> -> memref<2560xf32, #tpu.memory_space<vmem>>
      tpu.wait_dma2 semaphore(%run_scoped3A : memref<!tpu.dma_semaphore, #tpu.memory_space<semaphore_mem>>) src(%dma_wait3A_162 : memref<2560xf32, #tpu.memory_space<vmem>>) dst(%dma_wait3A_160 : memref<2560xf32, #tpu.memory_space<vmem_shared>>)
      tpu.yield
    }) : () -> ()
    %mul3A_16 = arith.constant 6256 : i32
    %mul3A_17 = arith.muli %arg1, %mul3A_16 : i32
    %add3A_18 = arith.constant 5120 : i32
    %add3A_19 = arith.addi %mul3A_17, %add3A_18 : i32
    "tpu.region"() ({
      %run_scoped3A = tpu.sem_alloc : memref<!tpu.dma_semaphore, #tpu.memory_space<semaphore_mem>>
      %dma_start3A = arith.constant 0 : i32
      %dma_start3A_152 = tpu.memref_slice %arg7[%dma_start3A] : memref<2560xf32, #tpu.memory_space<vmem>> -> memref<1136xf32, #tpu.memory_space<vmem>>
      %dma_start3A_153 = tpu.memref_slice %arg14[%add3A_19] : memref<100096xf32, #tpu.memory_space<vmem_shared>> -> memref<1136xf32, #tpu.memory_space<vmem_shared>>
      %dma_start3A_154 = tpu.memref_slice %arg14[%add3A_19] : memref<100096xf32, #tpu.memory_space<vmem_shared>> -> memref<1136xf32, #tpu.memory_space<vmem_shared>>
      %dma_start3A_155 = arith.constant 0 : i32
      %dma_start3A_156 = tpu.memref_slice %arg7[%dma_start3A_155] : memref<2560xf32, #tpu.memory_space<vmem>> -> memref<1136xf32, #tpu.memory_space<vmem>>
      tpu.enqueue_dma source(%dma_start3A_156 : memref<1136xf32, #tpu.memory_space<vmem>>) target(%dma_start3A_154 : memref<1136xf32, #tpu.memory_space<vmem_shared>>) target_semaphore(%run_scoped3A : memref<!tpu.dma_semaphore, #tpu.memory_space<semaphore_mem>>)
      %dma_wait3A_157 = arith.constant 0 : i32
      %dma_wait3A_158 = tpu.memref_slice %arg7[%dma_wait3A_157] : memref<2560xf32, #tpu.memory_space<vmem>> -> memref<1136xf32, #tpu.memory_space<vmem>>
      %dma_wait3A_159 = tpu.memref_slice %arg14[%add3A_19] : memref<100096xf32, #tpu.memory_space<vmem_shared>> -> memref<1136xf32, #tpu.memory_space<vmem_shared>>
      %dma_wait3A_160 = tpu.memref_slice %arg14[%add3A_19] : memref<100096xf32, #tpu.memory_space<vmem_shared>> -> memref<1136xf32, #tpu.memory_space<vmem_shared>>
      %dma_wait3A_161 = arith.constant 0 : i32
      %dma_wait3A_162 = tpu.memref_slice %arg7[%dma_wait3A_161] : memref<2560xf32, #tpu.memory_space<vmem>> -> memref<1136xf32, #tpu.memory_space<vmem>>
      tpu.wait_dma2 semaphore(%run_scoped3A : memref<!tpu.dma_semaphore, #tpu.memory_space<semaphore_mem>>) src(%dma_wait3A_162 : memref<1136xf32, #tpu.memory_space<vmem>>) dst(%dma_wait3A_160 : memref<1136xf32, #tpu.memory_space<vmem_shared>>)
      tpu.yield
    }) : () -> ()
    %broadcast_in_dim3A_20 = arith.constant 1.000000e+00 : f32
    %broadcast_in_dim3A_21 = vector.broadcast %broadcast_in_dim3A_20 : f32 to vector<16xf32>
    %scan3A_22 = arith.constant 0 : i32
    %scan3A_23 = arith.constant 0 : i32
    %scan3A_24 = arith.constant 160 : i32
    %scan3A_25 = arith.addi %scan3A_23, %scan3A_24 : i32
    %scan3A_26 = arith.constant 1 : i32
    %scan3A_27 = scf.for %scan3A_152 = %scan3A_23 to %scan3A_25 step %scan3A_26 iter_args(%scan3A_153 = %scan3A_22) -> (i32)  : i32 {
      %mul3A_154 = arith.constant 16 : i32
      %mul3A_155 = arith.muli %scan3A_152, %mul3A_154 : i32
      %swap3A = arith.index_cast %mul3A_155 : i32 to index
      %swap3A_156 = tpu.vector_load %arg7[%swap3A] {strides = array<i32>} : memref<2560xf32, #tpu.memory_space<vmem>>, vector<16xf32>,
      tpu.vector_store %arg7[%swap3A], %broadcast_in_dim3A_21 {strides = array<i32>} : memref<2560xf32, #tpu.memory_space<vmem>>, vector<16xf32>,
      %scan3A_157 = arith.constant 0 : i32
      scf.yield %scan3A_157 : i32
    }
    %scan3A_28 = arith.constant 160 : i32
    %sub3A = arith.constant 2500 : i32
    %sub3A_29 = arith.subi %sub3A, %add3A : i32
    %add3A_30 = arith.constant 32 : i32
    %add3A_31 = arith.addi %sub3A_29, %add3A_30 : i32
    %sub3A_32 = arith.constant 1 : i32
    %sub3A_33 = arith.subi %add3A_31, %sub3A_32 : i32
    %jit3A = arith.constant 32 : i32
    %div3A = arith.divsi %sub3A_33, %jit3A : i32
    %sign3A = arith.constant 0 : i32
    %sign3A_34 = arith.cmpi sgt, %sub3A_33, %sign3A : i32
    %sign3A_35 = arith.extui %sign3A_34 : i1 to i32
    %sign3A_36 = arith.constant 0 : i32
    %sign3A_37 = arith.cmpi slt, %sub3A_33, %sign3A_36 : i32
    %sign3A_38 = arith.extui %sign3A_37 : i1 to i32
    %sign3A_39 = arith.subi %sign3A_35, %sign3A_38 : i32
    %sign3A_40 = arith.constant 0 : i32
    %sign3A_41 = arith.cmpi sgt, %jit3A, %sign3A_40 : i32
    %sign3A_42 = arith.extui %sign3A_41 : i1 to i32
    %sign3A_43 = arith.constant 0 : i32
    %sign3A_44 = arith.cmpi slt, %jit3A, %sign3A_43 : i32
    %sign3A_45 = arith.extui %sign3A_44 : i1 to i32
    %sign3A_46 = arith.subi %sign3A_42, %sign3A_45 : i32
    %ne3A = arith.cmpi ne, %sign3A_39, %sign3A_46 : i32
    %rem3A = arith.remsi %sub3A_33, %jit3A : i32
    %ne3A_47 = arith.constant 0 : i32
    %ne3A_48 = arith.cmpi ne, %rem3A, %ne3A_47 : i32
    %and3A = arith.andi %ne3A, %ne3A_48 : i1
    %sub3A_49 = arith.constant 1 : i32
    %sub3A_50 = arith.subi %div3A, %sub3A_49 : i32
    %select_n3A = arith.select %and3A, %sub3A_50, %div3A : i32
    %barrier3A = arith.constant 0 : index
    tpu.barrier barrier_id(%barrier3A)
    %gt3A = arith.constant 0 : i32
    %gt3A_51 = arith.cmpi sgt, %select_n3A, %gt3A : i32
    %convert_element_type3A = arith.extui %gt3A_51 : i1 to i32
    %cond3A = arith.constant 0 : i32
    %cond3A_52 = arith.cmpi ne, %convert_element_type3A, %cond3A : i32
    scf.if %cond3A_52 {
      %add3A_152 = arith.constant 0 : i32
      %add3A_153 = arith.addi %add3A, %add3A_152 : i32
      %mul3A_154 = arith.constant 2560 : i32
      %mul3A_155 = arith.muli %add3A_153, %mul3A_154 : i32
      %dma_start3A = arith.constant 1 : i32
      %dma_start3A_156 = tpu.memref_slice %arg2[%dma_start3A, %mul3A_155] : memref<2x6400000xi32, #tpu.memory_space<hbm>> -> memref<1x2560xi32, #tpu.memory_space<hbm>>
      %dma_start3A_157 = tpu.memref_squeeze %dma_start3A_156 : memref<1x2560xi32, #tpu.memory_space<hbm>> -> memref<2560xi32, #tpu.memory_space<hbm>>
      %dma_start3A_158 = tpu.memref_slice %arg2[%dma_start3A, %mul3A_155] : memref<2x6400000xi32, #tpu.memory_space<hbm>> -> memref<1x2560xi32, #tpu.memory_space<hbm>>
      %dma_start3A_159 = tpu.memref_squeeze %dma_start3A_158 : memref<1x2560xi32, #tpu.memory_space<hbm>> -> memref<2560xi32, #tpu.memory_space<hbm>>
      tpu.enqueue_dma source(%dma_start3A_159 : memref<2560xi32, #tpu.memory_space<hbm>>) target(%arg4 : memref<2560xi32, #tpu.memory_space<vmem>>) target_semaphore(%arg11 : memref<!tpu.dma_semaphore, #tpu.memory_space<semaphore_mem>>)
    } else {
    }
    %jit3A_53 = arith.constant 3 : i32
    %div3A_54 = arith.divsi %select_n3A, %jit3A_53 : i32
    %sign3A_55 = arith.constant 0 : i32
    %sign3A_56 = arith.cmpi sgt, %select_n3A, %sign3A_55 : i32
    %sign3A_57 = arith.extui %sign3A_56 : i1 to i32
    %sign3A_58 = arith.constant 0 : i32
    %sign3A_59 = arith.cmpi slt, %select_n3A, %sign3A_58 : i32
    %sign3A_60 = arith.extui %sign3A_59 : i1 to i32
    %sign3A_61 = arith.subi %sign3A_57, %sign3A_60 : i32
    %sign3A_62 = arith.constant 0 : i32
    %sign3A_63 = arith.cmpi sgt, %jit3A_53, %sign3A_62 : i32
    %sign3A_64 = arith.extui %sign3A_63 : i1 to i32
    %sign3A_65 = arith.constant 0 : i32
    %sign3A_66 = arith.cmpi slt, %jit3A_53, %sign3A_65 : i32
    %sign3A_67 = arith.extui %sign3A_66 : i1 to i32
    %sign3A_68 = arith.subi %sign3A_64, %sign3A_67 : i32
    %ne3A_69 = arith.cmpi ne, %sign3A_61, %sign3A_68 : i32
    %rem3A_70 = arith.remsi %select_n3A, %jit3A_53 : i32
    %ne3A_71 = arith.constant 0 : i32
    %ne3A_72 = arith.cmpi ne, %rem3A_70, %ne3A_71 : i32
    %and3A_73 = arith.andi %ne3A_69, %ne3A_72 : i1
    %sub3A_74 = arith.constant 1 : i32
    %sub3A_75 = arith.subi %div3A_54, %sub3A_74 : i32
    %select_n3A_76 = arith.select %and3A_73, %sub3A_75, %div3A_54 : i32
    %while3A = arith.constant 0 : i32
    %while3A_77 = arith.constant 0 : i32
    %while3A_78 = arith.subi %select_n3A_76, %while3A : i32
    %while3A_79 = arith.addi %while3A, %while3A_78 : i32
    %while3A_80 = arith.constant 1 : i32
    %while3A_81 = arith.divsi %while3A_78, %while3A_80 : i32
    %while3A_82 = arith.muli %while3A_81, %while3A_80 : i32
    %while3A_83 = arith.addi %while3A, %while3A_82 : i32
    %while3A_84 = arith.constant 1 : i32
    %while3A_85 = scf.for %while3A_152 = %while3A to %while3A_83 step %while3A_84 iter_args(%while3A_153 = %while3A_77) -> (i32)  : i32 {
      %mul3A_154 = arith.constant 3 : i32
      %mul3A_155 = arith.muli %mul3A_154, %while3A_152 : i32
      %add3A_156 = arith.constant 0 : i32
      %add3A_157 = arith.addi %mul3A_155, %add3A_156 : i32
      %lt3A_158 = arith.cmpi slt, %add3A_157, %select_n3A : i32
      %convert_element_type3A_159 = arith.extui %lt3A_158 : i1 to i32
      %cond3A_160 = arith.constant 0 : i32
      %cond3A_161 = arith.cmpi ne, %convert_element_type3A_159, %cond3A_160 : i32
      scf.if %cond3A_161 {
        %mul3A_179 = arith.constant 32 : i32
        %mul3A_180 = arith.muli %add3A_157, %mul3A_179 : i32
        %add3A_181 = arith.addi %add3A, %mul3A_180 : i32
        %mul3A_182 = arith.constant 2560 : i32
        %mul3A_183 = arith.muli %add3A_181, %mul3A_182 : i32
        %dma_wait3A_184 = arith.constant 1 : i32
        %dma_wait3A_185 = tpu.memref_slice %arg2[%dma_wait3A_184, %mul3A_183] : memref<2x6400000xi32, #tpu.memory_space<hbm>> -> memref<1x2560xi32, #tpu.memory_space<hbm>>
        %dma_wait3A_186 = tpu.memref_squeeze %dma_wait3A_185 : memref<1x2560xi32, #tpu.memory_space<hbm>> -> memref<2560xi32, #tpu.memory_space<hbm>>
        %dma_wait3A_187 = tpu.memref_slice %arg2[%dma_wait3A_184, %mul3A_183] : memref<2x6400000xi32, #tpu.memory_space<hbm>> -> memref<1x2560xi32, #tpu.memory_space<hbm>>
        %dma_wait3A_188 = tpu.memref_squeeze %dma_wait3A_187 : memref<1x2560xi32, #tpu.memory_space<hbm>> -> memref<2560xi32, #tpu.memory_space<hbm>>
        tpu.wait_dma2 semaphore(%arg11 : memref<!tpu.dma_semaphore, #tpu.memory_space<semaphore_mem>>) src(%dma_wait3A_188 : memref<2560xi32, #tpu.memory_space<hbm>>) dst(%arg4 : memref<2560xi32, #tpu.memory_space<vmem>>)
        %add3A_189 = arith.constant 1 : i32
        %add3A_190 = arith.addi %add3A_157, %add3A_189 : i32
        %lt3A_191 = arith.cmpi slt, %add3A_190, %select_n3A : i32
        %convert_element_type3A_192 = arith.extui %lt3A_191 : i1 to i32
        %cond3A_193 = arith.constant 0 : i32
        %cond3A_194 = arith.cmpi ne, %convert_element_type3A_192, %cond3A_193 : i32
        scf.if %cond3A_194 {
          %ge3A = arith.constant 3 : i32
          %ge3A_196 = arith.cmpi sge, %add3A_190, %ge3A : i32
          %convert_element_type3A_197 = arith.extui %ge3A_196 : i1 to i32
          %cond3A_198 = arith.constant 0 : i32
          %cond3A_199 = arith.cmpi ne, %convert_element_type3A_197, %cond3A_198 : i32
          scf.if %cond3A_199 {
            %dma_wait3A_210 = arith.constant 0 : i32
            %dma_wait3A_211 = tpu.memref_slice %arg14[%dma_wait3A_210] : memref<100096xf32, #tpu.memory_space<vmem_shared>> -> memref<100096xf32, #tpu.memory_space<vmem_shared>>
            tpu.wait_indirect_dma semaphore(%arg9 : memref<!tpu.dma_semaphore, #tpu.memory_space<semaphore_mem>>) src(%arg7 : memref<2560xf32, #tpu.memory_space<vmem>>) dst(%dma_wait3A_211 : memref<100096xf32, #tpu.memory_space<vmem_shared>>)
          } else {
          }
          %mul3A_200 = arith.constant 32 : i32
          %mul3A_201 = arith.muli %add3A_190, %mul3A_200 : i32
          %add3A_202 = arith.addi %add3A, %mul3A_201 : i32
          %mul3A_203 = arith.constant 2560 : i32
          %mul3A_204 = arith.muli %add3A_202, %mul3A_203 : i32
          %dma_start3A_205 = arith.constant 1 : i32
          %dma_start3A_206 = tpu.memref_slice %arg2[%dma_start3A_205, %mul3A_204] : memref<2x6400000xi32, #tpu.memory_space<hbm>> -> memref<1x2560xi32, #tpu.memory_space<hbm>>
          %dma_start3A_207 = tpu.memref_squeeze %dma_start3A_206 : memref<1x2560xi32, #tpu.memory_space<hbm>> -> memref<2560xi32, #tpu.memory_space<hbm>>
          %dma_start3A_208 = tpu.memref_slice %arg2[%dma_start3A_205, %mul3A_204] : memref<2x6400000xi32, #tpu.memory_space<hbm>> -> memref<1x2560xi32, #tpu.memory_space<hbm>>
          %dma_start3A_209 = tpu.memref_squeeze %dma_start3A_208 : memref<1x2560xi32, #tpu.memory_space<hbm>> -> memref<2560xi32, #tpu.memory_space<hbm>>
          tpu.enqueue_dma source(%dma_start3A_209 : memref<2560xi32, #tpu.memory_space<hbm>>) target(%arg5 : memref<2560xi32, #tpu.memory_space<vmem>>) target_semaphore(%arg12 : memref<!tpu.dma_semaphore, #tpu.memory_space<semaphore_mem>>)
        } else {
        }
        %dma_start3A = arith.constant 0 : i32
        %dma_start3A_195 = tpu.memref_slice %arg14[%dma_start3A] : memref<100096xf32, #tpu.memory_space<vmem_shared>> -> memref<100096xf32, #tpu.memory_space<vmem_shared>>
        tpu.enqueue_indirect_dma source(%arg7 : memref<2560xf32, #tpu.memory_space<vmem>>) target(%dma_start3A_195 : memref<100096xf32, #tpu.memory_space<vmem_shared>>) offsets(%arg4 : memref<2560xi32, #tpu.memory_space<vmem>>) semaphore(%arg8 : memref<!tpu.dma_semaphore, #tpu.memory_space<semaphore_mem>>) {add = true}
      } else {
      }
      %mul3A_162 = arith.constant 3 : i32
      %mul3A_163 = arith.muli %mul3A_162, %while3A_152 : i32
      %add3A_164 = arith.constant 1 : i32
      %add3A_165 = arith.addi %mul3A_163, %add3A_164 : i32
      %lt3A_166 = arith.cmpi slt, %add3A_165, %select_n3A : i32
      %convert_element_type3A_167 = arith.extui %lt3A_166 : i1 to i32
      %cond3A_168 = arith.constant 0 : i32
      %cond3A_169 = arith.cmpi ne, %convert_element_type3A_167, %cond3A_168 : i32
      scf.if %cond3A_169 {
        %mul3A_179 = arith.constant 32 : i32
        %mul3A_180 = arith.muli %add3A_165, %mul3A_179 : i32
        %add3A_181 = arith.addi %add3A, %mul3A_180 : i32
        %mul3A_182 = arith.constant 2560 : i32
        %mul3A_183 = arith.muli %add3A_181, %mul3A_182 : i32
        %dma_wait3A_184 = arith.constant 1 : i32
        %dma_wait3A_185 = tpu.memref_slice %arg2[%dma_wait3A_184, %mul3A_183] : memref<2x6400000xi32, #tpu.memory_space<hbm>> -> memref<1x2560xi32, #tpu.memory_space<hbm>>
        %dma_wait3A_186 = tpu.memref_squeeze %dma_wait3A_185 : memref<1x2560xi32, #tpu.memory_space<hbm>> -> memref<2560xi32, #tpu.memory_space<hbm>>
        %dma_wait3A_187 = tpu.memref_slice %arg2[%dma_wait3A_184, %mul3A_183] : memref<2x6400000xi32, #tpu.memory_space<hbm>> -> memref<1x2560xi32, #tpu.memory_space<hbm>>
        %dma_wait3A_188 = tpu.memref_squeeze %dma_wait3A_187 : memref<1x2560xi32, #tpu.memory_space<hbm>> -> memref<2560xi32, #tpu.memory_space<hbm>>
        tpu.wait_dma2 semaphore(%arg12 : memref<!tpu.dma_semaphore, #tpu.memory_space<semaphore_mem>>) src(%dma_wait3A_188 : memref<2560xi32, #tpu.memory_space<hbm>>) dst(%arg5 : memref<2560xi32, #tpu.memory_space<vmem>>)
        %add3A_189 = arith.constant 1 : i32
        %add3A_190 = arith.addi %add3A_165, %add3A_189 : i32
        %lt3A_191 = arith.cmpi slt, %add3A_190, %select_n3A : i32
        %convert_element_type3A_192 = arith.extui %lt3A_191 : i1 to i32
        %cond3A_193 = arith.constant 0 : i32
        %cond3A_194 = arith.cmpi ne, %convert_element_type3A_192, %cond3A_193 : i32
        scf.if %cond3A_194 {
          %ge3A = arith.constant 3 : i32
          %ge3A_196 = arith.cmpi sge, %add3A_190, %ge3A : i32
          %convert_element_type3A_197 = arith.extui %ge3A_196 : i1 to i32
          %cond3A_198 = arith.constant 0 : i32
          %cond3A_199 = arith.cmpi ne, %convert_element_type3A_197, %cond3A_198 : i32
          scf.if %cond3A_199 {
            %dma_wait3A_210 = arith.constant 0 : i32
            %dma_wait3A_211 = tpu.memref_slice %arg14[%dma_wait3A_210] : memref<100096xf32, #tpu.memory_space<vmem_shared>> -> memref<100096xf32, #tpu.memory_space<vmem_shared>>
            tpu.wait_indirect_dma semaphore(%arg10 : memref<!tpu.dma_semaphore, #tpu.memory_space<semaphore_mem>>) src(%arg7 : memref<2560xf32, #tpu.memory_space<vmem>>) dst(%dma_wait3A_211 : memref<100096xf32, #tpu.memory_space<vmem_shared>>)
          } else {
          }
          %mul3A_200 = arith.constant 32 : i32
          %mul3A_201 = arith.muli %add3A_190, %mul3A_200 : i32
          %add3A_202 = arith.addi %add3A, %mul3A_201 : i32
          %mul3A_203 = arith.constant 2560 : i32
          %mul3A_204 = arith.muli %add3A_202, %mul3A_203 : i32
          %dma_start3A_205 = arith.constant 1 : i32
          %dma_start3A_206 = tpu.memref_slice %arg2[%dma_start3A_205, %mul3A_204] : memref<2x6400000xi32, #tpu.memory_space<hbm>> -> memref<1x2560xi32, #tpu.memory_space<hbm>>
          %dma_start3A_207 = tpu.memref_squeeze %dma_start3A_206 : memref<1x2560xi32, #tpu.memory_space<hbm>> -> memref<2560xi32, #tpu.memory_space<hbm>>
          %dma_start3A_208 = tpu.memref_slice %arg2[%dma_start3A_205, %mul3A_204] : memref<2x6400000xi32, #tpu.memory_space<hbm>> -> memref<1x2560xi32, #tpu.memory_space<hbm>>
          %dma_start3A_209 = tpu.memref_squeeze %dma_start3A_208 : memref<1x2560xi32, #tpu.memory_space<hbm>> -> memref<2560xi32, #tpu.memory_space<hbm>>
          tpu.enqueue_dma source(%dma_start3A_209 : memref<2560xi32, #tpu.memory_space<hbm>>) target(%arg6 : memref<2560xi32, #tpu.memory_space<vmem>>) target_semaphore(%arg13 : memref<!tpu.dma_semaphore, #tpu.memory_space<semaphore_mem>>)
        } else {
        }
        %dma_start3A = arith.constant 0 : i32
        %dma_start3A_195 = tpu.memref_slice %arg14[%dma_start3A] : memref<100096xf32, #tpu.memory_space<vmem_shared>> -> memref<100096xf32, #tpu.memory_space<vmem_shared>>
        tpu.enqueue_indirect_dma source(%arg7 : memref<2560xf32, #tpu.memory_space<vmem>>) target(%dma_start3A_195 : memref<100096xf32, #tpu.memory_space<vmem_shared>>) offsets(%arg5 : memref<2560xi32, #tpu.memory_space<vmem>>) semaphore(%arg9 : memref<!tpu.dma_semaphore, #tpu.memory_space<semaphore_mem>>) {add = true}
      } else {
      }
      %mul3A_170 = arith.constant 3 : i32
      %mul3A_171 = arith.muli %mul3A_170, %while3A_152 : i32
      %add3A_172 = arith.constant 2 : i32
      %add3A_173 = arith.addi %mul3A_171, %add3A_172 : i32
      %lt3A_174 = arith.cmpi slt, %add3A_173, %select_n3A : i32
      %convert_element_type3A_175 = arith.extui %lt3A_174 : i1 to i32
      %cond3A_176 = arith.constant 0 : i32
      %cond3A_177 = arith.cmpi ne, %convert_element_type3A_175, %cond3A_176 : i32
      scf.if %cond3A_177 {
        %mul3A_179 = arith.constant 32 : i32
        %mul3A_180 = arith.muli %add3A_173, %mul3A_179 : i32
        %add3A_181 = arith.addi %add3A, %mul3A_180 : i32
        %mul3A_182 = arith.constant 2560 : i32
        %mul3A_183 = arith.muli %add3A_181, %mul3A_182 : i32
        %dma_wait3A_184 = arith.constant 1 : i32
        %dma_wait3A_185 = tpu.memref_slice %arg2[%dma_wait3A_184, %mul3A_183] : memref<2x6400000xi32, #tpu.memory_space<hbm>> -> memref<1x2560xi32, #tpu.memory_space<hbm>>
        %dma_wait3A_186 = tpu.memref_squeeze %dma_wait3A_185 : memref<1x2560xi32, #tpu.memory_space<hbm>> -> memref<2560xi32, #tpu.memory_space<hbm>>
        %dma_wait3A_187 = tpu.memref_slice %arg2[%dma_wait3A_184, %mul3A_183] : memref<2x6400000xi32, #tpu.memory_space<hbm>> -> memref<1x2560xi32, #tpu.memory_space<hbm>>
        %dma_wait3A_188 = tpu.memref_squeeze %dma_wait3A_187 : memref<1x2560xi32, #tpu.memory_space<hbm>> -> memref<2560xi32, #tpu.memory_space<hbm>>
        tpu.wait_dma2 semaphore(%arg13 : memref<!tpu.dma_semaphore, #tpu.memory_space<semaphore_mem>>) src(%dma_wait3A_188 : memref<2560xi32, #tpu.memory_space<hbm>>) dst(%arg6 : memref<2560xi32, #tpu.memory_space<vmem>>)
        %add3A_189 = arith.constant 1 : i32
        %add3A_190 = arith.addi %add3A_173, %add3A_189 : i32
        %lt3A_191 = arith.cmpi slt, %add3A_190, %select_n3A : i32
        %convert_element_type3A_192 = arith.extui %lt3A_191 : i1 to i32
        %cond3A_193 = arith.constant 0 : i32
        %cond3A_194 = arith.cmpi ne, %convert_element_type3A_192, %cond3A_193 : i32
        scf.if %cond3A_194 {
          %ge3A = arith.constant 3 : i32
          %ge3A_196 = arith.cmpi sge, %add3A_190, %ge3A : i32
          %convert_element_type3A_197 = arith.extui %ge3A_196 : i1 to i32
          %cond3A_198 = arith.constant 0 : i32
          %cond3A_199 = arith.cmpi ne, %convert_element_type3A_197, %cond3A_198 : i32
          scf.if %cond3A_199 {
            %dma_wait3A_210 = arith.constant 0 : i32
            %dma_wait3A_211 = tpu.memref_slice %arg14[%dma_wait3A_210] : memref<100096xf32, #tpu.memory_space<vmem_shared>> -> memref<100096xf32, #tpu.memory_space<vmem_shared>>
            tpu.wait_indirect_dma semaphore(%arg8 : memref<!tpu.dma_semaphore, #tpu.memory_space<semaphore_mem>>) src(%arg7 : memref<2560xf32, #tpu.memory_space<vmem>>) dst(%dma_wait3A_211 : memref<100096xf32, #tpu.memory_space<vmem_shared>>)
          } else {
          }
          %mul3A_200 = arith.constant 32 : i32
          %mul3A_201 = arith.muli %add3A_190, %mul3A_200 : i32
          %add3A_202 = arith.addi %add3A, %mul3A_201 : i32
          %mul3A_203 = arith.constant 2560 : i32
          %mul3A_204 = arith.muli %add3A_202, %mul3A_203 : i32
          %dma_start3A_205 = arith.constant 1 : i32
          %dma_start3A_206 = tpu.memref_slice %arg2[%dma_start3A_205, %mul3A_204] : memref<2x6400000xi32, #tpu.memory_space<hbm>> -> memref<1x2560xi32, #tpu.memory_space<hbm>>
          %dma_start3A_207 = tpu.memref_squeeze %dma_start3A_206 : memref<1x2560xi32, #tpu.memory_space<hbm>> -> memref<2560xi32, #tpu.memory_space<hbm>>
          %dma_start3A_208 = tpu.memref_slice %arg2[%dma_start3A_205, %mul3A_204] : memref<2x6400000xi32, #tpu.memory_space<hbm>> -> memref<1x2560xi32, #tpu.memory_space<hbm>>
          %dma_start3A_209 = tpu.memref_squeeze %dma_start3A_208 : memref<1x2560xi32, #tpu.memory_space<hbm>> -> memref<2560xi32, #tpu.memory_space<hbm>>
          tpu.enqueue_dma source(%dma_start3A_209 : memref<2560xi32, #tpu.memory_space<hbm>>) target(%arg4 : memref<2560xi32, #tpu.memory_space<vmem>>) target_semaphore(%arg11 : memref<!tpu.dma_semaphore, #tpu.memory_space<semaphore_mem>>)
        } else {
        }
        %dma_start3A = arith.constant 0 : i32
        %dma_start3A_195 = tpu.memref_slice %arg14[%dma_start3A] : memref<100096xf32, #tpu.memory_space<vmem_shared>> -> memref<100096xf32, #tpu.memory_space<vmem_shared>>
        tpu.enqueue_indirect_dma source(%arg7 : memref<2560xf32, #tpu.memory_space<vmem>>) target(%dma_start3A_195 : memref<100096xf32, #tpu.memory_space<vmem_shared>>) offsets(%arg6 : memref<2560xi32, #tpu.memory_space<vmem>>) semaphore(%arg10 : memref<!tpu.dma_semaphore, #tpu.memory_space<semaphore_mem>>) {add = true}
      } else {
      }
      %while3A_178 = arith.constant 0 : i32
      scf.yield %while3A_178 : i32
    }
    %while3A_86 = arith.constant 1 : i32
    %while3A_87 = scf.for %while3A_152 = %while3A_83 to %while3A_79 step %while3A_86 iter_args(%while3A_153 = %while3A_85) -> (i32)  : i32 {
      %mul3A_154 = arith.constant 3 : i32
      %mul3A_155 = arith.muli %mul3A_154, %while3A_152 : i32
      %add3A_156 = arith.constant 0 : i32
      %add3A_157 = arith.addi %mul3A_155, %add3A_156 : i32
      %lt3A_158 = arith.cmpi slt, %add3A_157, %select_n3A : i32
      %convert_element_type3A_159 = arith.extui %lt3A_158 : i1 to i32
      %cond3A_160 = arith.constant 0 : i32
      %cond3A_161 = arith.cmpi ne, %convert_element_type3A_159, %cond3A_160 : i32
      scf.if %cond3A_161 {
        %mul3A_179 = arith.constant 32 : i32
        %mul3A_180 = arith.muli %add3A_157, %mul3A_179 : i32
        %add3A_181 = arith.addi %add3A, %mul3A_180 : i32
        %mul3A_182 = arith.constant 2560 : i32
        %mul3A_183 = arith.muli %add3A_181, %mul3A_182 : i32
        %dma_wait3A_184 = arith.constant 1 : i32
        %dma_wait3A_185 = tpu.memref_slice %arg2[%dma_wait3A_184, %mul3A_183] : memref<2x6400000xi32, #tpu.memory_space<hbm>> -> memref<1x2560xi32, #tpu.memory_space<hbm>>
        %dma_wait3A_186 = tpu.memref_squeeze %dma_wait3A_185 : memref<1x2560xi32, #tpu.memory_space<hbm>> -> memref<2560xi32, #tpu.memory_space<hbm>>
        %dma_wait3A_187 = tpu.memref_slice %arg2[%dma_wait3A_184, %mul3A_183] : memref<2x6400000xi32, #tpu.memory_space<hbm>> -> memref<1x2560xi32, #tpu.memory_space<hbm>>
        %dma_wait3A_188 = tpu.memref_squeeze %dma_wait3A_187 : memref<1x2560xi32, #tpu.memory_space<hbm>> -> memref<2560xi32, #tpu.memory_space<hbm>>
        tpu.wait_dma2 semaphore(%arg11 : memref<!tpu.dma_semaphore, #tpu.memory_space<semaphore_mem>>) src(%dma_wait3A_188 : memref<2560xi32, #tpu.memory_space<hbm>>) dst(%arg4 : memref<2560xi32, #tpu.memory_space<vmem>>)
        %add3A_189 = arith.constant 1 : i32
        %add3A_190 = arith.addi %add3A_157, %add3A_189 : i32
        %lt3A_191 = arith.cmpi slt, %add3A_190, %select_n3A : i32
        %convert_element_type3A_192 = arith.extui %lt3A_191 : i1 to i32
        %cond3A_193 = arith.constant 0 : i32
        %cond3A_194 = arith.cmpi ne, %convert_element_type3A_192, %cond3A_193 : i32
        scf.if %cond3A_194 {
          %ge3A = arith.constant 3 : i32
          %ge3A_196 = arith.cmpi sge, %add3A_190, %ge3A : i32
          %convert_element_type3A_197 = arith.extui %ge3A_196 : i1 to i32
          %cond3A_198 = arith.constant 0 : i32
          %cond3A_199 = arith.cmpi ne, %convert_element_type3A_197, %cond3A_198 : i32
          scf.if %cond3A_199 {
            %dma_wait3A_210 = arith.constant 0 : i32
            %dma_wait3A_211 = tpu.memref_slice %arg14[%dma_wait3A_210] : memref<100096xf32, #tpu.memory_space<vmem_shared>> -> memref<100096xf32, #tpu.memory_space<vmem_shared>>
            tpu.wait_indirect_dma semaphore(%arg9 : memref<!tpu.dma_semaphore, #tpu.memory_space<semaphore_mem>>) src(%arg7 : memref<2560xf32, #tpu.memory_space<vmem>>) dst(%dma_wait3A_211 : memref<100096xf32, #tpu.memory_space<vmem_shared>>)
          } else {
          }
          %mul3A_200 = arith.constant 32 : i32
          %mul3A_201 = arith.muli %add3A_190, %mul3A_200 : i32
          %add3A_202 = arith.addi %add3A, %mul3A_201 : i32
          %mul3A_203 = arith.constant 2560 : i32
          %mul3A_204 = arith.muli %add3A_202, %mul3A_203 : i32
          %dma_start3A_205 = arith.constant 1 : i32
          %dma_start3A_206 = tpu.memref_slice %arg2[%dma_start3A_205, %mul3A_204] : memref<2x6400000xi32, #tpu.memory_space<hbm>> -> memref<1x2560xi32, #tpu.memory_space<hbm>>
          %dma_start3A_207 = tpu.memref_squeeze %dma_start3A_206 : memref<1x2560xi32, #tpu.memory_space<hbm>> -> memref<2560xi32, #tpu.memory_space<hbm>>
          %dma_start3A_208 = tpu.memref_slice %arg2[%dma_start3A_205, %mul3A_204] : memref<2x6400000xi32, #tpu.memory_space<hbm>> -> memref<1x2560xi32, #tpu.memory_space<hbm>>
          %dma_start3A_209 = tpu.memref_squeeze %dma_start3A_208 : memref<1x2560xi32, #tpu.memory_space<hbm>> -> memref<2560xi32, #tpu.memory_space<hbm>>
          tpu.enqueue_dma source(%dma_start3A_209 : memref<2560xi32, #tpu.memory_space<hbm>>) target(%arg5 : memref<2560xi32, #tpu.memory_space<vmem>>) target_semaphore(%arg12 : memref<!tpu.dma_semaphore, #tpu.memory_space<semaphore_mem>>)
        } else {
        }
        %dma_start3A = arith.constant 0 : i32
        %dma_start3A_195 = tpu.memref_slice %arg14[%dma_start3A] : memref<100096xf32, #tpu.memory_space<vmem_shared>> -> memref<100096xf32, #tpu.memory_space<vmem_shared>>
        tpu.enqueue_indirect_dma source(%arg7 : memref<2560xf32, #tpu.memory_space<vmem>>) target(%dma_start3A_195 : memref<100096xf32, #tpu.memory_space<vmem_shared>>) offsets(%arg4 : memref<2560xi32, #tpu.memory_space<vmem>>) semaphore(%arg8 : memref<!tpu.dma_semaphore, #tpu.memory_space<semaphore_mem>>) {add = true}
      } else {
      }
      %mul3A_162 = arith.constant 3 : i32
      %mul3A_163 = arith.muli %mul3A_162, %while3A_152 : i32
      %add3A_164 = arith.constant 1 : i32
      %add3A_165 = arith.addi %mul3A_163, %add3A_164 : i32
      %lt3A_166 = arith.cmpi slt, %add3A_165, %select_n3A : i32
      %convert_element_type3A_167 = arith.extui %lt3A_166 : i1 to i32
      %cond3A_168 = arith.constant 0 : i32
      %cond3A_169 = arith.cmpi ne, %convert_element_type3A_167, %cond3A_168 : i32
      scf.if %cond3A_169 {
        %mul3A_179 = arith.constant 32 : i32
        %mul3A_180 = arith.muli %add3A_165, %mul3A_179 : i32
        %add3A_181 = arith.addi %add3A, %mul3A_180 : i32
        %mul3A_182 = arith.constant 2560 : i32
        %mul3A_183 = arith.muli %add3A_181, %mul3A_182 : i32
        %dma_wait3A_184 = arith.constant 1 : i32
        %dma_wait3A_185 = tpu.memref_slice %arg2[%dma_wait3A_184, %mul3A_183] : memref<2x6400000xi32, #tpu.memory_space<hbm>> -> memref<1x2560xi32, #tpu.memory_space<hbm>>
        %dma_wait3A_186 = tpu.memref_squeeze %dma_wait3A_185 : memref<1x2560xi32, #tpu.memory_space<hbm>> -> memref<2560xi32, #tpu.memory_space<hbm>>
        %dma_wait3A_187 = tpu.memref_slice %arg2[%dma_wait3A_184, %mul3A_183] : memref<2x6400000xi32, #tpu.memory_space<hbm>> -> memref<1x2560xi32, #tpu.memory_space<hbm>>
        %dma_wait3A_188 = tpu.memref_squeeze %dma_wait3A_187 : memref<1x2560xi32, #tpu.memory_space<hbm>> -> memref<2560xi32, #tpu.memory_space<hbm>>
        tpu.wait_dma2 semaphore(%arg12 : memref<!tpu.dma_semaphore, #tpu.memory_space<semaphore_mem>>) src(%dma_wait3A_188 : memref<2560xi32, #tpu.memory_space<hbm>>) dst(%arg5 : memref<2560xi32, #tpu.memory_space<vmem>>)
        %add3A_189 = arith.constant 1 : i32
        %add3A_190 = arith.addi %add3A_165, %add3A_189 : i32
        %lt3A_191 = arith.cmpi slt, %add3A_190, %select_n3A : i32
        %convert_element_type3A_192 = arith.extui %lt3A_191 : i1 to i32
        %cond3A_193 = arith.constant 0 : i32
        %cond3A_194 = arith.cmpi ne, %convert_element_type3A_192, %cond3A_193 : i32
        scf.if %cond3A_194 {
          %ge3A = arith.constant 3 : i32
          %ge3A_196 = arith.cmpi sge, %add3A_190, %ge3A : i32
          %convert_element_type3A_197 = arith.extui %ge3A_196 : i1 to i32
          %cond3A_198 = arith.constant 0 : i32
          %cond3A_199 = arith.cmpi ne, %convert_element_type3A_197, %cond3A_198 : i32
          scf.if %cond3A_199 {
            %dma_wait3A_210 = arith.constant 0 : i32
            %dma_wait3A_211 = tpu.memref_slice %arg14[%dma_wait3A_210] : memref<100096xf32, #tpu.memory_space<vmem_shared>> -> memref<100096xf32, #tpu.memory_space<vmem_shared>>
            tpu.wait_indirect_dma semaphore(%arg10 : memref<!tpu.dma_semaphore, #tpu.memory_space<semaphore_mem>>) src(%arg7 : memref<2560xf32, #tpu.memory_space<vmem>>) dst(%dma_wait3A_211 : memref<100096xf32, #tpu.memory_space<vmem_shared>>)
          } else {
          }
          %mul3A_200 = arith.constant 32 : i32
          %mul3A_201 = arith.muli %add3A_190, %mul3A_200 : i32
          %add3A_202 = arith.addi %add3A, %mul3A_201 : i32
          %mul3A_203 = arith.constant 2560 : i32
          %mul3A_204 = arith.muli %add3A_202, %mul3A_203 : i32
          %dma_start3A_205 = arith.constant 1 : i32
          %dma_start3A_206 = tpu.memref_slice %arg2[%dma_start3A_205, %mul3A_204] : memref<2x6400000xi32, #tpu.memory_space<hbm>> -> memref<1x2560xi32, #tpu.memory_space<hbm>>
          %dma_start3A_207 = tpu.memref_squeeze %dma_start3A_206 : memref<1x2560xi32, #tpu.memory_space<hbm>> -> memref<2560xi32, #tpu.memory_space<hbm>>
          %dma_start3A_208 = tpu.memref_slice %arg2[%dma_start3A_205, %mul3A_204] : memref<2x6400000xi32, #tpu.memory_space<hbm>> -> memref<1x2560xi32, #tpu.memory_space<hbm>>
          %dma_start3A_209 = tpu.memref_squeeze %dma_start3A_208 : memref<1x2560xi32, #tpu.memory_space<hbm>> -> memref<2560xi32, #tpu.memory_space<hbm>>
          tpu.enqueue_dma source(%dma_start3A_209 : memref<2560xi32, #tpu.memory_space<hbm>>) target(%arg6 : memref<2560xi32, #tpu.memory_space<vmem>>) target_semaphore(%arg13 : memref<!tpu.dma_semaphore, #tpu.memory_space<semaphore_mem>>)
        } else {
        }
        %dma_start3A = arith.constant 0 : i32
        %dma_start3A_195 = tpu.memref_slice %arg14[%dma_start3A] : memref<100096xf32, #tpu.memory_space<vmem_shared>> -> memref<100096xf32, #tpu.memory_space<vmem_shared>>
        tpu.enqueue_indirect_dma source(%arg7 : memref<2560xf32, #tpu.memory_space<vmem>>) target(%dma_start3A_195 : memref<100096xf32, #tpu.memory_space<vmem_shared>>) offsets(%arg5 : memref<2560xi32, #tpu.memory_space<vmem>>) semaphore(%arg9 : memref<!tpu.dma_semaphore, #tpu.memory_space<semaphore_mem>>) {add = true}
      } else {
      }
      %mul3A_170 = arith.constant 3 : i32
      %mul3A_171 = arith.muli %mul3A_170, %while3A_152 : i32
      %add3A_172 = arith.constant 2 : i32
      %add3A_173 = arith.addi %mul3A_171, %add3A_172 : i32
      %lt3A_174 = arith.cmpi slt, %add3A_173, %select_n3A : i32
      %convert_element_type3A_175 = arith.extui %lt3A_174 : i1 to i32
      %cond3A_176 = arith.constant 0 : i32
      %cond3A_177 = arith.cmpi ne, %convert_element_type3A_175, %cond3A_176 : i32
      scf.if %cond3A_177 {
        %mul3A_179 = arith.constant 32 : i32
        %mul3A_180 = arith.muli %add3A_173, %mul3A_179 : i32
        %add3A_181 = arith.addi %add3A, %mul3A_180 : i32
        %mul3A_182 = arith.constant 2560 : i32
        %mul3A_183 = arith.muli %add3A_181, %mul3A_182 : i32
        %dma_wait3A_184 = arith.constant 1 : i32
        %dma_wait3A_185 = tpu.memref_slice %arg2[%dma_wait3A_184, %mul3A_183] : memref<2x6400000xi32, #tpu.memory_space<hbm>> -> memref<1x2560xi32, #tpu.memory_space<hbm>>
        %dma_wait3A_186 = tpu.memref_squeeze %dma_wait3A_185 : memref<1x2560xi32, #tpu.memory_space<hbm>> -> memref<2560xi32, #tpu.memory_space<hbm>>
        %dma_wait3A_187 = tpu.memref_slice %arg2[%dma_wait3A_184, %mul3A_183] : memref<2x6400000xi32, #tpu.memory_space<hbm>> -> memref<1x2560xi32, #tpu.memory_space<hbm>>
        %dma_wait3A_188 = tpu.memref_squeeze %dma_wait3A_187 : memref<1x2560xi32, #tpu.memory_space<hbm>> -> memref<2560xi32, #tpu.memory_space<hbm>>
        tpu.wait_dma2 semaphore(%arg13 : memref<!tpu.dma_semaphore, #tpu.memory_space<semaphore_mem>>) src(%dma_wait3A_188 : memref<2560xi32, #tpu.memory_space<hbm>>) dst(%arg6 : memref<2560xi32, #tpu.memory_space<vmem>>)
        %add3A_189 = arith.constant 1 : i32
        %add3A_190 = arith.addi %add3A_173, %add3A_189 : i32
        %lt3A_191 = arith.cmpi slt, %add3A_190, %select_n3A : i32
        %convert_element_type3A_192 = arith.extui %lt3A_191 : i1 to i32
        %cond3A_193 = arith.constant 0 : i32
        %cond3A_194 = arith.cmpi ne, %convert_element_type3A_192, %cond3A_193 : i32
        scf.if %cond3A_194 {
          %ge3A = arith.constant 3 : i32
          %ge3A_196 = arith.cmpi sge, %add3A_190, %ge3A : i32
          %convert_element_type3A_197 = arith.extui %ge3A_196 : i1 to i32
          %cond3A_198 = arith.constant 0 : i32
          %cond3A_199 = arith.cmpi ne, %convert_element_type3A_197, %cond3A_198 : i32
          scf.if %cond3A_199 {
            %dma_wait3A_210 = arith.constant 0 : i32
            %dma_wait3A_211 = tpu.memref_slice %arg14[%dma_wait3A_210] : memref<100096xf32, #tpu.memory_space<vmem_shared>> -> memref<100096xf32, #tpu.memory_space<vmem_shared>>
            tpu.wait_indirect_dma semaphore(%arg8 : memref<!tpu.dma_semaphore, #tpu.memory_space<semaphore_mem>>) src(%arg7 : memref<2560xf32, #tpu.memory_space<vmem>>) dst(%dma_wait3A_211 : memref<100096xf32, #tpu.memory_space<vmem_shared>>)
          } else {
          }
          %mul3A_200 = arith.constant 32 : i32
          %mul3A_201 = arith.muli %add3A_190, %mul3A_200 : i32
          %add3A_202 = arith.addi %add3A, %mul3A_201 : i32
          %mul3A_203 = arith.constant 2560 : i32
          %mul3A_204 = arith.muli %add3A_202, %mul3A_203 : i32
          %dma_start3A_205 = arith.constant 1 : i32
          %dma_start3A_206 = tpu.memref_slice %arg2[%dma_start3A_205, %mul3A_204] : memref<2x6400000xi32, #tpu.memory_space<hbm>> -> memref<1x2560xi32, #tpu.memory_space<hbm>>
          %dma_start3A_207 = tpu.memref_squeeze %dma_start3A_206 : memref<1x2560xi32, #tpu.memory_space<hbm>> -> memref<2560xi32, #tpu.memory_space<hbm>>
          %dma_start3A_208 = tpu.memref_slice %arg2[%dma_start3A_205, %mul3A_204] : memref<2x6400000xi32, #tpu.memory_space<hbm>> -> memref<1x2560xi32, #tpu.memory_space<hbm>>
          %dma_start3A_209 = tpu.memref_squeeze %dma_start3A_208 : memref<1x2560xi32, #tpu.memory_space<hbm>> -> memref<2560xi32, #tpu.memory_space<hbm>>
          tpu.enqueue_dma source(%dma_start3A_209 : memref<2560xi32, #tpu.memory_space<hbm>>) target(%arg4 : memref<2560xi32, #tpu.memory_space<vmem>>) target_semaphore(%arg11 : memref<!tpu.dma_semaphore, #tpu.memory_space<semaphore_mem>>)
        } else {
        }
        %dma_start3A = arith.constant 0 : i32
        %dma_start3A_195 = tpu.memref_slice %arg14[%dma_start3A] : memref<100096xf32, #tpu.memory_space<vmem_shared>> -> memref<100096xf32, #tpu.memory_space<vmem_shared>>
        tpu.enqueue_indirect_dma source(%arg7 : memref<2560xf32, #tpu.memory_space<vmem>>) target(%dma_start3A_195 : memref<100096xf32, #tpu.memory_space<vmem_shared>>) offsets(%arg6 : memref<2560xi32, #tpu.memory_space<vmem>>) semaphore(%arg10 : memref<!tpu.dma_semaphore, #tpu.memory_space<semaphore_mem>>) {add = true}
      } else {
      }
      %while3A_178 = arith.constant 0 : i32
      scf.yield %while3A_178 : i32
    }
    %jit3A_88 = arith.constant 3 : i32
    %div3A_89 = arith.divsi %select_n3A, %jit3A_88 : i32
    %sign3A_90 = arith.constant 0 : i32
    %sign3A_91 = arith.cmpi sgt, %select_n3A, %sign3A_90 : i32
    %sign3A_92 = arith.extui %sign3A_91 : i1 to i32
    %sign3A_93 = arith.constant 0 : i32
    %sign3A_94 = arith.cmpi slt, %select_n3A, %sign3A_93 : i32
    %sign3A_95 = arith.extui %sign3A_94 : i1 to i32
    %sign3A_96 = arith.subi %sign3A_92, %sign3A_95 : i32
    %sign3A_97 = arith.constant 0 : i32
    %sign3A_98 = arith.cmpi sgt, %jit3A_88, %sign3A_97 : i32
    %sign3A_99 = arith.extui %sign3A_98 : i1 to i32
    %sign3A_100 = arith.constant 0 : i32
    %sign3A_101 = arith.cmpi slt, %jit3A_88, %sign3A_100 : i32
    %sign3A_102 = arith.extui %sign3A_101 : i1 to i32
    %sign3A_103 = arith.subi %sign3A_99, %sign3A_102 : i32
    %ne3A_104 = arith.cmpi ne, %sign3A_96, %sign3A_103 : i32
    %rem3A_105 = arith.remsi %select_n3A, %jit3A_88 : i32
    %ne3A_106 = arith.constant 0 : i32
    %ne3A_107 = arith.cmpi ne, %rem3A_105, %ne3A_106 : i32
    %and3A_108 = arith.andi %ne3A_104, %ne3A_107 : i1
    %sub3A_109 = arith.constant 1 : i32
    %sub3A_110 = arith.subi %div3A_89, %sub3A_109 : i32
    %select_n3A_111 = arith.select %and3A_108, %sub3A_110, %div3A_89 : i32
    %mul3A_112 = arith.constant 3 : i32
    %mul3A_113 = arith.muli %select_n3A_111, %mul3A_112 : i32
    %lt3A = arith.cmpi slt, %mul3A_113, %select_n3A : i32
    %convert_element_type3A_114 = arith.extui %lt3A : i1 to i32
    %cond3A_115 = arith.constant 0 : i32
    %cond3A_116 = arith.cmpi ne, %convert_element_type3A_114, %cond3A_115 : i32
    scf.if %cond3A_116 {
      %mul3A_152 = arith.constant 32 : i32
      %mul3A_153 = arith.muli %mul3A_113, %mul3A_152 : i32
      %add3A_154 = arith.addi %add3A, %mul3A_153 : i32
      %mul3A_155 = arith.constant 2560 : i32
      %mul3A_156 = arith.muli %add3A_154, %mul3A_155 : i32
      %dma_wait3A_157 = arith.constant 1 : i32
      %dma_wait3A_158 = tpu.memref_slice %arg2[%dma_wait3A_157, %mul3A_156] : memref<2x6400000xi32, #tpu.memory_space<hbm>> -> memref<1x2560xi32, #tpu.memory_space<hbm>>
      %dma_wait3A_159 = tpu.memref_squeeze %dma_wait3A_158 : memref<1x2560xi32, #tpu.memory_space<hbm>> -> memref<2560xi32, #tpu.memory_space<hbm>>
      %dma_wait3A_160 = tpu.memref_slice %arg2[%dma_wait3A_157, %mul3A_156] : memref<2x6400000xi32, #tpu.memory_space<hbm>> -> memref<1x2560xi32, #tpu.memory_space<hbm>>
      %dma_wait3A_161 = tpu.memref_squeeze %dma_wait3A_160 : memref<1x2560xi32, #tpu.memory_space<hbm>> -> memref<2560xi32, #tpu.memory_space<hbm>>
      tpu.wait_dma2 semaphore(%arg11 : memref<!tpu.dma_semaphore, #tpu.memory_space<semaphore_mem>>) src(%dma_wait3A_161 : memref<2560xi32, #tpu.memory_space<hbm>>) dst(%arg4 : memref<2560xi32, #tpu.memory_space<vmem>>)
      %add3A_162 = arith.constant 1 : i32
      %add3A_163 = arith.addi %mul3A_113, %add3A_162 : i32
      %lt3A_164 = arith.cmpi slt, %add3A_163, %select_n3A : i32
      %convert_element_type3A_165 = arith.extui %lt3A_164 : i1 to i32
      %cond3A_166 = arith.constant 0 : i32
      %cond3A_167 = arith.cmpi ne, %convert_element_type3A_165, %cond3A_166 : i32
      scf.if %cond3A_167 {
        %ge3A = arith.constant 3 : i32
        %ge3A_169 = arith.cmpi sge, %add3A_163, %ge3A : i32
        %convert_element_type3A_170 = arith.extui %ge3A_169 : i1 to i32
        %cond3A_171 = arith.constant 0 : i32
        %cond3A_172 = arith.cmpi ne, %convert_element_type3A_170, %cond3A_171 : i32
        scf.if %cond3A_172 {
          %dma_wait3A_183 = arith.constant 0 : i32
          %dma_wait3A_184 = tpu.memref_slice %arg14[%dma_wait3A_183] : memref<100096xf32, #tpu.memory_space<vmem_shared>> -> memref<100096xf32, #tpu.memory_space<vmem_shared>>
          tpu.wait_indirect_dma semaphore(%arg9 : memref<!tpu.dma_semaphore, #tpu.memory_space<semaphore_mem>>) src(%arg7 : memref<2560xf32, #tpu.memory_space<vmem>>) dst(%dma_wait3A_184 : memref<100096xf32, #tpu.memory_space<vmem_shared>>)
        } else {
        }
        %mul3A_173 = arith.constant 32 : i32
        %mul3A_174 = arith.muli %add3A_163, %mul3A_173 : i32
        %add3A_175 = arith.addi %add3A, %mul3A_174 : i32
        %mul3A_176 = arith.constant 2560 : i32
        %mul3A_177 = arith.muli %add3A_175, %mul3A_176 : i32
        %dma_start3A_178 = arith.constant 1 : i32
        %dma_start3A_179 = tpu.memref_slice %arg2[%dma_start3A_178, %mul3A_177] : memref<2x6400000xi32, #tpu.memory_space<hbm>> -> memref<1x2560xi32, #tpu.memory_space<hbm>>
        %dma_start3A_180 = tpu.memref_squeeze %dma_start3A_179 : memref<1x2560xi32, #tpu.memory_space<hbm>> -> memref<2560xi32, #tpu.memory_space<hbm>>
        %dma_start3A_181 = tpu.memref_slice %arg2[%dma_start3A_178, %mul3A_177] : memref<2x6400000xi32, #tpu.memory_space<hbm>> -> memref<1x2560xi32, #tpu.memory_space<hbm>>
        %dma_start3A_182 = tpu.memref_squeeze %dma_start3A_181 : memref<1x2560xi32, #tpu.memory_space<hbm>> -> memref<2560xi32, #tpu.memory_space<hbm>>
        tpu.enqueue_dma source(%dma_start3A_182 : memref<2560xi32, #tpu.memory_space<hbm>>) target(%arg5 : memref<2560xi32, #tpu.memory_space<vmem>>) target_semaphore(%arg12 : memref<!tpu.dma_semaphore, #tpu.memory_space<semaphore_mem>>)
      } else {
      }
      %dma_start3A = arith.constant 0 : i32
      %dma_start3A_168 = tpu.memref_slice %arg14[%dma_start3A] : memref<100096xf32, #tpu.memory_space<vmem_shared>> -> memref<100096xf32, #tpu.memory_space<vmem_shared>>
      tpu.enqueue_indirect_dma source(%arg7 : memref<2560xf32, #tpu.memory_space<vmem>>) target(%dma_start3A_168 : memref<100096xf32, #tpu.memory_space<vmem_shared>>) offsets(%arg4 : memref<2560xi32, #tpu.memory_space<vmem>>) semaphore(%arg8 : memref<!tpu.dma_semaphore, #tpu.memory_space<semaphore_mem>>) {add = true}
    } else {
    }
    %add3A_117 = arith.constant 1 : i32
    %add3A_118 = arith.addi %mul3A_113, %add3A_117 : i32
    %lt3A_119 = arith.cmpi slt, %add3A_118, %select_n3A : i32
    %convert_element_type3A_120 = arith.extui %lt3A_119 : i1 to i32
    %cond3A_121 = arith.constant 0 : i32
    %cond3A_122 = arith.cmpi ne, %convert_element_type3A_120, %cond3A_121 : i32
    scf.if %cond3A_122 {
      %mul3A_152 = arith.constant 32 : i32
      %mul3A_153 = arith.muli %add3A_118, %mul3A_152 : i32
      %add3A_154 = arith.addi %add3A, %mul3A_153 : i32
      %mul3A_155 = arith.constant 2560 : i32
      %mul3A_156 = arith.muli %add3A_154, %mul3A_155 : i32
      %dma_wait3A_157 = arith.constant 1 : i32
      %dma_wait3A_158 = tpu.memref_slice %arg2[%dma_wait3A_157, %mul3A_156] : memref<2x6400000xi32, #tpu.memory_space<hbm>> -> memref<1x2560xi32, #tpu.memory_space<hbm>>
      %dma_wait3A_159 = tpu.memref_squeeze %dma_wait3A_158 : memref<1x2560xi32, #tpu.memory_space<hbm>> -> memref<2560xi32, #tpu.memory_space<hbm>>
      %dma_wait3A_160 = tpu.memref_slice %arg2[%dma_wait3A_157, %mul3A_156] : memref<2x6400000xi32, #tpu.memory_space<hbm>> -> memref<1x2560xi32, #tpu.memory_space<hbm>>
      %dma_wait3A_161 = tpu.memref_squeeze %dma_wait3A_160 : memref<1x2560xi32, #tpu.memory_space<hbm>> -> memref<2560xi32, #tpu.memory_space<hbm>>
      tpu.wait_dma2 semaphore(%arg12 : memref<!tpu.dma_semaphore, #tpu.memory_space<semaphore_mem>>) src(%dma_wait3A_161 : memref<2560xi32, #tpu.memory_space<hbm>>) dst(%arg5 : memref<2560xi32, #tpu.memory_space<vmem>>)
      %add3A_162 = arith.constant 1 : i32
      %add3A_163 = arith.addi %add3A_118, %add3A_162 : i32
      %lt3A_164 = arith.cmpi slt, %add3A_163, %select_n3A : i32
      %convert_element_type3A_165 = arith.extui %lt3A_164 : i1 to i32
      %cond3A_166 = arith.constant 0 : i32
      %cond3A_167 = arith.cmpi ne, %convert_element_type3A_165, %cond3A_166 : i32
      scf.if %cond3A_167 {
        %ge3A = arith.constant 3 : i32
        %ge3A_169 = arith.cmpi sge, %add3A_163, %ge3A : i32
        %convert_element_type3A_170 = arith.extui %ge3A_169 : i1 to i32
        %cond3A_171 = arith.constant 0 : i32
        %cond3A_172 = arith.cmpi ne, %convert_element_type3A_170, %cond3A_171 : i32
        scf.if %cond3A_172 {
          %dma_wait3A_183 = arith.constant 0 : i32
          %dma_wait3A_184 = tpu.memref_slice %arg14[%dma_wait3A_183] : memref<100096xf32, #tpu.memory_space<vmem_shared>> -> memref<100096xf32, #tpu.memory_space<vmem_shared>>
          tpu.wait_indirect_dma semaphore(%arg10 : memref<!tpu.dma_semaphore, #tpu.memory_space<semaphore_mem>>) src(%arg7 : memref<2560xf32, #tpu.memory_space<vmem>>) dst(%dma_wait3A_184 : memref<100096xf32, #tpu.memory_space<vmem_shared>>)
        } else {
        }
        %mul3A_173 = arith.constant 32 : i32
        %mul3A_174 = arith.muli %add3A_163, %mul3A_173 : i32
        %add3A_175 = arith.addi %add3A, %mul3A_174 : i32
        %mul3A_176 = arith.constant 2560 : i32
        %mul3A_177 = arith.muli %add3A_175, %mul3A_176 : i32
        %dma_start3A_178 = arith.constant 1 : i32
        %dma_start3A_179 = tpu.memref_slice %arg2[%dma_start3A_178, %mul3A_177] : memref<2x6400000xi32, #tpu.memory_space<hbm>> -> memref<1x2560xi32, #tpu.memory_space<hbm>>
        %dma_start3A_180 = tpu.memref_squeeze %dma_start3A_179 : memref<1x2560xi32, #tpu.memory_space<hbm>> -> memref<2560xi32, #tpu.memory_space<hbm>>
        %dma_start3A_181 = tpu.memref_slice %arg2[%dma_start3A_178, %mul3A_177] : memref<2x6400000xi32, #tpu.memory_space<hbm>> -> memref<1x2560xi32, #tpu.memory_space<hbm>>
        %dma_start3A_182 = tpu.memref_squeeze %dma_start3A_181 : memref<1x2560xi32, #tpu.memory_space<hbm>> -> memref<2560xi32, #tpu.memory_space<hbm>>
        tpu.enqueue_dma source(%dma_start3A_182 : memref<2560xi32, #tpu.memory_space<hbm>>) target(%arg6 : memref<2560xi32, #tpu.memory_space<vmem>>) target_semaphore(%arg13 : memref<!tpu.dma_semaphore, #tpu.memory_space<semaphore_mem>>)
      } else {
      }
      %dma_start3A = arith.constant 0 : i32
      %dma_start3A_168 = tpu.memref_slice %arg14[%dma_start3A] : memref<100096xf32, #tpu.memory_space<vmem_shared>> -> memref<100096xf32, #tpu.memory_space<vmem_shared>>
      tpu.enqueue_indirect_dma source(%arg7 : memref<2560xf32, #tpu.memory_space<vmem>>) target(%dma_start3A_168 : memref<100096xf32, #tpu.memory_space<vmem_shared>>) offsets(%arg5 : memref<2560xi32, #tpu.memory_space<vmem>>) semaphore(%arg9 : memref<!tpu.dma_semaphore, #tpu.memory_space<semaphore_mem>>) {add = true}
    } else {
    }
    %dma_wait3A = arith.constant 0 : i32
    %dma_wait3A_123 = tpu.memref_slice %arg14[%dma_wait3A] : memref<100096xf32, #tpu.memory_space<vmem_shared>> -> memref<100096xf32, #tpu.memory_space<vmem_shared>>
    tpu.wait_indirect_dma semaphore(%arg8 : memref<!tpu.dma_semaphore, #tpu.memory_space<semaphore_mem>>) src(%arg7 : memref<2560xf32, #tpu.memory_space<vmem>>) dst(%dma_wait3A_123 : memref<100096xf32, #tpu.memory_space<vmem_shared>>)
    %dma_wait3A_124 = arith.constant 0 : i32
    %dma_wait3A_125 = tpu.memref_slice %arg14[%dma_wait3A_124] : memref<100096xf32, #tpu.memory_space<vmem_shared>> -> memref<100096xf32, #tpu.memory_space<vmem_shared>>
    tpu.wait_indirect_dma semaphore(%arg9 : memref<!tpu.dma_semaphore, #tpu.memory_space<semaphore_mem>>) src(%arg7 : memref<2560xf32, #tpu.memory_space<vmem>>) dst(%dma_wait3A_125 : memref<100096xf32, #tpu.memory_space<vmem_shared>>)
    %dma_wait3A_126 = arith.constant 0 : i32
    %dma_wait3A_127 = tpu.memref_slice %arg14[%dma_wait3A_126] : memref<100096xf32, #tpu.memory_space<vmem_shared>> -> memref<100096xf32, #tpu.memory_space<vmem_shared>>
    tpu.wait_indirect_dma semaphore(%arg10 : memref<!tpu.dma_semaphore, #tpu.memory_space<semaphore_mem>>) src(%arg7 : memref<2560xf32, #tpu.memory_space<vmem>>) dst(%dma_wait3A_127 : memref<100096xf32, #tpu.memory_space<vmem_shared>>)
    %barrier3A_128 = arith.constant 0 : index
    tpu.barrier barrier_id(%barrier3A_128)
    %mul3A_129 = arith.constant 100096 : i32
    %mul3A_130 = arith.muli %arg0, %mul3A_129 : i32
    %mul3A_131 = arith.constant 6256 : i32
    %mul3A_132 = arith.muli %arg1, %mul3A_131 : i32
    %add3A_133 = arith.addi %mul3A_130, %mul3A_132 : i32
    %mul3A_134 = arith.constant 6256 : i32
    %mul3A_135 = arith.muli %arg1, %mul3A_134 : i32
    %add3A_136 = arith.constant 0 : i32
    %add3A_137 = arith.addi %mul3A_135, %add3A_136 : i32
    "tpu.region"() ({
      %run_scoped3A = tpu.sem_alloc : memref<!tpu.dma_semaphore, #tpu.memory_space<semaphore_mem>>
      %dma_start3A = arith.constant 0 : i32
      %dma_start3A_152 = tpu.memref_slice %arg7[%dma_start3A] : memref<2560xf32, #tpu.memory_space<vmem>> -> memref<2560xf32, #tpu.memory_space<vmem>>
      %dma_start3A_153 = tpu.memref_slice %arg14[%add3A_137] : memref<100096xf32, #tpu.memory_space<vmem_shared>> -> memref<2560xf32, #tpu.memory_space<vmem_shared>>
      %dma_start3A_154 = arith.constant 0 : i32
      %dma_start3A_155 = tpu.memref_slice %arg7[%dma_start3A_154] : memref<2560xf32, #tpu.memory_space<vmem>> -> memref<2560xf32, #tpu.memory_space<vmem>>
      %dma_start3A_156 = tpu.memref_slice %arg14[%add3A_137] : memref<100096xf32, #tpu.memory_space<vmem_shared>> -> memref<2560xf32, #tpu.memory_space<vmem_shared>>
      tpu.enqueue_dma source(%dma_start3A_156 : memref<2560xf32, #tpu.memory_space<vmem_shared>>) target(%dma_start3A_155 : memref<2560xf32, #tpu.memory_space<vmem>>) target_semaphore(%run_scoped3A : memref<!tpu.dma_semaphore, #tpu.memory_space<semaphore_mem>>)
      %dma_wait3A_157 = arith.constant 0 : i32
      %dma_wait3A_158 = tpu.memref_slice %arg7[%dma_wait3A_157] : memref<2560xf32, #tpu.memory_space<vmem>> -> memref<2560xf32, #tpu.memory_space<vmem>>
      %dma_wait3A_159 = tpu.memref_slice %arg14[%add3A_137] : memref<100096xf32, #tpu.memory_space<vmem_shared>> -> memref<2560xf32, #tpu.memory_space<vmem_shared>>
      %dma_wait3A_160 = arith.constant 0 : i32
      %dma_wait3A_161 = tpu.memref_slice %arg7[%dma_wait3A_160] : memref<2560xf32, #tpu.memory_space<vmem>> -> memref<2560xf32, #tpu.memory_space<vmem>>
      %dma_wait3A_162 = tpu.memref_slice %arg14[%add3A_137] : memref<100096xf32, #tpu.memory_space<vmem_shared>> -> memref<2560xf32, #tpu.memory_space<vmem_shared>>
      tpu.wait_dma2 semaphore(%run_scoped3A : memref<!tpu.dma_semaphore, #tpu.memory_space<semaphore_mem>>) src(%dma_wait3A_162 : memref<2560xf32, #tpu.memory_space<vmem_shared>>) dst(%dma_wait3A_161 : memref<2560xf32, #tpu.memory_space<vmem>>)
      tpu.yield
    }) : () -> ()
    %add3A_138 = arith.constant 0 : i32
    %add3A_139 = arith.addi %add3A_133, %add3A_138 : i32
    "tpu.region"() ({
      %run_scoped3A = tpu.sem_alloc : memref<!tpu.dma_semaphore, #tpu.memory_space<semaphore_mem>>
      %dma_start3A = arith.constant 0 : i32
      %dma_start3A_152 = tpu.memref_slice %arg7[%dma_start3A] : memref<2560xf32, #tpu.memory_space<vmem>> -> memref<2560xf32, #tpu.memory_space<vmem>>
      %dma_start3A_153 = tpu.memref_slice %arg3[%add3A_139] : memref<200192xf32, #tpu.memory_space<hbm>> -> memref<2560xf32, #tpu.memory_space<hbm>>
      %dma_start3A_154 = tpu.memref_slice %arg3[%add3A_139] : memref<200192xf32, #tpu.memory_space<hbm>> -> memref<2560xf32, #tpu.memory_space<hbm>>
      %dma_start3A_155 = arith.constant 0 : i32
      %dma_start3A_156 = tpu.memref_slice %arg7[%dma_start3A_155] : memref<2560xf32, #tpu.memory_space<vmem>> -> memref<2560xf32, #tpu.memory_space<vmem>>
      tpu.enqueue_dma source(%dma_start3A_156 : memref<2560xf32, #tpu.memory_space<vmem>>) target(%dma_start3A_154 : memref<2560xf32, #tpu.memory_space<hbm>>) target_semaphore(%run_scoped3A : memref<!tpu.dma_semaphore, #tpu.memory_space<semaphore_mem>>)
      %dma_wait3A_157 = arith.constant 0 : i32
      %dma_wait3A_158 = tpu.memref_slice %arg7[%dma_wait3A_157] : memref<2560xf32, #tpu.memory_space<vmem>> -> memref<2560xf32, #tpu.memory_space<vmem>>
      %dma_wait3A_159 = tpu.memref_slice %arg3[%add3A_139] : memref<200192xf32, #tpu.memory_space<hbm>> -> memref<2560xf32, #tpu.memory_space<hbm>>
      %dma_wait3A_160 = tpu.memref_slice %arg3[%add3A_139] : memref<200192xf32, #tpu.memory_space<hbm>> -> memref<2560xf32, #tpu.memory_space<hbm>>
      %dma_wait3A_161 = arith.constant 0 : i32
      %dma_wait3A_162 = tpu.memref_slice %arg7[%dma_wait3A_161] : memref<2560xf32, #tpu.memory_space<vmem>> -> memref<2560xf32, #tpu.memory_space<vmem>>
      tpu.wait_dma2 semaphore(%run_scoped3A : memref<!tpu.dma_semaphore, #tpu.memory_space<semaphore_mem>>) src(%dma_wait3A_162 : memref<2560xf32, #tpu.memory_space<vmem>>) dst(%dma_wait3A_160 : memref<2560xf32, #tpu.memory_space<hbm>>)
      tpu.yield
    }) : () -> ()
    %mul3A_140 = arith.constant 6256 : i32
    %mul3A_141 = arith.muli %arg1, %mul3A_140 : i32
    %add3A_142 = arith.constant 2560 : i32
    %add3A_143 = arith.addi %mul3A_141, %add3A_142 : i32
    "tpu.region"() ({
      %run_scoped3A = tpu.sem_alloc : memref<!tpu.dma_semaphore, #tpu.memory_space<semaphore_mem>>
      %dma_start3A = arith.constant 0 : i32
      %dma_start3A_152 = tpu.memref_slice %arg7[%dma_start3A] : memref<2560xf32, #tpu.memory_space<vmem>> -> memref<2560xf32, #tpu.memory_space<vmem>>
      %dma_start3A_153 = tpu.memref_slice %arg14[%add3A_143] : memref<100096xf32, #tpu.memory_space<vmem_shared>> -> memref<2560xf32, #tpu.memory_space<vmem_shared>>
      %dma_start3A_154 = arith.constant 0 : i32
      %dma_start3A_155 = tpu.memref_slice %arg7[%dma_start3A_154] : memref<2560xf32, #tpu.memory_space<vmem>> -> memref<2560xf32, #tpu.memory_space<vmem>>
      %dma_start3A_156 = tpu.memref_slice %arg14[%add3A_143] : memref<100096xf32, #tpu.memory_space<vmem_shared>> -> memref<2560xf32, #tpu.memory_space<vmem_shared>>
      tpu.enqueue_dma source(%dma_start3A_156 : memref<2560xf32, #tpu.memory_space<vmem_shared>>) target(%dma_start3A_155 : memref<2560xf32, #tpu.memory_space<vmem>>) target_semaphore(%run_scoped3A : memref<!tpu.dma_semaphore, #tpu.memory_space<semaphore_mem>>)
      %dma_wait3A_157 = arith.constant 0 : i32
      %dma_wait3A_158 = tpu.memref_slice %arg7[%dma_wait3A_157] : memref<2560xf32, #tpu.memory_space<vmem>> -> memref<2560xf32, #tpu.memory_space<vmem>>
      %dma_wait3A_159 = tpu.memref_slice %arg14[%add3A_143] : memref<100096xf32, #tpu.memory_space<vmem_shared>> -> memref<2560xf32, #tpu.memory_space<vmem_shared>>
      %dma_wait3A_160 = arith.constant 0 : i32
      %dma_wait3A_161 = tpu.memref_slice %arg7[%dma_wait3A_160] : memref<2560xf32, #tpu.memory_space<vmem>> -> memref<2560xf32, #tpu.memory_space<vmem>>
      %dma_wait3A_162 = tpu.memref_slice %arg14[%add3A_143] : memref<100096xf32, #tpu.memory_space<vmem_shared>> -> memref<2560xf32, #tpu.memory_space<vmem_shared>>
      tpu.wait_dma2 semaphore(%run_scoped3A : memref<!tpu.dma_semaphore, #tpu.memory_space<semaphore_mem>>) src(%dma_wait3A_162 : memref<2560xf32, #tpu.memory_space<vmem_shared>>) dst(%dma_wait3A_161 : memref<2560xf32, #tpu.memory_space<vmem>>)
      tpu.yield
    }) : () -> ()
    %add3A_144 = arith.constant 2560 : i32
    %add3A_145 = arith.addi %add3A_133, %add3A_144 : i32
    "tpu.region"() ({
      %run_scoped3A = tpu.sem_alloc : memref<!tpu.dma_semaphore, #tpu.memory_space<semaphore_mem>>
      %dma_start3A = arith.constant 0 : i32
      %dma_start3A_152 = tpu.memref_slice %arg7[%dma_start3A] : memref<2560xf32, #tpu.memory_space<vmem>> -> memref<2560xf32, #tpu.memory_space<vmem>>
      %dma_start3A_153 = tpu.memref_slice %arg3[%add3A_145] : memref<200192xf32, #tpu.memory_space<hbm>> -> memref<2560xf32, #tpu.memory_space<hbm>>
      %dma_start3A_154 = tpu.memref_slice %arg3[%add3A_145] : memref<200192xf32, #tpu.memory_space<hbm>> -> memref<2560xf32, #tpu.memory_space<hbm>>
      %dma_start3A_155 = arith.constant 0 : i32
      %dma_start3A_156 = tpu.memref_slice %arg7[%dma_start3A_155] : memref<2560xf32, #tpu.memory_space<vmem>> -> memref<2560xf32, #tpu.memory_space<vmem>>
      tpu.enqueue_dma source(%dma_start3A_156 : memref<2560xf32, #tpu.memory_space<vmem>>) target(%dma_start3A_154 : memref<2560xf32, #tpu.memory_space<hbm>>) target_semaphore(%run_scoped3A : memref<!tpu.dma_semaphore, #tpu.memory_space<semaphore_mem>>)
      %dma_wait3A_157 = arith.constant 0 : i32
      %dma_wait3A_158 = tpu.memref_slice %arg7[%dma_wait3A_157] : memref<2560xf32, #tpu.memory_space<vmem>> -> memref<2560xf32, #tpu.memory_space<vmem>>
      %dma_wait3A_159 = tpu.memref_slice %arg3[%add3A_145] : memref<200192xf32, #tpu.memory_space<hbm>> -> memref<2560xf32, #tpu.memory_space<hbm>>
      %dma_wait3A_160 = tpu.memref_slice %arg3[%add3A_145] : memref<200192xf32, #tpu.memory_space<hbm>> -> memref<2560xf32, #tpu.memory_space<hbm>>
      %dma_wait3A_161 = arith.constant 0 : i32
      %dma_wait3A_162 = tpu.memref_slice %arg7[%dma_wait3A_161] : memref<2560xf32, #tpu.memory_space<vmem>> -> memref<2560xf32, #tpu.memory_space<vmem>>
      tpu.wait_dma2 semaphore(%run_scoped3A : memref<!tpu.dma_semaphore, #tpu.memory_space<semaphore_mem>>) src(%dma_wait3A_162 : memref<2560xf32, #tpu.memory_space<vmem>>) dst(%dma_wait3A_160 : memref<2560xf32, #tpu.memory_space<hbm>>)
      tpu.yield
    }) : () -> ()
    %mul3A_146 = arith.constant 6256 : i32
    %mul3A_147 = arith.muli %arg1, %mul3A_146 : i32
    %add3A_148 = arith.constant 5120 : i32
    %add3A_149 = arith.addi %mul3A_147, %add3A_148 : i32
    "tpu.region"() ({
      %run_scoped3A = tpu.sem_alloc : memref<!tpu.dma_semaphore, #tpu.memory_space<semaphore_mem>>
      %dma_start3A = arith.constant 0 : i32
      %dma_start3A_152 = tpu.memref_slice %arg7[%dma_start3A] : memref<2560xf32, #tpu.memory_space<vmem>> -> memref<1136xf32, #tpu.memory_space<vmem>>
      %dma_start3A_153 = tpu.memref_slice %arg14[%add3A_149] : memref<100096xf32, #tpu.memory_space<vmem_shared>> -> memref<1136xf32, #tpu.memory_space<vmem_shared>>
      %dma_start3A_154 = arith.constant 0 : i32
      %dma_start3A_155 = tpu.memref_slice %arg7[%dma_start3A_154] : memref<2560xf32, #tpu.memory_space<vmem>> -> memref<1136xf32, #tpu.memory_space<vmem>>
      %dma_start3A_156 = tpu.memref_slice %arg14[%add3A_149] : memref<100096xf32, #tpu.memory_space<vmem_shared>> -> memref<1136xf32, #tpu.memory_space<vmem_shared>>
      tpu.enqueue_dma source(%dma_start3A_156 : memref<1136xf32, #tpu.memory_space<vmem_shared>>) target(%dma_start3A_155 : memref<1136xf32, #tpu.memory_space<vmem>>) target_semaphore(%run_scoped3A : memref<!tpu.dma_semaphore, #tpu.memory_space<semaphore_mem>>)
      %dma_wait3A_157 = arith.constant 0 : i32
      %dma_wait3A_158 = tpu.memref_slice %arg7[%dma_wait3A_157] : memref<2560xf32, #tpu.memory_space<vmem>> -> memref<1136xf32, #tpu.memory_space<vmem>>
      %dma_wait3A_159 = tpu.memref_slice %arg14[%add3A_149] : memref<100096xf32, #tpu.memory_space<vmem_shared>> -> memref<1136xf32, #tpu.memory_space<vmem_shared>>
      %dma_wait3A_160 = arith.constant 0 : i32
      %dma_wait3A_161 = tpu.memref_slice %arg7[%dma_wait3A_160] : memref<2560xf32, #tpu.memory_space<vmem>> -> memref<1136xf32, #tpu.memory_space<vmem>>
      %dma_wait3A_162 = tpu.memref_slice %arg14[%add3A_149] : memref<100096xf32, #tpu.memory_space<vmem_shared>> -> memref<1136xf32, #tpu.memory_space<vmem_shared>>
      tpu.wait_dma2 semaphore(%run_scoped3A : memref<!tpu.dma_semaphore, #tpu.memory_space<semaphore_mem>>) src(%dma_wait3A_162 : memref<1136xf32, #tpu.memory_space<vmem_shared>>) dst(%dma_wait3A_161 : memref<1136xf32, #tpu.memory_space<vmem>>)
      tpu.yield
    }) : () -> ()
    %add3A_150 = arith.constant 5120 : i32
    %add3A_151 = arith.addi %add3A_133, %add3A_150 : i32
    "tpu.region"() ({
      %run_scoped3A = tpu.sem_alloc : memref<!tpu.dma_semaphore, #tpu.memory_space<semaphore_mem>>
      %dma_start3A = arith.constant 0 : i32
      %dma_start3A_152 = tpu.memref_slice %arg7[%dma_start3A] : memref<2560xf32, #tpu.memory_space<vmem>> -> memref<1136xf32, #tpu.memory_space<vmem>>
      %dma_start3A_153 = tpu.memref_slice %arg3[%add3A_151] : memref<200192xf32, #tpu.memory_space<hbm>> -> memref<1136xf32, #tpu.memory_space<hbm>>
      %dma_start3A_154 = tpu.memref_slice %arg3[%add3A_151] : memref<200192xf32, #tpu.memory_space<hbm>> -> memref<1136xf32, #tpu.memory_space<hbm>>
      %dma_start3A_155 = arith.constant 0 : i32
      %dma_start3A_156 = tpu.memref_slice %arg7[%dma_start3A_155] : memref<2560xf32, #tpu.memory_space<vmem>> -> memref<1136xf32, #tpu.memory_space<vmem>>
      tpu.enqueue_dma source(%dma_start3A_156 : memref<1136xf32, #tpu.memory_space<vmem>>) target(%dma_start3A_154 : memref<1136xf32, #tpu.memory_space<hbm>>) target_semaphore(%run_scoped3A : memref<!tpu.dma_semaphore, #tpu.memory_space<semaphore_mem>>)
      %dma_wait3A_157 = arith.constant 0 : i32
      %dma_wait3A_158 = tpu.memref_slice %arg7[%dma_wait3A_157] : memref<2560xf32, #tpu.memory_space<vmem>> -> memref<1136xf32, #tpu.memory_space<vmem>>
      %dma_wait3A_159 = tpu.memref_slice %arg3[%add3A_151] : memref<200192xf32, #tpu.memory_space<hbm>> -> memref<1136xf32, #tpu.memory_space<hbm>>
      %dma_wait3A_160 = tpu.memref_slice %arg3[%add3A_151] : memref<200192xf32, #tpu.memory_space<hbm>> -> memref<1136xf32, #tpu.memory_space<hbm>>
      %dma_wait3A_161 = arith.constant 0 : i32
      %dma_wait3A_162 = tpu.memref_slice %arg7[%dma_wait3A_161] : memref<2560xf32, #tpu.memory_space<vmem>> -> memref<1136xf32, #tpu.memory_space<vmem>>
      tpu.wait_dma2 semaphore(%run_scoped3A : memref<!tpu.dma_semaphore, #tpu.memory_space<semaphore_mem>>) src(%dma_wait3A_162 : memref<1136xf32, #tpu.memory_space<vmem>>) dst(%dma_wait3A_160 : memref<1136xf32, #tpu.memory_space<hbm>>)
      tpu.yield
    }) : () -> ()
    return
  }
}

#map = affine_map<(d0, d1) -> (0)>
#map1 = affine_map<(d0, d1) -> (0, 0)>
module attributes {stable_mosaic.version = 14 : i64} {
  func.func @_edge_pass_body(%arg0: i32, %arg1: i32, %arg2: memref<100096xf32, #tpu.memory_space<hbm>>, %arg3: memref<2x6400000xi32, #tpu.memory_space<hbm>>, %arg4: memref<200192xf32, #tpu.memory_space<hbm>>, %arg5: memref<100096xf32, #tpu.memory_space<vmem>>, %arg6: memref<2560xi32, #tpu.memory_space<vmem>>, %arg7: memref<2560xi32, #tpu.memory_space<vmem>>, %arg8: memref<2560xi32, #tpu.memory_space<vmem>>, %arg9: memref<2560xi32, #tpu.memory_space<vmem>>, %arg10: memref<2560xi32, #tpu.memory_space<vmem>>, %arg11: memref<2560xi32, #tpu.memory_space<vmem>>, %arg12: memref<2560xf32, #tpu.memory_space<vmem>>, %arg13: memref<2560xf32, #tpu.memory_space<vmem>>, %arg14: memref<2560xf32, #tpu.memory_space<vmem>>, %arg15: memref<!tpu.dma_semaphore, #tpu.memory_space<semaphore_mem>>, %arg16: memref<!tpu.dma_semaphore, #tpu.memory_space<semaphore_mem>>, %arg17: memref<!tpu.dma_semaphore, #tpu.memory_space<semaphore_mem>>, %arg18: memref<!tpu.dma_semaphore, #tpu.memory_space<semaphore_mem>>, %arg19: memref<!tpu.dma_semaphore, #tpu.memory_space<semaphore_mem>>, %arg20: memref<!tpu.dma_semaphore, #tpu.memory_space<semaphore_mem>>, %arg21: memref<100096xf32, #tpu.memory_space<vmem_shared>>) attributes {dimension_semantics = [#tpu.dimension_semantics<core_parallel>, #tpu.dimension_semantics<subcore_parallel>], iteration_bounds = array<i64: 2, 16>, scalar_prefetch = 0 : i64, scratch_operands = 17 : i64, tpu.core_type = #tpu.core_type<sc_vector_subcore>, window_params = [{transform_indices = #map}, {transform_indices = #map1}, {transform_indices = #map}]} {
    %mul3A = arith.constant 2 : i32
    %mul3A_0 = arith.muli %arg1, %mul3A : i32
    %add3A = arith.addi %mul3A_0, %arg0 : i32
    tpu.enqueue_dma source(%arg2 : memref<100096xf32, #tpu.memory_space<hbm>>) target(%arg5 : memref<100096xf32, #tpu.memory_space<vmem>>) target_semaphore(%arg18 : memref<!tpu.dma_semaphore, #tpu.memory_space<semaphore_mem>>)
    %broadcast_in_dim3A = arith.constant 0.000000e+00 : f32
    %broadcast_in_dim3A_1 = vector.broadcast %broadcast_in_dim3A : f32 to vector<16xf32>
    %scan3A = arith.constant 0 : i32
    %scan3A_2 = arith.constant 0 : i32
    %scan3A_3 = arith.constant 160 : i32
    %scan3A_4 = arith.addi %scan3A_2, %scan3A_3 : i32
    %scan3A_5 = arith.constant 1 : i32
    %scan3A_6 = scf.for %scan3A_143 = %scan3A_2 to %scan3A_4 step %scan3A_5 iter_args(%scan3A_144 = %scan3A) -> (i32)  : i32 {
      %mul3A_145 = arith.constant 16 : i32
      %mul3A_146 = arith.muli %scan3A_143, %mul3A_145 : i32
      %swap3A = arith.index_cast %mul3A_146 : i32 to index
      %swap3A_147 = tpu.vector_load %arg12[%swap3A] {strides = array<i32>} : memref<2560xf32, #tpu.memory_space<vmem>>, vector<16xf32>,
      tpu.vector_store %arg12[%swap3A], %broadcast_in_dim3A_1 {strides = array<i32>} : memref<2560xf32, #tpu.memory_space<vmem>>, vector<16xf32>,
      %scan3A_148 = arith.constant 0 : i32
      scf.yield %scan3A_148 : i32
    }
    %scan3A_7 = arith.constant 160 : i32
    %mul3A_8 = arith.constant 6256 : i32
    %mul3A_9 = arith.muli %arg1, %mul3A_8 : i32
    %add3A_10 = arith.constant 0 : i32
    %add3A_11 = arith.addi %mul3A_9, %add3A_10 : i32
    "tpu.region"() ({
      %run_scoped3A = tpu.sem_alloc : memref<!tpu.dma_semaphore, #tpu.memory_space<semaphore_mem>>
      %dma_start3A = arith.constant 0 : i32
      %dma_start3A_143 = tpu.memref_slice %arg12[%dma_start3A] : memref<2560xf32, #tpu.memory_space<vmem>> -> memref<2560xf32, #tpu.memory_space<vmem>>
      %dma_start3A_144 = tpu.memref_slice %arg21[%add3A_11] : memref<100096xf32, #tpu.memory_space<vmem_shared>> -> memref<2560xf32, #tpu.memory_space<vmem_shared>>
      %dma_start3A_145 = tpu.memref_slice %arg21[%add3A_11] : memref<100096xf32, #tpu.memory_space<vmem_shared>> -> memref<2560xf32, #tpu.memory_space<vmem_shared>>
      %dma_start3A_146 = arith.constant 0 : i32
      %dma_start3A_147 = tpu.memref_slice %arg12[%dma_start3A_146] : memref<2560xf32, #tpu.memory_space<vmem>> -> memref<2560xf32, #tpu.memory_space<vmem>>
      tpu.enqueue_dma source(%dma_start3A_147 : memref<2560xf32, #tpu.memory_space<vmem>>) target(%dma_start3A_145 : memref<2560xf32, #tpu.memory_space<vmem_shared>>) target_semaphore(%run_scoped3A : memref<!tpu.dma_semaphore, #tpu.memory_space<semaphore_mem>>)
      %dma_wait3A_148 = arith.constant 0 : i32
      %dma_wait3A_149 = tpu.memref_slice %arg12[%dma_wait3A_148] : memref<2560xf32, #tpu.memory_space<vmem>> -> memref<2560xf32, #tpu.memory_space<vmem>>
      %dma_wait3A_150 = tpu.memref_slice %arg21[%add3A_11] : memref<100096xf32, #tpu.memory_space<vmem_shared>> -> memref<2560xf32, #tpu.memory_space<vmem_shared>>
      %dma_wait3A_151 = tpu.memref_slice %arg21[%add3A_11] : memref<100096xf32, #tpu.memory_space<vmem_shared>> -> memref<2560xf32, #tpu.memory_space<vmem_shared>>
      %dma_wait3A_152 = arith.constant 0 : i32
      %dma_wait3A_153 = tpu.memref_slice %arg12[%dma_wait3A_152] : memref<2560xf32, #tpu.memory_space<vmem>> -> memref<2560xf32, #tpu.memory_space<vmem>>
      tpu.wait_dma2 semaphore(%run_scoped3A : memref<!tpu.dma_semaphore, #tpu.memory_space<semaphore_mem>>) src(%dma_wait3A_153 : memref<2560xf32, #tpu.memory_space<vmem>>) dst(%dma_wait3A_151 : memref<2560xf32, #tpu.memory_space<vmem_shared>>)
      tpu.yield
    }) : () -> ()
    %mul3A_12 = arith.constant 6256 : i32
    %mul3A_13 = arith.muli %arg1, %mul3A_12 : i32
    %add3A_14 = arith.constant 2560 : i32
    %add3A_15 = arith.addi %mul3A_13, %add3A_14 : i32
    "tpu.region"() ({
      %run_scoped3A = tpu.sem_alloc : memref<!tpu.dma_semaphore, #tpu.memory_space<semaphore_mem>>
      %dma_start3A = arith.constant 0 : i32
      %dma_start3A_143 = tpu.memref_slice %arg12[%dma_start3A] : memref<2560xf32, #tpu.memory_space<vmem>> -> memref<2560xf32, #tpu.memory_space<vmem>>
      %dma_start3A_144 = tpu.memref_slice %arg21[%add3A_15] : memref<100096xf32, #tpu.memory_space<vmem_shared>> -> memref<2560xf32, #tpu.memory_space<vmem_shared>>
      %dma_start3A_145 = tpu.memref_slice %arg21[%add3A_15] : memref<100096xf32, #tpu.memory_space<vmem_shared>> -> memref<2560xf32, #tpu.memory_space<vmem_shared>>
      %dma_start3A_146 = arith.constant 0 : i32
      %dma_start3A_147 = tpu.memref_slice %arg12[%dma_start3A_146] : memref<2560xf32, #tpu.memory_space<vmem>> -> memref<2560xf32, #tpu.memory_space<vmem>>
      tpu.enqueue_dma source(%dma_start3A_147 : memref<2560xf32, #tpu.memory_space<vmem>>) target(%dma_start3A_145 : memref<2560xf32, #tpu.memory_space<vmem_shared>>) target_semaphore(%run_scoped3A : memref<!tpu.dma_semaphore, #tpu.memory_space<semaphore_mem>>)
      %dma_wait3A_148 = arith.constant 0 : i32
      %dma_wait3A_149 = tpu.memref_slice %arg12[%dma_wait3A_148] : memref<2560xf32, #tpu.memory_space<vmem>> -> memref<2560xf32, #tpu.memory_space<vmem>>
      %dma_wait3A_150 = tpu.memref_slice %arg21[%add3A_15] : memref<100096xf32, #tpu.memory_space<vmem_shared>> -> memref<2560xf32, #tpu.memory_space<vmem_shared>>
      %dma_wait3A_151 = tpu.memref_slice %arg21[%add3A_15] : memref<100096xf32, #tpu.memory_space<vmem_shared>> -> memref<2560xf32, #tpu.memory_space<vmem_shared>>
      %dma_wait3A_152 = arith.constant 0 : i32
      %dma_wait3A_153 = tpu.memref_slice %arg12[%dma_wait3A_152] : memref<2560xf32, #tpu.memory_space<vmem>> -> memref<2560xf32, #tpu.memory_space<vmem>>
      tpu.wait_dma2 semaphore(%run_scoped3A : memref<!tpu.dma_semaphore, #tpu.memory_space<semaphore_mem>>) src(%dma_wait3A_153 : memref<2560xf32, #tpu.memory_space<vmem>>) dst(%dma_wait3A_151 : memref<2560xf32, #tpu.memory_space<vmem_shared>>)
      tpu.yield
    }) : () -> ()
    %mul3A_16 = arith.constant 6256 : i32
    %mul3A_17 = arith.muli %arg1, %mul3A_16 : i32
    %add3A_18 = arith.constant 5120 : i32
    %add3A_19 = arith.addi %mul3A_17, %add3A_18 : i32
    "tpu.region"() ({
      %run_scoped3A = tpu.sem_alloc : memref<!tpu.dma_semaphore, #tpu.memory_space<semaphore_mem>>
      %dma_start3A = arith.constant 0 : i32
      %dma_start3A_143 = tpu.memref_slice %arg12[%dma_start3A] : memref<2560xf32, #tpu.memory_space<vmem>> -> memref<1136xf32, #tpu.memory_space<vmem>>
      %dma_start3A_144 = tpu.memref_slice %arg21[%add3A_19] : memref<100096xf32, #tpu.memory_space<vmem_shared>> -> memref<1136xf32, #tpu.memory_space<vmem_shared>>
      %dma_start3A_145 = tpu.memref_slice %arg21[%add3A_19] : memref<100096xf32, #tpu.memory_space<vmem_shared>> -> memref<1136xf32, #tpu.memory_space<vmem_shared>>
      %dma_start3A_146 = arith.constant 0 : i32
      %dma_start3A_147 = tpu.memref_slice %arg12[%dma_start3A_146] : memref<2560xf32, #tpu.memory_space<vmem>> -> memref<1136xf32, #tpu.memory_space<vmem>>
      tpu.enqueue_dma source(%dma_start3A_147 : memref<1136xf32, #tpu.memory_space<vmem>>) target(%dma_start3A_145 : memref<1136xf32, #tpu.memory_space<vmem_shared>>) target_semaphore(%run_scoped3A : memref<!tpu.dma_semaphore, #tpu.memory_space<semaphore_mem>>)
      %dma_wait3A_148 = arith.constant 0 : i32
      %dma_wait3A_149 = tpu.memref_slice %arg12[%dma_wait3A_148] : memref<2560xf32, #tpu.memory_space<vmem>> -> memref<1136xf32, #tpu.memory_space<vmem>>
      %dma_wait3A_150 = tpu.memref_slice %arg21[%add3A_19] : memref<100096xf32, #tpu.memory_space<vmem_shared>> -> memref<1136xf32, #tpu.memory_space<vmem_shared>>
      %dma_wait3A_151 = tpu.memref_slice %arg21[%add3A_19] : memref<100096xf32, #tpu.memory_space<vmem_shared>> -> memref<1136xf32, #tpu.memory_space<vmem_shared>>
      %dma_wait3A_152 = arith.constant 0 : i32
      %dma_wait3A_153 = tpu.memref_slice %arg12[%dma_wait3A_152] : memref<2560xf32, #tpu.memory_space<vmem>> -> memref<1136xf32, #tpu.memory_space<vmem>>
      tpu.wait_dma2 semaphore(%run_scoped3A : memref<!tpu.dma_semaphore, #tpu.memory_space<semaphore_mem>>) src(%dma_wait3A_153 : memref<1136xf32, #tpu.memory_space<vmem>>) dst(%dma_wait3A_151 : memref<1136xf32, #tpu.memory_space<vmem_shared>>)
      tpu.yield
    }) : () -> ()
    tpu.wait_dma2 semaphore(%arg18 : memref<!tpu.dma_semaphore, #tpu.memory_space<semaphore_mem>>) src(%arg2 : memref<100096xf32, #tpu.memory_space<hbm>>) dst(%arg5 : memref<100096xf32, #tpu.memory_space<vmem>>)
    %sub3A = arith.constant 2500 : i32
    %sub3A_20 = arith.subi %sub3A, %add3A : i32
    %add3A_21 = arith.constant 32 : i32
    %add3A_22 = arith.addi %sub3A_20, %add3A_21 : i32
    %sub3A_23 = arith.constant 1 : i32
    %sub3A_24 = arith.subi %add3A_22, %sub3A_23 : i32
    %jit3A = arith.constant 32 : i32
    %div3A = arith.divsi %sub3A_24, %jit3A : i32
    %sign3A = arith.constant 0 : i32
    %sign3A_25 = arith.cmpi sgt, %sub3A_24, %sign3A : i32
    %sign3A_26 = arith.extui %sign3A_25 : i1 to i32
    %sign3A_27 = arith.constant 0 : i32
    %sign3A_28 = arith.cmpi slt, %sub3A_24, %sign3A_27 : i32
    %sign3A_29 = arith.extui %sign3A_28 : i1 to i32
    %sign3A_30 = arith.subi %sign3A_26, %sign3A_29 : i32
    %sign3A_31 = arith.constant 0 : i32
    %sign3A_32 = arith.cmpi sgt, %jit3A, %sign3A_31 : i32
    %sign3A_33 = arith.extui %sign3A_32 : i1 to i32
    %sign3A_34 = arith.constant 0 : i32
    %sign3A_35 = arith.cmpi slt, %jit3A, %sign3A_34 : i32
    %sign3A_36 = arith.extui %sign3A_35 : i1 to i32
    %sign3A_37 = arith.subi %sign3A_33, %sign3A_36 : i32
    %ne3A = arith.cmpi ne, %sign3A_30, %sign3A_37 : i32
    %rem3A = arith.remsi %sub3A_24, %jit3A : i32
    %ne3A_38 = arith.constant 0 : i32
    %ne3A_39 = arith.cmpi ne, %rem3A, %ne3A_38 : i32
    %and3A = arith.andi %ne3A, %ne3A_39 : i1
    %sub3A_40 = arith.constant 1 : i32
    %sub3A_41 = arith.subi %div3A, %sub3A_40 : i32
    %select_n3A = arith.select %and3A, %sub3A_41, %div3A : i32
    %barrier3A = arith.constant 0 : index
    tpu.barrier barrier_id(%barrier3A)
    %gt3A = arith.constant 0 : i32
    %gt3A_42 = arith.cmpi sgt, %select_n3A, %gt3A : i32
    %convert_element_type3A = arith.extui %gt3A_42 : i1 to i32
    %cond3A = arith.constant 0 : i32
    %cond3A_43 = arith.cmpi ne, %convert_element_type3A, %cond3A : i32
    scf.if %cond3A_43 {
      %add3A_143 = arith.constant 0 : i32
      %add3A_144 = arith.addi %add3A, %add3A_143 : i32
      %mul3A_145 = arith.constant 2560 : i32
      %mul3A_146 = arith.muli %add3A_144, %mul3A_145 : i32
      %dma_start3A = arith.constant 1 : i32
      %dma_start3A_147 = tpu.memref_slice %arg3[%dma_start3A, %mul3A_146] : memref<2x6400000xi32, #tpu.memory_space<hbm>> -> memref<1x2560xi32, #tpu.memory_space<hbm>>
      %dma_start3A_148 = tpu.memref_squeeze %dma_start3A_147 : memref<1x2560xi32, #tpu.memory_space<hbm>> -> memref<2560xi32, #tpu.memory_space<hbm>>
      %dma_start3A_149 = tpu.memref_slice %arg3[%dma_start3A, %mul3A_146] : memref<2x6400000xi32, #tpu.memory_space<hbm>> -> memref<1x2560xi32, #tpu.memory_space<hbm>>
      %dma_start3A_150 = tpu.memref_squeeze %dma_start3A_149 : memref<1x2560xi32, #tpu.memory_space<hbm>> -> memref<2560xi32, #tpu.memory_space<hbm>>
      tpu.enqueue_dma source(%dma_start3A_150 : memref<2560xi32, #tpu.memory_space<hbm>>) target(%arg9 : memref<2560xi32, #tpu.memory_space<vmem>>) target_semaphore(%arg18 : memref<!tpu.dma_semaphore, #tpu.memory_space<semaphore_mem>>)
      %dma_start3A_151 = arith.constant 0 : i32
      %dma_start3A_152 = tpu.memref_slice %arg3[%dma_start3A_151, %mul3A_146] : memref<2x6400000xi32, #tpu.memory_space<hbm>> -> memref<1x2560xi32, #tpu.memory_space<hbm>>
      %dma_start3A_153 = tpu.memref_squeeze %dma_start3A_152 : memref<1x2560xi32, #tpu.memory_space<hbm>> -> memref<2560xi32, #tpu.memory_space<hbm>>
      %dma_start3A_154 = tpu.memref_slice %arg3[%dma_start3A_151, %mul3A_146] : memref<2x6400000xi32, #tpu.memory_space<hbm>> -> memref<1x2560xi32, #tpu.memory_space<hbm>>
      %dma_start3A_155 = tpu.memref_squeeze %dma_start3A_154 : memref<1x2560xi32, #tpu.memory_space<hbm>> -> memref<2560xi32, #tpu.memory_space<hbm>>
      tpu.enqueue_dma source(%dma_start3A_155 : memref<2560xi32, #tpu.memory_space<hbm>>) target(%arg6 : memref<2560xi32, #tpu.memory_space<vmem>>) target_semaphore(%arg18 : memref<!tpu.dma_semaphore, #tpu.memory_space<semaphore_mem>>)
    } else {
    }
    %jit3A_44 = arith.constant 3 : i32
    %div3A_45 = arith.divsi %select_n3A, %jit3A_44 : i32
    %sign3A_46 = arith.constant 0 : i32
    %sign3A_47 = arith.cmpi sgt, %select_n3A, %sign3A_46 : i32
    %sign3A_48 = arith.extui %sign3A_47 : i1 to i32
    %sign3A_49 = arith.constant 0 : i32
    %sign3A_50 = arith.cmpi slt, %select_n3A, %sign3A_49 : i32
    %sign3A_51 = arith.extui %sign3A_50 : i1 to i32
    %sign3A_52 = arith.subi %sign3A_48, %sign3A_51 : i32
    %sign3A_53 = arith.constant 0 : i32
    %sign3A_54 = arith.cmpi sgt, %jit3A_44, %sign3A_53 : i32
    %sign3A_55 = arith.extui %sign3A_54 : i1 to i32
    %sign3A_56 = arith.constant 0 : i32
    %sign3A_57 = arith.cmpi slt, %jit3A_44, %sign3A_56 : i32
    %sign3A_58 = arith.extui %sign3A_57 : i1 to i32
    %sign3A_59 = arith.subi %sign3A_55, %sign3A_58 : i32
    %ne3A_60 = arith.cmpi ne, %sign3A_52, %sign3A_59 : i32
    %rem3A_61 = arith.remsi %select_n3A, %jit3A_44 : i32
    %ne3A_62 = arith.constant 0 : i32
    %ne3A_63 = arith.cmpi ne, %rem3A_61, %ne3A_62 : i32
    %and3A_64 = arith.andi %ne3A_60, %ne3A_63 : i1
    %sub3A_65 = arith.constant 1 : i32
    %sub3A_66 = arith.subi %div3A_45, %sub3A_65 : i32
    %select_n3A_67 = arith.select %and3A_64, %sub3A_66, %div3A_45 : i32
    %while3A = arith.constant 0 : i32
    %while3A_68 = arith.constant 0 : i32
    %while3A_69 = arith.subi %select_n3A_67, %while3A : i32
    %while3A_70 = arith.addi %while3A, %while3A_69 : i32
    %while3A_71 = arith.constant 1 : i32
    %while3A_72 = arith.divsi %while3A_69, %while3A_71 : i32
    %while3A_73 = arith.muli %while3A_72, %while3A_71 : i32
    %while3A_74 = arith.addi %while3A, %while3A_73 : i32
    %while3A_75 = arith.constant 1 : i32
    %while3A_76 = scf.for %while3A_143 = %while3A to %while3A_74 step %while3A_75 iter_args(%while3A_144 = %while3A_68) -> (i32)  : i32 {
      %mul3A_145 = arith.constant 3 : i32
      %mul3A_146 = arith.muli %mul3A_145, %while3A_143 : i32
      %add3A_147 = arith.constant 0 : i32
      %add3A_148 = arith.addi %mul3A_146, %add3A_147 : i32
      %lt3A_149 = arith.cmpi slt, %add3A_148, %select_n3A : i32
      %convert_element_type3A_150 = arith.extui %lt3A_149 : i1 to i32
      %cond3A_151 = arith.constant 0 : i32
      %cond3A_152 = arith.cmpi ne, %convert_element_type3A_150, %cond3A_151 : i32
      scf.if %cond3A_152 {
        %mul3A_170 = arith.constant 32 : i32
        %mul3A_171 = arith.muli %add3A_148, %mul3A_170 : i32
        %add3A_172 = arith.addi %add3A, %mul3A_171 : i32
        %mul3A_173 = arith.constant 2560 : i32
        %mul3A_174 = arith.muli %add3A_172, %mul3A_173 : i32
        %dma_wait3A_175 = arith.constant 1 : i32
        %dma_wait3A_176 = tpu.memref_slice %arg3[%dma_wait3A_175, %mul3A_174] : memref<2x6400000xi32, #tpu.memory_space<hbm>> -> memref<1x2560xi32, #tpu.memory_space<hbm>>
        %dma_wait3A_177 = tpu.memref_squeeze %dma_wait3A_176 : memref<1x2560xi32, #tpu.memory_space<hbm>> -> memref<2560xi32, #tpu.memory_space<hbm>>
        %dma_wait3A_178 = tpu.memref_slice %arg3[%dma_wait3A_175, %mul3A_174] : memref<2x6400000xi32, #tpu.memory_space<hbm>> -> memref<1x2560xi32, #tpu.memory_space<hbm>>
        %dma_wait3A_179 = tpu.memref_squeeze %dma_wait3A_178 : memref<1x2560xi32, #tpu.memory_space<hbm>> -> memref<2560xi32, #tpu.memory_space<hbm>>
        tpu.wait_dma2 semaphore(%arg18 : memref<!tpu.dma_semaphore, #tpu.memory_space<semaphore_mem>>) src(%dma_wait3A_179 : memref<2560xi32, #tpu.memory_space<hbm>>) dst(%arg9 : memref<2560xi32, #tpu.memory_space<vmem>>)
        %dma_wait3A_180 = arith.constant 0 : i32
        %dma_wait3A_181 = tpu.memref_slice %arg3[%dma_wait3A_180, %mul3A_174] : memref<2x6400000xi32, #tpu.memory_space<hbm>> -> memref<1x2560xi32, #tpu.memory_space<hbm>>
        %dma_wait3A_182 = tpu.memref_squeeze %dma_wait3A_181 : memref<1x2560xi32, #tpu.memory_space<hbm>> -> memref<2560xi32, #tpu.memory_space<hbm>>
        %dma_wait3A_183 = tpu.memref_slice %arg3[%dma_wait3A_180, %mul3A_174] : memref<2x6400000xi32, #tpu.memory_space<hbm>> -> memref<1x2560xi32, #tpu.memory_space<hbm>>
        %dma_wait3A_184 = tpu.memref_squeeze %dma_wait3A_183 : memref<1x2560xi32, #tpu.memory_space<hbm>> -> memref<2560xi32, #tpu.memory_space<hbm>>
        tpu.wait_dma2 semaphore(%arg18 : memref<!tpu.dma_semaphore, #tpu.memory_space<semaphore_mem>>) src(%dma_wait3A_184 : memref<2560xi32, #tpu.memory_space<hbm>>) dst(%arg6 : memref<2560xi32, #tpu.memory_space<vmem>>)
        %add3A_185 = arith.constant 1 : i32
        %add3A_186 = arith.addi %add3A_148, %add3A_185 : i32
        %lt3A_187 = arith.cmpi slt, %add3A_186, %select_n3A : i32
        %convert_element_type3A_188 = arith.extui %lt3A_187 : i1 to i32
        %cond3A_189 = arith.constant 0 : i32
        %cond3A_190 = arith.cmpi ne, %convert_element_type3A_188, %cond3A_189 : i32
        scf.if %cond3A_190 {
          %ge3A = arith.constant 3 : i32
          %ge3A_194 = arith.cmpi sge, %add3A_186, %ge3A : i32
          %convert_element_type3A_195 = arith.extui %ge3A_194 : i1 to i32
          %cond3A_196 = arith.constant 0 : i32
          %cond3A_197 = arith.cmpi ne, %convert_element_type3A_195, %cond3A_196 : i32
          scf.if %cond3A_197 {
            %dma_wait3A_213 = arith.constant 0 : i32
            %dma_wait3A_214 = tpu.memref_slice %arg21[%dma_wait3A_213] : memref<100096xf32, #tpu.memory_space<vmem_shared>> -> memref<100096xf32, #tpu.memory_space<vmem_shared>>
            tpu.wait_indirect_dma semaphore(%arg16 : memref<!tpu.dma_semaphore, #tpu.memory_space<semaphore_mem>>) src(%arg13 : memref<2560xf32, #tpu.memory_space<vmem>>) dst(%dma_wait3A_214 : memref<100096xf32, #tpu.memory_space<vmem_shared>>)
          } else {
          }
          %mul3A_198 = arith.constant 32 : i32
          %mul3A_199 = arith.muli %add3A_186, %mul3A_198 : i32
          %add3A_200 = arith.addi %add3A, %mul3A_199 : i32
          %mul3A_201 = arith.constant 2560 : i32
          %mul3A_202 = arith.muli %add3A_200, %mul3A_201 : i32
          %dma_start3A_203 = arith.constant 1 : i32
          %dma_start3A_204 = tpu.memref_slice %arg3[%dma_start3A_203, %mul3A_202] : memref<2x6400000xi32, #tpu.memory_space<hbm>> -> memref<1x2560xi32, #tpu.memory_space<hbm>>
          %dma_start3A_205 = tpu.memref_squeeze %dma_start3A_204 : memref<1x2560xi32, #tpu.memory_space<hbm>> -> memref<2560xi32, #tpu.memory_space<hbm>>
          %dma_start3A_206 = tpu.memref_slice %arg3[%dma_start3A_203, %mul3A_202] : memref<2x6400000xi32, #tpu.memory_space<hbm>> -> memref<1x2560xi32, #tpu.memory_space<hbm>>
          %dma_start3A_207 = tpu.memref_squeeze %dma_start3A_206 : memref<1x2560xi32, #tpu.memory_space<hbm>> -> memref<2560xi32, #tpu.memory_space<hbm>>
          tpu.enqueue_dma source(%dma_start3A_207 : memref<2560xi32, #tpu.memory_space<hbm>>) target(%arg10 : memref<2560xi32, #tpu.memory_space<vmem>>) target_semaphore(%arg19 : memref<!tpu.dma_semaphore, #tpu.memory_space<semaphore_mem>>)
          %dma_start3A_208 = arith.constant 0 : i32
          %dma_start3A_209 = tpu.memref_slice %arg3[%dma_start3A_208, %mul3A_202] : memref<2x6400000xi32, #tpu.memory_space<hbm>> -> memref<1x2560xi32, #tpu.memory_space<hbm>>
          %dma_start3A_210 = tpu.memref_squeeze %dma_start3A_209 : memref<1x2560xi32, #tpu.memory_space<hbm>> -> memref<2560xi32, #tpu.memory_space<hbm>>
          %dma_start3A_211 = tpu.memref_slice %arg3[%dma_start3A_208, %mul3A_202] : memref<2x6400000xi32, #tpu.memory_space<hbm>> -> memref<1x2560xi32, #tpu.memory_space<hbm>>
          %dma_start3A_212 = tpu.memref_squeeze %dma_start3A_211 : memref<1x2560xi32, #tpu.memory_space<hbm>> -> memref<2560xi32, #tpu.memory_space<hbm>>
          tpu.enqueue_dma source(%dma_start3A_212 : memref<2560xi32, #tpu.memory_space<hbm>>) target(%arg7 : memref<2560xi32, #tpu.memory_space<vmem>>) target_semaphore(%arg19 : memref<!tpu.dma_semaphore, #tpu.memory_space<semaphore_mem>>)
        } else {
        }
        %parallel_loop3A = arith.constant 0 : i32
        %parallel_loop3A_191 = arith.constant 160 : i32
        %parallel_loop3A_192 = arith.constant 1 : i32
        scf.for %parallel_loop3A_194 = %parallel_loop3A to %parallel_loop3A_191 step %parallel_loop3A_192  : i32 {
          %parallel_loop3A_195 = arith.constant 16 : i32
          %parallel_loop3A_196 = arith.muli %parallel_loop3A_194, %parallel_loop3A_195 : i32
          %parallel_loop3A_197 = arith.index_cast %parallel_loop3A_196 : i32 to index
          %parallel_loop3A_198 = tpu.vector_load %arg6[%parallel_loop3A_197] {strides = array<i32>} : memref<2560xi32, #tpu.memory_space<vmem>>, vector<16xi32>,
          %parallel_loop3A_199 = tpu.vector_load_idx %arg5[%parallel_loop3A_198] : memref<100096xf32, #tpu.memory_space<vmem>>[vector<16xi32>], vector<16xf32>,
          %parallel_loop3A_200 = arith.constant 16 : i32
          %parallel_loop3A_201 = arith.muli %parallel_loop3A_194, %parallel_loop3A_200 : i32
          %parallel_loop3A_202 = arith.index_cast %parallel_loop3A_201 : i32 to index
          %parallel_loop3A_203 = tpu.vector_load %arg12[%parallel_loop3A_202] {strides = array<i32>} : memref<2560xf32, #tpu.memory_space<vmem>>, vector<16xf32>,
          tpu.vector_store %arg12[%parallel_loop3A_202], %parallel_loop3A_199 {strides = array<i32>} : memref<2560xf32, #tpu.memory_space<vmem>>, vector<16xf32>,
        } {sc.loop_unroll_factor = 8 : i64, sc.parallel_access}
        %dma_start3A = arith.constant 0 : i32
        %dma_start3A_193 = tpu.memref_slice %arg21[%dma_start3A] : memref<100096xf32, #tpu.memory_space<vmem_shared>> -> memref<100096xf32, #tpu.memory_space<vmem_shared>>
        tpu.enqueue_indirect_dma source(%arg12 : memref<2560xf32, #tpu.memory_space<vmem>>) target(%dma_start3A_193 : memref<100096xf32, #tpu.memory_space<vmem_shared>>) offsets(%arg9 : memref<2560xi32, #tpu.memory_space<vmem>>) semaphore(%arg15 : memref<!tpu.dma_semaphore, #tpu.memory_space<semaphore_mem>>) {add = true}
      } else {
      }
      %mul3A_153 = arith.constant 3 : i32
      %mul3A_154 = arith.muli %mul3A_153, %while3A_143 : i32
      %add3A_155 = arith.constant 1 : i32
      %add3A_156 = arith.addi %mul3A_154, %add3A_155 : i32
      %lt3A_157 = arith.cmpi slt, %add3A_156, %select_n3A : i32
      %convert_element_type3A_158 = arith.extui %lt3A_157 : i1 to i32
      %cond3A_159 = arith.constant 0 : i32
      %cond3A_160 = arith.cmpi ne, %convert_element_type3A_158, %cond3A_159 : i32
      scf.if %cond3A_160 {
        %mul3A_170 = arith.constant 32 : i32
        %mul3A_171 = arith.muli %add3A_156, %mul3A_170 : i32
        %add3A_172 = arith.addi %add3A, %mul3A_171 : i32
        %mul3A_173 = arith.constant 2560 : i32
        %mul3A_174 = arith.muli %add3A_172, %mul3A_173 : i32
        %dma_wait3A_175 = arith.constant 1 : i32
        %dma_wait3A_176 = tpu.memref_slice %arg3[%dma_wait3A_175, %mul3A_174] : memref<2x6400000xi32, #tpu.memory_space<hbm>> -> memref<1x2560xi32, #tpu.memory_space<hbm>>
        %dma_wait3A_177 = tpu.memref_squeeze %dma_wait3A_176 : memref<1x2560xi32, #tpu.memory_space<hbm>> -> memref<2560xi32, #tpu.memory_space<hbm>>
        %dma_wait3A_178 = tpu.memref_slice %arg3[%dma_wait3A_175, %mul3A_174] : memref<2x6400000xi32, #tpu.memory_space<hbm>> -> memref<1x2560xi32, #tpu.memory_space<hbm>>
        %dma_wait3A_179 = tpu.memref_squeeze %dma_wait3A_178 : memref<1x2560xi32, #tpu.memory_space<hbm>> -> memref<2560xi32, #tpu.memory_space<hbm>>
        tpu.wait_dma2 semaphore(%arg19 : memref<!tpu.dma_semaphore, #tpu.memory_space<semaphore_mem>>) src(%dma_wait3A_179 : memref<2560xi32, #tpu.memory_space<hbm>>) dst(%arg10 : memref<2560xi32, #tpu.memory_space<vmem>>)
        %dma_wait3A_180 = arith.constant 0 : i32
        %dma_wait3A_181 = tpu.memref_slice %arg3[%dma_wait3A_180, %mul3A_174] : memref<2x6400000xi32, #tpu.memory_space<hbm>> -> memref<1x2560xi32, #tpu.memory_space<hbm>>
        %dma_wait3A_182 = tpu.memref_squeeze %dma_wait3A_181 : memref<1x2560xi32, #tpu.memory_space<hbm>> -> memref<2560xi32, #tpu.memory_space<hbm>>
        %dma_wait3A_183 = tpu.memref_slice %arg3[%dma_wait3A_180, %mul3A_174] : memref<2x6400000xi32, #tpu.memory_space<hbm>> -> memref<1x2560xi32, #tpu.memory_space<hbm>>
        %dma_wait3A_184 = tpu.memref_squeeze %dma_wait3A_183 : memref<1x2560xi32, #tpu.memory_space<hbm>> -> memref<2560xi32, #tpu.memory_space<hbm>>
        tpu.wait_dma2 semaphore(%arg19 : memref<!tpu.dma_semaphore, #tpu.memory_space<semaphore_mem>>) src(%dma_wait3A_184 : memref<2560xi32, #tpu.memory_space<hbm>>) dst(%arg7 : memref<2560xi32, #tpu.memory_space<vmem>>)
        %add3A_185 = arith.constant 1 : i32
        %add3A_186 = arith.addi %add3A_156, %add3A_185 : i32
        %lt3A_187 = arith.cmpi slt, %add3A_186, %select_n3A : i32
        %convert_element_type3A_188 = arith.extui %lt3A_187 : i1 to i32
        %cond3A_189 = arith.constant 0 : i32
        %cond3A_190 = arith.cmpi ne, %convert_element_type3A_188, %cond3A_189 : i32
        scf.if %cond3A_190 {
          %ge3A = arith.constant 3 : i32
          %ge3A_194 = arith.cmpi sge, %add3A_186, %ge3A : i32
          %convert_element_type3A_195 = arith.extui %ge3A_194 : i1 to i32
          %cond3A_196 = arith.constant 0 : i32
          %cond3A_197 = arith.cmpi ne, %convert_element_type3A_195, %cond3A_196 : i32
          scf.if %cond3A_197 {
            %dma_wait3A_213 = arith.constant 0 : i32
            %dma_wait3A_214 = tpu.memref_slice %arg21[%dma_wait3A_213] : memref<100096xf32, #tpu.memory_space<vmem_shared>> -> memref<100096xf32, #tpu.memory_space<vmem_shared>>
            tpu.wait_indirect_dma semaphore(%arg17 : memref<!tpu.dma_semaphore, #tpu.memory_space<semaphore_mem>>) src(%arg14 : memref<2560xf32, #tpu.memory_space<vmem>>) dst(%dma_wait3A_214 : memref<100096xf32, #tpu.memory_space<vmem_shared>>)
          } else {
          }
          %mul3A_198 = arith.constant 32 : i32
          %mul3A_199 = arith.muli %add3A_186, %mul3A_198 : i32
          %add3A_200 = arith.addi %add3A, %mul3A_199 : i32
          %mul3A_201 = arith.constant 2560 : i32
          %mul3A_202 = arith.muli %add3A_200, %mul3A_201 : i32
          %dma_start3A_203 = arith.constant 1 : i32
          %dma_start3A_204 = tpu.memref_slice %arg3[%dma_start3A_203, %mul3A_202] : memref<2x6400000xi32, #tpu.memory_space<hbm>> -> memref<1x2560xi32, #tpu.memory_space<hbm>>
          %dma_start3A_205 = tpu.memref_squeeze %dma_start3A_204 : memref<1x2560xi32, #tpu.memory_space<hbm>> -> memref<2560xi32, #tpu.memory_space<hbm>>
          %dma_start3A_206 = tpu.memref_slice %arg3[%dma_start3A_203, %mul3A_202] : memref<2x6400000xi32, #tpu.memory_space<hbm>> -> memref<1x2560xi32, #tpu.memory_space<hbm>>
          %dma_start3A_207 = tpu.memref_squeeze %dma_start3A_206 : memref<1x2560xi32, #tpu.memory_space<hbm>> -> memref<2560xi32, #tpu.memory_space<hbm>>
          tpu.enqueue_dma source(%dma_start3A_207 : memref<2560xi32, #tpu.memory_space<hbm>>) target(%arg11 : memref<2560xi32, #tpu.memory_space<vmem>>) target_semaphore(%arg20 : memref<!tpu.dma_semaphore, #tpu.memory_space<semaphore_mem>>)
          %dma_start3A_208 = arith.constant 0 : i32
          %dma_start3A_209 = tpu.memref_slice %arg3[%dma_start3A_208, %mul3A_202] : memref<2x6400000xi32, #tpu.memory_space<hbm>> -> memref<1x2560xi32, #tpu.memory_space<hbm>>
          %dma_start3A_210 = tpu.memref_squeeze %dma_start3A_209 : memref<1x2560xi32, #tpu.memory_space<hbm>> -> memref<2560xi32, #tpu.memory_space<hbm>>
          %dma_start3A_211 = tpu.memref_slice %arg3[%dma_start3A_208, %mul3A_202] : memref<2x6400000xi32, #tpu.memory_space<hbm>> -> memref<1x2560xi32, #tpu.memory_space<hbm>>
          %dma_start3A_212 = tpu.memref_squeeze %dma_start3A_211 : memref<1x2560xi32, #tpu.memory_space<hbm>> -> memref<2560xi32, #tpu.memory_space<hbm>>
          tpu.enqueue_dma source(%dma_start3A_212 : memref<2560xi32, #tpu.memory_space<hbm>>) target(%arg8 : memref<2560xi32, #tpu.memory_space<vmem>>) target_semaphore(%arg20 : memref<!tpu.dma_semaphore, #tpu.memory_space<semaphore_mem>>)
        } else {
        }
        %parallel_loop3A = arith.constant 0 : i32
        %parallel_loop3A_191 = arith.constant 160 : i32
        %parallel_loop3A_192 = arith.constant 1 : i32
        scf.for %parallel_loop3A_194 = %parallel_loop3A to %parallel_loop3A_191 step %parallel_loop3A_192  : i32 {
          %parallel_loop3A_195 = arith.constant 16 : i32
          %parallel_loop3A_196 = arith.muli %parallel_loop3A_194, %parallel_loop3A_195 : i32
          %parallel_loop3A_197 = arith.index_cast %parallel_loop3A_196 : i32 to index
          %parallel_loop3A_198 = tpu.vector_load %arg7[%parallel_loop3A_197] {strides = array<i32>} : memref<2560xi32, #tpu.memory_space<vmem>>, vector<16xi32>,
          %parallel_loop3A_199 = tpu.vector_load_idx %arg5[%parallel_loop3A_198] : memref<100096xf32, #tpu.memory_space<vmem>>[vector<16xi32>], vector<16xf32>,
          %parallel_loop3A_200 = arith.constant 16 : i32
          %parallel_loop3A_201 = arith.muli %parallel_loop3A_194, %parallel_loop3A_200 : i32
          %parallel_loop3A_202 = arith.index_cast %parallel_loop3A_201 : i32 to index
          %parallel_loop3A_203 = tpu.vector_load %arg13[%parallel_loop3A_202] {strides = array<i32>} : memref<2560xf32, #tpu.memory_space<vmem>>, vector<16xf32>,
          tpu.vector_store %arg13[%parallel_loop3A_202], %parallel_loop3A_199 {strides = array<i32>} : memref<2560xf32, #tpu.memory_space<vmem>>, vector<16xf32>,
        } {sc.loop_unroll_factor = 8 : i64, sc.parallel_access}
        %dma_start3A = arith.constant 0 : i32
        %dma_start3A_193 = tpu.memref_slice %arg21[%dma_start3A] : memref<100096xf32, #tpu.memory_space<vmem_shared>> -> memref<100096xf32, #tpu.memory_space<vmem_shared>>
        tpu.enqueue_indirect_dma source(%arg13 : memref<2560xf32, #tpu.memory_space<vmem>>) target(%dma_start3A_193 : memref<100096xf32, #tpu.memory_space<vmem_shared>>) offsets(%arg10 : memref<2560xi32, #tpu.memory_space<vmem>>) semaphore(%arg16 : memref<!tpu.dma_semaphore, #tpu.memory_space<semaphore_mem>>) {add = true}
      } else {
      }
      %mul3A_161 = arith.constant 3 : i32
      %mul3A_162 = arith.muli %mul3A_161, %while3A_143 : i32
      %add3A_163 = arith.constant 2 : i32
      %add3A_164 = arith.addi %mul3A_162, %add3A_163 : i32
      %lt3A_165 = arith.cmpi slt, %add3A_164, %select_n3A : i32
      %convert_element_type3A_166 = arith.extui %lt3A_165 : i1 to i32
      %cond3A_167 = arith.constant 0 : i32
      %cond3A_168 = arith.cmpi ne, %convert_element_type3A_166, %cond3A_167 : i32
      scf.if %cond3A_168 {
        %mul3A_170 = arith.constant 32 : i32
        %mul3A_171 = arith.muli %add3A_164, %mul3A_170 : i32
        %add3A_172 = arith.addi %add3A, %mul3A_171 : i32
        %mul3A_173 = arith.constant 2560 : i32
        %mul3A_174 = arith.muli %add3A_172, %mul3A_173 : i32
        %dma_wait3A_175 = arith.constant 1 : i32
        %dma_wait3A_176 = tpu.memref_slice %arg3[%dma_wait3A_175, %mul3A_174] : memref<2x6400000xi32, #tpu.memory_space<hbm>> -> memref<1x2560xi32, #tpu.memory_space<hbm>>
        %dma_wait3A_177 = tpu.memref_squeeze %dma_wait3A_176 : memref<1x2560xi32, #tpu.memory_space<hbm>> -> memref<2560xi32, #tpu.memory_space<hbm>>
        %dma_wait3A_178 = tpu.memref_slice %arg3[%dma_wait3A_175, %mul3A_174] : memref<2x6400000xi32, #tpu.memory_space<hbm>> -> memref<1x2560xi32, #tpu.memory_space<hbm>>
        %dma_wait3A_179 = tpu.memref_squeeze %dma_wait3A_178 : memref<1x2560xi32, #tpu.memory_space<hbm>> -> memref<2560xi32, #tpu.memory_space<hbm>>
        tpu.wait_dma2 semaphore(%arg20 : memref<!tpu.dma_semaphore, #tpu.memory_space<semaphore_mem>>) src(%dma_wait3A_179 : memref<2560xi32, #tpu.memory_space<hbm>>) dst(%arg11 : memref<2560xi32, #tpu.memory_space<vmem>>)
        %dma_wait3A_180 = arith.constant 0 : i32
        %dma_wait3A_181 = tpu.memref_slice %arg3[%dma_wait3A_180, %mul3A_174] : memref<2x6400000xi32, #tpu.memory_space<hbm>> -> memref<1x2560xi32, #tpu.memory_space<hbm>>
        %dma_wait3A_182 = tpu.memref_squeeze %dma_wait3A_181 : memref<1x2560xi32, #tpu.memory_space<hbm>> -> memref<2560xi32, #tpu.memory_space<hbm>>
        %dma_wait3A_183 = tpu.memref_slice %arg3[%dma_wait3A_180, %mul3A_174] : memref<2x6400000xi32, #tpu.memory_space<hbm>> -> memref<1x2560xi32, #tpu.memory_space<hbm>>
        %dma_wait3A_184 = tpu.memref_squeeze %dma_wait3A_183 : memref<1x2560xi32, #tpu.memory_space<hbm>> -> memref<2560xi32, #tpu.memory_space<hbm>>
        tpu.wait_dma2 semaphore(%arg20 : memref<!tpu.dma_semaphore, #tpu.memory_space<semaphore_mem>>) src(%dma_wait3A_184 : memref<2560xi32, #tpu.memory_space<hbm>>) dst(%arg8 : memref<2560xi32, #tpu.memory_space<vmem>>)
        %add3A_185 = arith.constant 1 : i32
        %add3A_186 = arith.addi %add3A_164, %add3A_185 : i32
        %lt3A_187 = arith.cmpi slt, %add3A_186, %select_n3A : i32
        %convert_element_type3A_188 = arith.extui %lt3A_187 : i1 to i32
        %cond3A_189 = arith.constant 0 : i32
        %cond3A_190 = arith.cmpi ne, %convert_element_type3A_188, %cond3A_189 : i32
        scf.if %cond3A_190 {
          %ge3A = arith.constant 3 : i32
          %ge3A_194 = arith.cmpi sge, %add3A_186, %ge3A : i32
          %convert_element_type3A_195 = arith.extui %ge3A_194 : i1 to i32
          %cond3A_196 = arith.constant 0 : i32
          %cond3A_197 = arith.cmpi ne, %convert_element_type3A_195, %cond3A_196 : i32
          scf.if %cond3A_197 {
            %dma_wait3A_213 = arith.constant 0 : i32
            %dma_wait3A_214 = tpu.memref_slice %arg21[%dma_wait3A_213] : memref<100096xf32, #tpu.memory_space<vmem_shared>> -> memref<100096xf32, #tpu.memory_space<vmem_shared>>
            tpu.wait_indirect_dma semaphore(%arg15 : memref<!tpu.dma_semaphore, #tpu.memory_space<semaphore_mem>>) src(%arg12 : memref<2560xf32, #tpu.memory_space<vmem>>) dst(%dma_wait3A_214 : memref<100096xf32, #tpu.memory_space<vmem_shared>>)
          } else {
          }
          %mul3A_198 = arith.constant 32 : i32
          %mul3A_199 = arith.muli %add3A_186, %mul3A_198 : i32
          %add3A_200 = arith.addi %add3A, %mul3A_199 : i32
          %mul3A_201 = arith.constant 2560 : i32
          %mul3A_202 = arith.muli %add3A_200, %mul3A_201 : i32
          %dma_start3A_203 = arith.constant 1 : i32
          %dma_start3A_204 = tpu.memref_slice %arg3[%dma_start3A_203, %mul3A_202] : memref<2x6400000xi32, #tpu.memory_space<hbm>> -> memref<1x2560xi32, #tpu.memory_space<hbm>>
          %dma_start3A_205 = tpu.memref_squeeze %dma_start3A_204 : memref<1x2560xi32, #tpu.memory_space<hbm>> -> memref<2560xi32, #tpu.memory_space<hbm>>
          %dma_start3A_206 = tpu.memref_slice %arg3[%dma_start3A_203, %mul3A_202] : memref<2x6400000xi32, #tpu.memory_space<hbm>> -> memref<1x2560xi32, #tpu.memory_space<hbm>>
          %dma_start3A_207 = tpu.memref_squeeze %dma_start3A_206 : memref<1x2560xi32, #tpu.memory_space<hbm>> -> memref<2560xi32, #tpu.memory_space<hbm>>
          tpu.enqueue_dma source(%dma_start3A_207 : memref<2560xi32, #tpu.memory_space<hbm>>) target(%arg9 : memref<2560xi32, #tpu.memory_space<vmem>>) target_semaphore(%arg18 : memref<!tpu.dma_semaphore, #tpu.memory_space<semaphore_mem>>)
          %dma_start3A_208 = arith.constant 0 : i32
          %dma_start3A_209 = tpu.memref_slice %arg3[%dma_start3A_208, %mul3A_202] : memref<2x6400000xi32, #tpu.memory_space<hbm>> -> memref<1x2560xi32, #tpu.memory_space<hbm>>
          %dma_start3A_210 = tpu.memref_squeeze %dma_start3A_209 : memref<1x2560xi32, #tpu.memory_space<hbm>> -> memref<2560xi32, #tpu.memory_space<hbm>>
          %dma_start3A_211 = tpu.memref_slice %arg3[%dma_start3A_208, %mul3A_202] : memref<2x6400000xi32, #tpu.memory_space<hbm>> -> memref<1x2560xi32, #tpu.memory_space<hbm>>
          %dma_start3A_212 = tpu.memref_squeeze %dma_start3A_211 : memref<1x2560xi32, #tpu.memory_space<hbm>> -> memref<2560xi32, #tpu.memory_space<hbm>>
          tpu.enqueue_dma source(%dma_start3A_212 : memref<2560xi32, #tpu.memory_space<hbm>>) target(%arg6 : memref<2560xi32, #tpu.memory_space<vmem>>) target_semaphore(%arg18 : memref<!tpu.dma_semaphore, #tpu.memory_space<semaphore_mem>>)
        } else {
        }
        %parallel_loop3A = arith.constant 0 : i32
        %parallel_loop3A_191 = arith.constant 160 : i32
        %parallel_loop3A_192 = arith.constant 1 : i32
        scf.for %parallel_loop3A_194 = %parallel_loop3A to %parallel_loop3A_191 step %parallel_loop3A_192  : i32 {
          %parallel_loop3A_195 = arith.constant 16 : i32
          %parallel_loop3A_196 = arith.muli %parallel_loop3A_194, %parallel_loop3A_195 : i32
          %parallel_loop3A_197 = arith.index_cast %parallel_loop3A_196 : i32 to index
          %parallel_loop3A_198 = tpu.vector_load %arg8[%parallel_loop3A_197] {strides = array<i32>} : memref<2560xi32, #tpu.memory_space<vmem>>, vector<16xi32>,
          %parallel_loop3A_199 = tpu.vector_load_idx %arg5[%parallel_loop3A_198] : memref<100096xf32, #tpu.memory_space<vmem>>[vector<16xi32>], vector<16xf32>,
          %parallel_loop3A_200 = arith.constant 16 : i32
          %parallel_loop3A_201 = arith.muli %parallel_loop3A_194, %parallel_loop3A_200 : i32
          %parallel_loop3A_202 = arith.index_cast %parallel_loop3A_201 : i32 to index
          %parallel_loop3A_203 = tpu.vector_load %arg14[%parallel_loop3A_202] {strides = array<i32>} : memref<2560xf32, #tpu.memory_space<vmem>>, vector<16xf32>,
          tpu.vector_store %arg14[%parallel_loop3A_202], %parallel_loop3A_199 {strides = array<i32>} : memref<2560xf32, #tpu.memory_space<vmem>>, vector<16xf32>,
        } {sc.loop_unroll_factor = 8 : i64, sc.parallel_access}
        %dma_start3A = arith.constant 0 : i32
        %dma_start3A_193 = tpu.memref_slice %arg21[%dma_start3A] : memref<100096xf32, #tpu.memory_space<vmem_shared>> -> memref<100096xf32, #tpu.memory_space<vmem_shared>>
        tpu.enqueue_indirect_dma source(%arg14 : memref<2560xf32, #tpu.memory_space<vmem>>) target(%dma_start3A_193 : memref<100096xf32, #tpu.memory_space<vmem_shared>>) offsets(%arg11 : memref<2560xi32, #tpu.memory_space<vmem>>) semaphore(%arg17 : memref<!tpu.dma_semaphore, #tpu.memory_space<semaphore_mem>>) {add = true}
      } else {
      }
      %while3A_169 = arith.constant 0 : i32
      scf.yield %while3A_169 : i32
    }
    %while3A_77 = arith.constant 1 : i32
    %while3A_78 = scf.for %while3A_143 = %while3A_74 to %while3A_70 step %while3A_77 iter_args(%while3A_144 = %while3A_76) -> (i32)  : i32 {
      %mul3A_145 = arith.constant 3 : i32
      %mul3A_146 = arith.muli %mul3A_145, %while3A_143 : i32
      %add3A_147 = arith.constant 0 : i32
      %add3A_148 = arith.addi %mul3A_146, %add3A_147 : i32
      %lt3A_149 = arith.cmpi slt, %add3A_148, %select_n3A : i32
      %convert_element_type3A_150 = arith.extui %lt3A_149 : i1 to i32
      %cond3A_151 = arith.constant 0 : i32
      %cond3A_152 = arith.cmpi ne, %convert_element_type3A_150, %cond3A_151 : i32
      scf.if %cond3A_152 {
        %mul3A_170 = arith.constant 32 : i32
        %mul3A_171 = arith.muli %add3A_148, %mul3A_170 : i32
        %add3A_172 = arith.addi %add3A, %mul3A_171 : i32
        %mul3A_173 = arith.constant 2560 : i32
        %mul3A_174 = arith.muli %add3A_172, %mul3A_173 : i32
        %dma_wait3A_175 = arith.constant 1 : i32
        %dma_wait3A_176 = tpu.memref_slice %arg3[%dma_wait3A_175, %mul3A_174] : memref<2x6400000xi32, #tpu.memory_space<hbm>> -> memref<1x2560xi32, #tpu.memory_space<hbm>>
        %dma_wait3A_177 = tpu.memref_squeeze %dma_wait3A_176 : memref<1x2560xi32, #tpu.memory_space<hbm>> -> memref<2560xi32, #tpu.memory_space<hbm>>
        %dma_wait3A_178 = tpu.memref_slice %arg3[%dma_wait3A_175, %mul3A_174] : memref<2x6400000xi32, #tpu.memory_space<hbm>> -> memref<1x2560xi32, #tpu.memory_space<hbm>>
        %dma_wait3A_179 = tpu.memref_squeeze %dma_wait3A_178 : memref<1x2560xi32, #tpu.memory_space<hbm>> -> memref<2560xi32, #tpu.memory_space<hbm>>
        tpu.wait_dma2 semaphore(%arg18 : memref<!tpu.dma_semaphore, #tpu.memory_space<semaphore_mem>>) src(%dma_wait3A_179 : memref<2560xi32, #tpu.memory_space<hbm>>) dst(%arg9 : memref<2560xi32, #tpu.memory_space<vmem>>)
        %dma_wait3A_180 = arith.constant 0 : i32
        %dma_wait3A_181 = tpu.memref_slice %arg3[%dma_wait3A_180, %mul3A_174] : memref<2x6400000xi32, #tpu.memory_space<hbm>> -> memref<1x2560xi32, #tpu.memory_space<hbm>>
        %dma_wait3A_182 = tpu.memref_squeeze %dma_wait3A_181 : memref<1x2560xi32, #tpu.memory_space<hbm>> -> memref<2560xi32, #tpu.memory_space<hbm>>
        %dma_wait3A_183 = tpu.memref_slice %arg3[%dma_wait3A_180, %mul3A_174] : memref<2x6400000xi32, #tpu.memory_space<hbm>> -> memref<1x2560xi32, #tpu.memory_space<hbm>>
        %dma_wait3A_184 = tpu.memref_squeeze %dma_wait3A_183 : memref<1x2560xi32, #tpu.memory_space<hbm>> -> memref<2560xi32, #tpu.memory_space<hbm>>
        tpu.wait_dma2 semaphore(%arg18 : memref<!tpu.dma_semaphore, #tpu.memory_space<semaphore_mem>>) src(%dma_wait3A_184 : memref<2560xi32, #tpu.memory_space<hbm>>) dst(%arg6 : memref<2560xi32, #tpu.memory_space<vmem>>)
        %add3A_185 = arith.constant 1 : i32
        %add3A_186 = arith.addi %add3A_148, %add3A_185 : i32
        %lt3A_187 = arith.cmpi slt, %add3A_186, %select_n3A : i32
        %convert_element_type3A_188 = arith.extui %lt3A_187 : i1 to i32
        %cond3A_189 = arith.constant 0 : i32
        %cond3A_190 = arith.cmpi ne, %convert_element_type3A_188, %cond3A_189 : i32
        scf.if %cond3A_190 {
          %ge3A = arith.constant 3 : i32
          %ge3A_194 = arith.cmpi sge, %add3A_186, %ge3A : i32
          %convert_element_type3A_195 = arith.extui %ge3A_194 : i1 to i32
          %cond3A_196 = arith.constant 0 : i32
          %cond3A_197 = arith.cmpi ne, %convert_element_type3A_195, %cond3A_196 : i32
          scf.if %cond3A_197 {
            %dma_wait3A_213 = arith.constant 0 : i32
            %dma_wait3A_214 = tpu.memref_slice %arg21[%dma_wait3A_213] : memref<100096xf32, #tpu.memory_space<vmem_shared>> -> memref<100096xf32, #tpu.memory_space<vmem_shared>>
            tpu.wait_indirect_dma semaphore(%arg16 : memref<!tpu.dma_semaphore, #tpu.memory_space<semaphore_mem>>) src(%arg13 : memref<2560xf32, #tpu.memory_space<vmem>>) dst(%dma_wait3A_214 : memref<100096xf32, #tpu.memory_space<vmem_shared>>)
          } else {
          }
          %mul3A_198 = arith.constant 32 : i32
          %mul3A_199 = arith.muli %add3A_186, %mul3A_198 : i32
          %add3A_200 = arith.addi %add3A, %mul3A_199 : i32
          %mul3A_201 = arith.constant 2560 : i32
          %mul3A_202 = arith.muli %add3A_200, %mul3A_201 : i32
          %dma_start3A_203 = arith.constant 1 : i32
          %dma_start3A_204 = tpu.memref_slice %arg3[%dma_start3A_203, %mul3A_202] : memref<2x6400000xi32, #tpu.memory_space<hbm>> -> memref<1x2560xi32, #tpu.memory_space<hbm>>
          %dma_start3A_205 = tpu.memref_squeeze %dma_start3A_204 : memref<1x2560xi32, #tpu.memory_space<hbm>> -> memref<2560xi32, #tpu.memory_space<hbm>>
          %dma_start3A_206 = tpu.memref_slice %arg3[%dma_start3A_203, %mul3A_202] : memref<2x6400000xi32, #tpu.memory_space<hbm>> -> memref<1x2560xi32, #tpu.memory_space<hbm>>
          %dma_start3A_207 = tpu.memref_squeeze %dma_start3A_206 : memref<1x2560xi32, #tpu.memory_space<hbm>> -> memref<2560xi32, #tpu.memory_space<hbm>>
          tpu.enqueue_dma source(%dma_start3A_207 : memref<2560xi32, #tpu.memory_space<hbm>>) target(%arg10 : memref<2560xi32, #tpu.memory_space<vmem>>) target_semaphore(%arg19 : memref<!tpu.dma_semaphore, #tpu.memory_space<semaphore_mem>>)
          %dma_start3A_208 = arith.constant 0 : i32
          %dma_start3A_209 = tpu.memref_slice %arg3[%dma_start3A_208, %mul3A_202] : memref<2x6400000xi32, #tpu.memory_space<hbm>> -> memref<1x2560xi32, #tpu.memory_space<hbm>>
          %dma_start3A_210 = tpu.memref_squeeze %dma_start3A_209 : memref<1x2560xi32, #tpu.memory_space<hbm>> -> memref<2560xi32, #tpu.memory_space<hbm>>
          %dma_start3A_211 = tpu.memref_slice %arg3[%dma_start3A_208, %mul3A_202] : memref<2x6400000xi32, #tpu.memory_space<hbm>> -> memref<1x2560xi32, #tpu.memory_space<hbm>>
          %dma_start3A_212 = tpu.memref_squeeze %dma_start3A_211 : memref<1x2560xi32, #tpu.memory_space<hbm>> -> memref<2560xi32, #tpu.memory_space<hbm>>
          tpu.enqueue_dma source(%dma_start3A_212 : memref<2560xi32, #tpu.memory_space<hbm>>) target(%arg7 : memref<2560xi32, #tpu.memory_space<vmem>>) target_semaphore(%arg19 : memref<!tpu.dma_semaphore, #tpu.memory_space<semaphore_mem>>)
        } else {
        }
        %parallel_loop3A = arith.constant 0 : i32
        %parallel_loop3A_191 = arith.constant 160 : i32
        %parallel_loop3A_192 = arith.constant 1 : i32
        scf.for %parallel_loop3A_194 = %parallel_loop3A to %parallel_loop3A_191 step %parallel_loop3A_192  : i32 {
          %parallel_loop3A_195 = arith.constant 16 : i32
          %parallel_loop3A_196 = arith.muli %parallel_loop3A_194, %parallel_loop3A_195 : i32
          %parallel_loop3A_197 = arith.index_cast %parallel_loop3A_196 : i32 to index
          %parallel_loop3A_198 = tpu.vector_load %arg6[%parallel_loop3A_197] {strides = array<i32>} : memref<2560xi32, #tpu.memory_space<vmem>>, vector<16xi32>,
          %parallel_loop3A_199 = tpu.vector_load_idx %arg5[%parallel_loop3A_198] : memref<100096xf32, #tpu.memory_space<vmem>>[vector<16xi32>], vector<16xf32>,
          %parallel_loop3A_200 = arith.constant 16 : i32
          %parallel_loop3A_201 = arith.muli %parallel_loop3A_194, %parallel_loop3A_200 : i32
          %parallel_loop3A_202 = arith.index_cast %parallel_loop3A_201 : i32 to index
          %parallel_loop3A_203 = tpu.vector_load %arg12[%parallel_loop3A_202] {strides = array<i32>} : memref<2560xf32, #tpu.memory_space<vmem>>, vector<16xf32>,
          tpu.vector_store %arg12[%parallel_loop3A_202], %parallel_loop3A_199 {strides = array<i32>} : memref<2560xf32, #tpu.memory_space<vmem>>, vector<16xf32>,
        } {sc.loop_unroll_factor = 8 : i64, sc.parallel_access}
        %dma_start3A = arith.constant 0 : i32
        %dma_start3A_193 = tpu.memref_slice %arg21[%dma_start3A] : memref<100096xf32, #tpu.memory_space<vmem_shared>> -> memref<100096xf32, #tpu.memory_space<vmem_shared>>
        tpu.enqueue_indirect_dma source(%arg12 : memref<2560xf32, #tpu.memory_space<vmem>>) target(%dma_start3A_193 : memref<100096xf32, #tpu.memory_space<vmem_shared>>) offsets(%arg9 : memref<2560xi32, #tpu.memory_space<vmem>>) semaphore(%arg15 : memref<!tpu.dma_semaphore, #tpu.memory_space<semaphore_mem>>) {add = true}
      } else {
      }
      %mul3A_153 = arith.constant 3 : i32
      %mul3A_154 = arith.muli %mul3A_153, %while3A_143 : i32
      %add3A_155 = arith.constant 1 : i32
      %add3A_156 = arith.addi %mul3A_154, %add3A_155 : i32
      %lt3A_157 = arith.cmpi slt, %add3A_156, %select_n3A : i32
      %convert_element_type3A_158 = arith.extui %lt3A_157 : i1 to i32
      %cond3A_159 = arith.constant 0 : i32
      %cond3A_160 = arith.cmpi ne, %convert_element_type3A_158, %cond3A_159 : i32
      scf.if %cond3A_160 {
        %mul3A_170 = arith.constant 32 : i32
        %mul3A_171 = arith.muli %add3A_156, %mul3A_170 : i32
        %add3A_172 = arith.addi %add3A, %mul3A_171 : i32
        %mul3A_173 = arith.constant 2560 : i32
        %mul3A_174 = arith.muli %add3A_172, %mul3A_173 : i32
        %dma_wait3A_175 = arith.constant 1 : i32
        %dma_wait3A_176 = tpu.memref_slice %arg3[%dma_wait3A_175, %mul3A_174] : memref<2x6400000xi32, #tpu.memory_space<hbm>> -> memref<1x2560xi32, #tpu.memory_space<hbm>>
        %dma_wait3A_177 = tpu.memref_squeeze %dma_wait3A_176 : memref<1x2560xi32, #tpu.memory_space<hbm>> -> memref<2560xi32, #tpu.memory_space<hbm>>
        %dma_wait3A_178 = tpu.memref_slice %arg3[%dma_wait3A_175, %mul3A_174] : memref<2x6400000xi32, #tpu.memory_space<hbm>> -> memref<1x2560xi32, #tpu.memory_space<hbm>>
        %dma_wait3A_179 = tpu.memref_squeeze %dma_wait3A_178 : memref<1x2560xi32, #tpu.memory_space<hbm>> -> memref<2560xi32, #tpu.memory_space<hbm>>
        tpu.wait_dma2 semaphore(%arg19 : memref<!tpu.dma_semaphore, #tpu.memory_space<semaphore_mem>>) src(%dma_wait3A_179 : memref<2560xi32, #tpu.memory_space<hbm>>) dst(%arg10 : memref<2560xi32, #tpu.memory_space<vmem>>)
        %dma_wait3A_180 = arith.constant 0 : i32
        %dma_wait3A_181 = tpu.memref_slice %arg3[%dma_wait3A_180, %mul3A_174] : memref<2x6400000xi32, #tpu.memory_space<hbm>> -> memref<1x2560xi32, #tpu.memory_space<hbm>>
        %dma_wait3A_182 = tpu.memref_squeeze %dma_wait3A_181 : memref<1x2560xi32, #tpu.memory_space<hbm>> -> memref<2560xi32, #tpu.memory_space<hbm>>
        %dma_wait3A_183 = tpu.memref_slice %arg3[%dma_wait3A_180, %mul3A_174] : memref<2x6400000xi32, #tpu.memory_space<hbm>> -> memref<1x2560xi32, #tpu.memory_space<hbm>>
        %dma_wait3A_184 = tpu.memref_squeeze %dma_wait3A_183 : memref<1x2560xi32, #tpu.memory_space<hbm>> -> memref<2560xi32, #tpu.memory_space<hbm>>
        tpu.wait_dma2 semaphore(%arg19 : memref<!tpu.dma_semaphore, #tpu.memory_space<semaphore_mem>>) src(%dma_wait3A_184 : memref<2560xi32, #tpu.memory_space<hbm>>) dst(%arg7 : memref<2560xi32, #tpu.memory_space<vmem>>)
        %add3A_185 = arith.constant 1 : i32
        %add3A_186 = arith.addi %add3A_156, %add3A_185 : i32
        %lt3A_187 = arith.cmpi slt, %add3A_186, %select_n3A : i32
        %convert_element_type3A_188 = arith.extui %lt3A_187 : i1 to i32
        %cond3A_189 = arith.constant 0 : i32
        %cond3A_190 = arith.cmpi ne, %convert_element_type3A_188, %cond3A_189 : i32
        scf.if %cond3A_190 {
          %ge3A = arith.constant 3 : i32
          %ge3A_194 = arith.cmpi sge, %add3A_186, %ge3A : i32
          %convert_element_type3A_195 = arith.extui %ge3A_194 : i1 to i32
          %cond3A_196 = arith.constant 0 : i32
          %cond3A_197 = arith.cmpi ne, %convert_element_type3A_195, %cond3A_196 : i32
          scf.if %cond3A_197 {
            %dma_wait3A_213 = arith.constant 0 : i32
            %dma_wait3A_214 = tpu.memref_slice %arg21[%dma_wait3A_213] : memref<100096xf32, #tpu.memory_space<vmem_shared>> -> memref<100096xf32, #tpu.memory_space<vmem_shared>>
            tpu.wait_indirect_dma semaphore(%arg17 : memref<!tpu.dma_semaphore, #tpu.memory_space<semaphore_mem>>) src(%arg14 : memref<2560xf32, #tpu.memory_space<vmem>>) dst(%dma_wait3A_214 : memref<100096xf32, #tpu.memory_space<vmem_shared>>)
          } else {
          }
          %mul3A_198 = arith.constant 32 : i32
          %mul3A_199 = arith.muli %add3A_186, %mul3A_198 : i32
          %add3A_200 = arith.addi %add3A, %mul3A_199 : i32
          %mul3A_201 = arith.constant 2560 : i32
          %mul3A_202 = arith.muli %add3A_200, %mul3A_201 : i32
          %dma_start3A_203 = arith.constant 1 : i32
          %dma_start3A_204 = tpu.memref_slice %arg3[%dma_start3A_203, %mul3A_202] : memref<2x6400000xi32, #tpu.memory_space<hbm>> -> memref<1x2560xi32, #tpu.memory_space<hbm>>
          %dma_start3A_205 = tpu.memref_squeeze %dma_start3A_204 : memref<1x2560xi32, #tpu.memory_space<hbm>> -> memref<2560xi32, #tpu.memory_space<hbm>>
          %dma_start3A_206 = tpu.memref_slice %arg3[%dma_start3A_203, %mul3A_202] : memref<2x6400000xi32, #tpu.memory_space<hbm>> -> memref<1x2560xi32, #tpu.memory_space<hbm>>
          %dma_start3A_207 = tpu.memref_squeeze %dma_start3A_206 : memref<1x2560xi32, #tpu.memory_space<hbm>> -> memref<2560xi32, #tpu.memory_space<hbm>>
          tpu.enqueue_dma source(%dma_start3A_207 : memref<2560xi32, #tpu.memory_space<hbm>>) target(%arg11 : memref<2560xi32, #tpu.memory_space<vmem>>) target_semaphore(%arg20 : memref<!tpu.dma_semaphore, #tpu.memory_space<semaphore_mem>>)
          %dma_start3A_208 = arith.constant 0 : i32
          %dma_start3A_209 = tpu.memref_slice %arg3[%dma_start3A_208, %mul3A_202] : memref<2x6400000xi32, #tpu.memory_space<hbm>> -> memref<1x2560xi32, #tpu.memory_space<hbm>>
          %dma_start3A_210 = tpu.memref_squeeze %dma_start3A_209 : memref<1x2560xi32, #tpu.memory_space<hbm>> -> memref<2560xi32, #tpu.memory_space<hbm>>
          %dma_start3A_211 = tpu.memref_slice %arg3[%dma_start3A_208, %mul3A_202] : memref<2x6400000xi32, #tpu.memory_space<hbm>> -> memref<1x2560xi32, #tpu.memory_space<hbm>>
          %dma_start3A_212 = tpu.memref_squeeze %dma_start3A_211 : memref<1x2560xi32, #tpu.memory_space<hbm>> -> memref<2560xi32, #tpu.memory_space<hbm>>
          tpu.enqueue_dma source(%dma_start3A_212 : memref<2560xi32, #tpu.memory_space<hbm>>) target(%arg8 : memref<2560xi32, #tpu.memory_space<vmem>>) target_semaphore(%arg20 : memref<!tpu.dma_semaphore, #tpu.memory_space<semaphore_mem>>)
        } else {
        }
        %parallel_loop3A = arith.constant 0 : i32
        %parallel_loop3A_191 = arith.constant 160 : i32
        %parallel_loop3A_192 = arith.constant 1 : i32
        scf.for %parallel_loop3A_194 = %parallel_loop3A to %parallel_loop3A_191 step %parallel_loop3A_192  : i32 {
          %parallel_loop3A_195 = arith.constant 16 : i32
          %parallel_loop3A_196 = arith.muli %parallel_loop3A_194, %parallel_loop3A_195 : i32
          %parallel_loop3A_197 = arith.index_cast %parallel_loop3A_196 : i32 to index
          %parallel_loop3A_198 = tpu.vector_load %arg7[%parallel_loop3A_197] {strides = array<i32>} : memref<2560xi32, #tpu.memory_space<vmem>>, vector<16xi32>,
          %parallel_loop3A_199 = tpu.vector_load_idx %arg5[%parallel_loop3A_198] : memref<100096xf32, #tpu.memory_space<vmem>>[vector<16xi32>], vector<16xf32>,
          %parallel_loop3A_200 = arith.constant 16 : i32
          %parallel_loop3A_201 = arith.muli %parallel_loop3A_194, %parallel_loop3A_200 : i32
          %parallel_loop3A_202 = arith.index_cast %parallel_loop3A_201 : i32 to index
          %parallel_loop3A_203 = tpu.vector_load %arg13[%parallel_loop3A_202] {strides = array<i32>} : memref<2560xf32, #tpu.memory_space<vmem>>, vector<16xf32>,
          tpu.vector_store %arg13[%parallel_loop3A_202], %parallel_loop3A_199 {strides = array<i32>} : memref<2560xf32, #tpu.memory_space<vmem>>, vector<16xf32>,
        } {sc.loop_unroll_factor = 8 : i64, sc.parallel_access}
        %dma_start3A = arith.constant 0 : i32
        %dma_start3A_193 = tpu.memref_slice %arg21[%dma_start3A] : memref<100096xf32, #tpu.memory_space<vmem_shared>> -> memref<100096xf32, #tpu.memory_space<vmem_shared>>
        tpu.enqueue_indirect_dma source(%arg13 : memref<2560xf32, #tpu.memory_space<vmem>>) target(%dma_start3A_193 : memref<100096xf32, #tpu.memory_space<vmem_shared>>) offsets(%arg10 : memref<2560xi32, #tpu.memory_space<vmem>>) semaphore(%arg16 : memref<!tpu.dma_semaphore, #tpu.memory_space<semaphore_mem>>) {add = true}
      } else {
      }
      %mul3A_161 = arith.constant 3 : i32
      %mul3A_162 = arith.muli %mul3A_161, %while3A_143 : i32
      %add3A_163 = arith.constant 2 : i32
      %add3A_164 = arith.addi %mul3A_162, %add3A_163 : i32
      %lt3A_165 = arith.cmpi slt, %add3A_164, %select_n3A : i32
      %convert_element_type3A_166 = arith.extui %lt3A_165 : i1 to i32
      %cond3A_167 = arith.constant 0 : i32
      %cond3A_168 = arith.cmpi ne, %convert_element_type3A_166, %cond3A_167 : i32
      scf.if %cond3A_168 {
        %mul3A_170 = arith.constant 32 : i32
        %mul3A_171 = arith.muli %add3A_164, %mul3A_170 : i32
        %add3A_172 = arith.addi %add3A, %mul3A_171 : i32
        %mul3A_173 = arith.constant 2560 : i32
        %mul3A_174 = arith.muli %add3A_172, %mul3A_173 : i32
        %dma_wait3A_175 = arith.constant 1 : i32
        %dma_wait3A_176 = tpu.memref_slice %arg3[%dma_wait3A_175, %mul3A_174] : memref<2x6400000xi32, #tpu.memory_space<hbm>> -> memref<1x2560xi32, #tpu.memory_space<hbm>>
        %dma_wait3A_177 = tpu.memref_squeeze %dma_wait3A_176 : memref<1x2560xi32, #tpu.memory_space<hbm>> -> memref<2560xi32, #tpu.memory_space<hbm>>
        %dma_wait3A_178 = tpu.memref_slice %arg3[%dma_wait3A_175, %mul3A_174] : memref<2x6400000xi32, #tpu.memory_space<hbm>> -> memref<1x2560xi32, #tpu.memory_space<hbm>>
        %dma_wait3A_179 = tpu.memref_squeeze %dma_wait3A_178 : memref<1x2560xi32, #tpu.memory_space<hbm>> -> memref<2560xi32, #tpu.memory_space<hbm>>
        tpu.wait_dma2 semaphore(%arg20 : memref<!tpu.dma_semaphore, #tpu.memory_space<semaphore_mem>>) src(%dma_wait3A_179 : memref<2560xi32, #tpu.memory_space<hbm>>) dst(%arg11 : memref<2560xi32, #tpu.memory_space<vmem>>)
        %dma_wait3A_180 = arith.constant 0 : i32
        %dma_wait3A_181 = tpu.memref_slice %arg3[%dma_wait3A_180, %mul3A_174] : memref<2x6400000xi32, #tpu.memory_space<hbm>> -> memref<1x2560xi32, #tpu.memory_space<hbm>>
        %dma_wait3A_182 = tpu.memref_squeeze %dma_wait3A_181 : memref<1x2560xi32, #tpu.memory_space<hbm>> -> memref<2560xi32, #tpu.memory_space<hbm>>
        %dma_wait3A_183 = tpu.memref_slice %arg3[%dma_wait3A_180, %mul3A_174] : memref<2x6400000xi32, #tpu.memory_space<hbm>> -> memref<1x2560xi32, #tpu.memory_space<hbm>>
        %dma_wait3A_184 = tpu.memref_squeeze %dma_wait3A_183 : memref<1x2560xi32, #tpu.memory_space<hbm>> -> memref<2560xi32, #tpu.memory_space<hbm>>
        tpu.wait_dma2 semaphore(%arg20 : memref<!tpu.dma_semaphore, #tpu.memory_space<semaphore_mem>>) src(%dma_wait3A_184 : memref<2560xi32, #tpu.memory_space<hbm>>) dst(%arg8 : memref<2560xi32, #tpu.memory_space<vmem>>)
        %add3A_185 = arith.constant 1 : i32
        %add3A_186 = arith.addi %add3A_164, %add3A_185 : i32
        %lt3A_187 = arith.cmpi slt, %add3A_186, %select_n3A : i32
        %convert_element_type3A_188 = arith.extui %lt3A_187 : i1 to i32
        %cond3A_189 = arith.constant 0 : i32
        %cond3A_190 = arith.cmpi ne, %convert_element_type3A_188, %cond3A_189 : i32
        scf.if %cond3A_190 {
          %ge3A = arith.constant 3 : i32
          %ge3A_194 = arith.cmpi sge, %add3A_186, %ge3A : i32
          %convert_element_type3A_195 = arith.extui %ge3A_194 : i1 to i32
          %cond3A_196 = arith.constant 0 : i32
          %cond3A_197 = arith.cmpi ne, %convert_element_type3A_195, %cond3A_196 : i32
          scf.if %cond3A_197 {
            %dma_wait3A_213 = arith.constant 0 : i32
            %dma_wait3A_214 = tpu.memref_slice %arg21[%dma_wait3A_213] : memref<100096xf32, #tpu.memory_space<vmem_shared>> -> memref<100096xf32, #tpu.memory_space<vmem_shared>>
            tpu.wait_indirect_dma semaphore(%arg15 : memref<!tpu.dma_semaphore, #tpu.memory_space<semaphore_mem>>) src(%arg12 : memref<2560xf32, #tpu.memory_space<vmem>>) dst(%dma_wait3A_214 : memref<100096xf32, #tpu.memory_space<vmem_shared>>)
          } else {
          }
          %mul3A_198 = arith.constant 32 : i32
          %mul3A_199 = arith.muli %add3A_186, %mul3A_198 : i32
          %add3A_200 = arith.addi %add3A, %mul3A_199 : i32
          %mul3A_201 = arith.constant 2560 : i32
          %mul3A_202 = arith.muli %add3A_200, %mul3A_201 : i32
          %dma_start3A_203 = arith.constant 1 : i32
          %dma_start3A_204 = tpu.memref_slice %arg3[%dma_start3A_203, %mul3A_202] : memref<2x6400000xi32, #tpu.memory_space<hbm>> -> memref<1x2560xi32, #tpu.memory_space<hbm>>
          %dma_start3A_205 = tpu.memref_squeeze %dma_start3A_204 : memref<1x2560xi32, #tpu.memory_space<hbm>> -> memref<2560xi32, #tpu.memory_space<hbm>>
          %dma_start3A_206 = tpu.memref_slice %arg3[%dma_start3A_203, %mul3A_202] : memref<2x6400000xi32, #tpu.memory_space<hbm>> -> memref<1x2560xi32, #tpu.memory_space<hbm>>
          %dma_start3A_207 = tpu.memref_squeeze %dma_start3A_206 : memref<1x2560xi32, #tpu.memory_space<hbm>> -> memref<2560xi32, #tpu.memory_space<hbm>>
          tpu.enqueue_dma source(%dma_start3A_207 : memref<2560xi32, #tpu.memory_space<hbm>>) target(%arg9 : memref<2560xi32, #tpu.memory_space<vmem>>) target_semaphore(%arg18 : memref<!tpu.dma_semaphore, #tpu.memory_space<semaphore_mem>>)
          %dma_start3A_208 = arith.constant 0 : i32
          %dma_start3A_209 = tpu.memref_slice %arg3[%dma_start3A_208, %mul3A_202] : memref<2x6400000xi32, #tpu.memory_space<hbm>> -> memref<1x2560xi32, #tpu.memory_space<hbm>>
          %dma_start3A_210 = tpu.memref_squeeze %dma_start3A_209 : memref<1x2560xi32, #tpu.memory_space<hbm>> -> memref<2560xi32, #tpu.memory_space<hbm>>
          %dma_start3A_211 = tpu.memref_slice %arg3[%dma_start3A_208, %mul3A_202] : memref<2x6400000xi32, #tpu.memory_space<hbm>> -> memref<1x2560xi32, #tpu.memory_space<hbm>>
          %dma_start3A_212 = tpu.memref_squeeze %dma_start3A_211 : memref<1x2560xi32, #tpu.memory_space<hbm>> -> memref<2560xi32, #tpu.memory_space<hbm>>
          tpu.enqueue_dma source(%dma_start3A_212 : memref<2560xi32, #tpu.memory_space<hbm>>) target(%arg6 : memref<2560xi32, #tpu.memory_space<vmem>>) target_semaphore(%arg18 : memref<!tpu.dma_semaphore, #tpu.memory_space<semaphore_mem>>)
        } else {
        }
        %parallel_loop3A = arith.constant 0 : i32
        %parallel_loop3A_191 = arith.constant 160 : i32
        %parallel_loop3A_192 = arith.constant 1 : i32
        scf.for %parallel_loop3A_194 = %parallel_loop3A to %parallel_loop3A_191 step %parallel_loop3A_192  : i32 {
          %parallel_loop3A_195 = arith.constant 16 : i32
          %parallel_loop3A_196 = arith.muli %parallel_loop3A_194, %parallel_loop3A_195 : i32
          %parallel_loop3A_197 = arith.index_cast %parallel_loop3A_196 : i32 to index
          %parallel_loop3A_198 = tpu.vector_load %arg8[%parallel_loop3A_197] {strides = array<i32>} : memref<2560xi32, #tpu.memory_space<vmem>>, vector<16xi32>,
          %parallel_loop3A_199 = tpu.vector_load_idx %arg5[%parallel_loop3A_198] : memref<100096xf32, #tpu.memory_space<vmem>>[vector<16xi32>], vector<16xf32>,
          %parallel_loop3A_200 = arith.constant 16 : i32
          %parallel_loop3A_201 = arith.muli %parallel_loop3A_194, %parallel_loop3A_200 : i32
          %parallel_loop3A_202 = arith.index_cast %parallel_loop3A_201 : i32 to index
          %parallel_loop3A_203 = tpu.vector_load %arg14[%parallel_loop3A_202] {strides = array<i32>} : memref<2560xf32, #tpu.memory_space<vmem>>, vector<16xf32>,
          tpu.vector_store %arg14[%parallel_loop3A_202], %parallel_loop3A_199 {strides = array<i32>} : memref<2560xf32, #tpu.memory_space<vmem>>, vector<16xf32>,
        } {sc.loop_unroll_factor = 8 : i64, sc.parallel_access}
        %dma_start3A = arith.constant 0 : i32
        %dma_start3A_193 = tpu.memref_slice %arg21[%dma_start3A] : memref<100096xf32, #tpu.memory_space<vmem_shared>> -> memref<100096xf32, #tpu.memory_space<vmem_shared>>
        tpu.enqueue_indirect_dma source(%arg14 : memref<2560xf32, #tpu.memory_space<vmem>>) target(%dma_start3A_193 : memref<100096xf32, #tpu.memory_space<vmem_shared>>) offsets(%arg11 : memref<2560xi32, #tpu.memory_space<vmem>>) semaphore(%arg17 : memref<!tpu.dma_semaphore, #tpu.memory_space<semaphore_mem>>) {add = true}
      } else {
      }
      %while3A_169 = arith.constant 0 : i32
      scf.yield %while3A_169 : i32
    }
    %jit3A_79 = arith.constant 3 : i32
    %div3A_80 = arith.divsi %select_n3A, %jit3A_79 : i32
    %sign3A_81 = arith.constant 0 : i32
    %sign3A_82 = arith.cmpi sgt, %select_n3A, %sign3A_81 : i32
    %sign3A_83 = arith.extui %sign3A_82 : i1 to i32
    %sign3A_84 = arith.constant 0 : i32
    %sign3A_85 = arith.cmpi slt, %select_n3A, %sign3A_84 : i32
    %sign3A_86 = arith.extui %sign3A_85 : i1 to i32
    %sign3A_87 = arith.subi %sign3A_83, %sign3A_86 : i32
    %sign3A_88 = arith.constant 0 : i32
    %sign3A_89 = arith.cmpi sgt, %jit3A_79, %sign3A_88 : i32
    %sign3A_90 = arith.extui %sign3A_89 : i1 to i32
    %sign3A_91 = arith.constant 0 : i32
    %sign3A_92 = arith.cmpi slt, %jit3A_79, %sign3A_91 : i32
    %sign3A_93 = arith.extui %sign3A_92 : i1 to i32
    %sign3A_94 = arith.subi %sign3A_90, %sign3A_93 : i32
    %ne3A_95 = arith.cmpi ne, %sign3A_87, %sign3A_94 : i32
    %rem3A_96 = arith.remsi %select_n3A, %jit3A_79 : i32
    %ne3A_97 = arith.constant 0 : i32
    %ne3A_98 = arith.cmpi ne, %rem3A_96, %ne3A_97 : i32
    %and3A_99 = arith.andi %ne3A_95, %ne3A_98 : i1
    %sub3A_100 = arith.constant 1 : i32
    %sub3A_101 = arith.subi %div3A_80, %sub3A_100 : i32
    %select_n3A_102 = arith.select %and3A_99, %sub3A_101, %div3A_80 : i32
    %mul3A_103 = arith.constant 3 : i32
    %mul3A_104 = arith.muli %select_n3A_102, %mul3A_103 : i32
    %lt3A = arith.cmpi slt, %mul3A_104, %select_n3A : i32
    %convert_element_type3A_105 = arith.extui %lt3A : i1 to i32
    %cond3A_106 = arith.constant 0 : i32
    %cond3A_107 = arith.cmpi ne, %convert_element_type3A_105, %cond3A_106 : i32
    scf.if %cond3A_107 {
      %mul3A_143 = arith.constant 32 : i32
      %mul3A_144 = arith.muli %mul3A_104, %mul3A_143 : i32
      %add3A_145 = arith.addi %add3A, %mul3A_144 : i32
      %mul3A_146 = arith.constant 2560 : i32
      %mul3A_147 = arith.muli %add3A_145, %mul3A_146 : i32
      %dma_wait3A_148 = arith.constant 1 : i32
      %dma_wait3A_149 = tpu.memref_slice %arg3[%dma_wait3A_148, %mul3A_147] : memref<2x6400000xi32, #tpu.memory_space<hbm>> -> memref<1x2560xi32, #tpu.memory_space<hbm>>
      %dma_wait3A_150 = tpu.memref_squeeze %dma_wait3A_149 : memref<1x2560xi32, #tpu.memory_space<hbm>> -> memref<2560xi32, #tpu.memory_space<hbm>>
      %dma_wait3A_151 = tpu.memref_slice %arg3[%dma_wait3A_148, %mul3A_147] : memref<2x6400000xi32, #tpu.memory_space<hbm>> -> memref<1x2560xi32, #tpu.memory_space<hbm>>
      %dma_wait3A_152 = tpu.memref_squeeze %dma_wait3A_151 : memref<1x2560xi32, #tpu.memory_space<hbm>> -> memref<2560xi32, #tpu.memory_space<hbm>>
      tpu.wait_dma2 semaphore(%arg18 : memref<!tpu.dma_semaphore, #tpu.memory_space<semaphore_mem>>) src(%dma_wait3A_152 : memref<2560xi32, #tpu.memory_space<hbm>>) dst(%arg9 : memref<2560xi32, #tpu.memory_space<vmem>>)
      %dma_wait3A_153 = arith.constant 0 : i32
      %dma_wait3A_154 = tpu.memref_slice %arg3[%dma_wait3A_153, %mul3A_147] : memref<2x6400000xi32, #tpu.memory_space<hbm>> -> memref<1x2560xi32, #tpu.memory_space<hbm>>
      %dma_wait3A_155 = tpu.memref_squeeze %dma_wait3A_154 : memref<1x2560xi32, #tpu.memory_space<hbm>> -> memref<2560xi32, #tpu.memory_space<hbm>>
      %dma_wait3A_156 = tpu.memref_slice %arg3[%dma_wait3A_153, %mul3A_147] : memref<2x6400000xi32, #tpu.memory_space<hbm>> -> memref<1x2560xi32, #tpu.memory_space<hbm>>
      %dma_wait3A_157 = tpu.memref_squeeze %dma_wait3A_156 : memref<1x2560xi32, #tpu.memory_space<hbm>> -> memref<2560xi32, #tpu.memory_space<hbm>>
      tpu.wait_dma2 semaphore(%arg18 : memref<!tpu.dma_semaphore, #tpu.memory_space<semaphore_mem>>) src(%dma_wait3A_157 : memref<2560xi32, #tpu.memory_space<hbm>>) dst(%arg6 : memref<2560xi32, #tpu.memory_space<vmem>>)
      %add3A_158 = arith.constant 1 : i32
      %add3A_159 = arith.addi %mul3A_104, %add3A_158 : i32
      %lt3A_160 = arith.cmpi slt, %add3A_159, %select_n3A : i32
      %convert_element_type3A_161 = arith.extui %lt3A_160 : i1 to i32
      %cond3A_162 = arith.constant 0 : i32
      %cond3A_163 = arith.cmpi ne, %convert_element_type3A_161, %cond3A_162 : i32
      scf.if %cond3A_163 {
        %ge3A = arith.constant 3 : i32
        %ge3A_167 = arith.cmpi sge, %add3A_159, %ge3A : i32
        %convert_element_type3A_168 = arith.extui %ge3A_167 : i1 to i32
        %cond3A_169 = arith.constant 0 : i32
        %cond3A_170 = arith.cmpi ne, %convert_element_type3A_168, %cond3A_169 : i32
        scf.if %cond3A_170 {
          %dma_wait3A_186 = arith.constant 0 : i32
          %dma_wait3A_187 = tpu.memref_slice %arg21[%dma_wait3A_186] : memref<100096xf32, #tpu.memory_space<vmem_shared>> -> memref<100096xf32, #tpu.memory_space<vmem_shared>>
          tpu.wait_indirect_dma semaphore(%arg16 : memref<!tpu.dma_semaphore, #tpu.memory_space<semaphore_mem>>) src(%arg13 : memref<2560xf32, #tpu.memory_space<vmem>>) dst(%dma_wait3A_187 : memref<100096xf32, #tpu.memory_space<vmem_shared>>)
        } else {
        }
        %mul3A_171 = arith.constant 32 : i32
        %mul3A_172 = arith.muli %add3A_159, %mul3A_171 : i32
        %add3A_173 = arith.addi %add3A, %mul3A_172 : i32
        %mul3A_174 = arith.constant 2560 : i32
        %mul3A_175 = arith.muli %add3A_173, %mul3A_174 : i32
        %dma_start3A_176 = arith.constant 1 : i32
        %dma_start3A_177 = tpu.memref_slice %arg3[%dma_start3A_176, %mul3A_175] : memref<2x6400000xi32, #tpu.memory_space<hbm>> -> memref<1x2560xi32, #tpu.memory_space<hbm>>
        %dma_start3A_178 = tpu.memref_squeeze %dma_start3A_177 : memref<1x2560xi32, #tpu.memory_space<hbm>> -> memref<2560xi32, #tpu.memory_space<hbm>>
        %dma_start3A_179 = tpu.memref_slice %arg3[%dma_start3A_176, %mul3A_175] : memref<2x6400000xi32, #tpu.memory_space<hbm>> -> memref<1x2560xi32, #tpu.memory_space<hbm>>
        %dma_start3A_180 = tpu.memref_squeeze %dma_start3A_179 : memref<1x2560xi32, #tpu.memory_space<hbm>> -> memref<2560xi32, #tpu.memory_space<hbm>>
        tpu.enqueue_dma source(%dma_start3A_180 : memref<2560xi32, #tpu.memory_space<hbm>>) target(%arg10 : memref<2560xi32, #tpu.memory_space<vmem>>) target_semaphore(%arg19 : memref<!tpu.dma_semaphore, #tpu.memory_space<semaphore_mem>>)
        %dma_start3A_181 = arith.constant 0 : i32
        %dma_start3A_182 = tpu.memref_slice %arg3[%dma_start3A_181, %mul3A_175] : memref<2x6400000xi32, #tpu.memory_space<hbm>> -> memref<1x2560xi32, #tpu.memory_space<hbm>>
        %dma_start3A_183 = tpu.memref_squeeze %dma_start3A_182 : memref<1x2560xi32, #tpu.memory_space<hbm>> -> memref<2560xi32, #tpu.memory_space<hbm>>
        %dma_start3A_184 = tpu.memref_slice %arg3[%dma_start3A_181, %mul3A_175] : memref<2x6400000xi32, #tpu.memory_space<hbm>> -> memref<1x2560xi32, #tpu.memory_space<hbm>>
        %dma_start3A_185 = tpu.memref_squeeze %dma_start3A_184 : memref<1x2560xi32, #tpu.memory_space<hbm>> -> memref<2560xi32, #tpu.memory_space<hbm>>
        tpu.enqueue_dma source(%dma_start3A_185 : memref<2560xi32, #tpu.memory_space<hbm>>) target(%arg7 : memref<2560xi32, #tpu.memory_space<vmem>>) target_semaphore(%arg19 : memref<!tpu.dma_semaphore, #tpu.memory_space<semaphore_mem>>)
      } else {
      }
      %parallel_loop3A = arith.constant 0 : i32
      %parallel_loop3A_164 = arith.constant 160 : i32
      %parallel_loop3A_165 = arith.constant 1 : i32
      scf.for %parallel_loop3A_167 = %parallel_loop3A to %parallel_loop3A_164 step %parallel_loop3A_165  : i32 {
        %parallel_loop3A_168 = arith.constant 16 : i32
        %parallel_loop3A_169 = arith.muli %parallel_loop3A_167, %parallel_loop3A_168 : i32
        %parallel_loop3A_170 = arith.index_cast %parallel_loop3A_169 : i32 to index
        %parallel_loop3A_171 = tpu.vector_load %arg6[%parallel_loop3A_170] {strides = array<i32>} : memref<2560xi32, #tpu.memory_space<vmem>>, vector<16xi32>,
        %parallel_loop3A_172 = tpu.vector_load_idx %arg5[%parallel_loop3A_171] : memref<100096xf32, #tpu.memory_space<vmem>>[vector<16xi32>], vector<16xf32>,
        %parallel_loop3A_173 = arith.constant 16 : i32
        %parallel_loop3A_174 = arith.muli %parallel_loop3A_167, %parallel_loop3A_173 : i32
        %parallel_loop3A_175 = arith.index_cast %parallel_loop3A_174 : i32 to index
        %parallel_loop3A_176 = tpu.vector_load %arg12[%parallel_loop3A_175] {strides = array<i32>} : memref<2560xf32, #tpu.memory_space<vmem>>, vector<16xf32>,
        tpu.vector_store %arg12[%parallel_loop3A_175], %parallel_loop3A_172 {strides = array<i32>} : memref<2560xf32, #tpu.memory_space<vmem>>, vector<16xf32>,
      } {sc.loop_unroll_factor = 8 : i64, sc.parallel_access}
      %dma_start3A = arith.constant 0 : i32
      %dma_start3A_166 = tpu.memref_slice %arg21[%dma_start3A] : memref<100096xf32, #tpu.memory_space<vmem_shared>> -> memref<100096xf32, #tpu.memory_space<vmem_shared>>
      tpu.enqueue_indirect_dma source(%arg12 : memref<2560xf32, #tpu.memory_space<vmem>>) target(%dma_start3A_166 : memref<100096xf32, #tpu.memory_space<vmem_shared>>) offsets(%arg9 : memref<2560xi32, #tpu.memory_space<vmem>>) semaphore(%arg15 : memref<!tpu.dma_semaphore, #tpu.memory_space<semaphore_mem>>) {add = true}
    } else {
    }
    %add3A_108 = arith.constant 1 : i32
    %add3A_109 = arith.addi %mul3A_104, %add3A_108 : i32
    %lt3A_110 = arith.cmpi slt, %add3A_109, %select_n3A : i32
    %convert_element_type3A_111 = arith.extui %lt3A_110 : i1 to i32
    %cond3A_112 = arith.constant 0 : i32
    %cond3A_113 = arith.cmpi ne, %convert_element_type3A_111, %cond3A_112 : i32
    scf.if %cond3A_113 {
      %mul3A_143 = arith.constant 32 : i32
      %mul3A_144 = arith.muli %add3A_109, %mul3A_143 : i32
      %add3A_145 = arith.addi %add3A, %mul3A_144 : i32
      %mul3A_146 = arith.constant 2560 : i32
      %mul3A_147 = arith.muli %add3A_145, %mul3A_146 : i32
      %dma_wait3A_148 = arith.constant 1 : i32
      %dma_wait3A_149 = tpu.memref_slice %arg3[%dma_wait3A_148, %mul3A_147] : memref<2x6400000xi32, #tpu.memory_space<hbm>> -> memref<1x2560xi32, #tpu.memory_space<hbm>>
      %dma_wait3A_150 = tpu.memref_squeeze %dma_wait3A_149 : memref<1x2560xi32, #tpu.memory_space<hbm>> -> memref<2560xi32, #tpu.memory_space<hbm>>
      %dma_wait3A_151 = tpu.memref_slice %arg3[%dma_wait3A_148, %mul3A_147] : memref<2x6400000xi32, #tpu.memory_space<hbm>> -> memref<1x2560xi32, #tpu.memory_space<hbm>>
      %dma_wait3A_152 = tpu.memref_squeeze %dma_wait3A_151 : memref<1x2560xi32, #tpu.memory_space<hbm>> -> memref<2560xi32, #tpu.memory_space<hbm>>
      tpu.wait_dma2 semaphore(%arg19 : memref<!tpu.dma_semaphore, #tpu.memory_space<semaphore_mem>>) src(%dma_wait3A_152 : memref<2560xi32, #tpu.memory_space<hbm>>) dst(%arg10 : memref<2560xi32, #tpu.memory_space<vmem>>)
      %dma_wait3A_153 = arith.constant 0 : i32
      %dma_wait3A_154 = tpu.memref_slice %arg3[%dma_wait3A_153, %mul3A_147] : memref<2x6400000xi32, #tpu.memory_space<hbm>> -> memref<1x2560xi32, #tpu.memory_space<hbm>>
      %dma_wait3A_155 = tpu.memref_squeeze %dma_wait3A_154 : memref<1x2560xi32, #tpu.memory_space<hbm>> -> memref<2560xi32, #tpu.memory_space<hbm>>
      %dma_wait3A_156 = tpu.memref_slice %arg3[%dma_wait3A_153, %mul3A_147] : memref<2x6400000xi32, #tpu.memory_space<hbm>> -> memref<1x2560xi32, #tpu.memory_space<hbm>>
      %dma_wait3A_157 = tpu.memref_squeeze %dma_wait3A_156 : memref<1x2560xi32, #tpu.memory_space<hbm>> -> memref<2560xi32, #tpu.memory_space<hbm>>
      tpu.wait_dma2 semaphore(%arg19 : memref<!tpu.dma_semaphore, #tpu.memory_space<semaphore_mem>>) src(%dma_wait3A_157 : memref<2560xi32, #tpu.memory_space<hbm>>) dst(%arg7 : memref<2560xi32, #tpu.memory_space<vmem>>)
      %add3A_158 = arith.constant 1 : i32
      %add3A_159 = arith.addi %add3A_109, %add3A_158 : i32
      %lt3A_160 = arith.cmpi slt, %add3A_159, %select_n3A : i32
      %convert_element_type3A_161 = arith.extui %lt3A_160 : i1 to i32
      %cond3A_162 = arith.constant 0 : i32
      %cond3A_163 = arith.cmpi ne, %convert_element_type3A_161, %cond3A_162 : i32
      scf.if %cond3A_163 {
        %ge3A = arith.constant 3 : i32
        %ge3A_167 = arith.cmpi sge, %add3A_159, %ge3A : i32
        %convert_element_type3A_168 = arith.extui %ge3A_167 : i1 to i32
        %cond3A_169 = arith.constant 0 : i32
        %cond3A_170 = arith.cmpi ne, %convert_element_type3A_168, %cond3A_169 : i32
        scf.if %cond3A_170 {
          %dma_wait3A_186 = arith.constant 0 : i32
          %dma_wait3A_187 = tpu.memref_slice %arg21[%dma_wait3A_186] : memref<100096xf32, #tpu.memory_space<vmem_shared>> -> memref<100096xf32, #tpu.memory_space<vmem_shared>>
          tpu.wait_indirect_dma semaphore(%arg17 : memref<!tpu.dma_semaphore, #tpu.memory_space<semaphore_mem>>) src(%arg14 : memref<2560xf32, #tpu.memory_space<vmem>>) dst(%dma_wait3A_187 : memref<100096xf32, #tpu.memory_space<vmem_shared>>)
        } else {
        }
        %mul3A_171 = arith.constant 32 : i32
        %mul3A_172 = arith.muli %add3A_159, %mul3A_171 : i32
        %add3A_173 = arith.addi %add3A, %mul3A_172 : i32
        %mul3A_174 = arith.constant 2560 : i32
        %mul3A_175 = arith.muli %add3A_173, %mul3A_174 : i32
        %dma_start3A_176 = arith.constant 1 : i32
        %dma_start3A_177 = tpu.memref_slice %arg3[%dma_start3A_176, %mul3A_175] : memref<2x6400000xi32, #tpu.memory_space<hbm>> -> memref<1x2560xi32, #tpu.memory_space<hbm>>
        %dma_start3A_178 = tpu.memref_squeeze %dma_start3A_177 : memref<1x2560xi32, #tpu.memory_space<hbm>> -> memref<2560xi32, #tpu.memory_space<hbm>>
        %dma_start3A_179 = tpu.memref_slice %arg3[%dma_start3A_176, %mul3A_175] : memref<2x6400000xi32, #tpu.memory_space<hbm>> -> memref<1x2560xi32, #tpu.memory_space<hbm>>
        %dma_start3A_180 = tpu.memref_squeeze %dma_start3A_179 : memref<1x2560xi32, #tpu.memory_space<hbm>> -> memref<2560xi32, #tpu.memory_space<hbm>>
        tpu.enqueue_dma source(%dma_start3A_180 : memref<2560xi32, #tpu.memory_space<hbm>>) target(%arg11 : memref<2560xi32, #tpu.memory_space<vmem>>) target_semaphore(%arg20 : memref<!tpu.dma_semaphore, #tpu.memory_space<semaphore_mem>>)
        %dma_start3A_181 = arith.constant 0 : i32
        %dma_start3A_182 = tpu.memref_slice %arg3[%dma_start3A_181, %mul3A_175] : memref<2x6400000xi32, #tpu.memory_space<hbm>> -> memref<1x2560xi32, #tpu.memory_space<hbm>>
        %dma_start3A_183 = tpu.memref_squeeze %dma_start3A_182 : memref<1x2560xi32, #tpu.memory_space<hbm>> -> memref<2560xi32, #tpu.memory_space<hbm>>
        %dma_start3A_184 = tpu.memref_slice %arg3[%dma_start3A_181, %mul3A_175] : memref<2x6400000xi32, #tpu.memory_space<hbm>> -> memref<1x2560xi32, #tpu.memory_space<hbm>>
        %dma_start3A_185 = tpu.memref_squeeze %dma_start3A_184 : memref<1x2560xi32, #tpu.memory_space<hbm>> -> memref<2560xi32, #tpu.memory_space<hbm>>
        tpu.enqueue_dma source(%dma_start3A_185 : memref<2560xi32, #tpu.memory_space<hbm>>) target(%arg8 : memref<2560xi32, #tpu.memory_space<vmem>>) target_semaphore(%arg20 : memref<!tpu.dma_semaphore, #tpu.memory_space<semaphore_mem>>)
      } else {
      }
      %parallel_loop3A = arith.constant 0 : i32
      %parallel_loop3A_164 = arith.constant 160 : i32
      %parallel_loop3A_165 = arith.constant 1 : i32
      scf.for %parallel_loop3A_167 = %parallel_loop3A to %parallel_loop3A_164 step %parallel_loop3A_165  : i32 {
        %parallel_loop3A_168 = arith.constant 16 : i32
        %parallel_loop3A_169 = arith.muli %parallel_loop3A_167, %parallel_loop3A_168 : i32
        %parallel_loop3A_170 = arith.index_cast %parallel_loop3A_169 : i32 to index
        %parallel_loop3A_171 = tpu.vector_load %arg7[%parallel_loop3A_170] {strides = array<i32>} : memref<2560xi32, #tpu.memory_space<vmem>>, vector<16xi32>,
        %parallel_loop3A_172 = tpu.vector_load_idx %arg5[%parallel_loop3A_171] : memref<100096xf32, #tpu.memory_space<vmem>>[vector<16xi32>], vector<16xf32>,
        %parallel_loop3A_173 = arith.constant 16 : i32
        %parallel_loop3A_174 = arith.muli %parallel_loop3A_167, %parallel_loop3A_173 : i32
        %parallel_loop3A_175 = arith.index_cast %parallel_loop3A_174 : i32 to index
        %parallel_loop3A_176 = tpu.vector_load %arg13[%parallel_loop3A_175] {strides = array<i32>} : memref<2560xf32, #tpu.memory_space<vmem>>, vector<16xf32>,
        tpu.vector_store %arg13[%parallel_loop3A_175], %parallel_loop3A_172 {strides = array<i32>} : memref<2560xf32, #tpu.memory_space<vmem>>, vector<16xf32>,
      } {sc.loop_unroll_factor = 8 : i64, sc.parallel_access}
      %dma_start3A = arith.constant 0 : i32
      %dma_start3A_166 = tpu.memref_slice %arg21[%dma_start3A] : memref<100096xf32, #tpu.memory_space<vmem_shared>> -> memref<100096xf32, #tpu.memory_space<vmem_shared>>
      tpu.enqueue_indirect_dma source(%arg13 : memref<2560xf32, #tpu.memory_space<vmem>>) target(%dma_start3A_166 : memref<100096xf32, #tpu.memory_space<vmem_shared>>) offsets(%arg10 : memref<2560xi32, #tpu.memory_space<vmem>>) semaphore(%arg16 : memref<!tpu.dma_semaphore, #tpu.memory_space<semaphore_mem>>) {add = true}
    } else {
    }
    %dma_wait3A = arith.constant 0 : i32
    %dma_wait3A_114 = tpu.memref_slice %arg21[%dma_wait3A] : memref<100096xf32, #tpu.memory_space<vmem_shared>> -> memref<100096xf32, #tpu.memory_space<vmem_shared>>
    tpu.wait_indirect_dma semaphore(%arg15 : memref<!tpu.dma_semaphore, #tpu.memory_space<semaphore_mem>>) src(%arg12 : memref<2560xf32, #tpu.memory_space<vmem>>) dst(%dma_wait3A_114 : memref<100096xf32, #tpu.memory_space<vmem_shared>>)
    %dma_wait3A_115 = arith.constant 0 : i32
    %dma_wait3A_116 = tpu.memref_slice %arg21[%dma_wait3A_115] : memref<100096xf32, #tpu.memory_space<vmem_shared>> -> memref<100096xf32, #tpu.memory_space<vmem_shared>>
    tpu.wait_indirect_dma semaphore(%arg16 : memref<!tpu.dma_semaphore, #tpu.memory_space<semaphore_mem>>) src(%arg13 : memref<2560xf32, #tpu.memory_space<vmem>>) dst(%dma_wait3A_116 : memref<100096xf32, #tpu.memory_space<vmem_shared>>)
    %dma_wait3A_117 = arith.constant 0 : i32
    %dma_wait3A_118 = tpu.memref_slice %arg21[%dma_wait3A_117] : memref<100096xf32, #tpu.memory_space<vmem_shared>> -> memref<100096xf32, #tpu.memory_space<vmem_shared>>
    tpu.wait_indirect_dma semaphore(%arg17 : memref<!tpu.dma_semaphore, #tpu.memory_space<semaphore_mem>>) src(%arg14 : memref<2560xf32, #tpu.memory_space<vmem>>) dst(%dma_wait3A_118 : memref<100096xf32, #tpu.memory_space<vmem_shared>>)
    %barrier3A_119 = arith.constant 0 : index
    tpu.barrier barrier_id(%barrier3A_119)
    %mul3A_120 = arith.constant 100096 : i32
    %mul3A_121 = arith.muli %arg0, %mul3A_120 : i32
    %mul3A_122 = arith.constant 6256 : i32
    %mul3A_123 = arith.muli %arg1, %mul3A_122 : i32
    %add3A_124 = arith.addi %mul3A_121, %mul3A_123 : i32
    %mul3A_125 = arith.constant 6256 : i32
    %mul3A_126 = arith.muli %arg1, %mul3A_125 : i32
    %add3A_127 = arith.constant 0 : i32
    %add3A_128 = arith.addi %mul3A_126, %add3A_127 : i32
    "tpu.region"() ({
      %run_scoped3A = tpu.sem_alloc : memref<!tpu.dma_semaphore, #tpu.memory_space<semaphore_mem>>
      %dma_start3A = arith.constant 0 : i32
      %dma_start3A_143 = tpu.memref_slice %arg12[%dma_start3A] : memref<2560xf32, #tpu.memory_space<vmem>> -> memref<2560xf32, #tpu.memory_space<vmem>>
      %dma_start3A_144 = tpu.memref_slice %arg21[%add3A_128] : memref<100096xf32, #tpu.memory_space<vmem_shared>> -> memref<2560xf32, #tpu.memory_space<vmem_shared>>
      %dma_start3A_145 = arith.constant 0 : i32
      %dma_start3A_146 = tpu.memref_slice %arg12[%dma_start3A_145] : memref<2560xf32, #tpu.memory_space<vmem>> -> memref<2560xf32, #tpu.memory_space<vmem>>
      %dma_start3A_147 = tpu.memref_slice %arg21[%add3A_128] : memref<100096xf32, #tpu.memory_space<vmem_shared>> -> memref<2560xf32, #tpu.memory_space<vmem_shared>>
      tpu.enqueue_dma source(%dma_start3A_147 : memref<2560xf32, #tpu.memory_space<vmem_shared>>) target(%dma_start3A_146 : memref<2560xf32, #tpu.memory_space<vmem>>) target_semaphore(%run_scoped3A : memref<!tpu.dma_semaphore, #tpu.memory_space<semaphore_mem>>)
      %dma_wait3A_148 = arith.constant 0 : i32
      %dma_wait3A_149 = tpu.memref_slice %arg12[%dma_wait3A_148] : memref<2560xf32, #tpu.memory_space<vmem>> -> memref<2560xf32, #tpu.memory_space<vmem>>
      %dma_wait3A_150 = tpu.memref_slice %arg21[%add3A_128] : memref<100096xf32, #tpu.memory_space<vmem_shared>> -> memref<2560xf32, #tpu.memory_space<vmem_shared>>
      %dma_wait3A_151 = arith.constant 0 : i32
      %dma_wait3A_152 = tpu.memref_slice %arg12[%dma_wait3A_151] : memref<2560xf32, #tpu.memory_space<vmem>> -> memref<2560xf32, #tpu.memory_space<vmem>>
      %dma_wait3A_153 = tpu.memref_slice %arg21[%add3A_128] : memref<100096xf32, #tpu.memory_space<vmem_shared>> -> memref<2560xf32, #tpu.memory_space<vmem_shared>>
      tpu.wait_dma2 semaphore(%run_scoped3A : memref<!tpu.dma_semaphore, #tpu.memory_space<semaphore_mem>>) src(%dma_wait3A_153 : memref<2560xf32, #tpu.memory_space<vmem_shared>>) dst(%dma_wait3A_152 : memref<2560xf32, #tpu.memory_space<vmem>>)
      tpu.yield
    }) : () -> ()
    %add3A_129 = arith.constant 0 : i32
    %add3A_130 = arith.addi %add3A_124, %add3A_129 : i32
    "tpu.region"() ({
      %run_scoped3A = tpu.sem_alloc : memref<!tpu.dma_semaphore, #tpu.memory_space<semaphore_mem>>
      %dma_start3A = arith.constant 0 : i32
      %dma_start3A_143 = tpu.memref_slice %arg12[%dma_start3A] : memref<2560xf32, #tpu.memory_space<vmem>> -> memref<2560xf32, #tpu.memory_space<vmem>>
      %dma_start3A_144 = tpu.memref_slice %arg4[%add3A_130] : memref<200192xf32, #tpu.memory_space<hbm>> -> memref<2560xf32, #tpu.memory_space<hbm>>
      %dma_start3A_145 = tpu.memref_slice %arg4[%add3A_130] : memref<200192xf32, #tpu.memory_space<hbm>> -> memref<2560xf32, #tpu.memory_space<hbm>>
      %dma_start3A_146 = arith.constant 0 : i32
      %dma_start3A_147 = tpu.memref_slice %arg12[%dma_start3A_146] : memref<2560xf32, #tpu.memory_space<vmem>> -> memref<2560xf32, #tpu.memory_space<vmem>>
      tpu.enqueue_dma source(%dma_start3A_147 : memref<2560xf32, #tpu.memory_space<vmem>>) target(%dma_start3A_145 : memref<2560xf32, #tpu.memory_space<hbm>>) target_semaphore(%run_scoped3A : memref<!tpu.dma_semaphore, #tpu.memory_space<semaphore_mem>>)
      %dma_wait3A_148 = arith.constant 0 : i32
      %dma_wait3A_149 = tpu.memref_slice %arg12[%dma_wait3A_148] : memref<2560xf32, #tpu.memory_space<vmem>> -> memref<2560xf32, #tpu.memory_space<vmem>>
      %dma_wait3A_150 = tpu.memref_slice %arg4[%add3A_130] : memref<200192xf32, #tpu.memory_space<hbm>> -> memref<2560xf32, #tpu.memory_space<hbm>>
      %dma_wait3A_151 = tpu.memref_slice %arg4[%add3A_130] : memref<200192xf32, #tpu.memory_space<hbm>> -> memref<2560xf32, #tpu.memory_space<hbm>>
      %dma_wait3A_152 = arith.constant 0 : i32
      %dma_wait3A_153 = tpu.memref_slice %arg12[%dma_wait3A_152] : memref<2560xf32, #tpu.memory_space<vmem>> -> memref<2560xf32, #tpu.memory_space<vmem>>
      tpu.wait_dma2 semaphore(%run_scoped3A : memref<!tpu.dma_semaphore, #tpu.memory_space<semaphore_mem>>) src(%dma_wait3A_153 : memref<2560xf32, #tpu.memory_space<vmem>>) dst(%dma_wait3A_151 : memref<2560xf32, #tpu.memory_space<hbm>>)
      tpu.yield
    }) : () -> ()
    %mul3A_131 = arith.constant 6256 : i32
    %mul3A_132 = arith.muli %arg1, %mul3A_131 : i32
    %add3A_133 = arith.constant 2560 : i32
    %add3A_134 = arith.addi %mul3A_132, %add3A_133 : i32
    "tpu.region"() ({
      %run_scoped3A = tpu.sem_alloc : memref<!tpu.dma_semaphore, #tpu.memory_space<semaphore_mem>>
      %dma_start3A = arith.constant 0 : i32
      %dma_start3A_143 = tpu.memref_slice %arg12[%dma_start3A] : memref<2560xf32, #tpu.memory_space<vmem>> -> memref<2560xf32, #tpu.memory_space<vmem>>
      %dma_start3A_144 = tpu.memref_slice %arg21[%add3A_134] : memref<100096xf32, #tpu.memory_space<vmem_shared>> -> memref<2560xf32, #tpu.memory_space<vmem_shared>>
      %dma_start3A_145 = arith.constant 0 : i32
      %dma_start3A_146 = tpu.memref_slice %arg12[%dma_start3A_145] : memref<2560xf32, #tpu.memory_space<vmem>> -> memref<2560xf32, #tpu.memory_space<vmem>>
      %dma_start3A_147 = tpu.memref_slice %arg21[%add3A_134] : memref<100096xf32, #tpu.memory_space<vmem_shared>> -> memref<2560xf32, #tpu.memory_space<vmem_shared>>
      tpu.enqueue_dma source(%dma_start3A_147 : memref<2560xf32, #tpu.memory_space<vmem_shared>>) target(%dma_start3A_146 : memref<2560xf32, #tpu.memory_space<vmem>>) target_semaphore(%run_scoped3A : memref<!tpu.dma_semaphore, #tpu.memory_space<semaphore_mem>>)
      %dma_wait3A_148 = arith.constant 0 : i32
      %dma_wait3A_149 = tpu.memref_slice %arg12[%dma_wait3A_148] : memref<2560xf32, #tpu.memory_space<vmem>> -> memref<2560xf32, #tpu.memory_space<vmem>>
      %dma_wait3A_150 = tpu.memref_slice %arg21[%add3A_134] : memref<100096xf32, #tpu.memory_space<vmem_shared>> -> memref<2560xf32, #tpu.memory_space<vmem_shared>>
      %dma_wait3A_151 = arith.constant 0 : i32
      %dma_wait3A_152 = tpu.memref_slice %arg12[%dma_wait3A_151] : memref<2560xf32, #tpu.memory_space<vmem>> -> memref<2560xf32, #tpu.memory_space<vmem>>
      %dma_wait3A_153 = tpu.memref_slice %arg21[%add3A_134] : memref<100096xf32, #tpu.memory_space<vmem_shared>> -> memref<2560xf32, #tpu.memory_space<vmem_shared>>
      tpu.wait_dma2 semaphore(%run_scoped3A : memref<!tpu.dma_semaphore, #tpu.memory_space<semaphore_mem>>) src(%dma_wait3A_153 : memref<2560xf32, #tpu.memory_space<vmem_shared>>) dst(%dma_wait3A_152 : memref<2560xf32, #tpu.memory_space<vmem>>)
      tpu.yield
    }) : () -> ()
    %add3A_135 = arith.constant 2560 : i32
    %add3A_136 = arith.addi %add3A_124, %add3A_135 : i32
    "tpu.region"() ({
      %run_scoped3A = tpu.sem_alloc : memref<!tpu.dma_semaphore, #tpu.memory_space<semaphore_mem>>
      %dma_start3A = arith.constant 0 : i32
      %dma_start3A_143 = tpu.memref_slice %arg12[%dma_start3A] : memref<2560xf32, #tpu.memory_space<vmem>> -> memref<2560xf32, #tpu.memory_space<vmem>>
      %dma_start3A_144 = tpu.memref_slice %arg4[%add3A_136] : memref<200192xf32, #tpu.memory_space<hbm>> -> memref<2560xf32, #tpu.memory_space<hbm>>
      %dma_start3A_145 = tpu.memref_slice %arg4[%add3A_136] : memref<200192xf32, #tpu.memory_space<hbm>> -> memref<2560xf32, #tpu.memory_space<hbm>>
      %dma_start3A_146 = arith.constant 0 : i32
      %dma_start3A_147 = tpu.memref_slice %arg12[%dma_start3A_146] : memref<2560xf32, #tpu.memory_space<vmem>> -> memref<2560xf32, #tpu.memory_space<vmem>>
      tpu.enqueue_dma source(%dma_start3A_147 : memref<2560xf32, #tpu.memory_space<vmem>>) target(%dma_start3A_145 : memref<2560xf32, #tpu.memory_space<hbm>>) target_semaphore(%run_scoped3A : memref<!tpu.dma_semaphore, #tpu.memory_space<semaphore_mem>>)
      %dma_wait3A_148 = arith.constant 0 : i32
      %dma_wait3A_149 = tpu.memref_slice %arg12[%dma_wait3A_148] : memref<2560xf32, #tpu.memory_space<vmem>> -> memref<2560xf32, #tpu.memory_space<vmem>>
      %dma_wait3A_150 = tpu.memref_slice %arg4[%add3A_136] : memref<200192xf32, #tpu.memory_space<hbm>> -> memref<2560xf32, #tpu.memory_space<hbm>>
      %dma_wait3A_151 = tpu.memref_slice %arg4[%add3A_136] : memref<200192xf32, #tpu.memory_space<hbm>> -> memref<2560xf32, #tpu.memory_space<hbm>>
      %dma_wait3A_152 = arith.constant 0 : i32
      %dma_wait3A_153 = tpu.memref_slice %arg12[%dma_wait3A_152] : memref<2560xf32, #tpu.memory_space<vmem>> -> memref<2560xf32, #tpu.memory_space<vmem>>
      tpu.wait_dma2 semaphore(%run_scoped3A : memref<!tpu.dma_semaphore, #tpu.memory_space<semaphore_mem>>) src(%dma_wait3A_153 : memref<2560xf32, #tpu.memory_space<vmem>>) dst(%dma_wait3A_151 : memref<2560xf32, #tpu.memory_space<hbm>>)
      tpu.yield
    }) : () -> ()
    %mul3A_137 = arith.constant 6256 : i32
    %mul3A_138 = arith.muli %arg1, %mul3A_137 : i32
    %add3A_139 = arith.constant 5120 : i32
    %add3A_140 = arith.addi %mul3A_138, %add3A_139 : i32
    "tpu.region"() ({
      %run_scoped3A = tpu.sem_alloc : memref<!tpu.dma_semaphore, #tpu.memory_space<semaphore_mem>>
      %dma_start3A = arith.constant 0 : i32
      %dma_start3A_143 = tpu.memref_slice %arg12[%dma_start3A] : memref<2560xf32, #tpu.memory_space<vmem>> -> memref<1136xf32, #tpu.memory_space<vmem>>
      %dma_start3A_144 = tpu.memref_slice %arg21[%add3A_140] : memref<100096xf32, #tpu.memory_space<vmem_shared>> -> memref<1136xf32, #tpu.memory_space<vmem_shared>>
      %dma_start3A_145 = arith.constant 0 : i32
      %dma_start3A_146 = tpu.memref_slice %arg12[%dma_start3A_145] : memref<2560xf32, #tpu.memory_space<vmem>> -> memref<1136xf32, #tpu.memory_space<vmem>>
      %dma_start3A_147 = tpu.memref_slice %arg21[%add3A_140] : memref<100096xf32, #tpu.memory_space<vmem_shared>> -> memref<1136xf32, #tpu.memory_space<vmem_shared>>
      tpu.enqueue_dma source(%dma_start3A_147 : memref<1136xf32, #tpu.memory_space<vmem_shared>>) target(%dma_start3A_146 : memref<1136xf32, #tpu.memory_space<vmem>>) target_semaphore(%run_scoped3A : memref<!tpu.dma_semaphore, #tpu.memory_space<semaphore_mem>>)
      %dma_wait3A_148 = arith.constant 0 : i32
      %dma_wait3A_149 = tpu.memref_slice %arg12[%dma_wait3A_148] : memref<2560xf32, #tpu.memory_space<vmem>> -> memref<1136xf32, #tpu.memory_space<vmem>>
      %dma_wait3A_150 = tpu.memref_slice %arg21[%add3A_140] : memref<100096xf32, #tpu.memory_space<vmem_shared>> -> memref<1136xf32, #tpu.memory_space<vmem_shared>>
      %dma_wait3A_151 = arith.constant 0 : i32
      %dma_wait3A_152 = tpu.memref_slice %arg12[%dma_wait3A_151] : memref<2560xf32, #tpu.memory_space<vmem>> -> memref<1136xf32, #tpu.memory_space<vmem>>
      %dma_wait3A_153 = tpu.memref_slice %arg21[%add3A_140] : memref<100096xf32, #tpu.memory_space<vmem_shared>> -> memref<1136xf32, #tpu.memory_space<vmem_shared>>
      tpu.wait_dma2 semaphore(%run_scoped3A : memref<!tpu.dma_semaphore, #tpu.memory_space<semaphore_mem>>) src(%dma_wait3A_153 : memref<1136xf32, #tpu.memory_space<vmem_shared>>) dst(%dma_wait3A_152 : memref<1136xf32, #tpu.memory_space<vmem>>)
      tpu.yield
    }) : () -> ()
    %add3A_141 = arith.constant 5120 : i32
    %add3A_142 = arith.addi %add3A_124, %add3A_141 : i32
    "tpu.region"() ({
      %run_scoped3A = tpu.sem_alloc : memref<!tpu.dma_semaphore, #tpu.memory_space<semaphore_mem>>
      %dma_start3A = arith.constant 0 : i32
      %dma_start3A_143 = tpu.memref_slice %arg12[%dma_start3A] : memref<2560xf32, #tpu.memory_space<vmem>> -> memref<1136xf32, #tpu.memory_space<vmem>>
      %dma_start3A_144 = tpu.memref_slice %arg4[%add3A_142] : memref<200192xf32, #tpu.memory_space<hbm>> -> memref<1136xf32, #tpu.memory_space<hbm>>
      %dma_start3A_145 = tpu.memref_slice %arg4[%add3A_142] : memref<200192xf32, #tpu.memory_space<hbm>> -> memref<1136xf32, #tpu.memory_space<hbm>>
      %dma_start3A_146 = arith.constant 0 : i32
      %dma_start3A_147 = tpu.memref_slice %arg12[%dma_start3A_146] : memref<2560xf32, #tpu.memory_space<vmem>> -> memref<1136xf32, #tpu.memory_space<vmem>>
      tpu.enqueue_dma source(%dma_start3A_147 : memref<1136xf32, #tpu.memory_space<vmem>>) target(%dma_start3A_145 : memref<1136xf32, #tpu.memory_space<hbm>>) target_semaphore(%run_scoped3A : memref<!tpu.dma_semaphore, #tpu.memory_space<semaphore_mem>>)
      %dma_wait3A_148 = arith.constant 0 : i32
      %dma_wait3A_149 = tpu.memref_slice %arg12[%dma_wait3A_148] : memref<2560xf32, #tpu.memory_space<vmem>> -> memref<1136xf32, #tpu.memory_space<vmem>>
      %dma_wait3A_150 = tpu.memref_slice %arg4[%add3A_142] : memref<200192xf32, #tpu.memory_space<hbm>> -> memref<1136xf32, #tpu.memory_space<hbm>>
      %dma_wait3A_151 = tpu.memref_slice %arg4[%add3A_142] : memref<200192xf32, #tpu.memory_space<hbm>> -> memref<1136xf32, #tpu.memory_space<hbm>>
      %dma_wait3A_152 = arith.constant 0 : i32
      %dma_wait3A_153 = tpu.memref_slice %arg12[%dma_wait3A_152] : memref<2560xf32, #tpu.memory_space<vmem>> -> memref<1136xf32, #tpu.memory_space<vmem>>
      tpu.wait_dma2 semaphore(%run_scoped3A : memref<!tpu.dma_semaphore, #tpu.memory_space<semaphore_mem>>) src(%dma_wait3A_153 : memref<1136xf32, #tpu.memory_space<vmem>>) dst(%dma_wait3A_151 : memref<1136xf32, #tpu.memory_space<hbm>>)
      tpu.yield
    }) : () -> ()
    return
  }
}

#map = affine_map<(d0, d1) -> (0)>
#map1 = affine_map<(d0, d1) -> (0, 0)>
module attributes {stable_mosaic.version = 14 : i64} {
  func.func @_edge_pass_body(%arg0: i32, %arg1: i32, %arg2: memref<100096xf32, #tpu.memory_space<hbm>>, %arg3: memref<2x6400000xi32, #tpu.memory_space<hbm>>, %arg4: memref<200192xf32, #tpu.memory_space<hbm>>, %arg5: memref<100096xf32, #tpu.memory_space<vmem>>, %arg6: memref<2560xi32, #tpu.memory_space<vmem>>, %arg7: memref<2560xi32, #tpu.memory_space<vmem>>, %arg8: memref<2560xi32, #tpu.memory_space<vmem>>, %arg9: memref<2560xi32, #tpu.memory_space<vmem>>, %arg10: memref<2560xi32, #tpu.memory_space<vmem>>, %arg11: memref<2560xi32, #tpu.memory_space<vmem>>, %arg12: memref<2560xf32, #tpu.memory_space<vmem>>, %arg13: memref<2560xf32, #tpu.memory_space<vmem>>, %arg14: memref<2560xf32, #tpu.memory_space<vmem>>, %arg15: memref<!tpu.dma_semaphore, #tpu.memory_space<semaphore_mem>>, %arg16: memref<!tpu.dma_semaphore, #tpu.memory_space<semaphore_mem>>, %arg17: memref<!tpu.dma_semaphore, #tpu.memory_space<semaphore_mem>>, %arg18: memref<!tpu.dma_semaphore, #tpu.memory_space<semaphore_mem>>, %arg19: memref<!tpu.dma_semaphore, #tpu.memory_space<semaphore_mem>>, %arg20: memref<!tpu.dma_semaphore, #tpu.memory_space<semaphore_mem>>, %arg21: memref<100096xf32, #tpu.memory_space<vmem_shared>>) attributes {dimension_semantics = [#tpu.dimension_semantics<core_parallel>, #tpu.dimension_semantics<subcore_parallel>], iteration_bounds = array<i64: 2, 16>, scalar_prefetch = 0 : i64, scratch_operands = 17 : i64, tpu.core_type = #tpu.core_type<sc_vector_subcore>, window_params = [{transform_indices = #map}, {transform_indices = #map1}, {transform_indices = #map}]} {
    %mul3A = arith.constant 2 : i32
    %mul3A_0 = arith.muli %arg1, %mul3A : i32
    %add3A = arith.addi %mul3A_0, %arg0 : i32
    tpu.enqueue_dma source(%arg2 : memref<100096xf32, #tpu.memory_space<hbm>>) target(%arg5 : memref<100096xf32, #tpu.memory_space<vmem>>) target_semaphore(%arg18 : memref<!tpu.dma_semaphore, #tpu.memory_space<semaphore_mem>>)
    %broadcast_in_dim3A = arith.constant 0.000000e+00 : f32
    %broadcast_in_dim3A_1 = vector.broadcast %broadcast_in_dim3A : f32 to vector<16xf32>
    %scan3A = arith.constant 0 : i32
    %scan3A_2 = arith.constant 0 : i32
    %scan3A_3 = arith.constant 160 : i32
    %scan3A_4 = arith.addi %scan3A_2, %scan3A_3 : i32
    %scan3A_5 = arith.constant 1 : i32
    %scan3A_6 = scf.for %scan3A_143 = %scan3A_2 to %scan3A_4 step %scan3A_5 iter_args(%scan3A_144 = %scan3A) -> (i32)  : i32 {
      %mul3A_145 = arith.constant 16 : i32
      %mul3A_146 = arith.muli %scan3A_143, %mul3A_145 : i32
      %swap3A = arith.index_cast %mul3A_146 : i32 to index
      %swap3A_147 = tpu.vector_load %arg12[%swap3A] {strides = array<i32>} : memref<2560xf32, #tpu.memory_space<vmem>>, vector<16xf32>,
      tpu.vector_store %arg12[%swap3A], %broadcast_in_dim3A_1 {strides = array<i32>} : memref<2560xf32, #tpu.memory_space<vmem>>, vector<16xf32>,
      %scan3A_148 = arith.constant 0 : i32
      scf.yield %scan3A_148 : i32
    }
    %scan3A_7 = arith.constant 160 : i32
    %mul3A_8 = arith.constant 6256 : i32
    %mul3A_9 = arith.muli %arg1, %mul3A_8 : i32
    %add3A_10 = arith.constant 0 : i32
    %add3A_11 = arith.addi %mul3A_9, %add3A_10 : i32
    "tpu.region"() ({
      %run_scoped3A = tpu.sem_alloc : memref<!tpu.dma_semaphore, #tpu.memory_space<semaphore_mem>>
      %dma_start3A = arith.constant 0 : i32
      %dma_start3A_143 = tpu.memref_slice %arg12[%dma_start3A] : memref<2560xf32, #tpu.memory_space<vmem>> -> memref<2560xf32, #tpu.memory_space<vmem>>
      %dma_start3A_144 = tpu.memref_slice %arg21[%add3A_11] : memref<100096xf32, #tpu.memory_space<vmem_shared>> -> memref<2560xf32, #tpu.memory_space<vmem_shared>>
      %dma_start3A_145 = tpu.memref_slice %arg21[%add3A_11] : memref<100096xf32, #tpu.memory_space<vmem_shared>> -> memref<2560xf32, #tpu.memory_space<vmem_shared>>
      %dma_start3A_146 = arith.constant 0 : i32
      %dma_start3A_147 = tpu.memref_slice %arg12[%dma_start3A_146] : memref<2560xf32, #tpu.memory_space<vmem>> -> memref<2560xf32, #tpu.memory_space<vmem>>
      tpu.enqueue_dma source(%dma_start3A_147 : memref<2560xf32, #tpu.memory_space<vmem>>) target(%dma_start3A_145 : memref<2560xf32, #tpu.memory_space<vmem_shared>>) target_semaphore(%run_scoped3A : memref<!tpu.dma_semaphore, #tpu.memory_space<semaphore_mem>>)
      %dma_wait3A_148 = arith.constant 0 : i32
      %dma_wait3A_149 = tpu.memref_slice %arg12[%dma_wait3A_148] : memref<2560xf32, #tpu.memory_space<vmem>> -> memref<2560xf32, #tpu.memory_space<vmem>>
      %dma_wait3A_150 = tpu.memref_slice %arg21[%add3A_11] : memref<100096xf32, #tpu.memory_space<vmem_shared>> -> memref<2560xf32, #tpu.memory_space<vmem_shared>>
      %dma_wait3A_151 = tpu.memref_slice %arg21[%add3A_11] : memref<100096xf32, #tpu.memory_space<vmem_shared>> -> memref<2560xf32, #tpu.memory_space<vmem_shared>>
      %dma_wait3A_152 = arith.constant 0 : i32
      %dma_wait3A_153 = tpu.memref_slice %arg12[%dma_wait3A_152] : memref<2560xf32, #tpu.memory_space<vmem>> -> memref<2560xf32, #tpu.memory_space<vmem>>
      tpu.wait_dma2 semaphore(%run_scoped3A : memref<!tpu.dma_semaphore, #tpu.memory_space<semaphore_mem>>) src(%dma_wait3A_153 : memref<2560xf32, #tpu.memory_space<vmem>>) dst(%dma_wait3A_151 : memref<2560xf32, #tpu.memory_space<vmem_shared>>)
      tpu.yield
    }) : () -> ()
    %mul3A_12 = arith.constant 6256 : i32
    %mul3A_13 = arith.muli %arg1, %mul3A_12 : i32
    %add3A_14 = arith.constant 2560 : i32
    %add3A_15 = arith.addi %mul3A_13, %add3A_14 : i32
    "tpu.region"() ({
      %run_scoped3A = tpu.sem_alloc : memref<!tpu.dma_semaphore, #tpu.memory_space<semaphore_mem>>
      %dma_start3A = arith.constant 0 : i32
      %dma_start3A_143 = tpu.memref_slice %arg12[%dma_start3A] : memref<2560xf32, #tpu.memory_space<vmem>> -> memref<2560xf32, #tpu.memory_space<vmem>>
      %dma_start3A_144 = tpu.memref_slice %arg21[%add3A_15] : memref<100096xf32, #tpu.memory_space<vmem_shared>> -> memref<2560xf32, #tpu.memory_space<vmem_shared>>
      %dma_start3A_145 = tpu.memref_slice %arg21[%add3A_15] : memref<100096xf32, #tpu.memory_space<vmem_shared>> -> memref<2560xf32, #tpu.memory_space<vmem_shared>>
      %dma_start3A_146 = arith.constant 0 : i32
      %dma_start3A_147 = tpu.memref_slice %arg12[%dma_start3A_146] : memref<2560xf32, #tpu.memory_space<vmem>> -> memref<2560xf32, #tpu.memory_space<vmem>>
      tpu.enqueue_dma source(%dma_start3A_147 : memref<2560xf32, #tpu.memory_space<vmem>>) target(%dma_start3A_145 : memref<2560xf32, #tpu.memory_space<vmem_shared>>) target_semaphore(%run_scoped3A : memref<!tpu.dma_semaphore, #tpu.memory_space<semaphore_mem>>)
      %dma_wait3A_148 = arith.constant 0 : i32
      %dma_wait3A_149 = tpu.memref_slice %arg12[%dma_wait3A_148] : memref<2560xf32, #tpu.memory_space<vmem>> -> memref<2560xf32, #tpu.memory_space<vmem>>
      %dma_wait3A_150 = tpu.memref_slice %arg21[%add3A_15] : memref<100096xf32, #tpu.memory_space<vmem_shared>> -> memref<2560xf32, #tpu.memory_space<vmem_shared>>
      %dma_wait3A_151 = tpu.memref_slice %arg21[%add3A_15] : memref<100096xf32, #tpu.memory_space<vmem_shared>> -> memref<2560xf32, #tpu.memory_space<vmem_shared>>
      %dma_wait3A_152 = arith.constant 0 : i32
      %dma_wait3A_153 = tpu.memref_slice %arg12[%dma_wait3A_152] : memref<2560xf32, #tpu.memory_space<vmem>> -> memref<2560xf32, #tpu.memory_space<vmem>>
      tpu.wait_dma2 semaphore(%run_scoped3A : memref<!tpu.dma_semaphore, #tpu.memory_space<semaphore_mem>>) src(%dma_wait3A_153 : memref<2560xf32, #tpu.memory_space<vmem>>) dst(%dma_wait3A_151 : memref<2560xf32, #tpu.memory_space<vmem_shared>>)
      tpu.yield
    }) : () -> ()
    %mul3A_16 = arith.constant 6256 : i32
    %mul3A_17 = arith.muli %arg1, %mul3A_16 : i32
    %add3A_18 = arith.constant 5120 : i32
    %add3A_19 = arith.addi %mul3A_17, %add3A_18 : i32
    "tpu.region"() ({
      %run_scoped3A = tpu.sem_alloc : memref<!tpu.dma_semaphore, #tpu.memory_space<semaphore_mem>>
      %dma_start3A = arith.constant 0 : i32
      %dma_start3A_143 = tpu.memref_slice %arg12[%dma_start3A] : memref<2560xf32, #tpu.memory_space<vmem>> -> memref<1136xf32, #tpu.memory_space<vmem>>
      %dma_start3A_144 = tpu.memref_slice %arg21[%add3A_19] : memref<100096xf32, #tpu.memory_space<vmem_shared>> -> memref<1136xf32, #tpu.memory_space<vmem_shared>>
      %dma_start3A_145 = tpu.memref_slice %arg21[%add3A_19] : memref<100096xf32, #tpu.memory_space<vmem_shared>> -> memref<1136xf32, #tpu.memory_space<vmem_shared>>
      %dma_start3A_146 = arith.constant 0 : i32
      %dma_start3A_147 = tpu.memref_slice %arg12[%dma_start3A_146] : memref<2560xf32, #tpu.memory_space<vmem>> -> memref<1136xf32, #tpu.memory_space<vmem>>
      tpu.enqueue_dma source(%dma_start3A_147 : memref<1136xf32, #tpu.memory_space<vmem>>) target(%dma_start3A_145 : memref<1136xf32, #tpu.memory_space<vmem_shared>>) target_semaphore(%run_scoped3A : memref<!tpu.dma_semaphore, #tpu.memory_space<semaphore_mem>>)
      %dma_wait3A_148 = arith.constant 0 : i32
      %dma_wait3A_149 = tpu.memref_slice %arg12[%dma_wait3A_148] : memref<2560xf32, #tpu.memory_space<vmem>> -> memref<1136xf32, #tpu.memory_space<vmem>>
      %dma_wait3A_150 = tpu.memref_slice %arg21[%add3A_19] : memref<100096xf32, #tpu.memory_space<vmem_shared>> -> memref<1136xf32, #tpu.memory_space<vmem_shared>>
      %dma_wait3A_151 = tpu.memref_slice %arg21[%add3A_19] : memref<100096xf32, #tpu.memory_space<vmem_shared>> -> memref<1136xf32, #tpu.memory_space<vmem_shared>>
      %dma_wait3A_152 = arith.constant 0 : i32
      %dma_wait3A_153 = tpu.memref_slice %arg12[%dma_wait3A_152] : memref<2560xf32, #tpu.memory_space<vmem>> -> memref<1136xf32, #tpu.memory_space<vmem>>
      tpu.wait_dma2 semaphore(%run_scoped3A : memref<!tpu.dma_semaphore, #tpu.memory_space<semaphore_mem>>) src(%dma_wait3A_153 : memref<1136xf32, #tpu.memory_space<vmem>>) dst(%dma_wait3A_151 : memref<1136xf32, #tpu.memory_space<vmem_shared>>)
      tpu.yield
    }) : () -> ()
    tpu.wait_dma2 semaphore(%arg18 : memref<!tpu.dma_semaphore, #tpu.memory_space<semaphore_mem>>) src(%arg2 : memref<100096xf32, #tpu.memory_space<hbm>>) dst(%arg5 : memref<100096xf32, #tpu.memory_space<vmem>>)
    %sub3A = arith.constant 2500 : i32
    %sub3A_20 = arith.subi %sub3A, %add3A : i32
    %add3A_21 = arith.constant 32 : i32
    %add3A_22 = arith.addi %sub3A_20, %add3A_21 : i32
    %sub3A_23 = arith.constant 1 : i32
    %sub3A_24 = arith.subi %add3A_22, %sub3A_23 : i32
    %jit3A = arith.constant 32 : i32
    %div3A = arith.divsi %sub3A_24, %jit3A : i32
    %sign3A = arith.constant 0 : i32
    %sign3A_25 = arith.cmpi sgt, %sub3A_24, %sign3A : i32
    %sign3A_26 = arith.extui %sign3A_25 : i1 to i32
    %sign3A_27 = arith.constant 0 : i32
    %sign3A_28 = arith.cmpi slt, %sub3A_24, %sign3A_27 : i32
    %sign3A_29 = arith.extui %sign3A_28 : i1 to i32
    %sign3A_30 = arith.subi %sign3A_26, %sign3A_29 : i32
    %sign3A_31 = arith.constant 0 : i32
    %sign3A_32 = arith.cmpi sgt, %jit3A, %sign3A_31 : i32
    %sign3A_33 = arith.extui %sign3A_32 : i1 to i32
    %sign3A_34 = arith.constant 0 : i32
    %sign3A_35 = arith.cmpi slt, %jit3A, %sign3A_34 : i32
    %sign3A_36 = arith.extui %sign3A_35 : i1 to i32
    %sign3A_37 = arith.subi %sign3A_33, %sign3A_36 : i32
    %ne3A = arith.cmpi ne, %sign3A_30, %sign3A_37 : i32
    %rem3A = arith.remsi %sub3A_24, %jit3A : i32
    %ne3A_38 = arith.constant 0 : i32
    %ne3A_39 = arith.cmpi ne, %rem3A, %ne3A_38 : i32
    %and3A = arith.andi %ne3A, %ne3A_39 : i1
    %sub3A_40 = arith.constant 1 : i32
    %sub3A_41 = arith.subi %div3A, %sub3A_40 : i32
    %select_n3A = arith.select %and3A, %sub3A_41, %div3A : i32
    %barrier3A = arith.constant 0 : index
    tpu.barrier barrier_id(%barrier3A)
    %gt3A = arith.constant 0 : i32
    %gt3A_42 = arith.cmpi sgt, %select_n3A, %gt3A : i32
    %convert_element_type3A = arith.extui %gt3A_42 : i1 to i32
    %cond3A = arith.constant 0 : i32
    %cond3A_43 = arith.cmpi ne, %convert_element_type3A, %cond3A : i32
    scf.if %cond3A_43 {
      %add3A_143 = arith.constant 0 : i32
      %add3A_144 = arith.addi %add3A, %add3A_143 : i32
      %mul3A_145 = arith.constant 2560 : i32
      %mul3A_146 = arith.muli %add3A_144, %mul3A_145 : i32
      %dma_start3A = arith.constant 1 : i32
      %dma_start3A_147 = tpu.memref_slice %arg3[%dma_start3A, %mul3A_146] : memref<2x6400000xi32, #tpu.memory_space<hbm>> -> memref<1x2560xi32, #tpu.memory_space<hbm>>
      %dma_start3A_148 = tpu.memref_squeeze %dma_start3A_147 : memref<1x2560xi32, #tpu.memory_space<hbm>> -> memref<2560xi32, #tpu.memory_space<hbm>>
      %dma_start3A_149 = tpu.memref_slice %arg3[%dma_start3A, %mul3A_146] : memref<2x6400000xi32, #tpu.memory_space<hbm>> -> memref<1x2560xi32, #tpu.memory_space<hbm>>
      %dma_start3A_150 = tpu.memref_squeeze %dma_start3A_149 : memref<1x2560xi32, #tpu.memory_space<hbm>> -> memref<2560xi32, #tpu.memory_space<hbm>>
      tpu.enqueue_dma source(%dma_start3A_150 : memref<2560xi32, #tpu.memory_space<hbm>>) target(%arg9 : memref<2560xi32, #tpu.memory_space<vmem>>) target_semaphore(%arg18 : memref<!tpu.dma_semaphore, #tpu.memory_space<semaphore_mem>>)
      %dma_start3A_151 = arith.constant 0 : i32
      %dma_start3A_152 = tpu.memref_slice %arg3[%dma_start3A_151, %mul3A_146] : memref<2x6400000xi32, #tpu.memory_space<hbm>> -> memref<1x2560xi32, #tpu.memory_space<hbm>>
      %dma_start3A_153 = tpu.memref_squeeze %dma_start3A_152 : memref<1x2560xi32, #tpu.memory_space<hbm>> -> memref<2560xi32, #tpu.memory_space<hbm>>
      %dma_start3A_154 = tpu.memref_slice %arg3[%dma_start3A_151, %mul3A_146] : memref<2x6400000xi32, #tpu.memory_space<hbm>> -> memref<1x2560xi32, #tpu.memory_space<hbm>>
      %dma_start3A_155 = tpu.memref_squeeze %dma_start3A_154 : memref<1x2560xi32, #tpu.memory_space<hbm>> -> memref<2560xi32, #tpu.memory_space<hbm>>
      tpu.enqueue_dma source(%dma_start3A_155 : memref<2560xi32, #tpu.memory_space<hbm>>) target(%arg6 : memref<2560xi32, #tpu.memory_space<vmem>>) target_semaphore(%arg18 : memref<!tpu.dma_semaphore, #tpu.memory_space<semaphore_mem>>)
    } else {
    }
    %jit3A_44 = arith.constant 3 : i32
    %div3A_45 = arith.divsi %select_n3A, %jit3A_44 : i32
    %sign3A_46 = arith.constant 0 : i32
    %sign3A_47 = arith.cmpi sgt, %select_n3A, %sign3A_46 : i32
    %sign3A_48 = arith.extui %sign3A_47 : i1 to i32
    %sign3A_49 = arith.constant 0 : i32
    %sign3A_50 = arith.cmpi slt, %select_n3A, %sign3A_49 : i32
    %sign3A_51 = arith.extui %sign3A_50 : i1 to i32
    %sign3A_52 = arith.subi %sign3A_48, %sign3A_51 : i32
    %sign3A_53 = arith.constant 0 : i32
    %sign3A_54 = arith.cmpi sgt, %jit3A_44, %sign3A_53 : i32
    %sign3A_55 = arith.extui %sign3A_54 : i1 to i32
    %sign3A_56 = arith.constant 0 : i32
    %sign3A_57 = arith.cmpi slt, %jit3A_44, %sign3A_56 : i32
    %sign3A_58 = arith.extui %sign3A_57 : i1 to i32
    %sign3A_59 = arith.subi %sign3A_55, %sign3A_58 : i32
    %ne3A_60 = arith.cmpi ne, %sign3A_52, %sign3A_59 : i32
    %rem3A_61 = arith.remsi %select_n3A, %jit3A_44 : i32
    %ne3A_62 = arith.constant 0 : i32
    %ne3A_63 = arith.cmpi ne, %rem3A_61, %ne3A_62 : i32
    %and3A_64 = arith.andi %ne3A_60, %ne3A_63 : i1
    %sub3A_65 = arith.constant 1 : i32
    %sub3A_66 = arith.subi %div3A_45, %sub3A_65 : i32
    %select_n3A_67 = arith.select %and3A_64, %sub3A_66, %div3A_45 : i32
    %while3A = arith.constant 0 : i32
    %while3A_68 = arith.constant 0 : i32
    %while3A_69 = arith.subi %select_n3A_67, %while3A : i32
    %while3A_70 = arith.addi %while3A, %while3A_69 : i32
    %while3A_71 = arith.constant 1 : i32
    %while3A_72 = arith.divsi %while3A_69, %while3A_71 : i32
    %while3A_73 = arith.muli %while3A_72, %while3A_71 : i32
    %while3A_74 = arith.addi %while3A, %while3A_73 : i32
    %while3A_75 = arith.constant 1 : i32
    %while3A_76 = scf.for %while3A_143 = %while3A to %while3A_74 step %while3A_75 iter_args(%while3A_144 = %while3A_68) -> (i32)  : i32 {
      %mul3A_145 = arith.constant 3 : i32
      %mul3A_146 = arith.muli %mul3A_145, %while3A_143 : i32
      %add3A_147 = arith.constant 0 : i32
      %add3A_148 = arith.addi %mul3A_146, %add3A_147 : i32
      %lt3A_149 = arith.cmpi slt, %add3A_148, %select_n3A : i32
      %convert_element_type3A_150 = arith.extui %lt3A_149 : i1 to i32
      %cond3A_151 = arith.constant 0 : i32
      %cond3A_152 = arith.cmpi ne, %convert_element_type3A_150, %cond3A_151 : i32
      scf.if %cond3A_152 {
        %mul3A_170 = arith.constant 32 : i32
        %mul3A_171 = arith.muli %add3A_148, %mul3A_170 : i32
        %add3A_172 = arith.addi %add3A, %mul3A_171 : i32
        %mul3A_173 = arith.constant 2560 : i32
        %mul3A_174 = arith.muli %add3A_172, %mul3A_173 : i32
        %dma_wait3A_175 = arith.constant 1 : i32
        %dma_wait3A_176 = tpu.memref_slice %arg3[%dma_wait3A_175, %mul3A_174] : memref<2x6400000xi32, #tpu.memory_space<hbm>> -> memref<1x2560xi32, #tpu.memory_space<hbm>>
        %dma_wait3A_177 = tpu.memref_squeeze %dma_wait3A_176 : memref<1x2560xi32, #tpu.memory_space<hbm>> -> memref<2560xi32, #tpu.memory_space<hbm>>
        %dma_wait3A_178 = tpu.memref_slice %arg3[%dma_wait3A_175, %mul3A_174] : memref<2x6400000xi32, #tpu.memory_space<hbm>> -> memref<1x2560xi32, #tpu.memory_space<hbm>>
        %dma_wait3A_179 = tpu.memref_squeeze %dma_wait3A_178 : memref<1x2560xi32, #tpu.memory_space<hbm>> -> memref<2560xi32, #tpu.memory_space<hbm>>
        tpu.wait_dma2 semaphore(%arg18 : memref<!tpu.dma_semaphore, #tpu.memory_space<semaphore_mem>>) src(%dma_wait3A_179 : memref<2560xi32, #tpu.memory_space<hbm>>) dst(%arg9 : memref<2560xi32, #tpu.memory_space<vmem>>)
        %dma_wait3A_180 = arith.constant 0 : i32
        %dma_wait3A_181 = tpu.memref_slice %arg3[%dma_wait3A_180, %mul3A_174] : memref<2x6400000xi32, #tpu.memory_space<hbm>> -> memref<1x2560xi32, #tpu.memory_space<hbm>>
        %dma_wait3A_182 = tpu.memref_squeeze %dma_wait3A_181 : memref<1x2560xi32, #tpu.memory_space<hbm>> -> memref<2560xi32, #tpu.memory_space<hbm>>
        %dma_wait3A_183 = tpu.memref_slice %arg3[%dma_wait3A_180, %mul3A_174] : memref<2x6400000xi32, #tpu.memory_space<hbm>> -> memref<1x2560xi32, #tpu.memory_space<hbm>>
        %dma_wait3A_184 = tpu.memref_squeeze %dma_wait3A_183 : memref<1x2560xi32, #tpu.memory_space<hbm>> -> memref<2560xi32, #tpu.memory_space<hbm>>
        tpu.wait_dma2 semaphore(%arg18 : memref<!tpu.dma_semaphore, #tpu.memory_space<semaphore_mem>>) src(%dma_wait3A_184 : memref<2560xi32, #tpu.memory_space<hbm>>) dst(%arg6 : memref<2560xi32, #tpu.memory_space<vmem>>)
        %add3A_185 = arith.constant 1 : i32
        %add3A_186 = arith.addi %add3A_148, %add3A_185 : i32
        %lt3A_187 = arith.cmpi slt, %add3A_186, %select_n3A : i32
        %convert_element_type3A_188 = arith.extui %lt3A_187 : i1 to i32
        %cond3A_189 = arith.constant 0 : i32
        %cond3A_190 = arith.cmpi ne, %convert_element_type3A_188, %cond3A_189 : i32
        scf.if %cond3A_190 {
          %ge3A = arith.constant 3 : i32
          %ge3A_194 = arith.cmpi sge, %add3A_186, %ge3A : i32
          %convert_element_type3A_195 = arith.extui %ge3A_194 : i1 to i32
          %cond3A_196 = arith.constant 0 : i32
          %cond3A_197 = arith.cmpi ne, %convert_element_type3A_195, %cond3A_196 : i32
          scf.if %cond3A_197 {
            %dma_wait3A_213 = arith.constant 0 : i32
            %dma_wait3A_214 = tpu.memref_slice %arg21[%dma_wait3A_213] : memref<100096xf32, #tpu.memory_space<vmem_shared>> -> memref<100096xf32, #tpu.memory_space<vmem_shared>>
            tpu.wait_indirect_dma semaphore(%arg16 : memref<!tpu.dma_semaphore, #tpu.memory_space<semaphore_mem>>) src(%arg13 : memref<2560xf32, #tpu.memory_space<vmem>>) dst(%dma_wait3A_214 : memref<100096xf32, #tpu.memory_space<vmem_shared>>)
          } else {
          }
          %mul3A_198 = arith.constant 32 : i32
          %mul3A_199 = arith.muli %add3A_186, %mul3A_198 : i32
          %add3A_200 = arith.addi %add3A, %mul3A_199 : i32
          %mul3A_201 = arith.constant 2560 : i32
          %mul3A_202 = arith.muli %add3A_200, %mul3A_201 : i32
          %dma_start3A_203 = arith.constant 1 : i32
          %dma_start3A_204 = tpu.memref_slice %arg3[%dma_start3A_203, %mul3A_202] : memref<2x6400000xi32, #tpu.memory_space<hbm>> -> memref<1x2560xi32, #tpu.memory_space<hbm>>
          %dma_start3A_205 = tpu.memref_squeeze %dma_start3A_204 : memref<1x2560xi32, #tpu.memory_space<hbm>> -> memref<2560xi32, #tpu.memory_space<hbm>>
          %dma_start3A_206 = tpu.memref_slice %arg3[%dma_start3A_203, %mul3A_202] : memref<2x6400000xi32, #tpu.memory_space<hbm>> -> memref<1x2560xi32, #tpu.memory_space<hbm>>
          %dma_start3A_207 = tpu.memref_squeeze %dma_start3A_206 : memref<1x2560xi32, #tpu.memory_space<hbm>> -> memref<2560xi32, #tpu.memory_space<hbm>>
          tpu.enqueue_dma source(%dma_start3A_207 : memref<2560xi32, #tpu.memory_space<hbm>>) target(%arg10 : memref<2560xi32, #tpu.memory_space<vmem>>) target_semaphore(%arg19 : memref<!tpu.dma_semaphore, #tpu.memory_space<semaphore_mem>>)
          %dma_start3A_208 = arith.constant 0 : i32
          %dma_start3A_209 = tpu.memref_slice %arg3[%dma_start3A_208, %mul3A_202] : memref<2x6400000xi32, #tpu.memory_space<hbm>> -> memref<1x2560xi32, #tpu.memory_space<hbm>>
          %dma_start3A_210 = tpu.memref_squeeze %dma_start3A_209 : memref<1x2560xi32, #tpu.memory_space<hbm>> -> memref<2560xi32, #tpu.memory_space<hbm>>
          %dma_start3A_211 = tpu.memref_slice %arg3[%dma_start3A_208, %mul3A_202] : memref<2x6400000xi32, #tpu.memory_space<hbm>> -> memref<1x2560xi32, #tpu.memory_space<hbm>>
          %dma_start3A_212 = tpu.memref_squeeze %dma_start3A_211 : memref<1x2560xi32, #tpu.memory_space<hbm>> -> memref<2560xi32, #tpu.memory_space<hbm>>
          tpu.enqueue_dma source(%dma_start3A_212 : memref<2560xi32, #tpu.memory_space<hbm>>) target(%arg7 : memref<2560xi32, #tpu.memory_space<vmem>>) target_semaphore(%arg19 : memref<!tpu.dma_semaphore, #tpu.memory_space<semaphore_mem>>)
        } else {
        }
        %parallel_loop3A = arith.constant 0 : i32
        %parallel_loop3A_191 = arith.constant 160 : i32
        %parallel_loop3A_192 = arith.constant 1 : i32
        scf.for %parallel_loop3A_194 = %parallel_loop3A to %parallel_loop3A_191 step %parallel_loop3A_192  : i32 {
          %parallel_loop3A_195 = arith.constant 16 : i32
          %parallel_loop3A_196 = arith.muli %parallel_loop3A_194, %parallel_loop3A_195 : i32
          %parallel_loop3A_197 = arith.index_cast %parallel_loop3A_196 : i32 to index
          %parallel_loop3A_198 = tpu.vector_load %arg6[%parallel_loop3A_197] {strides = array<i32>} : memref<2560xi32, #tpu.memory_space<vmem>>, vector<16xi32>,
          %parallel_loop3A_199 = tpu.vector_load_idx %arg5[%parallel_loop3A_198] : memref<100096xf32, #tpu.memory_space<vmem>>[vector<16xi32>], vector<16xf32>,
          %parallel_loop3A_200 = arith.constant 16 : i32
          %parallel_loop3A_201 = arith.muli %parallel_loop3A_194, %parallel_loop3A_200 : i32
          %parallel_loop3A_202 = arith.index_cast %parallel_loop3A_201 : i32 to index
          %parallel_loop3A_203 = tpu.vector_load %arg12[%parallel_loop3A_202] {strides = array<i32>} : memref<2560xf32, #tpu.memory_space<vmem>>, vector<16xf32>,
          tpu.vector_store %arg12[%parallel_loop3A_202], %parallel_loop3A_199 {strides = array<i32>} : memref<2560xf32, #tpu.memory_space<vmem>>, vector<16xf32>,
        } {sc.loop_unroll_factor = 8 : i64, sc.parallel_access}
        %dma_start3A = arith.constant 0 : i32
        %dma_start3A_193 = tpu.memref_slice %arg21[%dma_start3A] : memref<100096xf32, #tpu.memory_space<vmem_shared>> -> memref<100096xf32, #tpu.memory_space<vmem_shared>>
        tpu.enqueue_indirect_dma source(%arg12 : memref<2560xf32, #tpu.memory_space<vmem>>) target(%dma_start3A_193 : memref<100096xf32, #tpu.memory_space<vmem_shared>>) offsets(%arg9 : memref<2560xi32, #tpu.memory_space<vmem>>) semaphore(%arg15 : memref<!tpu.dma_semaphore, #tpu.memory_space<semaphore_mem>>) {add = true}
      } else {
      }
      %mul3A_153 = arith.constant 3 : i32
      %mul3A_154 = arith.muli %mul3A_153, %while3A_143 : i32
      %add3A_155 = arith.constant 1 : i32
      %add3A_156 = arith.addi %mul3A_154, %add3A_155 : i32
      %lt3A_157 = arith.cmpi slt, %add3A_156, %select_n3A : i32
      %convert_element_type3A_158 = arith.extui %lt3A_157 : i1 to i32
      %cond3A_159 = arith.constant 0 : i32
      %cond3A_160 = arith.cmpi ne, %convert_element_type3A_158, %cond3A_159 : i32
      scf.if %cond3A_160 {
        %mul3A_170 = arith.constant 32 : i32
        %mul3A_171 = arith.muli %add3A_156, %mul3A_170 : i32
        %add3A_172 = arith.addi %add3A, %mul3A_171 : i32
        %mul3A_173 = arith.constant 2560 : i32
        %mul3A_174 = arith.muli %add3A_172, %mul3A_173 : i32
        %dma_wait3A_175 = arith.constant 1 : i32
        %dma_wait3A_176 = tpu.memref_slice %arg3[%dma_wait3A_175, %mul3A_174] : memref<2x6400000xi32, #tpu.memory_space<hbm>> -> memref<1x2560xi32, #tpu.memory_space<hbm>>
        %dma_wait3A_177 = tpu.memref_squeeze %dma_wait3A_176 : memref<1x2560xi32, #tpu.memory_space<hbm>> -> memref<2560xi32, #tpu.memory_space<hbm>>
        %dma_wait3A_178 = tpu.memref_slice %arg3[%dma_wait3A_175, %mul3A_174] : memref<2x6400000xi32, #tpu.memory_space<hbm>> -> memref<1x2560xi32, #tpu.memory_space<hbm>>
        %dma_wait3A_179 = tpu.memref_squeeze %dma_wait3A_178 : memref<1x2560xi32, #tpu.memory_space<hbm>> -> memref<2560xi32, #tpu.memory_space<hbm>>
        tpu.wait_dma2 semaphore(%arg19 : memref<!tpu.dma_semaphore, #tpu.memory_space<semaphore_mem>>) src(%dma_wait3A_179 : memref<2560xi32, #tpu.memory_space<hbm>>) dst(%arg10 : memref<2560xi32, #tpu.memory_space<vmem>>)
        %dma_wait3A_180 = arith.constant 0 : i32
        %dma_wait3A_181 = tpu.memref_slice %arg3[%dma_wait3A_180, %mul3A_174] : memref<2x6400000xi32, #tpu.memory_space<hbm>> -> memref<1x2560xi32, #tpu.memory_space<hbm>>
        %dma_wait3A_182 = tpu.memref_squeeze %dma_wait3A_181 : memref<1x2560xi32, #tpu.memory_space<hbm>> -> memref<2560xi32, #tpu.memory_space<hbm>>
        %dma_wait3A_183 = tpu.memref_slice %arg3[%dma_wait3A_180, %mul3A_174] : memref<2x6400000xi32, #tpu.memory_space<hbm>> -> memref<1x2560xi32, #tpu.memory_space<hbm>>
        %dma_wait3A_184 = tpu.memref_squeeze %dma_wait3A_183 : memref<1x2560xi32, #tpu.memory_space<hbm>> -> memref<2560xi32, #tpu.memory_space<hbm>>
        tpu.wait_dma2 semaphore(%arg19 : memref<!tpu.dma_semaphore, #tpu.memory_space<semaphore_mem>>) src(%dma_wait3A_184 : memref<2560xi32, #tpu.memory_space<hbm>>) dst(%arg7 : memref<2560xi32, #tpu.memory_space<vmem>>)
        %add3A_185 = arith.constant 1 : i32
        %add3A_186 = arith.addi %add3A_156, %add3A_185 : i32
        %lt3A_187 = arith.cmpi slt, %add3A_186, %select_n3A : i32
        %convert_element_type3A_188 = arith.extui %lt3A_187 : i1 to i32
        %cond3A_189 = arith.constant 0 : i32
        %cond3A_190 = arith.cmpi ne, %convert_element_type3A_188, %cond3A_189 : i32
        scf.if %cond3A_190 {
          %ge3A = arith.constant 3 : i32
          %ge3A_194 = arith.cmpi sge, %add3A_186, %ge3A : i32
          %convert_element_type3A_195 = arith.extui %ge3A_194 : i1 to i32
          %cond3A_196 = arith.constant 0 : i32
          %cond3A_197 = arith.cmpi ne, %convert_element_type3A_195, %cond3A_196 : i32
          scf.if %cond3A_197 {
            %dma_wait3A_213 = arith.constant 0 : i32
            %dma_wait3A_214 = tpu.memref_slice %arg21[%dma_wait3A_213] : memref<100096xf32, #tpu.memory_space<vmem_shared>> -> memref<100096xf32, #tpu.memory_space<vmem_shared>>
            tpu.wait_indirect_dma semaphore(%arg17 : memref<!tpu.dma_semaphore, #tpu.memory_space<semaphore_mem>>) src(%arg14 : memref<2560xf32, #tpu.memory_space<vmem>>) dst(%dma_wait3A_214 : memref<100096xf32, #tpu.memory_space<vmem_shared>>)
          } else {
          }
          %mul3A_198 = arith.constant 32 : i32
          %mul3A_199 = arith.muli %add3A_186, %mul3A_198 : i32
          %add3A_200 = arith.addi %add3A, %mul3A_199 : i32
          %mul3A_201 = arith.constant 2560 : i32
          %mul3A_202 = arith.muli %add3A_200, %mul3A_201 : i32
          %dma_start3A_203 = arith.constant 1 : i32
          %dma_start3A_204 = tpu.memref_slice %arg3[%dma_start3A_203, %mul3A_202] : memref<2x6400000xi32, #tpu.memory_space<hbm>> -> memref<1x2560xi32, #tpu.memory_space<hbm>>
          %dma_start3A_205 = tpu.memref_squeeze %dma_start3A_204 : memref<1x2560xi32, #tpu.memory_space<hbm>> -> memref<2560xi32, #tpu.memory_space<hbm>>
          %dma_start3A_206 = tpu.memref_slice %arg3[%dma_start3A_203, %mul3A_202] : memref<2x6400000xi32, #tpu.memory_space<hbm>> -> memref<1x2560xi32, #tpu.memory_space<hbm>>
          %dma_start3A_207 = tpu.memref_squeeze %dma_start3A_206 : memref<1x2560xi32, #tpu.memory_space<hbm>> -> memref<2560xi32, #tpu.memory_space<hbm>>
          tpu.enqueue_dma source(%dma_start3A_207 : memref<2560xi32, #tpu.memory_space<hbm>>) target(%arg11 : memref<2560xi32, #tpu.memory_space<vmem>>) target_semaphore(%arg20 : memref<!tpu.dma_semaphore, #tpu.memory_space<semaphore_mem>>)
          %dma_start3A_208 = arith.constant 0 : i32
          %dma_start3A_209 = tpu.memref_slice %arg3[%dma_start3A_208, %mul3A_202] : memref<2x6400000xi32, #tpu.memory_space<hbm>> -> memref<1x2560xi32, #tpu.memory_space<hbm>>
          %dma_start3A_210 = tpu.memref_squeeze %dma_start3A_209 : memref<1x2560xi32, #tpu.memory_space<hbm>> -> memref<2560xi32, #tpu.memory_space<hbm>>
          %dma_start3A_211 = tpu.memref_slice %arg3[%dma_start3A_208, %mul3A_202] : memref<2x6400000xi32, #tpu.memory_space<hbm>> -> memref<1x2560xi32, #tpu.memory_space<hbm>>
          %dma_start3A_212 = tpu.memref_squeeze %dma_start3A_211 : memref<1x2560xi32, #tpu.memory_space<hbm>> -> memref<2560xi32, #tpu.memory_space<hbm>>
          tpu.enqueue_dma source(%dma_start3A_212 : memref<2560xi32, #tpu.memory_space<hbm>>) target(%arg8 : memref<2560xi32, #tpu.memory_space<vmem>>) target_semaphore(%arg20 : memref<!tpu.dma_semaphore, #tpu.memory_space<semaphore_mem>>)
        } else {
        }
        %parallel_loop3A = arith.constant 0 : i32
        %parallel_loop3A_191 = arith.constant 160 : i32
        %parallel_loop3A_192 = arith.constant 1 : i32
        scf.for %parallel_loop3A_194 = %parallel_loop3A to %parallel_loop3A_191 step %parallel_loop3A_192  : i32 {
          %parallel_loop3A_195 = arith.constant 16 : i32
          %parallel_loop3A_196 = arith.muli %parallel_loop3A_194, %parallel_loop3A_195 : i32
          %parallel_loop3A_197 = arith.index_cast %parallel_loop3A_196 : i32 to index
          %parallel_loop3A_198 = tpu.vector_load %arg7[%parallel_loop3A_197] {strides = array<i32>} : memref<2560xi32, #tpu.memory_space<vmem>>, vector<16xi32>,
          %parallel_loop3A_199 = tpu.vector_load_idx %arg5[%parallel_loop3A_198] : memref<100096xf32, #tpu.memory_space<vmem>>[vector<16xi32>], vector<16xf32>,
          %parallel_loop3A_200 = arith.constant 16 : i32
          %parallel_loop3A_201 = arith.muli %parallel_loop3A_194, %parallel_loop3A_200 : i32
          %parallel_loop3A_202 = arith.index_cast %parallel_loop3A_201 : i32 to index
          %parallel_loop3A_203 = tpu.vector_load %arg13[%parallel_loop3A_202] {strides = array<i32>} : memref<2560xf32, #tpu.memory_space<vmem>>, vector<16xf32>,
          tpu.vector_store %arg13[%parallel_loop3A_202], %parallel_loop3A_199 {strides = array<i32>} : memref<2560xf32, #tpu.memory_space<vmem>>, vector<16xf32>,
        } {sc.loop_unroll_factor = 8 : i64, sc.parallel_access}
        %dma_start3A = arith.constant 0 : i32
        %dma_start3A_193 = tpu.memref_slice %arg21[%dma_start3A] : memref<100096xf32, #tpu.memory_space<vmem_shared>> -> memref<100096xf32, #tpu.memory_space<vmem_shared>>
        tpu.enqueue_indirect_dma source(%arg13 : memref<2560xf32, #tpu.memory_space<vmem>>) target(%dma_start3A_193 : memref<100096xf32, #tpu.memory_space<vmem_shared>>) offsets(%arg10 : memref<2560xi32, #tpu.memory_space<vmem>>) semaphore(%arg16 : memref<!tpu.dma_semaphore, #tpu.memory_space<semaphore_mem>>) {add = true}
      } else {
      }
      %mul3A_161 = arith.constant 3 : i32
      %mul3A_162 = arith.muli %mul3A_161, %while3A_143 : i32
      %add3A_163 = arith.constant 2 : i32
      %add3A_164 = arith.addi %mul3A_162, %add3A_163 : i32
      %lt3A_165 = arith.cmpi slt, %add3A_164, %select_n3A : i32
      %convert_element_type3A_166 = arith.extui %lt3A_165 : i1 to i32
      %cond3A_167 = arith.constant 0 : i32
      %cond3A_168 = arith.cmpi ne, %convert_element_type3A_166, %cond3A_167 : i32
      scf.if %cond3A_168 {
        %mul3A_170 = arith.constant 32 : i32
        %mul3A_171 = arith.muli %add3A_164, %mul3A_170 : i32
        %add3A_172 = arith.addi %add3A, %mul3A_171 : i32
        %mul3A_173 = arith.constant 2560 : i32
        %mul3A_174 = arith.muli %add3A_172, %mul3A_173 : i32
        %dma_wait3A_175 = arith.constant 1 : i32
        %dma_wait3A_176 = tpu.memref_slice %arg3[%dma_wait3A_175, %mul3A_174] : memref<2x6400000xi32, #tpu.memory_space<hbm>> -> memref<1x2560xi32, #tpu.memory_space<hbm>>
        %dma_wait3A_177 = tpu.memref_squeeze %dma_wait3A_176 : memref<1x2560xi32, #tpu.memory_space<hbm>> -> memref<2560xi32, #tpu.memory_space<hbm>>
        %dma_wait3A_178 = tpu.memref_slice %arg3[%dma_wait3A_175, %mul3A_174] : memref<2x6400000xi32, #tpu.memory_space<hbm>> -> memref<1x2560xi32, #tpu.memory_space<hbm>>
        %dma_wait3A_179 = tpu.memref_squeeze %dma_wait3A_178 : memref<1x2560xi32, #tpu.memory_space<hbm>> -> memref<2560xi32, #tpu.memory_space<hbm>>
        tpu.wait_dma2 semaphore(%arg20 : memref<!tpu.dma_semaphore, #tpu.memory_space<semaphore_mem>>) src(%dma_wait3A_179 : memref<2560xi32, #tpu.memory_space<hbm>>) dst(%arg11 : memref<2560xi32, #tpu.memory_space<vmem>>)
        %dma_wait3A_180 = arith.constant 0 : i32
        %dma_wait3A_181 = tpu.memref_slice %arg3[%dma_wait3A_180, %mul3A_174] : memref<2x6400000xi32, #tpu.memory_space<hbm>> -> memref<1x2560xi32, #tpu.memory_space<hbm>>
        %dma_wait3A_182 = tpu.memref_squeeze %dma_wait3A_181 : memref<1x2560xi32, #tpu.memory_space<hbm>> -> memref<2560xi32, #tpu.memory_space<hbm>>
        %dma_wait3A_183 = tpu.memref_slice %arg3[%dma_wait3A_180, %mul3A_174] : memref<2x6400000xi32, #tpu.memory_space<hbm>> -> memref<1x2560xi32, #tpu.memory_space<hbm>>
        %dma_wait3A_184 = tpu.memref_squeeze %dma_wait3A_183 : memref<1x2560xi32, #tpu.memory_space<hbm>> -> memref<2560xi32, #tpu.memory_space<hbm>>
        tpu.wait_dma2 semaphore(%arg20 : memref<!tpu.dma_semaphore, #tpu.memory_space<semaphore_mem>>) src(%dma_wait3A_184 : memref<2560xi32, #tpu.memory_space<hbm>>) dst(%arg8 : memref<2560xi32, #tpu.memory_space<vmem>>)
        %add3A_185 = arith.constant 1 : i32
        %add3A_186 = arith.addi %add3A_164, %add3A_185 : i32
        %lt3A_187 = arith.cmpi slt, %add3A_186, %select_n3A : i32
        %convert_element_type3A_188 = arith.extui %lt3A_187 : i1 to i32
        %cond3A_189 = arith.constant 0 : i32
        %cond3A_190 = arith.cmpi ne, %convert_element_type3A_188, %cond3A_189 : i32
        scf.if %cond3A_190 {
          %ge3A = arith.constant 3 : i32
          %ge3A_194 = arith.cmpi sge, %add3A_186, %ge3A : i32
          %convert_element_type3A_195 = arith.extui %ge3A_194 : i1 to i32
          %cond3A_196 = arith.constant 0 : i32
          %cond3A_197 = arith.cmpi ne, %convert_element_type3A_195, %cond3A_196 : i32
          scf.if %cond3A_197 {
            %dma_wait3A_213 = arith.constant 0 : i32
            %dma_wait3A_214 = tpu.memref_slice %arg21[%dma_wait3A_213] : memref<100096xf32, #tpu.memory_space<vmem_shared>> -> memref<100096xf32, #tpu.memory_space<vmem_shared>>
            tpu.wait_indirect_dma semaphore(%arg15 : memref<!tpu.dma_semaphore, #tpu.memory_space<semaphore_mem>>) src(%arg12 : memref<2560xf32, #tpu.memory_space<vmem>>) dst(%dma_wait3A_214 : memref<100096xf32, #tpu.memory_space<vmem_shared>>)
          } else {
          }
          %mul3A_198 = arith.constant 32 : i32
          %mul3A_199 = arith.muli %add3A_186, %mul3A_198 : i32
          %add3A_200 = arith.addi %add3A, %mul3A_199 : i32
          %mul3A_201 = arith.constant 2560 : i32
          %mul3A_202 = arith.muli %add3A_200, %mul3A_201 : i32
          %dma_start3A_203 = arith.constant 1 : i32
          %dma_start3A_204 = tpu.memref_slice %arg3[%dma_start3A_203, %mul3A_202] : memref<2x6400000xi32, #tpu.memory_space<hbm>> -> memref<1x2560xi32, #tpu.memory_space<hbm>>
          %dma_start3A_205 = tpu.memref_squeeze %dma_start3A_204 : memref<1x2560xi32, #tpu.memory_space<hbm>> -> memref<2560xi32, #tpu.memory_space<hbm>>
          %dma_start3A_206 = tpu.memref_slice %arg3[%dma_start3A_203, %mul3A_202] : memref<2x6400000xi32, #tpu.memory_space<hbm>> -> memref<1x2560xi32, #tpu.memory_space<hbm>>
          %dma_start3A_207 = tpu.memref_squeeze %dma_start3A_206 : memref<1x2560xi32, #tpu.memory_space<hbm>> -> memref<2560xi32, #tpu.memory_space<hbm>>
          tpu.enqueue_dma source(%dma_start3A_207 : memref<2560xi32, #tpu.memory_space<hbm>>) target(%arg9 : memref<2560xi32, #tpu.memory_space<vmem>>) target_semaphore(%arg18 : memref<!tpu.dma_semaphore, #tpu.memory_space<semaphore_mem>>)
          %dma_start3A_208 = arith.constant 0 : i32
          %dma_start3A_209 = tpu.memref_slice %arg3[%dma_start3A_208, %mul3A_202] : memref<2x6400000xi32, #tpu.memory_space<hbm>> -> memref<1x2560xi32, #tpu.memory_space<hbm>>
          %dma_start3A_210 = tpu.memref_squeeze %dma_start3A_209 : memref<1x2560xi32, #tpu.memory_space<hbm>> -> memref<2560xi32, #tpu.memory_space<hbm>>
          %dma_start3A_211 = tpu.memref_slice %arg3[%dma_start3A_208, %mul3A_202] : memref<2x6400000xi32, #tpu.memory_space<hbm>> -> memref<1x2560xi32, #tpu.memory_space<hbm>>
          %dma_start3A_212 = tpu.memref_squeeze %dma_start3A_211 : memref<1x2560xi32, #tpu.memory_space<hbm>> -> memref<2560xi32, #tpu.memory_space<hbm>>
          tpu.enqueue_dma source(%dma_start3A_212 : memref<2560xi32, #tpu.memory_space<hbm>>) target(%arg6 : memref<2560xi32, #tpu.memory_space<vmem>>) target_semaphore(%arg18 : memref<!tpu.dma_semaphore, #tpu.memory_space<semaphore_mem>>)
        } else {
        }
        %parallel_loop3A = arith.constant 0 : i32
        %parallel_loop3A_191 = arith.constant 160 : i32
        %parallel_loop3A_192 = arith.constant 1 : i32
        scf.for %parallel_loop3A_194 = %parallel_loop3A to %parallel_loop3A_191 step %parallel_loop3A_192  : i32 {
          %parallel_loop3A_195 = arith.constant 16 : i32
          %parallel_loop3A_196 = arith.muli %parallel_loop3A_194, %parallel_loop3A_195 : i32
          %parallel_loop3A_197 = arith.index_cast %parallel_loop3A_196 : i32 to index
          %parallel_loop3A_198 = tpu.vector_load %arg8[%parallel_loop3A_197] {strides = array<i32>} : memref<2560xi32, #tpu.memory_space<vmem>>, vector<16xi32>,
          %parallel_loop3A_199 = tpu.vector_load_idx %arg5[%parallel_loop3A_198] : memref<100096xf32, #tpu.memory_space<vmem>>[vector<16xi32>], vector<16xf32>,
          %parallel_loop3A_200 = arith.constant 16 : i32
          %parallel_loop3A_201 = arith.muli %parallel_loop3A_194, %parallel_loop3A_200 : i32
          %parallel_loop3A_202 = arith.index_cast %parallel_loop3A_201 : i32 to index
          %parallel_loop3A_203 = tpu.vector_load %arg14[%parallel_loop3A_202] {strides = array<i32>} : memref<2560xf32, #tpu.memory_space<vmem>>, vector<16xf32>,
          tpu.vector_store %arg14[%parallel_loop3A_202], %parallel_loop3A_199 {strides = array<i32>} : memref<2560xf32, #tpu.memory_space<vmem>>, vector<16xf32>,
        } {sc.loop_unroll_factor = 8 : i64, sc.parallel_access}
        %dma_start3A = arith.constant 0 : i32
        %dma_start3A_193 = tpu.memref_slice %arg21[%dma_start3A] : memref<100096xf32, #tpu.memory_space<vmem_shared>> -> memref<100096xf32, #tpu.memory_space<vmem_shared>>
        tpu.enqueue_indirect_dma source(%arg14 : memref<2560xf32, #tpu.memory_space<vmem>>) target(%dma_start3A_193 : memref<100096xf32, #tpu.memory_space<vmem_shared>>) offsets(%arg11 : memref<2560xi32, #tpu.memory_space<vmem>>) semaphore(%arg17 : memref<!tpu.dma_semaphore, #tpu.memory_space<semaphore_mem>>) {add = true}
      } else {
      }
      %while3A_169 = arith.constant 0 : i32
      scf.yield %while3A_169 : i32
    }
    %while3A_77 = arith.constant 1 : i32
    %while3A_78 = scf.for %while3A_143 = %while3A_74 to %while3A_70 step %while3A_77 iter_args(%while3A_144 = %while3A_76) -> (i32)  : i32 {
      %mul3A_145 = arith.constant 3 : i32
      %mul3A_146 = arith.muli %mul3A_145, %while3A_143 : i32
      %add3A_147 = arith.constant 0 : i32
      %add3A_148 = arith.addi %mul3A_146, %add3A_147 : i32
      %lt3A_149 = arith.cmpi slt, %add3A_148, %select_n3A : i32
      %convert_element_type3A_150 = arith.extui %lt3A_149 : i1 to i32
      %cond3A_151 = arith.constant 0 : i32
      %cond3A_152 = arith.cmpi ne, %convert_element_type3A_150, %cond3A_151 : i32
      scf.if %cond3A_152 {
        %mul3A_170 = arith.constant 32 : i32
        %mul3A_171 = arith.muli %add3A_148, %mul3A_170 : i32
        %add3A_172 = arith.addi %add3A, %mul3A_171 : i32
        %mul3A_173 = arith.constant 2560 : i32
        %mul3A_174 = arith.muli %add3A_172, %mul3A_173 : i32
        %dma_wait3A_175 = arith.constant 1 : i32
        %dma_wait3A_176 = tpu.memref_slice %arg3[%dma_wait3A_175, %mul3A_174] : memref<2x6400000xi32, #tpu.memory_space<hbm>> -> memref<1x2560xi32, #tpu.memory_space<hbm>>
        %dma_wait3A_177 = tpu.memref_squeeze %dma_wait3A_176 : memref<1x2560xi32, #tpu.memory_space<hbm>> -> memref<2560xi32, #tpu.memory_space<hbm>>
        %dma_wait3A_178 = tpu.memref_slice %arg3[%dma_wait3A_175, %mul3A_174] : memref<2x6400000xi32, #tpu.memory_space<hbm>> -> memref<1x2560xi32, #tpu.memory_space<hbm>>
        %dma_wait3A_179 = tpu.memref_squeeze %dma_wait3A_178 : memref<1x2560xi32, #tpu.memory_space<hbm>> -> memref<2560xi32, #tpu.memory_space<hbm>>
        tpu.wait_dma2 semaphore(%arg18 : memref<!tpu.dma_semaphore, #tpu.memory_space<semaphore_mem>>) src(%dma_wait3A_179 : memref<2560xi32, #tpu.memory_space<hbm>>) dst(%arg9 : memref<2560xi32, #tpu.memory_space<vmem>>)
        %dma_wait3A_180 = arith.constant 0 : i32
        %dma_wait3A_181 = tpu.memref_slice %arg3[%dma_wait3A_180, %mul3A_174] : memref<2x6400000xi32, #tpu.memory_space<hbm>> -> memref<1x2560xi32, #tpu.memory_space<hbm>>
        %dma_wait3A_182 = tpu.memref_squeeze %dma_wait3A_181 : memref<1x2560xi32, #tpu.memory_space<hbm>> -> memref<2560xi32, #tpu.memory_space<hbm>>
        %dma_wait3A_183 = tpu.memref_slice %arg3[%dma_wait3A_180, %mul3A_174] : memref<2x6400000xi32, #tpu.memory_space<hbm>> -> memref<1x2560xi32, #tpu.memory_space<hbm>>
        %dma_wait3A_184 = tpu.memref_squeeze %dma_wait3A_183 : memref<1x2560xi32, #tpu.memory_space<hbm>> -> memref<2560xi32, #tpu.memory_space<hbm>>
        tpu.wait_dma2 semaphore(%arg18 : memref<!tpu.dma_semaphore, #tpu.memory_space<semaphore_mem>>) src(%dma_wait3A_184 : memref<2560xi32, #tpu.memory_space<hbm>>) dst(%arg6 : memref<2560xi32, #tpu.memory_space<vmem>>)
        %add3A_185 = arith.constant 1 : i32
        %add3A_186 = arith.addi %add3A_148, %add3A_185 : i32
        %lt3A_187 = arith.cmpi slt, %add3A_186, %select_n3A : i32
        %convert_element_type3A_188 = arith.extui %lt3A_187 : i1 to i32
        %cond3A_189 = arith.constant 0 : i32
        %cond3A_190 = arith.cmpi ne, %convert_element_type3A_188, %cond3A_189 : i32
        scf.if %cond3A_190 {
          %ge3A = arith.constant 3 : i32
          %ge3A_194 = arith.cmpi sge, %add3A_186, %ge3A : i32
          %convert_element_type3A_195 = arith.extui %ge3A_194 : i1 to i32
          %cond3A_196 = arith.constant 0 : i32
          %cond3A_197 = arith.cmpi ne, %convert_element_type3A_195, %cond3A_196 : i32
          scf.if %cond3A_197 {
            %dma_wait3A_213 = arith.constant 0 : i32
            %dma_wait3A_214 = tpu.memref_slice %arg21[%dma_wait3A_213] : memref<100096xf32, #tpu.memory_space<vmem_shared>> -> memref<100096xf32, #tpu.memory_space<vmem_shared>>
            tpu.wait_indirect_dma semaphore(%arg16 : memref<!tpu.dma_semaphore, #tpu.memory_space<semaphore_mem>>) src(%arg13 : memref<2560xf32, #tpu.memory_space<vmem>>) dst(%dma_wait3A_214 : memref<100096xf32, #tpu.memory_space<vmem_shared>>)
          } else {
          }
          %mul3A_198 = arith.constant 32 : i32
          %mul3A_199 = arith.muli %add3A_186, %mul3A_198 : i32
          %add3A_200 = arith.addi %add3A, %mul3A_199 : i32
          %mul3A_201 = arith.constant 2560 : i32
          %mul3A_202 = arith.muli %add3A_200, %mul3A_201 : i32
          %dma_start3A_203 = arith.constant 1 : i32
          %dma_start3A_204 = tpu.memref_slice %arg3[%dma_start3A_203, %mul3A_202] : memref<2x6400000xi32, #tpu.memory_space<hbm>> -> memref<1x2560xi32, #tpu.memory_space<hbm>>
          %dma_start3A_205 = tpu.memref_squeeze %dma_start3A_204 : memref<1x2560xi32, #tpu.memory_space<hbm>> -> memref<2560xi32, #tpu.memory_space<hbm>>
          %dma_start3A_206 = tpu.memref_slice %arg3[%dma_start3A_203, %mul3A_202] : memref<2x6400000xi32, #tpu.memory_space<hbm>> -> memref<1x2560xi32, #tpu.memory_space<hbm>>
          %dma_start3A_207 = tpu.memref_squeeze %dma_start3A_206 : memref<1x2560xi32, #tpu.memory_space<hbm>> -> memref<2560xi32, #tpu.memory_space<hbm>>
          tpu.enqueue_dma source(%dma_start3A_207 : memref<2560xi32, #tpu.memory_space<hbm>>) target(%arg10 : memref<2560xi32, #tpu.memory_space<vmem>>) target_semaphore(%arg19 : memref<!tpu.dma_semaphore, #tpu.memory_space<semaphore_mem>>)
          %dma_start3A_208 = arith.constant 0 : i32
          %dma_start3A_209 = tpu.memref_slice %arg3[%dma_start3A_208, %mul3A_202] : memref<2x6400000xi32, #tpu.memory_space<hbm>> -> memref<1x2560xi32, #tpu.memory_space<hbm>>
          %dma_start3A_210 = tpu.memref_squeeze %dma_start3A_209 : memref<1x2560xi32, #tpu.memory_space<hbm>> -> memref<2560xi32, #tpu.memory_space<hbm>>
          %dma_start3A_211 = tpu.memref_slice %arg3[%dma_start3A_208, %mul3A_202] : memref<2x6400000xi32, #tpu.memory_space<hbm>> -> memref<1x2560xi32, #tpu.memory_space<hbm>>
          %dma_start3A_212 = tpu.memref_squeeze %dma_start3A_211 : memref<1x2560xi32, #tpu.memory_space<hbm>> -> memref<2560xi32, #tpu.memory_space<hbm>>
          tpu.enqueue_dma source(%dma_start3A_212 : memref<2560xi32, #tpu.memory_space<hbm>>) target(%arg7 : memref<2560xi32, #tpu.memory_space<vmem>>) target_semaphore(%arg19 : memref<!tpu.dma_semaphore, #tpu.memory_space<semaphore_mem>>)
        } else {
        }
        %parallel_loop3A = arith.constant 0 : i32
        %parallel_loop3A_191 = arith.constant 160 : i32
        %parallel_loop3A_192 = arith.constant 1 : i32
        scf.for %parallel_loop3A_194 = %parallel_loop3A to %parallel_loop3A_191 step %parallel_loop3A_192  : i32 {
          %parallel_loop3A_195 = arith.constant 16 : i32
          %parallel_loop3A_196 = arith.muli %parallel_loop3A_194, %parallel_loop3A_195 : i32
          %parallel_loop3A_197 = arith.index_cast %parallel_loop3A_196 : i32 to index
          %parallel_loop3A_198 = tpu.vector_load %arg6[%parallel_loop3A_197] {strides = array<i32>} : memref<2560xi32, #tpu.memory_space<vmem>>, vector<16xi32>,
          %parallel_loop3A_199 = tpu.vector_load_idx %arg5[%parallel_loop3A_198] : memref<100096xf32, #tpu.memory_space<vmem>>[vector<16xi32>], vector<16xf32>,
          %parallel_loop3A_200 = arith.constant 16 : i32
          %parallel_loop3A_201 = arith.muli %parallel_loop3A_194, %parallel_loop3A_200 : i32
          %parallel_loop3A_202 = arith.index_cast %parallel_loop3A_201 : i32 to index
          %parallel_loop3A_203 = tpu.vector_load %arg12[%parallel_loop3A_202] {strides = array<i32>} : memref<2560xf32, #tpu.memory_space<vmem>>, vector<16xf32>,
          tpu.vector_store %arg12[%parallel_loop3A_202], %parallel_loop3A_199 {strides = array<i32>} : memref<2560xf32, #tpu.memory_space<vmem>>, vector<16xf32>,
        } {sc.loop_unroll_factor = 8 : i64, sc.parallel_access}
        %dma_start3A = arith.constant 0 : i32
        %dma_start3A_193 = tpu.memref_slice %arg21[%dma_start3A] : memref<100096xf32, #tpu.memory_space<vmem_shared>> -> memref<100096xf32, #tpu.memory_space<vmem_shared>>
        tpu.enqueue_indirect_dma source(%arg12 : memref<2560xf32, #tpu.memory_space<vmem>>) target(%dma_start3A_193 : memref<100096xf32, #tpu.memory_space<vmem_shared>>) offsets(%arg9 : memref<2560xi32, #tpu.memory_space<vmem>>) semaphore(%arg15 : memref<!tpu.dma_semaphore, #tpu.memory_space<semaphore_mem>>) {add = true}
      } else {
      }
      %mul3A_153 = arith.constant 3 : i32
      %mul3A_154 = arith.muli %mul3A_153, %while3A_143 : i32
      %add3A_155 = arith.constant 1 : i32
      %add3A_156 = arith.addi %mul3A_154, %add3A_155 : i32
      %lt3A_157 = arith.cmpi slt, %add3A_156, %select_n3A : i32
      %convert_element_type3A_158 = arith.extui %lt3A_157 : i1 to i32
      %cond3A_159 = arith.constant 0 : i32
      %cond3A_160 = arith.cmpi ne, %convert_element_type3A_158, %cond3A_159 : i32
      scf.if %cond3A_160 {
        %mul3A_170 = arith.constant 32 : i32
        %mul3A_171 = arith.muli %add3A_156, %mul3A_170 : i32
        %add3A_172 = arith.addi %add3A, %mul3A_171 : i32
        %mul3A_173 = arith.constant 2560 : i32
        %mul3A_174 = arith.muli %add3A_172, %mul3A_173 : i32
        %dma_wait3A_175 = arith.constant 1 : i32
        %dma_wait3A_176 = tpu.memref_slice %arg3[%dma_wait3A_175, %mul3A_174] : memref<2x6400000xi32, #tpu.memory_space<hbm>> -> memref<1x2560xi32, #tpu.memory_space<hbm>>
        %dma_wait3A_177 = tpu.memref_squeeze %dma_wait3A_176 : memref<1x2560xi32, #tpu.memory_space<hbm>> -> memref<2560xi32, #tpu.memory_space<hbm>>
        %dma_wait3A_178 = tpu.memref_slice %arg3[%dma_wait3A_175, %mul3A_174] : memref<2x6400000xi32, #tpu.memory_space<hbm>> -> memref<1x2560xi32, #tpu.memory_space<hbm>>
        %dma_wait3A_179 = tpu.memref_squeeze %dma_wait3A_178 : memref<1x2560xi32, #tpu.memory_space<hbm>> -> memref<2560xi32, #tpu.memory_space<hbm>>
        tpu.wait_dma2 semaphore(%arg19 : memref<!tpu.dma_semaphore, #tpu.memory_space<semaphore_mem>>) src(%dma_wait3A_179 : memref<2560xi32, #tpu.memory_space<hbm>>) dst(%arg10 : memref<2560xi32, #tpu.memory_space<vmem>>)
        %dma_wait3A_180 = arith.constant 0 : i32
        %dma_wait3A_181 = tpu.memref_slice %arg3[%dma_wait3A_180, %mul3A_174] : memref<2x6400000xi32, #tpu.memory_space<hbm>> -> memref<1x2560xi32, #tpu.memory_space<hbm>>
        %dma_wait3A_182 = tpu.memref_squeeze %dma_wait3A_181 : memref<1x2560xi32, #tpu.memory_space<hbm>> -> memref<2560xi32, #tpu.memory_space<hbm>>
        %dma_wait3A_183 = tpu.memref_slice %arg3[%dma_wait3A_180, %mul3A_174] : memref<2x6400000xi32, #tpu.memory_space<hbm>> -> memref<1x2560xi32, #tpu.memory_space<hbm>>
        %dma_wait3A_184 = tpu.memref_squeeze %dma_wait3A_183 : memref<1x2560xi32, #tpu.memory_space<hbm>> -> memref<2560xi32, #tpu.memory_space<hbm>>
        tpu.wait_dma2 semaphore(%arg19 : memref<!tpu.dma_semaphore, #tpu.memory_space<semaphore_mem>>) src(%dma_wait3A_184 : memref<2560xi32, #tpu.memory_space<hbm>>) dst(%arg7 : memref<2560xi32, #tpu.memory_space<vmem>>)
        %add3A_185 = arith.constant 1 : i32
        %add3A_186 = arith.addi %add3A_156, %add3A_185 : i32
        %lt3A_187 = arith.cmpi slt, %add3A_186, %select_n3A : i32
        %convert_element_type3A_188 = arith.extui %lt3A_187 : i1 to i32
        %cond3A_189 = arith.constant 0 : i32
        %cond3A_190 = arith.cmpi ne, %convert_element_type3A_188, %cond3A_189 : i32
        scf.if %cond3A_190 {
          %ge3A = arith.constant 3 : i32
          %ge3A_194 = arith.cmpi sge, %add3A_186, %ge3A : i32
          %convert_element_type3A_195 = arith.extui %ge3A_194 : i1 to i32
          %cond3A_196 = arith.constant 0 : i32
          %cond3A_197 = arith.cmpi ne, %convert_element_type3A_195, %cond3A_196 : i32
          scf.if %cond3A_197 {
            %dma_wait3A_213 = arith.constant 0 : i32
            %dma_wait3A_214 = tpu.memref_slice %arg21[%dma_wait3A_213] : memref<100096xf32, #tpu.memory_space<vmem_shared>> -> memref<100096xf32, #tpu.memory_space<vmem_shared>>
            tpu.wait_indirect_dma semaphore(%arg17 : memref<!tpu.dma_semaphore, #tpu.memory_space<semaphore_mem>>) src(%arg14 : memref<2560xf32, #tpu.memory_space<vmem>>) dst(%dma_wait3A_214 : memref<100096xf32, #tpu.memory_space<vmem_shared>>)
          } else {
          }
          %mul3A_198 = arith.constant 32 : i32
          %mul3A_199 = arith.muli %add3A_186, %mul3A_198 : i32
          %add3A_200 = arith.addi %add3A, %mul3A_199 : i32
          %mul3A_201 = arith.constant 2560 : i32
          %mul3A_202 = arith.muli %add3A_200, %mul3A_201 : i32
          %dma_start3A_203 = arith.constant 1 : i32
          %dma_start3A_204 = tpu.memref_slice %arg3[%dma_start3A_203, %mul3A_202] : memref<2x6400000xi32, #tpu.memory_space<hbm>> -> memref<1x2560xi32, #tpu.memory_space<hbm>>
          %dma_start3A_205 = tpu.memref_squeeze %dma_start3A_204 : memref<1x2560xi32, #tpu.memory_space<hbm>> -> memref<2560xi32, #tpu.memory_space<hbm>>
          %dma_start3A_206 = tpu.memref_slice %arg3[%dma_start3A_203, %mul3A_202] : memref<2x6400000xi32, #tpu.memory_space<hbm>> -> memref<1x2560xi32, #tpu.memory_space<hbm>>
          %dma_start3A_207 = tpu.memref_squeeze %dma_start3A_206 : memref<1x2560xi32, #tpu.memory_space<hbm>> -> memref<2560xi32, #tpu.memory_space<hbm>>
          tpu.enqueue_dma source(%dma_start3A_207 : memref<2560xi32, #tpu.memory_space<hbm>>) target(%arg11 : memref<2560xi32, #tpu.memory_space<vmem>>) target_semaphore(%arg20 : memref<!tpu.dma_semaphore, #tpu.memory_space<semaphore_mem>>)
          %dma_start3A_208 = arith.constant 0 : i32
          %dma_start3A_209 = tpu.memref_slice %arg3[%dma_start3A_208, %mul3A_202] : memref<2x6400000xi32, #tpu.memory_space<hbm>> -> memref<1x2560xi32, #tpu.memory_space<hbm>>
          %dma_start3A_210 = tpu.memref_squeeze %dma_start3A_209 : memref<1x2560xi32, #tpu.memory_space<hbm>> -> memref<2560xi32, #tpu.memory_space<hbm>>
          %dma_start3A_211 = tpu.memref_slice %arg3[%dma_start3A_208, %mul3A_202] : memref<2x6400000xi32, #tpu.memory_space<hbm>> -> memref<1x2560xi32, #tpu.memory_space<hbm>>
          %dma_start3A_212 = tpu.memref_squeeze %dma_start3A_211 : memref<1x2560xi32, #tpu.memory_space<hbm>> -> memref<2560xi32, #tpu.memory_space<hbm>>
          tpu.enqueue_dma source(%dma_start3A_212 : memref<2560xi32, #tpu.memory_space<hbm>>) target(%arg8 : memref<2560xi32, #tpu.memory_space<vmem>>) target_semaphore(%arg20 : memref<!tpu.dma_semaphore, #tpu.memory_space<semaphore_mem>>)
        } else {
        }
        %parallel_loop3A = arith.constant 0 : i32
        %parallel_loop3A_191 = arith.constant 160 : i32
        %parallel_loop3A_192 = arith.constant 1 : i32
        scf.for %parallel_loop3A_194 = %parallel_loop3A to %parallel_loop3A_191 step %parallel_loop3A_192  : i32 {
          %parallel_loop3A_195 = arith.constant 16 : i32
          %parallel_loop3A_196 = arith.muli %parallel_loop3A_194, %parallel_loop3A_195 : i32
          %parallel_loop3A_197 = arith.index_cast %parallel_loop3A_196 : i32 to index
          %parallel_loop3A_198 = tpu.vector_load %arg7[%parallel_loop3A_197] {strides = array<i32>} : memref<2560xi32, #tpu.memory_space<vmem>>, vector<16xi32>,
          %parallel_loop3A_199 = tpu.vector_load_idx %arg5[%parallel_loop3A_198] : memref<100096xf32, #tpu.memory_space<vmem>>[vector<16xi32>], vector<16xf32>,
          %parallel_loop3A_200 = arith.constant 16 : i32
          %parallel_loop3A_201 = arith.muli %parallel_loop3A_194, %parallel_loop3A_200 : i32
          %parallel_loop3A_202 = arith.index_cast %parallel_loop3A_201 : i32 to index
          %parallel_loop3A_203 = tpu.vector_load %arg13[%parallel_loop3A_202] {strides = array<i32>} : memref<2560xf32, #tpu.memory_space<vmem>>, vector<16xf32>,
          tpu.vector_store %arg13[%parallel_loop3A_202], %parallel_loop3A_199 {strides = array<i32>} : memref<2560xf32, #tpu.memory_space<vmem>>, vector<16xf32>,
        } {sc.loop_unroll_factor = 8 : i64, sc.parallel_access}
        %dma_start3A = arith.constant 0 : i32
        %dma_start3A_193 = tpu.memref_slice %arg21[%dma_start3A] : memref<100096xf32, #tpu.memory_space<vmem_shared>> -> memref<100096xf32, #tpu.memory_space<vmem_shared>>
        tpu.enqueue_indirect_dma source(%arg13 : memref<2560xf32, #tpu.memory_space<vmem>>) target(%dma_start3A_193 : memref<100096xf32, #tpu.memory_space<vmem_shared>>) offsets(%arg10 : memref<2560xi32, #tpu.memory_space<vmem>>) semaphore(%arg16 : memref<!tpu.dma_semaphore, #tpu.memory_space<semaphore_mem>>) {add = true}
      } else {
      }
      %mul3A_161 = arith.constant 3 : i32
      %mul3A_162 = arith.muli %mul3A_161, %while3A_143 : i32
      %add3A_163 = arith.constant 2 : i32
      %add3A_164 = arith.addi %mul3A_162, %add3A_163 : i32
      %lt3A_165 = arith.cmpi slt, %add3A_164, %select_n3A : i32
      %convert_element_type3A_166 = arith.extui %lt3A_165 : i1 to i32
      %cond3A_167 = arith.constant 0 : i32
      %cond3A_168 = arith.cmpi ne, %convert_element_type3A_166, %cond3A_167 : i32
      scf.if %cond3A_168 {
        %mul3A_170 = arith.constant 32 : i32
        %mul3A_171 = arith.muli %add3A_164, %mul3A_170 : i32
        %add3A_172 = arith.addi %add3A, %mul3A_171 : i32
        %mul3A_173 = arith.constant 2560 : i32
        %mul3A_174 = arith.muli %add3A_172, %mul3A_173 : i32
        %dma_wait3A_175 = arith.constant 1 : i32
        %dma_wait3A_176 = tpu.memref_slice %arg3[%dma_wait3A_175, %mul3A_174] : memref<2x6400000xi32, #tpu.memory_space<hbm>> -> memref<1x2560xi32, #tpu.memory_space<hbm>>
        %dma_wait3A_177 = tpu.memref_squeeze %dma_wait3A_176 : memref<1x2560xi32, #tpu.memory_space<hbm>> -> memref<2560xi32, #tpu.memory_space<hbm>>
        %dma_wait3A_178 = tpu.memref_slice %arg3[%dma_wait3A_175, %mul3A_174] : memref<2x6400000xi32, #tpu.memory_space<hbm>> -> memref<1x2560xi32, #tpu.memory_space<hbm>>
        %dma_wait3A_179 = tpu.memref_squeeze %dma_wait3A_178 : memref<1x2560xi32, #tpu.memory_space<hbm>> -> memref<2560xi32, #tpu.memory_space<hbm>>
        tpu.wait_dma2 semaphore(%arg20 : memref<!tpu.dma_semaphore, #tpu.memory_space<semaphore_mem>>) src(%dma_wait3A_179 : memref<2560xi32, #tpu.memory_space<hbm>>) dst(%arg11 : memref<2560xi32, #tpu.memory_space<vmem>>)
        %dma_wait3A_180 = arith.constant 0 : i32
        %dma_wait3A_181 = tpu.memref_slice %arg3[%dma_wait3A_180, %mul3A_174] : memref<2x6400000xi32, #tpu.memory_space<hbm>> -> memref<1x2560xi32, #tpu.memory_space<hbm>>
        %dma_wait3A_182 = tpu.memref_squeeze %dma_wait3A_181 : memref<1x2560xi32, #tpu.memory_space<hbm>> -> memref<2560xi32, #tpu.memory_space<hbm>>
        %dma_wait3A_183 = tpu.memref_slice %arg3[%dma_wait3A_180, %mul3A_174] : memref<2x6400000xi32, #tpu.memory_space<hbm>> -> memref<1x2560xi32, #tpu.memory_space<hbm>>
        %dma_wait3A_184 = tpu.memref_squeeze %dma_wait3A_183 : memref<1x2560xi32, #tpu.memory_space<hbm>> -> memref<2560xi32, #tpu.memory_space<hbm>>
        tpu.wait_dma2 semaphore(%arg20 : memref<!tpu.dma_semaphore, #tpu.memory_space<semaphore_mem>>) src(%dma_wait3A_184 : memref<2560xi32, #tpu.memory_space<hbm>>) dst(%arg8 : memref<2560xi32, #tpu.memory_space<vmem>>)
        %add3A_185 = arith.constant 1 : i32
        %add3A_186 = arith.addi %add3A_164, %add3A_185 : i32
        %lt3A_187 = arith.cmpi slt, %add3A_186, %select_n3A : i32
        %convert_element_type3A_188 = arith.extui %lt3A_187 : i1 to i32
        %cond3A_189 = arith.constant 0 : i32
        %cond3A_190 = arith.cmpi ne, %convert_element_type3A_188, %cond3A_189 : i32
        scf.if %cond3A_190 {
          %ge3A = arith.constant 3 : i32
          %ge3A_194 = arith.cmpi sge, %add3A_186, %ge3A : i32
          %convert_element_type3A_195 = arith.extui %ge3A_194 : i1 to i32
          %cond3A_196 = arith.constant 0 : i32
          %cond3A_197 = arith.cmpi ne, %convert_element_type3A_195, %cond3A_196 : i32
          scf.if %cond3A_197 {
            %dma_wait3A_213 = arith.constant 0 : i32
            %dma_wait3A_214 = tpu.memref_slice %arg21[%dma_wait3A_213] : memref<100096xf32, #tpu.memory_space<vmem_shared>> -> memref<100096xf32, #tpu.memory_space<vmem_shared>>
            tpu.wait_indirect_dma semaphore(%arg15 : memref<!tpu.dma_semaphore, #tpu.memory_space<semaphore_mem>>) src(%arg12 : memref<2560xf32, #tpu.memory_space<vmem>>) dst(%dma_wait3A_214 : memref<100096xf32, #tpu.memory_space<vmem_shared>>)
          } else {
          }
          %mul3A_198 = arith.constant 32 : i32
          %mul3A_199 = arith.muli %add3A_186, %mul3A_198 : i32
          %add3A_200 = arith.addi %add3A, %mul3A_199 : i32
          %mul3A_201 = arith.constant 2560 : i32
          %mul3A_202 = arith.muli %add3A_200, %mul3A_201 : i32
          %dma_start3A_203 = arith.constant 1 : i32
          %dma_start3A_204 = tpu.memref_slice %arg3[%dma_start3A_203, %mul3A_202] : memref<2x6400000xi32, #tpu.memory_space<hbm>> -> memref<1x2560xi32, #tpu.memory_space<hbm>>
          %dma_start3A_205 = tpu.memref_squeeze %dma_start3A_204 : memref<1x2560xi32, #tpu.memory_space<hbm>> -> memref<2560xi32, #tpu.memory_space<hbm>>
          %dma_start3A_206 = tpu.memref_slice %arg3[%dma_start3A_203, %mul3A_202] : memref<2x6400000xi32, #tpu.memory_space<hbm>> -> memref<1x2560xi32, #tpu.memory_space<hbm>>
          %dma_start3A_207 = tpu.memref_squeeze %dma_start3A_206 : memref<1x2560xi32, #tpu.memory_space<hbm>> -> memref<2560xi32, #tpu.memory_space<hbm>>
          tpu.enqueue_dma source(%dma_start3A_207 : memref<2560xi32, #tpu.memory_space<hbm>>) target(%arg9 : memref<2560xi32, #tpu.memory_space<vmem>>) target_semaphore(%arg18 : memref<!tpu.dma_semaphore, #tpu.memory_space<semaphore_mem>>)
          %dma_start3A_208 = arith.constant 0 : i32
          %dma_start3A_209 = tpu.memref_slice %arg3[%dma_start3A_208, %mul3A_202] : memref<2x6400000xi32, #tpu.memory_space<hbm>> -> memref<1x2560xi32, #tpu.memory_space<hbm>>
          %dma_start3A_210 = tpu.memref_squeeze %dma_start3A_209 : memref<1x2560xi32, #tpu.memory_space<hbm>> -> memref<2560xi32, #tpu.memory_space<hbm>>
          %dma_start3A_211 = tpu.memref_slice %arg3[%dma_start3A_208, %mul3A_202] : memref<2x6400000xi32, #tpu.memory_space<hbm>> -> memref<1x2560xi32, #tpu.memory_space<hbm>>
          %dma_start3A_212 = tpu.memref_squeeze %dma_start3A_211 : memref<1x2560xi32, #tpu.memory_space<hbm>> -> memref<2560xi32, #tpu.memory_space<hbm>>
          tpu.enqueue_dma source(%dma_start3A_212 : memref<2560xi32, #tpu.memory_space<hbm>>) target(%arg6 : memref<2560xi32, #tpu.memory_space<vmem>>) target_semaphore(%arg18 : memref<!tpu.dma_semaphore, #tpu.memory_space<semaphore_mem>>)
        } else {
        }
        %parallel_loop3A = arith.constant 0 : i32
        %parallel_loop3A_191 = arith.constant 160 : i32
        %parallel_loop3A_192 = arith.constant 1 : i32
        scf.for %parallel_loop3A_194 = %parallel_loop3A to %parallel_loop3A_191 step %parallel_loop3A_192  : i32 {
          %parallel_loop3A_195 = arith.constant 16 : i32
          %parallel_loop3A_196 = arith.muli %parallel_loop3A_194, %parallel_loop3A_195 : i32
          %parallel_loop3A_197 = arith.index_cast %parallel_loop3A_196 : i32 to index
          %parallel_loop3A_198 = tpu.vector_load %arg8[%parallel_loop3A_197] {strides = array<i32>} : memref<2560xi32, #tpu.memory_space<vmem>>, vector<16xi32>,
          %parallel_loop3A_199 = tpu.vector_load_idx %arg5[%parallel_loop3A_198] : memref<100096xf32, #tpu.memory_space<vmem>>[vector<16xi32>], vector<16xf32>,
          %parallel_loop3A_200 = arith.constant 16 : i32
          %parallel_loop3A_201 = arith.muli %parallel_loop3A_194, %parallel_loop3A_200 : i32
          %parallel_loop3A_202 = arith.index_cast %parallel_loop3A_201 : i32 to index
          %parallel_loop3A_203 = tpu.vector_load %arg14[%parallel_loop3A_202] {strides = array<i32>} : memref<2560xf32, #tpu.memory_space<vmem>>, vector<16xf32>,
          tpu.vector_store %arg14[%parallel_loop3A_202], %parallel_loop3A_199 {strides = array<i32>} : memref<2560xf32, #tpu.memory_space<vmem>>, vector<16xf32>,
        } {sc.loop_unroll_factor = 8 : i64, sc.parallel_access}
        %dma_start3A = arith.constant 0 : i32
        %dma_start3A_193 = tpu.memref_slice %arg21[%dma_start3A] : memref<100096xf32, #tpu.memory_space<vmem_shared>> -> memref<100096xf32, #tpu.memory_space<vmem_shared>>
        tpu.enqueue_indirect_dma source(%arg14 : memref<2560xf32, #tpu.memory_space<vmem>>) target(%dma_start3A_193 : memref<100096xf32, #tpu.memory_space<vmem_shared>>) offsets(%arg11 : memref<2560xi32, #tpu.memory_space<vmem>>) semaphore(%arg17 : memref<!tpu.dma_semaphore, #tpu.memory_space<semaphore_mem>>) {add = true}
      } else {
      }
      %while3A_169 = arith.constant 0 : i32
      scf.yield %while3A_169 : i32
    }
    %jit3A_79 = arith.constant 3 : i32
    %div3A_80 = arith.divsi %select_n3A, %jit3A_79 : i32
    %sign3A_81 = arith.constant 0 : i32
    %sign3A_82 = arith.cmpi sgt, %select_n3A, %sign3A_81 : i32
    %sign3A_83 = arith.extui %sign3A_82 : i1 to i32
    %sign3A_84 = arith.constant 0 : i32
    %sign3A_85 = arith.cmpi slt, %select_n3A, %sign3A_84 : i32
    %sign3A_86 = arith.extui %sign3A_85 : i1 to i32
    %sign3A_87 = arith.subi %sign3A_83, %sign3A_86 : i32
    %sign3A_88 = arith.constant 0 : i32
    %sign3A_89 = arith.cmpi sgt, %jit3A_79, %sign3A_88 : i32
    %sign3A_90 = arith.extui %sign3A_89 : i1 to i32
    %sign3A_91 = arith.constant 0 : i32
    %sign3A_92 = arith.cmpi slt, %jit3A_79, %sign3A_91 : i32
    %sign3A_93 = arith.extui %sign3A_92 : i1 to i32
    %sign3A_94 = arith.subi %sign3A_90, %sign3A_93 : i32
    %ne3A_95 = arith.cmpi ne, %sign3A_87, %sign3A_94 : i32
    %rem3A_96 = arith.remsi %select_n3A, %jit3A_79 : i32
    %ne3A_97 = arith.constant 0 : i32
    %ne3A_98 = arith.cmpi ne, %rem3A_96, %ne3A_97 : i32
    %and3A_99 = arith.andi %ne3A_95, %ne3A_98 : i1
    %sub3A_100 = arith.constant 1 : i32
    %sub3A_101 = arith.subi %div3A_80, %sub3A_100 : i32
    %select_n3A_102 = arith.select %and3A_99, %sub3A_101, %div3A_80 : i32
    %mul3A_103 = arith.constant 3 : i32
    %mul3A_104 = arith.muli %select_n3A_102, %mul3A_103 : i32
    %lt3A = arith.cmpi slt, %mul3A_104, %select_n3A : i32
    %convert_element_type3A_105 = arith.extui %lt3A : i1 to i32
    %cond3A_106 = arith.constant 0 : i32
    %cond3A_107 = arith.cmpi ne, %convert_element_type3A_105, %cond3A_106 : i32
    scf.if %cond3A_107 {
      %mul3A_143 = arith.constant 32 : i32
      %mul3A_144 = arith.muli %mul3A_104, %mul3A_143 : i32
      %add3A_145 = arith.addi %add3A, %mul3A_144 : i32
      %mul3A_146 = arith.constant 2560 : i32
      %mul3A_147 = arith.muli %add3A_145, %mul3A_146 : i32
      %dma_wait3A_148 = arith.constant 1 : i32
      %dma_wait3A_149 = tpu.memref_slice %arg3[%dma_wait3A_148, %mul3A_147] : memref<2x6400000xi32, #tpu.memory_space<hbm>> -> memref<1x2560xi32, #tpu.memory_space<hbm>>
      %dma_wait3A_150 = tpu.memref_squeeze %dma_wait3A_149 : memref<1x2560xi32, #tpu.memory_space<hbm>> -> memref<2560xi32, #tpu.memory_space<hbm>>
      %dma_wait3A_151 = tpu.memref_slice %arg3[%dma_wait3A_148, %mul3A_147] : memref<2x6400000xi32, #tpu.memory_space<hbm>> -> memref<1x2560xi32, #tpu.memory_space<hbm>>
      %dma_wait3A_152 = tpu.memref_squeeze %dma_wait3A_151 : memref<1x2560xi32, #tpu.memory_space<hbm>> -> memref<2560xi32, #tpu.memory_space<hbm>>
      tpu.wait_dma2 semaphore(%arg18 : memref<!tpu.dma_semaphore, #tpu.memory_space<semaphore_mem>>) src(%dma_wait3A_152 : memref<2560xi32, #tpu.memory_space<hbm>>) dst(%arg9 : memref<2560xi32, #tpu.memory_space<vmem>>)
      %dma_wait3A_153 = arith.constant 0 : i32
      %dma_wait3A_154 = tpu.memref_slice %arg3[%dma_wait3A_153, %mul3A_147] : memref<2x6400000xi32, #tpu.memory_space<hbm>> -> memref<1x2560xi32, #tpu.memory_space<hbm>>
      %dma_wait3A_155 = tpu.memref_squeeze %dma_wait3A_154 : memref<1x2560xi32, #tpu.memory_space<hbm>> -> memref<2560xi32, #tpu.memory_space<hbm>>
      %dma_wait3A_156 = tpu.memref_slice %arg3[%dma_wait3A_153, %mul3A_147] : memref<2x6400000xi32, #tpu.memory_space<hbm>> -> memref<1x2560xi32, #tpu.memory_space<hbm>>
      %dma_wait3A_157 = tpu.memref_squeeze %dma_wait3A_156 : memref<1x2560xi32, #tpu.memory_space<hbm>> -> memref<2560xi32, #tpu.memory_space<hbm>>
      tpu.wait_dma2 semaphore(%arg18 : memref<!tpu.dma_semaphore, #tpu.memory_space<semaphore_mem>>) src(%dma_wait3A_157 : memref<2560xi32, #tpu.memory_space<hbm>>) dst(%arg6 : memref<2560xi32, #tpu.memory_space<vmem>>)
      %add3A_158 = arith.constant 1 : i32
      %add3A_159 = arith.addi %mul3A_104, %add3A_158 : i32
      %lt3A_160 = arith.cmpi slt, %add3A_159, %select_n3A : i32
      %convert_element_type3A_161 = arith.extui %lt3A_160 : i1 to i32
      %cond3A_162 = arith.constant 0 : i32
      %cond3A_163 = arith.cmpi ne, %convert_element_type3A_161, %cond3A_162 : i32
      scf.if %cond3A_163 {
        %ge3A = arith.constant 3 : i32
        %ge3A_167 = arith.cmpi sge, %add3A_159, %ge3A : i32
        %convert_element_type3A_168 = arith.extui %ge3A_167 : i1 to i32
        %cond3A_169 = arith.constant 0 : i32
        %cond3A_170 = arith.cmpi ne, %convert_element_type3A_168, %cond3A_169 : i32
        scf.if %cond3A_170 {
          %dma_wait3A_186 = arith.constant 0 : i32
          %dma_wait3A_187 = tpu.memref_slice %arg21[%dma_wait3A_186] : memref<100096xf32, #tpu.memory_space<vmem_shared>> -> memref<100096xf32, #tpu.memory_space<vmem_shared>>
          tpu.wait_indirect_dma semaphore(%arg16 : memref<!tpu.dma_semaphore, #tpu.memory_space<semaphore_mem>>) src(%arg13 : memref<2560xf32, #tpu.memory_space<vmem>>) dst(%dma_wait3A_187 : memref<100096xf32, #tpu.memory_space<vmem_shared>>)
        } else {
        }
        %mul3A_171 = arith.constant 32 : i32
        %mul3A_172 = arith.muli %add3A_159, %mul3A_171 : i32
        %add3A_173 = arith.addi %add3A, %mul3A_172 : i32
        %mul3A_174 = arith.constant 2560 : i32
        %mul3A_175 = arith.muli %add3A_173, %mul3A_174 : i32
        %dma_start3A_176 = arith.constant 1 : i32
        %dma_start3A_177 = tpu.memref_slice %arg3[%dma_start3A_176, %mul3A_175] : memref<2x6400000xi32, #tpu.memory_space<hbm>> -> memref<1x2560xi32, #tpu.memory_space<hbm>>
        %dma_start3A_178 = tpu.memref_squeeze %dma_start3A_177 : memref<1x2560xi32, #tpu.memory_space<hbm>> -> memref<2560xi32, #tpu.memory_space<hbm>>
        %dma_start3A_179 = tpu.memref_slice %arg3[%dma_start3A_176, %mul3A_175] : memref<2x6400000xi32, #tpu.memory_space<hbm>> -> memref<1x2560xi32, #tpu.memory_space<hbm>>
        %dma_start3A_180 = tpu.memref_squeeze %dma_start3A_179 : memref<1x2560xi32, #tpu.memory_space<hbm>> -> memref<2560xi32, #tpu.memory_space<hbm>>
        tpu.enqueue_dma source(%dma_start3A_180 : memref<2560xi32, #tpu.memory_space<hbm>>) target(%arg10 : memref<2560xi32, #tpu.memory_space<vmem>>) target_semaphore(%arg19 : memref<!tpu.dma_semaphore, #tpu.memory_space<semaphore_mem>>)
        %dma_start3A_181 = arith.constant 0 : i32
        %dma_start3A_182 = tpu.memref_slice %arg3[%dma_start3A_181, %mul3A_175] : memref<2x6400000xi32, #tpu.memory_space<hbm>> -> memref<1x2560xi32, #tpu.memory_space<hbm>>
        %dma_start3A_183 = tpu.memref_squeeze %dma_start3A_182 : memref<1x2560xi32, #tpu.memory_space<hbm>> -> memref<2560xi32, #tpu.memory_space<hbm>>
        %dma_start3A_184 = tpu.memref_slice %arg3[%dma_start3A_181, %mul3A_175] : memref<2x6400000xi32, #tpu.memory_space<hbm>> -> memref<1x2560xi32, #tpu.memory_space<hbm>>
        %dma_start3A_185 = tpu.memref_squeeze %dma_start3A_184 : memref<1x2560xi32, #tpu.memory_space<hbm>> -> memref<2560xi32, #tpu.memory_space<hbm>>
        tpu.enqueue_dma source(%dma_start3A_185 : memref<2560xi32, #tpu.memory_space<hbm>>) target(%arg7 : memref<2560xi32, #tpu.memory_space<vmem>>) target_semaphore(%arg19 : memref<!tpu.dma_semaphore, #tpu.memory_space<semaphore_mem>>)
      } else {
      }
      %parallel_loop3A = arith.constant 0 : i32
      %parallel_loop3A_164 = arith.constant 160 : i32
      %parallel_loop3A_165 = arith.constant 1 : i32
      scf.for %parallel_loop3A_167 = %parallel_loop3A to %parallel_loop3A_164 step %parallel_loop3A_165  : i32 {
        %parallel_loop3A_168 = arith.constant 16 : i32
        %parallel_loop3A_169 = arith.muli %parallel_loop3A_167, %parallel_loop3A_168 : i32
        %parallel_loop3A_170 = arith.index_cast %parallel_loop3A_169 : i32 to index
        %parallel_loop3A_171 = tpu.vector_load %arg6[%parallel_loop3A_170] {strides = array<i32>} : memref<2560xi32, #tpu.memory_space<vmem>>, vector<16xi32>,
        %parallel_loop3A_172 = tpu.vector_load_idx %arg5[%parallel_loop3A_171] : memref<100096xf32, #tpu.memory_space<vmem>>[vector<16xi32>], vector<16xf32>,
        %parallel_loop3A_173 = arith.constant 16 : i32
        %parallel_loop3A_174 = arith.muli %parallel_loop3A_167, %parallel_loop3A_173 : i32
        %parallel_loop3A_175 = arith.index_cast %parallel_loop3A_174 : i32 to index
        %parallel_loop3A_176 = tpu.vector_load %arg12[%parallel_loop3A_175] {strides = array<i32>} : memref<2560xf32, #tpu.memory_space<vmem>>, vector<16xf32>,
        tpu.vector_store %arg12[%parallel_loop3A_175], %parallel_loop3A_172 {strides = array<i32>} : memref<2560xf32, #tpu.memory_space<vmem>>, vector<16xf32>,
      } {sc.loop_unroll_factor = 8 : i64, sc.parallel_access}
      %dma_start3A = arith.constant 0 : i32
      %dma_start3A_166 = tpu.memref_slice %arg21[%dma_start3A] : memref<100096xf32, #tpu.memory_space<vmem_shared>> -> memref<100096xf32, #tpu.memory_space<vmem_shared>>
      tpu.enqueue_indirect_dma source(%arg12 : memref<2560xf32, #tpu.memory_space<vmem>>) target(%dma_start3A_166 : memref<100096xf32, #tpu.memory_space<vmem_shared>>) offsets(%arg9 : memref<2560xi32, #tpu.memory_space<vmem>>) semaphore(%arg15 : memref<!tpu.dma_semaphore, #tpu.memory_space<semaphore_mem>>) {add = true}
    } else {
    }
    %add3A_108 = arith.constant 1 : i32
    %add3A_109 = arith.addi %mul3A_104, %add3A_108 : i32
    %lt3A_110 = arith.cmpi slt, %add3A_109, %select_n3A : i32
    %convert_element_type3A_111 = arith.extui %lt3A_110 : i1 to i32
    %cond3A_112 = arith.constant 0 : i32
    %cond3A_113 = arith.cmpi ne, %convert_element_type3A_111, %cond3A_112 : i32
    scf.if %cond3A_113 {
      %mul3A_143 = arith.constant 32 : i32
      %mul3A_144 = arith.muli %add3A_109, %mul3A_143 : i32
      %add3A_145 = arith.addi %add3A, %mul3A_144 : i32
      %mul3A_146 = arith.constant 2560 : i32
      %mul3A_147 = arith.muli %add3A_145, %mul3A_146 : i32
      %dma_wait3A_148 = arith.constant 1 : i32
      %dma_wait3A_149 = tpu.memref_slice %arg3[%dma_wait3A_148, %mul3A_147] : memref<2x6400000xi32, #tpu.memory_space<hbm>> -> memref<1x2560xi32, #tpu.memory_space<hbm>>
      %dma_wait3A_150 = tpu.memref_squeeze %dma_wait3A_149 : memref<1x2560xi32, #tpu.memory_space<hbm>> -> memref<2560xi32, #tpu.memory_space<hbm>>
      %dma_wait3A_151 = tpu.memref_slice %arg3[%dma_wait3A_148, %mul3A_147] : memref<2x6400000xi32, #tpu.memory_space<hbm>> -> memref<1x2560xi32, #tpu.memory_space<hbm>>
      %dma_wait3A_152 = tpu.memref_squeeze %dma_wait3A_151 : memref<1x2560xi32, #tpu.memory_space<hbm>> -> memref<2560xi32, #tpu.memory_space<hbm>>
      tpu.wait_dma2 semaphore(%arg19 : memref<!tpu.dma_semaphore, #tpu.memory_space<semaphore_mem>>) src(%dma_wait3A_152 : memref<2560xi32, #tpu.memory_space<hbm>>) dst(%arg10 : memref<2560xi32, #tpu.memory_space<vmem>>)
      %dma_wait3A_153 = arith.constant 0 : i32
      %dma_wait3A_154 = tpu.memref_slice %arg3[%dma_wait3A_153, %mul3A_147] : memref<2x6400000xi32, #tpu.memory_space<hbm>> -> memref<1x2560xi32, #tpu.memory_space<hbm>>
      %dma_wait3A_155 = tpu.memref_squeeze %dma_wait3A_154 : memref<1x2560xi32, #tpu.memory_space<hbm>> -> memref<2560xi32, #tpu.memory_space<hbm>>
      %dma_wait3A_156 = tpu.memref_slice %arg3[%dma_wait3A_153, %mul3A_147] : memref<2x6400000xi32, #tpu.memory_space<hbm>> -> memref<1x2560xi32, #tpu.memory_space<hbm>>
      %dma_wait3A_157 = tpu.memref_squeeze %dma_wait3A_156 : memref<1x2560xi32, #tpu.memory_space<hbm>> -> memref<2560xi32, #tpu.memory_space<hbm>>
      tpu.wait_dma2 semaphore(%arg19 : memref<!tpu.dma_semaphore, #tpu.memory_space<semaphore_mem>>) src(%dma_wait3A_157 : memref<2560xi32, #tpu.memory_space<hbm>>) dst(%arg7 : memref<2560xi32, #tpu.memory_space<vmem>>)
      %add3A_158 = arith.constant 1 : i32
      %add3A_159 = arith.addi %add3A_109, %add3A_158 : i32
      %lt3A_160 = arith.cmpi slt, %add3A_159, %select_n3A : i32
      %convert_element_type3A_161 = arith.extui %lt3A_160 : i1 to i32
      %cond3A_162 = arith.constant 0 : i32
      %cond3A_163 = arith.cmpi ne, %convert_element_type3A_161, %cond3A_162 : i32
      scf.if %cond3A_163 {
        %ge3A = arith.constant 3 : i32
        %ge3A_167 = arith.cmpi sge, %add3A_159, %ge3A : i32
        %convert_element_type3A_168 = arith.extui %ge3A_167 : i1 to i32
        %cond3A_169 = arith.constant 0 : i32
        %cond3A_170 = arith.cmpi ne, %convert_element_type3A_168, %cond3A_169 : i32
        scf.if %cond3A_170 {
          %dma_wait3A_186 = arith.constant 0 : i32
          %dma_wait3A_187 = tpu.memref_slice %arg21[%dma_wait3A_186] : memref<100096xf32, #tpu.memory_space<vmem_shared>> -> memref<100096xf32, #tpu.memory_space<vmem_shared>>
          tpu.wait_indirect_dma semaphore(%arg17 : memref<!tpu.dma_semaphore, #tpu.memory_space<semaphore_mem>>) src(%arg14 : memref<2560xf32, #tpu.memory_space<vmem>>) dst(%dma_wait3A_187 : memref<100096xf32, #tpu.memory_space<vmem_shared>>)
        } else {
        }
        %mul3A_171 = arith.constant 32 : i32
        %mul3A_172 = arith.muli %add3A_159, %mul3A_171 : i32
        %add3A_173 = arith.addi %add3A, %mul3A_172 : i32
        %mul3A_174 = arith.constant 2560 : i32
        %mul3A_175 = arith.muli %add3A_173, %mul3A_174 : i32
        %dma_start3A_176 = arith.constant 1 : i32
        %dma_start3A_177 = tpu.memref_slice %arg3[%dma_start3A_176, %mul3A_175] : memref<2x6400000xi32, #tpu.memory_space<hbm>> -> memref<1x2560xi32, #tpu.memory_space<hbm>>
        %dma_start3A_178 = tpu.memref_squeeze %dma_start3A_177 : memref<1x2560xi32, #tpu.memory_space<hbm>> -> memref<2560xi32, #tpu.memory_space<hbm>>
        %dma_start3A_179 = tpu.memref_slice %arg3[%dma_start3A_176, %mul3A_175] : memref<2x6400000xi32, #tpu.memory_space<hbm>> -> memref<1x2560xi32, #tpu.memory_space<hbm>>
        %dma_start3A_180 = tpu.memref_squeeze %dma_start3A_179 : memref<1x2560xi32, #tpu.memory_space<hbm>> -> memref<2560xi32, #tpu.memory_space<hbm>>
        tpu.enqueue_dma source(%dma_start3A_180 : memref<2560xi32, #tpu.memory_space<hbm>>) target(%arg11 : memref<2560xi32, #tpu.memory_space<vmem>>) target_semaphore(%arg20 : memref<!tpu.dma_semaphore, #tpu.memory_space<semaphore_mem>>)
        %dma_start3A_181 = arith.constant 0 : i32
        %dma_start3A_182 = tpu.memref_slice %arg3[%dma_start3A_181, %mul3A_175] : memref<2x6400000xi32, #tpu.memory_space<hbm>> -> memref<1x2560xi32, #tpu.memory_space<hbm>>
        %dma_start3A_183 = tpu.memref_squeeze %dma_start3A_182 : memref<1x2560xi32, #tpu.memory_space<hbm>> -> memref<2560xi32, #tpu.memory_space<hbm>>
        %dma_start3A_184 = tpu.memref_slice %arg3[%dma_start3A_181, %mul3A_175] : memref<2x6400000xi32, #tpu.memory_space<hbm>> -> memref<1x2560xi32, #tpu.memory_space<hbm>>
        %dma_start3A_185 = tpu.memref_squeeze %dma_start3A_184 : memref<1x2560xi32, #tpu.memory_space<hbm>> -> memref<2560xi32, #tpu.memory_space<hbm>>
        tpu.enqueue_dma source(%dma_start3A_185 : memref<2560xi32, #tpu.memory_space<hbm>>) target(%arg8 : memref<2560xi32, #tpu.memory_space<vmem>>) target_semaphore(%arg20 : memref<!tpu.dma_semaphore, #tpu.memory_space<semaphore_mem>>)
      } else {
      }
      %parallel_loop3A = arith.constant 0 : i32
      %parallel_loop3A_164 = arith.constant 160 : i32
      %parallel_loop3A_165 = arith.constant 1 : i32
      scf.for %parallel_loop3A_167 = %parallel_loop3A to %parallel_loop3A_164 step %parallel_loop3A_165  : i32 {
        %parallel_loop3A_168 = arith.constant 16 : i32
        %parallel_loop3A_169 = arith.muli %parallel_loop3A_167, %parallel_loop3A_168 : i32
        %parallel_loop3A_170 = arith.index_cast %parallel_loop3A_169 : i32 to index
        %parallel_loop3A_171 = tpu.vector_load %arg7[%parallel_loop3A_170] {strides = array<i32>} : memref<2560xi32, #tpu.memory_space<vmem>>, vector<16xi32>,
        %parallel_loop3A_172 = tpu.vector_load_idx %arg5[%parallel_loop3A_171] : memref<100096xf32, #tpu.memory_space<vmem>>[vector<16xi32>], vector<16xf32>,
        %parallel_loop3A_173 = arith.constant 16 : i32
        %parallel_loop3A_174 = arith.muli %parallel_loop3A_167, %parallel_loop3A_173 : i32
        %parallel_loop3A_175 = arith.index_cast %parallel_loop3A_174 : i32 to index
        %parallel_loop3A_176 = tpu.vector_load %arg13[%parallel_loop3A_175] {strides = array<i32>} : memref<2560xf32, #tpu.memory_space<vmem>>, vector<16xf32>,
        tpu.vector_store %arg13[%parallel_loop3A_175], %parallel_loop3A_172 {strides = array<i32>} : memref<2560xf32, #tpu.memory_space<vmem>>, vector<16xf32>,
      } {sc.loop_unroll_factor = 8 : i64, sc.parallel_access}
      %dma_start3A = arith.constant 0 : i32
      %dma_start3A_166 = tpu.memref_slice %arg21[%dma_start3A] : memref<100096xf32, #tpu.memory_space<vmem_shared>> -> memref<100096xf32, #tpu.memory_space<vmem_shared>>
      tpu.enqueue_indirect_dma source(%arg13 : memref<2560xf32, #tpu.memory_space<vmem>>) target(%dma_start3A_166 : memref<100096xf32, #tpu.memory_space<vmem_shared>>) offsets(%arg10 : memref<2560xi32, #tpu.memory_space<vmem>>) semaphore(%arg16 : memref<!tpu.dma_semaphore, #tpu.memory_space<semaphore_mem>>) {add = true}
    } else {
    }
    %dma_wait3A = arith.constant 0 : i32
    %dma_wait3A_114 = tpu.memref_slice %arg21[%dma_wait3A] : memref<100096xf32, #tpu.memory_space<vmem_shared>> -> memref<100096xf32, #tpu.memory_space<vmem_shared>>
    tpu.wait_indirect_dma semaphore(%arg15 : memref<!tpu.dma_semaphore, #tpu.memory_space<semaphore_mem>>) src(%arg12 : memref<2560xf32, #tpu.memory_space<vmem>>) dst(%dma_wait3A_114 : memref<100096xf32, #tpu.memory_space<vmem_shared>>)
    %dma_wait3A_115 = arith.constant 0 : i32
    %dma_wait3A_116 = tpu.memref_slice %arg21[%dma_wait3A_115] : memref<100096xf32, #tpu.memory_space<vmem_shared>> -> memref<100096xf32, #tpu.memory_space<vmem_shared>>
    tpu.wait_indirect_dma semaphore(%arg16 : memref<!tpu.dma_semaphore, #tpu.memory_space<semaphore_mem>>) src(%arg13 : memref<2560xf32, #tpu.memory_space<vmem>>) dst(%dma_wait3A_116 : memref<100096xf32, #tpu.memory_space<vmem_shared>>)
    %dma_wait3A_117 = arith.constant 0 : i32
    %dma_wait3A_118 = tpu.memref_slice %arg21[%dma_wait3A_117] : memref<100096xf32, #tpu.memory_space<vmem_shared>> -> memref<100096xf32, #tpu.memory_space<vmem_shared>>
    tpu.wait_indirect_dma semaphore(%arg17 : memref<!tpu.dma_semaphore, #tpu.memory_space<semaphore_mem>>) src(%arg14 : memref<2560xf32, #tpu.memory_space<vmem>>) dst(%dma_wait3A_118 : memref<100096xf32, #tpu.memory_space<vmem_shared>>)
    %barrier3A_119 = arith.constant 0 : index
    tpu.barrier barrier_id(%barrier3A_119)
    %mul3A_120 = arith.constant 100096 : i32
    %mul3A_121 = arith.muli %arg0, %mul3A_120 : i32
    %mul3A_122 = arith.constant 6256 : i32
    %mul3A_123 = arith.muli %arg1, %mul3A_122 : i32
    %add3A_124 = arith.addi %mul3A_121, %mul3A_123 : i32
    %mul3A_125 = arith.constant 6256 : i32
    %mul3A_126 = arith.muli %arg1, %mul3A_125 : i32
    %add3A_127 = arith.constant 0 : i32
    %add3A_128 = arith.addi %mul3A_126, %add3A_127 : i32
    "tpu.region"() ({
      %run_scoped3A = tpu.sem_alloc : memref<!tpu.dma_semaphore, #tpu.memory_space<semaphore_mem>>
      %dma_start3A = arith.constant 0 : i32
      %dma_start3A_143 = tpu.memref_slice %arg12[%dma_start3A] : memref<2560xf32, #tpu.memory_space<vmem>> -> memref<2560xf32, #tpu.memory_space<vmem>>
      %dma_start3A_144 = tpu.memref_slice %arg21[%add3A_128] : memref<100096xf32, #tpu.memory_space<vmem_shared>> -> memref<2560xf32, #tpu.memory_space<vmem_shared>>
      %dma_start3A_145 = arith.constant 0 : i32
      %dma_start3A_146 = tpu.memref_slice %arg12[%dma_start3A_145] : memref<2560xf32, #tpu.memory_space<vmem>> -> memref<2560xf32, #tpu.memory_space<vmem>>
      %dma_start3A_147 = tpu.memref_slice %arg21[%add3A_128] : memref<100096xf32, #tpu.memory_space<vmem_shared>> -> memref<2560xf32, #tpu.memory_space<vmem_shared>>
      tpu.enqueue_dma source(%dma_start3A_147 : memref<2560xf32, #tpu.memory_space<vmem_shared>>) target(%dma_start3A_146 : memref<2560xf32, #tpu.memory_space<vmem>>) target_semaphore(%run_scoped3A : memref<!tpu.dma_semaphore, #tpu.memory_space<semaphore_mem>>)
      %dma_wait3A_148 = arith.constant 0 : i32
      %dma_wait3A_149 = tpu.memref_slice %arg12[%dma_wait3A_148] : memref<2560xf32, #tpu.memory_space<vmem>> -> memref<2560xf32, #tpu.memory_space<vmem>>
      %dma_wait3A_150 = tpu.memref_slice %arg21[%add3A_128] : memref<100096xf32, #tpu.memory_space<vmem_shared>> -> memref<2560xf32, #tpu.memory_space<vmem_shared>>
      %dma_wait3A_151 = arith.constant 0 : i32
      %dma_wait3A_152 = tpu.memref_slice %arg12[%dma_wait3A_151] : memref<2560xf32, #tpu.memory_space<vmem>> -> memref<2560xf32, #tpu.memory_space<vmem>>
      %dma_wait3A_153 = tpu.memref_slice %arg21[%add3A_128] : memref<100096xf32, #tpu.memory_space<vmem_shared>> -> memref<2560xf32, #tpu.memory_space<vmem_shared>>
      tpu.wait_dma2 semaphore(%run_scoped3A : memref<!tpu.dma_semaphore, #tpu.memory_space<semaphore_mem>>) src(%dma_wait3A_153 : memref<2560xf32, #tpu.memory_space<vmem_shared>>) dst(%dma_wait3A_152 : memref<2560xf32, #tpu.memory_space<vmem>>)
      tpu.yield
    }) : () -> ()
    %add3A_129 = arith.constant 0 : i32
    %add3A_130 = arith.addi %add3A_124, %add3A_129 : i32
    "tpu.region"() ({
      %run_scoped3A = tpu.sem_alloc : memref<!tpu.dma_semaphore, #tpu.memory_space<semaphore_mem>>
      %dma_start3A = arith.constant 0 : i32
      %dma_start3A_143 = tpu.memref_slice %arg12[%dma_start3A] : memref<2560xf32, #tpu.memory_space<vmem>> -> memref<2560xf32, #tpu.memory_space<vmem>>
      %dma_start3A_144 = tpu.memref_slice %arg4[%add3A_130] : memref<200192xf32, #tpu.memory_space<hbm>> -> memref<2560xf32, #tpu.memory_space<hbm>>
      %dma_start3A_145 = tpu.memref_slice %arg4[%add3A_130] : memref<200192xf32, #tpu.memory_space<hbm>> -> memref<2560xf32, #tpu.memory_space<hbm>>
      %dma_start3A_146 = arith.constant 0 : i32
      %dma_start3A_147 = tpu.memref_slice %arg12[%dma_start3A_146] : memref<2560xf32, #tpu.memory_space<vmem>> -> memref<2560xf32, #tpu.memory_space<vmem>>
      tpu.enqueue_dma source(%dma_start3A_147 : memref<2560xf32, #tpu.memory_space<vmem>>) target(%dma_start3A_145 : memref<2560xf32, #tpu.memory_space<hbm>>) target_semaphore(%run_scoped3A : memref<!tpu.dma_semaphore, #tpu.memory_space<semaphore_mem>>)
      %dma_wait3A_148 = arith.constant 0 : i32
      %dma_wait3A_149 = tpu.memref_slice %arg12[%dma_wait3A_148] : memref<2560xf32, #tpu.memory_space<vmem>> -> memref<2560xf32, #tpu.memory_space<vmem>>
      %dma_wait3A_150 = tpu.memref_slice %arg4[%add3A_130] : memref<200192xf32, #tpu.memory_space<hbm>> -> memref<2560xf32, #tpu.memory_space<hbm>>
      %dma_wait3A_151 = tpu.memref_slice %arg4[%add3A_130] : memref<200192xf32, #tpu.memory_space<hbm>> -> memref<2560xf32, #tpu.memory_space<hbm>>
      %dma_wait3A_152 = arith.constant 0 : i32
      %dma_wait3A_153 = tpu.memref_slice %arg12[%dma_wait3A_152] : memref<2560xf32, #tpu.memory_space<vmem>> -> memref<2560xf32, #tpu.memory_space<vmem>>
      tpu.wait_dma2 semaphore(%run_scoped3A : memref<!tpu.dma_semaphore, #tpu.memory_space<semaphore_mem>>) src(%dma_wait3A_153 : memref<2560xf32, #tpu.memory_space<vmem>>) dst(%dma_wait3A_151 : memref<2560xf32, #tpu.memory_space<hbm>>)
      tpu.yield
    }) : () -> ()
    %mul3A_131 = arith.constant 6256 : i32
    %mul3A_132 = arith.muli %arg1, %mul3A_131 : i32
    %add3A_133 = arith.constant 2560 : i32
    %add3A_134 = arith.addi %mul3A_132, %add3A_133 : i32
    "tpu.region"() ({
      %run_scoped3A = tpu.sem_alloc : memref<!tpu.dma_semaphore, #tpu.memory_space<semaphore_mem>>
      %dma_start3A = arith.constant 0 : i32
      %dma_start3A_143 = tpu.memref_slice %arg12[%dma_start3A] : memref<2560xf32, #tpu.memory_space<vmem>> -> memref<2560xf32, #tpu.memory_space<vmem>>
      %dma_start3A_144 = tpu.memref_slice %arg21[%add3A_134] : memref<100096xf32, #tpu.memory_space<vmem_shared>> -> memref<2560xf32, #tpu.memory_space<vmem_shared>>
      %dma_start3A_145 = arith.constant 0 : i32
      %dma_start3A_146 = tpu.memref_slice %arg12[%dma_start3A_145] : memref<2560xf32, #tpu.memory_space<vmem>> -> memref<2560xf32, #tpu.memory_space<vmem>>
      %dma_start3A_147 = tpu.memref_slice %arg21[%add3A_134] : memref<100096xf32, #tpu.memory_space<vmem_shared>> -> memref<2560xf32, #tpu.memory_space<vmem_shared>>
      tpu.enqueue_dma source(%dma_start3A_147 : memref<2560xf32, #tpu.memory_space<vmem_shared>>) target(%dma_start3A_146 : memref<2560xf32, #tpu.memory_space<vmem>>) target_semaphore(%run_scoped3A : memref<!tpu.dma_semaphore, #tpu.memory_space<semaphore_mem>>)
      %dma_wait3A_148 = arith.constant 0 : i32
      %dma_wait3A_149 = tpu.memref_slice %arg12[%dma_wait3A_148] : memref<2560xf32, #tpu.memory_space<vmem>> -> memref<2560xf32, #tpu.memory_space<vmem>>
      %dma_wait3A_150 = tpu.memref_slice %arg21[%add3A_134] : memref<100096xf32, #tpu.memory_space<vmem_shared>> -> memref<2560xf32, #tpu.memory_space<vmem_shared>>
      %dma_wait3A_151 = arith.constant 0 : i32
      %dma_wait3A_152 = tpu.memref_slice %arg12[%dma_wait3A_151] : memref<2560xf32, #tpu.memory_space<vmem>> -> memref<2560xf32, #tpu.memory_space<vmem>>
      %dma_wait3A_153 = tpu.memref_slice %arg21[%add3A_134] : memref<100096xf32, #tpu.memory_space<vmem_shared>> -> memref<2560xf32, #tpu.memory_space<vmem_shared>>
      tpu.wait_dma2 semaphore(%run_scoped3A : memref<!tpu.dma_semaphore, #tpu.memory_space<semaphore_mem>>) src(%dma_wait3A_153 : memref<2560xf32, #tpu.memory_space<vmem_shared>>) dst(%dma_wait3A_152 : memref<2560xf32, #tpu.memory_space<vmem>>)
      tpu.yield
    }) : () -> ()
    %add3A_135 = arith.constant 2560 : i32
    %add3A_136 = arith.addi %add3A_124, %add3A_135 : i32
    "tpu.region"() ({
      %run_scoped3A = tpu.sem_alloc : memref<!tpu.dma_semaphore, #tpu.memory_space<semaphore_mem>>
      %dma_start3A = arith.constant 0 : i32
      %dma_start3A_143 = tpu.memref_slice %arg12[%dma_start3A] : memref<2560xf32, #tpu.memory_space<vmem>> -> memref<2560xf32, #tpu.memory_space<vmem>>
      %dma_start3A_144 = tpu.memref_slice %arg4[%add3A_136] : memref<200192xf32, #tpu.memory_space<hbm>> -> memref<2560xf32, #tpu.memory_space<hbm>>
      %dma_start3A_145 = tpu.memref_slice %arg4[%add3A_136] : memref<200192xf32, #tpu.memory_space<hbm>> -> memref<2560xf32, #tpu.memory_space<hbm>>
      %dma_start3A_146 = arith.constant 0 : i32
      %dma_start3A_147 = tpu.memref_slice %arg12[%dma_start3A_146] : memref<2560xf32, #tpu.memory_space<vmem>> -> memref<2560xf32, #tpu.memory_space<vmem>>
      tpu.enqueue_dma source(%dma_start3A_147 : memref<2560xf32, #tpu.memory_space<vmem>>) target(%dma_start3A_145 : memref<2560xf32, #tpu.memory_space<hbm>>) target_semaphore(%run_scoped3A : memref<!tpu.dma_semaphore, #tpu.memory_space<semaphore_mem>>)
      %dma_wait3A_148 = arith.constant 0 : i32
      %dma_wait3A_149 = tpu.memref_slice %arg12[%dma_wait3A_148] : memref<2560xf32, #tpu.memory_space<vmem>> -> memref<2560xf32, #tpu.memory_space<vmem>>
      %dma_wait3A_150 = tpu.memref_slice %arg4[%add3A_136] : memref<200192xf32, #tpu.memory_space<hbm>> -> memref<2560xf32, #tpu.memory_space<hbm>>
      %dma_wait3A_151 = tpu.memref_slice %arg4[%add3A_136] : memref<200192xf32, #tpu.memory_space<hbm>> -> memref<2560xf32, #tpu.memory_space<hbm>>
      %dma_wait3A_152 = arith.constant 0 : i32
      %dma_wait3A_153 = tpu.memref_slice %arg12[%dma_wait3A_152] : memref<2560xf32, #tpu.memory_space<vmem>> -> memref<2560xf32, #tpu.memory_space<vmem>>
      tpu.wait_dma2 semaphore(%run_scoped3A : memref<!tpu.dma_semaphore, #tpu.memory_space<semaphore_mem>>) src(%dma_wait3A_153 : memref<2560xf32, #tpu.memory_space<vmem>>) dst(%dma_wait3A_151 : memref<2560xf32, #tpu.memory_space<hbm>>)
      tpu.yield
    }) : () -> ()
    %mul3A_137 = arith.constant 6256 : i32
    %mul3A_138 = arith.muli %arg1, %mul3A_137 : i32
    %add3A_139 = arith.constant 5120 : i32
    %add3A_140 = arith.addi %mul3A_138, %add3A_139 : i32
    "tpu.region"() ({
      %run_scoped3A = tpu.sem_alloc : memref<!tpu.dma_semaphore, #tpu.memory_space<semaphore_mem>>
      %dma_start3A = arith.constant 0 : i32
      %dma_start3A_143 = tpu.memref_slice %arg12[%dma_start3A] : memref<2560xf32, #tpu.memory_space<vmem>> -> memref<1136xf32, #tpu.memory_space<vmem>>
      %dma_start3A_144 = tpu.memref_slice %arg21[%add3A_140] : memref<100096xf32, #tpu.memory_space<vmem_shared>> -> memref<1136xf32, #tpu.memory_space<vmem_shared>>
      %dma_start3A_145 = arith.constant 0 : i32
      %dma_start3A_146 = tpu.memref_slice %arg12[%dma_start3A_145] : memref<2560xf32, #tpu.memory_space<vmem>> -> memref<1136xf32, #tpu.memory_space<vmem>>
      %dma_start3A_147 = tpu.memref_slice %arg21[%add3A_140] : memref<100096xf32, #tpu.memory_space<vmem_shared>> -> memref<1136xf32, #tpu.memory_space<vmem_shared>>
      tpu.enqueue_dma source(%dma_start3A_147 : memref<1136xf32, #tpu.memory_space<vmem_shared>>) target(%dma_start3A_146 : memref<1136xf32, #tpu.memory_space<vmem>>) target_semaphore(%run_scoped3A : memref<!tpu.dma_semaphore, #tpu.memory_space<semaphore_mem>>)
      %dma_wait3A_148 = arith.constant 0 : i32
      %dma_wait3A_149 = tpu.memref_slice %arg12[%dma_wait3A_148] : memref<2560xf32, #tpu.memory_space<vmem>> -> memref<1136xf32, #tpu.memory_space<vmem>>
      %dma_wait3A_150 = tpu.memref_slice %arg21[%add3A_140] : memref<100096xf32, #tpu.memory_space<vmem_shared>> -> memref<1136xf32, #tpu.memory_space<vmem_shared>>
      %dma_wait3A_151 = arith.constant 0 : i32
      %dma_wait3A_152 = tpu.memref_slice %arg12[%dma_wait3A_151] : memref<2560xf32, #tpu.memory_space<vmem>> -> memref<1136xf32, #tpu.memory_space<vmem>>
      %dma_wait3A_153 = tpu.memref_slice %arg21[%add3A_140] : memref<100096xf32, #tpu.memory_space<vmem_shared>> -> memref<1136xf32, #tpu.memory_space<vmem_shared>>
      tpu.wait_dma2 semaphore(%run_scoped3A : memref<!tpu.dma_semaphore, #tpu.memory_space<semaphore_mem>>) src(%dma_wait3A_153 : memref<1136xf32, #tpu.memory_space<vmem_shared>>) dst(%dma_wait3A_152 : memref<1136xf32, #tpu.memory_space<vmem>>)
      tpu.yield
    }) : () -> ()
    %add3A_141 = arith.constant 5120 : i32
    %add3A_142 = arith.addi %add3A_124, %add3A_141 : i32
    "tpu.region"() ({
      %run_scoped3A = tpu.sem_alloc : memref<!tpu.dma_semaphore, #tpu.memory_space<semaphore_mem>>
      %dma_start3A = arith.constant 0 : i32
      %dma_start3A_143 = tpu.memref_slice %arg12[%dma_start3A] : memref<2560xf32, #tpu.memory_space<vmem>> -> memref<1136xf32, #tpu.memory_space<vmem>>
      %dma_start3A_144 = tpu.memref_slice %arg4[%add3A_142] : memref<200192xf32, #tpu.memory_space<hbm>> -> memref<1136xf32, #tpu.memory_space<hbm>>
      %dma_start3A_145 = tpu.memref_slice %arg4[%add3A_142] : memref<200192xf32, #tpu.memory_space<hbm>> -> memref<1136xf32, #tpu.memory_space<hbm>>
      %dma_start3A_146 = arith.constant 0 : i32
      %dma_start3A_147 = tpu.memref_slice %arg12[%dma_start3A_146] : memref<2560xf32, #tpu.memory_space<vmem>> -> memref<1136xf32, #tpu.memory_space<vmem>>
      tpu.enqueue_dma source(%dma_start3A_147 : memref<1136xf32, #tpu.memory_space<vmem>>) target(%dma_start3A_145 : memref<1136xf32, #tpu.memory_space<hbm>>) target_semaphore(%run_scoped3A : memref<!tpu.dma_semaphore, #tpu.memory_space<semaphore_mem>>)
      %dma_wait3A_148 = arith.constant 0 : i32
      %dma_wait3A_149 = tpu.memref_slice %arg12[%dma_wait3A_148] : memref<2560xf32, #tpu.memory_space<vmem>> -> memref<1136xf32, #tpu.memory_space<vmem>>
      %dma_wait3A_150 = tpu.memref_slice %arg4[%add3A_142] : memref<200192xf32, #tpu.memory_space<hbm>> -> memref<1136xf32, #tpu.memory_space<hbm>>
      %dma_wait3A_151 = tpu.memref_slice %arg4[%add3A_142] : memref<200192xf32, #tpu.memory_space<hbm>> -> memref<1136xf32, #tpu.memory_space<hbm>>
      %dma_wait3A_152 = arith.constant 0 : i32
      %dma_wait3A_153 = tpu.memref_slice %arg12[%dma_wait3A_152] : memref<2560xf32, #tpu.memory_space<vmem>> -> memref<1136xf32, #tpu.memory_space<vmem>>
      tpu.wait_dma2 semaphore(%run_scoped3A : memref<!tpu.dma_semaphore, #tpu.memory_space<semaphore_mem>>) src(%dma_wait3A_153 : memref<1136xf32, #tpu.memory_space<vmem>>) dst(%dma_wait3A_151 : memref<1136xf32, #tpu.memory_space<hbm>>)
      tpu.yield
    }) : () -> ()
    return
  }
}

module attributes {stable_mosaic.version = 14 : i64} {
  func.func @_stage1_body(%arg0: memref<2x782x128xf32, #tpu.memory_space<vmem>>, %arg1: memref<782x128xf32, #tpu.memory_space<vmem>>, %arg2: memref<782x128xf32, #tpu.memory_space<vmem>>, %arg3: memref<782x128xf32, #tpu.memory_space<vmem>>) attributes {dimension_semantics = [], scalar_prefetch = 0 : i64, scratch_operands = 0 : i64, tpu.core_type = #tpu.core_type<tc>} {
    %get3A = arith.constant 0 : index
    %get3A_0 = arith.constant 0 : index
    %get3A_1 = arith.constant 0 : index
    %get3A_2 = vector.load %arg0[%get3A, %get3A_0, %get3A_1] : memref<2x782x128xf32, #tpu.memory_space<vmem>>, vector<1x782x128xf32>
    %get3A_3 = vector.shape_cast %get3A_2 : vector<1x782x128xf32> to vector<782x128xf32>
    %get3A_4 = arith.constant 1 : index
    %get3A_5 = arith.constant 0 : index
    %get3A_6 = arith.constant 0 : index
    %get3A_7 = vector.load %arg0[%get3A_4, %get3A_5, %get3A_6] : memref<2x782x128xf32, #tpu.memory_space<vmem>>, vector<1x782x128xf32>
    %get3A_8 = vector.shape_cast %get3A_7 : vector<1x782x128xf32> to vector<782x128xf32>
    %add3A = arith.addf %get3A_3, %get3A_8 : vector<782x128xf32>
    %add3A_9 = arith.constant 1.000000e+00 : f32
    %add3A_10 = vector.broadcast %add3A_9 : f32 to vector<782x128xf32>
    %add3A_11 = arith.addf %add3A, %add3A_10 : vector<782x128xf32>
    %rsqrt3A = math.rsqrt %add3A_11 : vector<782x128xf32>
    %swap3A = arith.constant 0 : index
    %swap3A_12 = arith.constant 0 : index
    %swap3A_13 = vector.load %arg2[%swap3A, %swap3A_12] : memref<782x128xf32, #tpu.memory_space<vmem>>, vector<782x128xf32>
    tpu.vector_store %arg2[%swap3A, %swap3A_12], %rsqrt3A {strides = array<i32>} : memref<782x128xf32, #tpu.memory_space<vmem>>, vector<782x128xf32>,
    %get3A_14 = arith.constant 0 : index
    %get3A_15 = arith.constant 0 : index
    %get3A_16 = vector.load %arg1[%get3A_14, %get3A_15] : memref<782x128xf32, #tpu.memory_space<vmem>>, vector<782x128xf32>
    %mul3A = arith.mulf %rsqrt3A, %get3A_16 : vector<782x128xf32>
    %swap3A_17 = arith.constant 0 : index
    %swap3A_18 = arith.constant 0 : index
    %swap3A_19 = vector.load %arg3[%swap3A_17, %swap3A_18] : memref<782x128xf32, #tpu.memory_space<vmem>>, vector<782x128xf32>
    tpu.vector_store %arg3[%swap3A_17, %swap3A_18], %mul3A {strides = array<i32>} : memref<782x128xf32, #tpu.memory_space<vmem>>, vector<782x128xf32>,
    return
  }
}

module attributes {stable_mosaic.version = 14 : i64} {
  func.func @_stage2_body(%arg0: memref<2x782x128xf32, #tpu.memory_space<vmem>>, %arg1: memref<782x128xf32, #tpu.memory_space<vmem>>, %arg2: memref<782x128xf32, #tpu.memory_space<vmem>>, %arg3: memref<35xf32, #tpu.memory_space<smem>>, %arg4: memref<35xf32, #tpu.memory_space<smem>>, %arg5: memref<35xf32, #tpu.memory_space<smem>>, %arg6: memref<782x128xf32, #tpu.memory_space<vmem>>) attributes {dimension_semantics = [], scalar_prefetch = 0 : i64, scratch_operands = 0 : i64, tpu.core_type = #tpu.core_type<tc>} {
    %get3A = arith.constant 0 : index
    %get3A_0 = arith.constant 0 : index
    %get3A_1 = vector.load %arg2[%get3A, %get3A_0] : memref<782x128xf32, #tpu.memory_space<vmem>>, vector<782x128xf32>
    %get3A_2 = arith.constant 0 : index
    %get3A_3 = arith.constant 0 : index
    %get3A_4 = arith.constant 0 : index
    %get3A_5 = vector.load %arg0[%get3A_2, %get3A_3, %get3A_4] : memref<2x782x128xf32, #tpu.memory_space<vmem>>, vector<1x782x128xf32>
    %get3A_6 = vector.shape_cast %get3A_5 : vector<1x782x128xf32> to vector<782x128xf32>
    %get3A_7 = arith.constant 1 : index
    %get3A_8 = arith.constant 0 : index
    %get3A_9 = arith.constant 0 : index
    %get3A_10 = vector.load %arg0[%get3A_7, %get3A_8, %get3A_9] : memref<2x782x128xf32, #tpu.memory_space<vmem>>, vector<1x782x128xf32>
    %get3A_11 = vector.shape_cast %get3A_10 : vector<1x782x128xf32> to vector<782x128xf32>
    %add3A = arith.addf %get3A_6, %get3A_11 : vector<782x128xf32>
    %get3A_12 = arith.constant 0 : index
    %get3A_13 = arith.constant 0 : index
    %get3A_14 = vector.load %arg1[%get3A_12, %get3A_13] : memref<782x128xf32, #tpu.memory_space<vmem>>, vector<782x128xf32>
    %add3A_15 = arith.addf %add3A, %get3A_14 : vector<782x128xf32>
    %mul3A = arith.mulf %get3A_1, %add3A_15 : vector<782x128xf32>
    %broadcast_in_dim3A = arith.constant 0.000000e+00 : f32
    %broadcast_in_dim3A_16 = vector.broadcast %broadcast_in_dim3A : f32 to vector<782x128xf32>
    %get3A_17 = arith.constant 0 : index
    %get3A_18 = memref.load %arg3[%get3A_17] : memref<35xf32, #tpu.memory_space<smem>>
    %mul3A_19 = vector.broadcast %get3A_18 : f32 to vector<782x128xf32>
    %mul3A_20 = arith.mulf %mul3A, %mul3A_19 : vector<782x128xf32>
    %get3A_21 = arith.constant 0 : index
    %get3A_22 = memref.load %arg4[%get3A_21] : memref<35xf32, #tpu.memory_space<smem>>
    %add3A_23 = vector.broadcast %get3A_22 : f32 to vector<782x128xf32>
    %add3A_24 = arith.addf %mul3A_20, %add3A_23 : vector<782x128xf32>
    %logistic3A = arith.negf %add3A_24 : vector<782x128xf32>
    %logistic3A_25 = math.exp %logistic3A : vector<782x128xf32>
    %logistic3A_26 = arith.constant 1.000000e+00 : f32
    %logistic3A_27 = vector.broadcast %logistic3A_26 : f32 to vector<782x128xf32>
    %logistic3A_28 = arith.addf %logistic3A_27, %logistic3A_25 : vector<782x128xf32>
    %logistic3A_29 = arith.divf %logistic3A_27, %logistic3A_28 : vector<782x128xf32>
    %get3A_30 = arith.constant 0 : index
    %get3A_31 = memref.load %arg5[%get3A_30] : memref<35xf32, #tpu.memory_space<smem>>
    %mul3A_32 = vector.broadcast %get3A_31 : f32 to vector<782x128xf32>
    %mul3A_33 = arith.mulf %logistic3A_29, %mul3A_32 : vector<782x128xf32>
    %add3A_34 = arith.addf %broadcast_in_dim3A_16, %mul3A_33 : vector<782x128xf32>
    %get3A_35 = arith.constant 1 : index
    %get3A_36 = memref.load %arg3[%get3A_35] : memref<35xf32, #tpu.memory_space<smem>>
    %mul3A_37 = vector.broadcast %get3A_36 : f32 to vector<782x128xf32>
    %mul3A_38 = arith.mulf %mul3A, %mul3A_37 : vector<782x128xf32>
    %get3A_39 = arith.constant 1 : index
    %get3A_40 = memref.load %arg4[%get3A_39] : memref<35xf32, #tpu.memory_space<smem>>
    %add3A_41 = vector.broadcast %get3A_40 : f32 to vector<782x128xf32>
    %add3A_42 = arith.addf %mul3A_38, %add3A_41 : vector<782x128xf32>
    %logistic3A_43 = arith.negf %add3A_42 : vector<782x128xf32>
    %logistic3A_44 = math.exp %logistic3A_43 : vector<782x128xf32>
    %logistic3A_45 = arith.constant 1.000000e+00 : f32
    %logistic3A_46 = vector.broadcast %logistic3A_45 : f32 to vector<782x128xf32>
    %logistic3A_47 = arith.addf %logistic3A_46, %logistic3A_44 : vector<782x128xf32>
    %logistic3A_48 = arith.divf %logistic3A_46, %logistic3A_47 : vector<782x128xf32>
    %get3A_49 = arith.constant 1 : index
    %get3A_50 = memref.load %arg5[%get3A_49] : memref<35xf32, #tpu.memory_space<smem>>
    %mul3A_51 = vector.broadcast %get3A_50 : f32 to vector<782x128xf32>
    %mul3A_52 = arith.mulf %logistic3A_48, %mul3A_51 : vector<782x128xf32>
    %add3A_53 = arith.addf %add3A_34, %mul3A_52 : vector<782x128xf32>
    %get3A_54 = arith.constant 2 : index
    %get3A_55 = memref.load %arg3[%get3A_54] : memref<35xf32, #tpu.memory_space<smem>>
    %mul3A_56 = vector.broadcast %get3A_55 : f32 to vector<782x128xf32>
    %mul3A_57 = arith.mulf %mul3A, %mul3A_56 : vector<782x128xf32>
    %get3A_58 = arith.constant 2 : index
    %get3A_59 = memref.load %arg4[%get3A_58] : memref<35xf32, #tpu.memory_space<smem>>
    %add3A_60 = vector.broadcast %get3A_59 : f32 to vector<782x128xf32>
    %add3A_61 = arith.addf %mul3A_57, %add3A_60 : vector<782x128xf32>
    %logistic3A_62 = arith.negf %add3A_61 : vector<782x128xf32>
    %logistic3A_63 = math.exp %logistic3A_62 : vector<782x128xf32>
    %logistic3A_64 = arith.constant 1.000000e+00 : f32
    %logistic3A_65 = vector.broadcast %logistic3A_64 : f32 to vector<782x128xf32>
    %logistic3A_66 = arith.addf %logistic3A_65, %logistic3A_63 : vector<782x128xf32>
    %logistic3A_67 = arith.divf %logistic3A_65, %logistic3A_66 : vector<782x128xf32>
    %get3A_68 = arith.constant 2 : index
    %get3A_69 = memref.load %arg5[%get3A_68] : memref<35xf32, #tpu.memory_space<smem>>
    %mul3A_70 = vector.broadcast %get3A_69 : f32 to vector<782x128xf32>
    %mul3A_71 = arith.mulf %logistic3A_67, %mul3A_70 : vector<782x128xf32>
    %add3A_72 = arith.addf %add3A_53, %mul3A_71 : vector<782x128xf32>
    %get3A_73 = arith.constant 3 : index
    %get3A_74 = memref.load %arg3[%get3A_73] : memref<35xf32, #tpu.memory_space<smem>>
    %mul3A_75 = vector.broadcast %get3A_74 : f32 to vector<782x128xf32>
    %mul3A_76 = arith.mulf %mul3A, %mul3A_75 : vector<782x128xf32>
    %get3A_77 = arith.constant 3 : index
    %get3A_78 = memref.load %arg4[%get3A_77] : memref<35xf32, #tpu.memory_space<smem>>
    %add3A_79 = vector.broadcast %get3A_78 : f32 to vector<782x128xf32>
    %add3A_80 = arith.addf %mul3A_76, %add3A_79 : vector<782x128xf32>
    %logistic3A_81 = arith.negf %add3A_80 : vector<782x128xf32>
    %logistic3A_82 = math.exp %logistic3A_81 : vector<782x128xf32>
    %logistic3A_83 = arith.constant 1.000000e+00 : f32
    %logistic3A_84 = vector.broadcast %logistic3A_83 : f32 to vector<782x128xf32>
    %logistic3A_85 = arith.addf %logistic3A_84, %logistic3A_82 : vector<782x128xf32>
    %logistic3A_86 = arith.divf %logistic3A_84, %logistic3A_85 : vector<782x128xf32>
    %get3A_87 = arith.constant 3 : index
    %get3A_88 = memref.load %arg5[%get3A_87] : memref<35xf32, #tpu.memory_space<smem>>
    %mul3A_89 = vector.broadcast %get3A_88 : f32 to vector<782x128xf32>
    %mul3A_90 = arith.mulf %logistic3A_86, %mul3A_89 : vector<782x128xf32>
    %add3A_91 = arith.addf %add3A_72, %mul3A_90 : vector<782x128xf32>
    %get3A_92 = arith.constant 4 : index
    %get3A_93 = memref.load %arg3[%get3A_92] : memref<35xf32, #tpu.memory_space<smem>>
    %mul3A_94 = vector.broadcast %get3A_93 : f32 to vector<782x128xf32>
    %mul3A_95 = arith.mulf %mul3A, %mul3A_94 : vector<782x128xf32>
    %get3A_96 = arith.constant 4 : index
    %get3A_97 = memref.load %arg4[%get3A_96] : memref<35xf32, #tpu.memory_space<smem>>
    %add3A_98 = vector.broadcast %get3A_97 : f32 to vector<782x128xf32>
    %add3A_99 = arith.addf %mul3A_95, %add3A_98 : vector<782x128xf32>
    %logistic3A_100 = arith.negf %add3A_99 : vector<782x128xf32>
    %logistic3A_101 = math.exp %logistic3A_100 : vector<782x128xf32>
    %logistic3A_102 = arith.constant 1.000000e+00 : f32
    %logistic3A_103 = vector.broadcast %logistic3A_102 : f32 to vector<782x128xf32>
    %logistic3A_104 = arith.addf %logistic3A_103, %logistic3A_101 : vector<782x128xf32>
    %logistic3A_105 = arith.divf %logistic3A_103, %logistic3A_104 : vector<782x128xf32>
    %get3A_106 = arith.constant 4 : index
    %get3A_107 = memref.load %arg5[%get3A_106] : memref<35xf32, #tpu.memory_space<smem>>
    %mul3A_108 = vector.broadcast %get3A_107 : f32 to vector<782x128xf32>
    %mul3A_109 = arith.mulf %logistic3A_105, %mul3A_108 : vector<782x128xf32>
    %add3A_110 = arith.addf %add3A_91, %mul3A_109 : vector<782x128xf32>
    %get3A_111 = arith.constant 5 : index
    %get3A_112 = memref.load %arg3[%get3A_111] : memref<35xf32, #tpu.memory_space<smem>>
    %mul3A_113 = vector.broadcast %get3A_112 : f32 to vector<782x128xf32>
    %mul3A_114 = arith.mulf %mul3A, %mul3A_113 : vector<782x128xf32>
    %get3A_115 = arith.constant 5 : index
    %get3A_116 = memref.load %arg4[%get3A_115] : memref<35xf32, #tpu.memory_space<smem>>
    %add3A_117 = vector.broadcast %get3A_116 : f32 to vector<782x128xf32>
    %add3A_118 = arith.addf %mul3A_114, %add3A_117 : vector<782x128xf32>
    %logistic3A_119 = arith.negf %add3A_118 : vector<782x128xf32>
    %logistic3A_120 = math.exp %logistic3A_119 : vector<782x128xf32>
    %logistic3A_121 = arith.constant 1.000000e+00 : f32
    %logistic3A_122 = vector.broadcast %logistic3A_121 : f32 to vector<782x128xf32>
    %logistic3A_123 = arith.addf %logistic3A_122, %logistic3A_120 : vector<782x128xf32>
    %logistic3A_124 = arith.divf %logistic3A_122, %logistic3A_123 : vector<782x128xf32>
    %get3A_125 = arith.constant 5 : index
    %get3A_126 = memref.load %arg5[%get3A_125] : memref<35xf32, #tpu.memory_space<smem>>
    %mul3A_127 = vector.broadcast %get3A_126 : f32 to vector<782x128xf32>
    %mul3A_128 = arith.mulf %logistic3A_124, %mul3A_127 : vector<782x128xf32>
    %add3A_129 = arith.addf %add3A_110, %mul3A_128 : vector<782x128xf32>
    %get3A_130 = arith.constant 6 : index
    %get3A_131 = memref.load %arg3[%get3A_130] : memref<35xf32, #tpu.memory_space<smem>>
    %mul3A_132 = vector.broadcast %get3A_131 : f32 to vector<782x128xf32>
    %mul3A_133 = arith.mulf %mul3A, %mul3A_132 : vector<782x128xf32>
    %get3A_134 = arith.constant 6 : index
    %get3A_135 = memref.load %arg4[%get3A_134] : memref<35xf32, #tpu.memory_space<smem>>
    %add3A_136 = vector.broadcast %get3A_135 : f32 to vector<782x128xf32>
    %add3A_137 = arith.addf %mul3A_133, %add3A_136 : vector<782x128xf32>
    %logistic3A_138 = arith.negf %add3A_137 : vector<782x128xf32>
    %logistic3A_139 = math.exp %logistic3A_138 : vector<782x128xf32>
    %logistic3A_140 = arith.constant 1.000000e+00 : f32
    %logistic3A_141 = vector.broadcast %logistic3A_140 : f32 to vector<782x128xf32>
    %logistic3A_142 = arith.addf %logistic3A_141, %logistic3A_139 : vector<782x128xf32>
    %logistic3A_143 = arith.divf %logistic3A_141, %logistic3A_142 : vector<782x128xf32>
    %get3A_144 = arith.constant 6 : index
    %get3A_145 = memref.load %arg5[%get3A_144] : memref<35xf32, #tpu.memory_space<smem>>
    %mul3A_146 = vector.broadcast %get3A_145 : f32 to vector<782x128xf32>
    %mul3A_147 = arith.mulf %logistic3A_143, %mul3A_146 : vector<782x128xf32>
    %add3A_148 = arith.addf %add3A_129, %mul3A_147 : vector<782x128xf32>
    %get3A_149 = arith.constant 7 : index
    %get3A_150 = memref.load %arg3[%get3A_149] : memref<35xf32, #tpu.memory_space<smem>>
    %mul3A_151 = vector.broadcast %get3A_150 : f32 to vector<782x128xf32>
    %mul3A_152 = arith.mulf %mul3A, %mul3A_151 : vector<782x128xf32>
    %get3A_153 = arith.constant 7 : index
    %get3A_154 = memref.load %arg4[%get3A_153] : memref<35xf32, #tpu.memory_space<smem>>
    %add3A_155 = vector.broadcast %get3A_154 : f32 to vector<782x128xf32>
    %add3A_156 = arith.addf %mul3A_152, %add3A_155 : vector<782x128xf32>
    %logistic3A_157 = arith.negf %add3A_156 : vector<782x128xf32>
    %logistic3A_158 = math.exp %logistic3A_157 : vector<782x128xf32>
    %logistic3A_159 = arith.constant 1.000000e+00 : f32
    %logistic3A_160 = vector.broadcast %logistic3A_159 : f32 to vector<782x128xf32>
    %logistic3A_161 = arith.addf %logistic3A_160, %logistic3A_158 : vector<782x128xf32>
    %logistic3A_162 = arith.divf %logistic3A_160, %logistic3A_161 : vector<782x128xf32>
    %get3A_163 = arith.constant 7 : index
    %get3A_164 = memref.load %arg5[%get3A_163] : memref<35xf32, #tpu.memory_space<smem>>
    %mul3A_165 = vector.broadcast %get3A_164 : f32 to vector<782x128xf32>
    %mul3A_166 = arith.mulf %logistic3A_162, %mul3A_165 : vector<782x128xf32>
    %add3A_167 = arith.addf %add3A_148, %mul3A_166 : vector<782x128xf32>
    %get3A_168 = arith.constant 8 : index
    %get3A_169 = memref.load %arg3[%get3A_168] : memref<35xf32, #tpu.memory_space<smem>>
    %mul3A_170 = vector.broadcast %get3A_169 : f32 to vector<782x128xf32>
    %mul3A_171 = arith.mulf %mul3A, %mul3A_170 : vector<782x128xf32>
    %get3A_172 = arith.constant 8 : index
    %get3A_173 = memref.load %arg4[%get3A_172] : memref<35xf32, #tpu.memory_space<smem>>
    %add3A_174 = vector.broadcast %get3A_173 : f32 to vector<782x128xf32>
    %add3A_175 = arith.addf %mul3A_171, %add3A_174 : vector<782x128xf32>
    %logistic3A_176 = arith.negf %add3A_175 : vector<782x128xf32>
    %logistic3A_177 = math.exp %logistic3A_176 : vector<782x128xf32>
    %logistic3A_178 = arith.constant 1.000000e+00 : f32
    %logistic3A_179 = vector.broadcast %logistic3A_178 : f32 to vector<782x128xf32>
    %logistic3A_180 = arith.addf %logistic3A_179, %logistic3A_177 : vector<782x128xf32>
    %logistic3A_181 = arith.divf %logistic3A_179, %logistic3A_180 : vector<782x128xf32>
    %get3A_182 = arith.constant 8 : index
    %get3A_183 = memref.load %arg5[%get3A_182] : memref<35xf32, #tpu.memory_space<smem>>
    %mul3A_184 = vector.broadcast %get3A_183 : f32 to vector<782x128xf32>
    %mul3A_185 = arith.mulf %logistic3A_181, %mul3A_184 : vector<782x128xf32>
    %add3A_186 = arith.addf %add3A_167, %mul3A_185 : vector<782x128xf32>
    %get3A_187 = arith.constant 9 : index
    %get3A_188 = memref.load %arg3[%get3A_187] : memref<35xf32, #tpu.memory_space<smem>>
    %mul3A_189 = vector.broadcast %get3A_188 : f32 to vector<782x128xf32>
    %mul3A_190 = arith.mulf %mul3A, %mul3A_189 : vector<782x128xf32>
    %get3A_191 = arith.constant 9 : index
    %get3A_192 = memref.load %arg4[%get3A_191] : memref<35xf32, #tpu.memory_space<smem>>
    %add3A_193 = vector.broadcast %get3A_192 : f32 to vector<782x128xf32>
    %add3A_194 = arith.addf %mul3A_190, %add3A_193 : vector<782x128xf32>
    %logistic3A_195 = arith.negf %add3A_194 : vector<782x128xf32>
    %logistic3A_196 = math.exp %logistic3A_195 : vector<782x128xf32>
    %logistic3A_197 = arith.constant 1.000000e+00 : f32
    %logistic3A_198 = vector.broadcast %logistic3A_197 : f32 to vector<782x128xf32>
    %logistic3A_199 = arith.addf %logistic3A_198, %logistic3A_196 : vector<782x128xf32>
    %logistic3A_200 = arith.divf %logistic3A_198, %logistic3A_199 : vector<782x128xf32>
    %get3A_201 = arith.constant 9 : index
    %get3A_202 = memref.load %arg5[%get3A_201] : memref<35xf32, #tpu.memory_space<smem>>
    %mul3A_203 = vector.broadcast %get3A_202 : f32 to vector<782x128xf32>
    %mul3A_204 = arith.mulf %logistic3A_200, %mul3A_203 : vector<782x128xf32>
    %add3A_205 = arith.addf %add3A_186, %mul3A_204 : vector<782x128xf32>
    %get3A_206 = arith.constant 10 : index
    %get3A_207 = memref.load %arg3[%get3A_206] : memref<35xf32, #tpu.memory_space<smem>>
    %mul3A_208 = vector.broadcast %get3A_207 : f32 to vector<782x128xf32>
    %mul3A_209 = arith.mulf %mul3A, %mul3A_208 : vector<782x128xf32>
    %get3A_210 = arith.constant 10 : index
    %get3A_211 = memref.load %arg4[%get3A_210] : memref<35xf32, #tpu.memory_space<smem>>
    %add3A_212 = vector.broadcast %get3A_211 : f32 to vector<782x128xf32>
    %add3A_213 = arith.addf %mul3A_209, %add3A_212 : vector<782x128xf32>
    %logistic3A_214 = arith.negf %add3A_213 : vector<782x128xf32>
    %logistic3A_215 = math.exp %logistic3A_214 : vector<782x128xf32>
    %logistic3A_216 = arith.constant 1.000000e+00 : f32
    %logistic3A_217 = vector.broadcast %logistic3A_216 : f32 to vector<782x128xf32>
    %logistic3A_218 = arith.addf %logistic3A_217, %logistic3A_215 : vector<782x128xf32>
    %logistic3A_219 = arith.divf %logistic3A_217, %logistic3A_218 : vector<782x128xf32>
    %get3A_220 = arith.constant 10 : index
    %get3A_221 = memref.load %arg5[%get3A_220] : memref<35xf32, #tpu.memory_space<smem>>
    %mul3A_222 = vector.broadcast %get3A_221 : f32 to vector<782x128xf32>
    %mul3A_223 = arith.mulf %logistic3A_219, %mul3A_222 : vector<782x128xf32>
    %add3A_224 = arith.addf %add3A_205, %mul3A_223 : vector<782x128xf32>
    %get3A_225 = arith.constant 11 : index
    %get3A_226 = memref.load %arg3[%get3A_225] : memref<35xf32, #tpu.memory_space<smem>>
    %mul3A_227 = vector.broadcast %get3A_226 : f32 to vector<782x128xf32>
    %mul3A_228 = arith.mulf %mul3A, %mul3A_227 : vector<782x128xf32>
    %get3A_229 = arith.constant 11 : index
    %get3A_230 = memref.load %arg4[%get3A_229] : memref<35xf32, #tpu.memory_space<smem>>
    %add3A_231 = vector.broadcast %get3A_230 : f32 to vector<782x128xf32>
    %add3A_232 = arith.addf %mul3A_228, %add3A_231 : vector<782x128xf32>
    %logistic3A_233 = arith.negf %add3A_232 : vector<782x128xf32>
    %logistic3A_234 = math.exp %logistic3A_233 : vector<782x128xf32>
    %logistic3A_235 = arith.constant 1.000000e+00 : f32
    %logistic3A_236 = vector.broadcast %logistic3A_235 : f32 to vector<782x128xf32>
    %logistic3A_237 = arith.addf %logistic3A_236, %logistic3A_234 : vector<782x128xf32>
    %logistic3A_238 = arith.divf %logistic3A_236, %logistic3A_237 : vector<782x128xf32>
    %get3A_239 = arith.constant 11 : index
    %get3A_240 = memref.load %arg5[%get3A_239] : memref<35xf32, #tpu.memory_space<smem>>
    %mul3A_241 = vector.broadcast %get3A_240 : f32 to vector<782x128xf32>
    %mul3A_242 = arith.mulf %logistic3A_238, %mul3A_241 : vector<782x128xf32>
    %add3A_243 = arith.addf %add3A_224, %mul3A_242 : vector<782x128xf32>
    %get3A_244 = arith.constant 12 : index
    %get3A_245 = memref.load %arg3[%get3A_244] : memref<35xf32, #tpu.memory_space<smem>>
    %mul3A_246 = vector.broadcast %get3A_245 : f32 to vector<782x128xf32>
    %mul3A_247 = arith.mulf %mul3A, %mul3A_246 : vector<782x128xf32>
    %get3A_248 = arith.constant 12 : index
    %get3A_249 = memref.load %arg4[%get3A_248] : memref<35xf32, #tpu.memory_space<smem>>
    %add3A_250 = vector.broadcast %get3A_249 : f32 to vector<782x128xf32>
    %add3A_251 = arith.addf %mul3A_247, %add3A_250 : vector<782x128xf32>
    %logistic3A_252 = arith.negf %add3A_251 : vector<782x128xf32>
    %logistic3A_253 = math.exp %logistic3A_252 : vector<782x128xf32>
    %logistic3A_254 = arith.constant 1.000000e+00 : f32
    %logistic3A_255 = vector.broadcast %logistic3A_254 : f32 to vector<782x128xf32>
    %logistic3A_256 = arith.addf %logistic3A_255, %logistic3A_253 : vector<782x128xf32>
    %logistic3A_257 = arith.divf %logistic3A_255, %logistic3A_256 : vector<782x128xf32>
    %get3A_258 = arith.constant 12 : index
    %get3A_259 = memref.load %arg5[%get3A_258] : memref<35xf32, #tpu.memory_space<smem>>
    %mul3A_260 = vector.broadcast %get3A_259 : f32 to vector<782x128xf32>
    %mul3A_261 = arith.mulf %logistic3A_257, %mul3A_260 : vector<782x128xf32>
    %add3A_262 = arith.addf %add3A_243, %mul3A_261 : vector<782x128xf32>
    %get3A_263 = arith.constant 13 : index
    %get3A_264 = memref.load %arg3[%get3A_263] : memref<35xf32, #tpu.memory_space<smem>>
    %mul3A_265 = vector.broadcast %get3A_264 : f32 to vector<782x128xf32>
    %mul3A_266 = arith.mulf %mul3A, %mul3A_265 : vector<782x128xf32>
    %get3A_267 = arith.constant 13 : index
    %get3A_268 = memref.load %arg4[%get3A_267] : memref<35xf32, #tpu.memory_space<smem>>
    %add3A_269 = vector.broadcast %get3A_268 : f32 to vector<782x128xf32>
    %add3A_270 = arith.addf %mul3A_266, %add3A_269 : vector<782x128xf32>
    %logistic3A_271 = arith.negf %add3A_270 : vector<782x128xf32>
    %logistic3A_272 = math.exp %logistic3A_271 : vector<782x128xf32>
    %logistic3A_273 = arith.constant 1.000000e+00 : f32
    %logistic3A_274 = vector.broadcast %logistic3A_273 : f32 to vector<782x128xf32>
    %logistic3A_275 = arith.addf %logistic3A_274, %logistic3A_272 : vector<782x128xf32>
    %logistic3A_276 = arith.divf %logistic3A_274, %logistic3A_275 : vector<782x128xf32>
    %get3A_277 = arith.constant 13 : index
    %get3A_278 = memref.load %arg5[%get3A_277] : memref<35xf32, #tpu.memory_space<smem>>
    %mul3A_279 = vector.broadcast %get3A_278 : f32 to vector<782x128xf32>
    %mul3A_280 = arith.mulf %logistic3A_276, %mul3A_279 : vector<782x128xf32>
    %add3A_281 = arith.addf %add3A_262, %mul3A_280 : vector<782x128xf32>
    %get3A_282 = arith.constant 14 : index
    %get3A_283 = memref.load %arg3[%get3A_282] : memref<35xf32, #tpu.memory_space<smem>>
    %mul3A_284 = vector.broadcast %get3A_283 : f32 to vector<782x128xf32>
    %mul3A_285 = arith.mulf %mul3A, %mul3A_284 : vector<782x128xf32>
    %get3A_286 = arith.constant 14 : index
    %get3A_287 = memref.load %arg4[%get3A_286] : memref<35xf32, #tpu.memory_space<smem>>
    %add3A_288 = vector.broadcast %get3A_287 : f32 to vector<782x128xf32>
    %add3A_289 = arith.addf %mul3A_285, %add3A_288 : vector<782x128xf32>
    %logistic3A_290 = arith.negf %add3A_289 : vector<782x128xf32>
    %logistic3A_291 = math.exp %logistic3A_290 : vector<782x128xf32>
    %logistic3A_292 = arith.constant 1.000000e+00 : f32
    %logistic3A_293 = vector.broadcast %logistic3A_292 : f32 to vector<782x128xf32>
    %logistic3A_294 = arith.addf %logistic3A_293, %logistic3A_291 : vector<782x128xf32>
    %logistic3A_295 = arith.divf %logistic3A_293, %logistic3A_294 : vector<782x128xf32>
    %get3A_296 = arith.constant 14 : index
    %get3A_297 = memref.load %arg5[%get3A_296] : memref<35xf32, #tpu.memory_space<smem>>
    %mul3A_298 = vector.broadcast %get3A_297 : f32 to vector<782x128xf32>
    %mul3A_299 = arith.mulf %logistic3A_295, %mul3A_298 : vector<782x128xf32>
    %add3A_300 = arith.addf %add3A_281, %mul3A_299 : vector<782x128xf32>
    %get3A_301 = arith.constant 15 : index
    %get3A_302 = memref.load %arg3[%get3A_301] : memref<35xf32, #tpu.memory_space<smem>>
    %mul3A_303 = vector.broadcast %get3A_302 : f32 to vector<782x128xf32>
    %mul3A_304 = arith.mulf %mul3A, %mul3A_303 : vector<782x128xf32>
    %get3A_305 = arith.constant 15 : index
    %get3A_306 = memref.load %arg4[%get3A_305] : memref<35xf32, #tpu.memory_space<smem>>
    %add3A_307 = vector.broadcast %get3A_306 : f32 to vector<782x128xf32>
    %add3A_308 = arith.addf %mul3A_304, %add3A_307 : vector<782x128xf32>
    %logistic3A_309 = arith.negf %add3A_308 : vector<782x128xf32>
    %logistic3A_310 = math.exp %logistic3A_309 : vector<782x128xf32>
    %logistic3A_311 = arith.constant 1.000000e+00 : f32
    %logistic3A_312 = vector.broadcast %logistic3A_311 : f32 to vector<782x128xf32>
    %logistic3A_313 = arith.addf %logistic3A_312, %logistic3A_310 : vector<782x128xf32>
    %logistic3A_314 = arith.divf %logistic3A_312, %logistic3A_313 : vector<782x128xf32>
    %get3A_315 = arith.constant 15 : index
    %get3A_316 = memref.load %arg5[%get3A_315] : memref<35xf32, #tpu.memory_space<smem>>
    %mul3A_317 = vector.broadcast %get3A_316 : f32 to vector<782x128xf32>
    %mul3A_318 = arith.mulf %logistic3A_314, %mul3A_317 : vector<782x128xf32>
    %add3A_319 = arith.addf %add3A_300, %mul3A_318 : vector<782x128xf32>
    %get3A_320 = arith.constant 16 : index
    %get3A_321 = memref.load %arg3[%get3A_320] : memref<35xf32, #tpu.memory_space<smem>>
    %mul3A_322 = vector.broadcast %get3A_321 : f32 to vector<782x128xf32>
    %mul3A_323 = arith.mulf %mul3A, %mul3A_322 : vector<782x128xf32>
    %get3A_324 = arith.constant 16 : index
    %get3A_325 = memref.load %arg4[%get3A_324] : memref<35xf32, #tpu.memory_space<smem>>
    %add3A_326 = vector.broadcast %get3A_325 : f32 to vector<782x128xf32>
    %add3A_327 = arith.addf %mul3A_323, %add3A_326 : vector<782x128xf32>
    %logistic3A_328 = arith.negf %add3A_327 : vector<782x128xf32>
    %logistic3A_329 = math.exp %logistic3A_328 : vector<782x128xf32>
    %logistic3A_330 = arith.constant 1.000000e+00 : f32
    %logistic3A_331 = vector.broadcast %logistic3A_330 : f32 to vector<782x128xf32>
    %logistic3A_332 = arith.addf %logistic3A_331, %logistic3A_329 : vector<782x128xf32>
    %logistic3A_333 = arith.divf %logistic3A_331, %logistic3A_332 : vector<782x128xf32>
    %get3A_334 = arith.constant 16 : index
    %get3A_335 = memref.load %arg5[%get3A_334] : memref<35xf32, #tpu.memory_space<smem>>
    %mul3A_336 = vector.broadcast %get3A_335 : f32 to vector<782x128xf32>
    %mul3A_337 = arith.mulf %logistic3A_333, %mul3A_336 : vector<782x128xf32>
    %add3A_338 = arith.addf %add3A_319, %mul3A_337 : vector<782x128xf32>
    %get3A_339 = arith.constant 17 : index
    %get3A_340 = memref.load %arg3[%get3A_339] : memref<35xf32, #tpu.memory_space<smem>>
    %mul3A_341 = vector.broadcast %get3A_340 : f32 to vector<782x128xf32>
    %mul3A_342 = arith.mulf %mul3A, %mul3A_341 : vector<782x128xf32>
    %get3A_343 = arith.constant 17 : index
    %get3A_344 = memref.load %arg4[%get3A_343] : memref<35xf32, #tpu.memory_space<smem>>
    %add3A_345 = vector.broadcast %get3A_344 : f32 to vector<782x128xf32>
    %add3A_346 = arith.addf %mul3A_342, %add3A_345 : vector<782x128xf32>
    %logistic3A_347 = arith.negf %add3A_346 : vector<782x128xf32>
    %logistic3A_348 = math.exp %logistic3A_347 : vector<782x128xf32>
    %logistic3A_349 = arith.constant 1.000000e+00 : f32
    %logistic3A_350 = vector.broadcast %logistic3A_349 : f32 to vector<782x128xf32>
    %logistic3A_351 = arith.addf %logistic3A_350, %logistic3A_348 : vector<782x128xf32>
    %logistic3A_352 = arith.divf %logistic3A_350, %logistic3A_351 : vector<782x128xf32>
    %get3A_353 = arith.constant 17 : index
    %get3A_354 = memref.load %arg5[%get3A_353] : memref<35xf32, #tpu.memory_space<smem>>
    %mul3A_355 = vector.broadcast %get3A_354 : f32 to vector<782x128xf32>
    %mul3A_356 = arith.mulf %logistic3A_352, %mul3A_355 : vector<782x128xf32>
    %add3A_357 = arith.addf %add3A_338, %mul3A_356 : vector<782x128xf32>
    %get3A_358 = arith.constant 18 : index
    %get3A_359 = memref.load %arg3[%get3A_358] : memref<35xf32, #tpu.memory_space<smem>>
    %mul3A_360 = vector.broadcast %get3A_359 : f32 to vector<782x128xf32>
    %mul3A_361 = arith.mulf %mul3A, %mul3A_360 : vector<782x128xf32>
    %get3A_362 = arith.constant 18 : index
    %get3A_363 = memref.load %arg4[%get3A_362] : memref<35xf32, #tpu.memory_space<smem>>
    %add3A_364 = vector.broadcast %get3A_363 : f32 to vector<782x128xf32>
    %add3A_365 = arith.addf %mul3A_361, %add3A_364 : vector<782x128xf32>
    %logistic3A_366 = arith.negf %add3A_365 : vector<782x128xf32>
    %logistic3A_367 = math.exp %logistic3A_366 : vector<782x128xf32>
    %logistic3A_368 = arith.constant 1.000000e+00 : f32
    %logistic3A_369 = vector.broadcast %logistic3A_368 : f32 to vector<782x128xf32>
    %logistic3A_370 = arith.addf %logistic3A_369, %logistic3A_367 : vector<782x128xf32>
    %logistic3A_371 = arith.divf %logistic3A_369, %logistic3A_370 : vector<782x128xf32>
    %get3A_372 = arith.constant 18 : index
    %get3A_373 = memref.load %arg5[%get3A_372] : memref<35xf32, #tpu.memory_space<smem>>
    %mul3A_374 = vector.broadcast %get3A_373 : f32 to vector<782x128xf32>
    %mul3A_375 = arith.mulf %logistic3A_371, %mul3A_374 : vector<782x128xf32>
    %add3A_376 = arith.addf %add3A_357, %mul3A_375 : vector<782x128xf32>
    %get3A_377 = arith.constant 19 : index
    %get3A_378 = memref.load %arg3[%get3A_377] : memref<35xf32, #tpu.memory_space<smem>>
    %mul3A_379 = vector.broadcast %get3A_378 : f32 to vector<782x128xf32>
    %mul3A_380 = arith.mulf %mul3A, %mul3A_379 : vector<782x128xf32>
    %get3A_381 = arith.constant 19 : index
    %get3A_382 = memref.load %arg4[%get3A_381] : memref<35xf32, #tpu.memory_space<smem>>
    %add3A_383 = vector.broadcast %get3A_382 : f32 to vector<782x128xf32>
    %add3A_384 = arith.addf %mul3A_380, %add3A_383 : vector<782x128xf32>
    %logistic3A_385 = arith.negf %add3A_384 : vector<782x128xf32>
    %logistic3A_386 = math.exp %logistic3A_385 : vector<782x128xf32>
    %logistic3A_387 = arith.constant 1.000000e+00 : f32
    %logistic3A_388 = vector.broadcast %logistic3A_387 : f32 to vector<782x128xf32>
    %logistic3A_389 = arith.addf %logistic3A_388, %logistic3A_386 : vector<782x128xf32>
    %logistic3A_390 = arith.divf %logistic3A_388, %logistic3A_389 : vector<782x128xf32>
    %get3A_391 = arith.constant 19 : index
    %get3A_392 = memref.load %arg5[%get3A_391] : memref<35xf32, #tpu.memory_space<smem>>
    %mul3A_393 = vector.broadcast %get3A_392 : f32 to vector<782x128xf32>
    %mul3A_394 = arith.mulf %logistic3A_390, %mul3A_393 : vector<782x128xf32>
    %add3A_395 = arith.addf %add3A_376, %mul3A_394 : vector<782x128xf32>
    %get3A_396 = arith.constant 20 : index
    %get3A_397 = memref.load %arg3[%get3A_396] : memref<35xf32, #tpu.memory_space<smem>>
    %mul3A_398 = vector.broadcast %get3A_397 : f32 to vector<782x128xf32>
    %mul3A_399 = arith.mulf %mul3A, %mul3A_398 : vector<782x128xf32>
    %get3A_400 = arith.constant 20 : index
    %get3A_401 = memref.load %arg4[%get3A_400] : memref<35xf32, #tpu.memory_space<smem>>
    %add3A_402 = vector.broadcast %get3A_401 : f32 to vector<782x128xf32>
    %add3A_403 = arith.addf %mul3A_399, %add3A_402 : vector<782x128xf32>
    %logistic3A_404 = arith.negf %add3A_403 : vector<782x128xf32>
    %logistic3A_405 = math.exp %logistic3A_404 : vector<782x128xf32>
    %logistic3A_406 = arith.constant 1.000000e+00 : f32
    %logistic3A_407 = vector.broadcast %logistic3A_406 : f32 to vector<782x128xf32>
    %logistic3A_408 = arith.addf %logistic3A_407, %logistic3A_405 : vector<782x128xf32>
    %logistic3A_409 = arith.divf %logistic3A_407, %logistic3A_408 : vector<782x128xf32>
    %get3A_410 = arith.constant 20 : index
    %get3A_411 = memref.load %arg5[%get3A_410] : memref<35xf32, #tpu.memory_space<smem>>
    %mul3A_412 = vector.broadcast %get3A_411 : f32 to vector<782x128xf32>
    %mul3A_413 = arith.mulf %logistic3A_409, %mul3A_412 : vector<782x128xf32>
    %add3A_414 = arith.addf %add3A_395, %mul3A_413 : vector<782x128xf32>
    %get3A_415 = arith.constant 21 : index
    %get3A_416 = memref.load %arg3[%get3A_415] : memref<35xf32, #tpu.memory_space<smem>>
    %mul3A_417 = vector.broadcast %get3A_416 : f32 to vector<782x128xf32>
    %mul3A_418 = arith.mulf %mul3A, %mul3A_417 : vector<782x128xf32>
    %get3A_419 = arith.constant 21 : index
    %get3A_420 = memref.load %arg4[%get3A_419] : memref<35xf32, #tpu.memory_space<smem>>
    %add3A_421 = vector.broadcast %get3A_420 : f32 to vector<782x128xf32>
    %add3A_422 = arith.addf %mul3A_418, %add3A_421 : vector<782x128xf32>
    %logistic3A_423 = arith.negf %add3A_422 : vector<782x128xf32>
    %logistic3A_424 = math.exp %logistic3A_423 : vector<782x128xf32>
    %logistic3A_425 = arith.constant 1.000000e+00 : f32
    %logistic3A_426 = vector.broadcast %logistic3A_425 : f32 to vector<782x128xf32>
    %logistic3A_427 = arith.addf %logistic3A_426, %logistic3A_424 : vector<782x128xf32>
    %logistic3A_428 = arith.divf %logistic3A_426, %logistic3A_427 : vector<782x128xf32>
    %get3A_429 = arith.constant 21 : index
    %get3A_430 = memref.load %arg5[%get3A_429] : memref<35xf32, #tpu.memory_space<smem>>
    %mul3A_431 = vector.broadcast %get3A_430 : f32 to vector<782x128xf32>
    %mul3A_432 = arith.mulf %logistic3A_428, %mul3A_431 : vector<782x128xf32>
    %add3A_433 = arith.addf %add3A_414, %mul3A_432 : vector<782x128xf32>
    %get3A_434 = arith.constant 22 : index
    %get3A_435 = memref.load %arg3[%get3A_434] : memref<35xf32, #tpu.memory_space<smem>>
    %mul3A_436 = vector.broadcast %get3A_435 : f32 to vector<782x128xf32>
    %mul3A_437 = arith.mulf %mul3A, %mul3A_436 : vector<782x128xf32>
    %get3A_438 = arith.constant 22 : index
    %get3A_439 = memref.load %arg4[%get3A_438] : memref<35xf32, #tpu.memory_space<smem>>
    %add3A_440 = vector.broadcast %get3A_439 : f32 to vector<782x128xf32>
    %add3A_441 = arith.addf %mul3A_437, %add3A_440 : vector<782x128xf32>
    %logistic3A_442 = arith.negf %add3A_441 : vector<782x128xf32>
    %logistic3A_443 = math.exp %logistic3A_442 : vector<782x128xf32>
    %logistic3A_444 = arith.constant 1.000000e+00 : f32
    %logistic3A_445 = vector.broadcast %logistic3A_444 : f32 to vector<782x128xf32>
    %logistic3A_446 = arith.addf %logistic3A_445, %logistic3A_443 : vector<782x128xf32>
    %logistic3A_447 = arith.divf %logistic3A_445, %logistic3A_446 : vector<782x128xf32>
    %get3A_448 = arith.constant 22 : index
    %get3A_449 = memref.load %arg5[%get3A_448] : memref<35xf32, #tpu.memory_space<smem>>
    %mul3A_450 = vector.broadcast %get3A_449 : f32 to vector<782x128xf32>
    %mul3A_451 = arith.mulf %logistic3A_447, %mul3A_450 : vector<782x128xf32>
    %add3A_452 = arith.addf %add3A_433, %mul3A_451 : vector<782x128xf32>
    %get3A_453 = arith.constant 23 : index
    %get3A_454 = memref.load %arg3[%get3A_453] : memref<35xf32, #tpu.memory_space<smem>>
    %mul3A_455 = vector.broadcast %get3A_454 : f32 to vector<782x128xf32>
    %mul3A_456 = arith.mulf %mul3A, %mul3A_455 : vector<782x128xf32>
    %get3A_457 = arith.constant 23 : index
    %get3A_458 = memref.load %arg4[%get3A_457] : memref<35xf32, #tpu.memory_space<smem>>
    %add3A_459 = vector.broadcast %get3A_458 : f32 to vector<782x128xf32>
    %add3A_460 = arith.addf %mul3A_456, %add3A_459 : vector<782x128xf32>
    %logistic3A_461 = arith.negf %add3A_460 : vector<782x128xf32>
    %logistic3A_462 = math.exp %logistic3A_461 : vector<782x128xf32>
    %logistic3A_463 = arith.constant 1.000000e+00 : f32
    %logistic3A_464 = vector.broadcast %logistic3A_463 : f32 to vector<782x128xf32>
    %logistic3A_465 = arith.addf %logistic3A_464, %logistic3A_462 : vector<782x128xf32>
    %logistic3A_466 = arith.divf %logistic3A_464, %logistic3A_465 : vector<782x128xf32>
    %get3A_467 = arith.constant 23 : index
    %get3A_468 = memref.load %arg5[%get3A_467] : memref<35xf32, #tpu.memory_space<smem>>
    %mul3A_469 = vector.broadcast %get3A_468 : f32 to vector<782x128xf32>
    %mul3A_470 = arith.mulf %logistic3A_466, %mul3A_469 : vector<782x128xf32>
    %add3A_471 = arith.addf %add3A_452, %mul3A_470 : vector<782x128xf32>
    %get3A_472 = arith.constant 24 : index
    %get3A_473 = memref.load %arg3[%get3A_472] : memref<35xf32, #tpu.memory_space<smem>>
    %mul3A_474 = vector.broadcast %get3A_473 : f32 to vector<782x128xf32>
    %mul3A_475 = arith.mulf %mul3A, %mul3A_474 : vector<782x128xf32>
    %get3A_476 = arith.constant 24 : index
    %get3A_477 = memref.load %arg4[%get3A_476] : memref<35xf32, #tpu.memory_space<smem>>
    %add3A_478 = vector.broadcast %get3A_477 : f32 to vector<782x128xf32>
    %add3A_479 = arith.addf %mul3A_475, %add3A_478 : vector<782x128xf32>
    %logistic3A_480 = arith.negf %add3A_479 : vector<782x128xf32>
    %logistic3A_481 = math.exp %logistic3A_480 : vector<782x128xf32>
    %logistic3A_482 = arith.constant 1.000000e+00 : f32
    %logistic3A_483 = vector.broadcast %logistic3A_482 : f32 to vector<782x128xf32>
    %logistic3A_484 = arith.addf %logistic3A_483, %logistic3A_481 : vector<782x128xf32>
    %logistic3A_485 = arith.divf %logistic3A_483, %logistic3A_484 : vector<782x128xf32>
    %get3A_486 = arith.constant 24 : index
    %get3A_487 = memref.load %arg5[%get3A_486] : memref<35xf32, #tpu.memory_space<smem>>
    %mul3A_488 = vector.broadcast %get3A_487 : f32 to vector<782x128xf32>
    %mul3A_489 = arith.mulf %logistic3A_485, %mul3A_488 : vector<782x128xf32>
    %add3A_490 = arith.addf %add3A_471, %mul3A_489 : vector<782x128xf32>
    %get3A_491 = arith.constant 25 : index
    %get3A_492 = memref.load %arg3[%get3A_491] : memref<35xf32, #tpu.memory_space<smem>>
    %mul3A_493 = vector.broadcast %get3A_492 : f32 to vector<782x128xf32>
    %mul3A_494 = arith.mulf %mul3A, %mul3A_493 : vector<782x128xf32>
    %get3A_495 = arith.constant 25 : index
    %get3A_496 = memref.load %arg4[%get3A_495] : memref<35xf32, #tpu.memory_space<smem>>
    %add3A_497 = vector.broadcast %get3A_496 : f32 to vector<782x128xf32>
    %add3A_498 = arith.addf %mul3A_494, %add3A_497 : vector<782x128xf32>
    %logistic3A_499 = arith.negf %add3A_498 : vector<782x128xf32>
    %logistic3A_500 = math.exp %logistic3A_499 : vector<782x128xf32>
    %logistic3A_501 = arith.constant 1.000000e+00 : f32
    %logistic3A_502 = vector.broadcast %logistic3A_501 : f32 to vector<782x128xf32>
    %logistic3A_503 = arith.addf %logistic3A_502, %logistic3A_500 : vector<782x128xf32>
    %logistic3A_504 = arith.divf %logistic3A_502, %logistic3A_503 : vector<782x128xf32>
    %get3A_505 = arith.constant 25 : index
    %get3A_506 = memref.load %arg5[%get3A_505] : memref<35xf32, #tpu.memory_space<smem>>
    %mul3A_507 = vector.broadcast %get3A_506 : f32 to vector<782x128xf32>
    %mul3A_508 = arith.mulf %logistic3A_504, %mul3A_507 : vector<782x128xf32>
    %add3A_509 = arith.addf %add3A_490, %mul3A_508 : vector<782x128xf32>
    %get3A_510 = arith.constant 26 : index
    %get3A_511 = memref.load %arg3[%get3A_510] : memref<35xf32, #tpu.memory_space<smem>>
    %mul3A_512 = vector.broadcast %get3A_511 : f32 to vector<782x128xf32>
    %mul3A_513 = arith.mulf %mul3A, %mul3A_512 : vector<782x128xf32>
    %get3A_514 = arith.constant 26 : index
    %get3A_515 = memref.load %arg4[%get3A_514] : memref<35xf32, #tpu.memory_space<smem>>
    %add3A_516 = vector.broadcast %get3A_515 : f32 to vector<782x128xf32>
    %add3A_517 = arith.addf %mul3A_513, %add3A_516 : vector<782x128xf32>
    %logistic3A_518 = arith.negf %add3A_517 : vector<782x128xf32>
    %logistic3A_519 = math.exp %logistic3A_518 : vector<782x128xf32>
    %logistic3A_520 = arith.constant 1.000000e+00 : f32
    %logistic3A_521 = vector.broadcast %logistic3A_520 : f32 to vector<782x128xf32>
    %logistic3A_522 = arith.addf %logistic3A_521, %logistic3A_519 : vector<782x128xf32>
    %logistic3A_523 = arith.divf %logistic3A_521, %logistic3A_522 : vector<782x128xf32>
    %get3A_524 = arith.constant 26 : index
    %get3A_525 = memref.load %arg5[%get3A_524] : memref<35xf32, #tpu.memory_space<smem>>
    %mul3A_526 = vector.broadcast %get3A_525 : f32 to vector<782x128xf32>
    %mul3A_527 = arith.mulf %logistic3A_523, %mul3A_526 : vector<782x128xf32>
    %add3A_528 = arith.addf %add3A_509, %mul3A_527 : vector<782x128xf32>
    %get3A_529 = arith.constant 27 : index
    %get3A_530 = memref.load %arg3[%get3A_529] : memref<35xf32, #tpu.memory_space<smem>>
    %mul3A_531 = vector.broadcast %get3A_530 : f32 to vector<782x128xf32>
    %mul3A_532 = arith.mulf %mul3A, %mul3A_531 : vector<782x128xf32>
    %get3A_533 = arith.constant 27 : index
    %get3A_534 = memref.load %arg4[%get3A_533] : memref<35xf32, #tpu.memory_space<smem>>
    %add3A_535 = vector.broadcast %get3A_534 : f32 to vector<782x128xf32>
    %add3A_536 = arith.addf %mul3A_532, %add3A_535 : vector<782x128xf32>
    %logistic3A_537 = arith.negf %add3A_536 : vector<782x128xf32>
    %logistic3A_538 = math.exp %logistic3A_537 : vector<782x128xf32>
    %logistic3A_539 = arith.constant 1.000000e+00 : f32
    %logistic3A_540 = vector.broadcast %logistic3A_539 : f32 to vector<782x128xf32>
    %logistic3A_541 = arith.addf %logistic3A_540, %logistic3A_538 : vector<782x128xf32>
    %logistic3A_542 = arith.divf %logistic3A_540, %logistic3A_541 : vector<782x128xf32>
    %get3A_543 = arith.constant 27 : index
    %get3A_544 = memref.load %arg5[%get3A_543] : memref<35xf32, #tpu.memory_space<smem>>
    %mul3A_545 = vector.broadcast %get3A_544 : f32 to vector<782x128xf32>
    %mul3A_546 = arith.mulf %logistic3A_542, %mul3A_545 : vector<782x128xf32>
    %add3A_547 = arith.addf %add3A_528, %mul3A_546 : vector<782x128xf32>
    %get3A_548 = arith.constant 28 : index
    %get3A_549 = memref.load %arg3[%get3A_548] : memref<35xf32, #tpu.memory_space<smem>>
    %mul3A_550 = vector.broadcast %get3A_549 : f32 to vector<782x128xf32>
    %mul3A_551 = arith.mulf %mul3A, %mul3A_550 : vector<782x128xf32>
    %get3A_552 = arith.constant 28 : index
    %get3A_553 = memref.load %arg4[%get3A_552] : memref<35xf32, #tpu.memory_space<smem>>
    %add3A_554 = vector.broadcast %get3A_553 : f32 to vector<782x128xf32>
    %add3A_555 = arith.addf %mul3A_551, %add3A_554 : vector<782x128xf32>
    %logistic3A_556 = arith.negf %add3A_555 : vector<782x128xf32>
    %logistic3A_557 = math.exp %logistic3A_556 : vector<782x128xf32>
    %logistic3A_558 = arith.constant 1.000000e+00 : f32
    %logistic3A_559 = vector.broadcast %logistic3A_558 : f32 to vector<782x128xf32>
    %logistic3A_560 = arith.addf %logistic3A_559, %logistic3A_557 : vector<782x128xf32>
    %logistic3A_561 = arith.divf %logistic3A_559, %logistic3A_560 : vector<782x128xf32>
    %get3A_562 = arith.constant 28 : index
    %get3A_563 = memref.load %arg5[%get3A_562] : memref<35xf32, #tpu.memory_space<smem>>
    %mul3A_564 = vector.broadcast %get3A_563 : f32 to vector<782x128xf32>
    %mul3A_565 = arith.mulf %logistic3A_561, %mul3A_564 : vector<782x128xf32>
    %add3A_566 = arith.addf %add3A_547, %mul3A_565 : vector<782x128xf32>
    %get3A_567 = arith.constant 29 : index
    %get3A_568 = memref.load %arg3[%get3A_567] : memref<35xf32, #tpu.memory_space<smem>>
    %mul3A_569 = vector.broadcast %get3A_568 : f32 to vector<782x128xf32>
    %mul3A_570 = arith.mulf %mul3A, %mul3A_569 : vector<782x128xf32>
    %get3A_571 = arith.constant 29 : index
    %get3A_572 = memref.load %arg4[%get3A_571] : memref<35xf32, #tpu.memory_space<smem>>
    %add3A_573 = vector.broadcast %get3A_572 : f32 to vector<782x128xf32>
    %add3A_574 = arith.addf %mul3A_570, %add3A_573 : vector<782x128xf32>
    %logistic3A_575 = arith.negf %add3A_574 : vector<782x128xf32>
    %logistic3A_576 = math.exp %logistic3A_575 : vector<782x128xf32>
    %logistic3A_577 = arith.constant 1.000000e+00 : f32
    %logistic3A_578 = vector.broadcast %logistic3A_577 : f32 to vector<782x128xf32>
    %logistic3A_579 = arith.addf %logistic3A_578, %logistic3A_576 : vector<782x128xf32>
    %logistic3A_580 = arith.divf %logistic3A_578, %logistic3A_579 : vector<782x128xf32>
    %get3A_581 = arith.constant 29 : index
    %get3A_582 = memref.load %arg5[%get3A_581] : memref<35xf32, #tpu.memory_space<smem>>
    %mul3A_583 = vector.broadcast %get3A_582 : f32 to vector<782x128xf32>
    %mul3A_584 = arith.mulf %logistic3A_580, %mul3A_583 : vector<782x128xf32>
    %add3A_585 = arith.addf %add3A_566, %mul3A_584 : vector<782x128xf32>
    %get3A_586 = arith.constant 30 : index
    %get3A_587 = memref.load %arg3[%get3A_586] : memref<35xf32, #tpu.memory_space<smem>>
    %mul3A_588 = vector.broadcast %get3A_587 : f32 to vector<782x128xf32>
    %mul3A_589 = arith.mulf %mul3A, %mul3A_588 : vector<782x128xf32>
    %get3A_590 = arith.constant 30 : index
    %get3A_591 = memref.load %arg4[%get3A_590] : memref<35xf32, #tpu.memory_space<smem>>
    %add3A_592 = vector.broadcast %get3A_591 : f32 to vector<782x128xf32>
    %add3A_593 = arith.addf %mul3A_589, %add3A_592 : vector<782x128xf32>
    %logistic3A_594 = arith.negf %add3A_593 : vector<782x128xf32>
    %logistic3A_595 = math.exp %logistic3A_594 : vector<782x128xf32>
    %logistic3A_596 = arith.constant 1.000000e+00 : f32
    %logistic3A_597 = vector.broadcast %logistic3A_596 : f32 to vector<782x128xf32>
    %logistic3A_598 = arith.addf %logistic3A_597, %logistic3A_595 : vector<782x128xf32>
    %logistic3A_599 = arith.divf %logistic3A_597, %logistic3A_598 : vector<782x128xf32>
    %get3A_600 = arith.constant 30 : index
    %get3A_601 = memref.load %arg5[%get3A_600] : memref<35xf32, #tpu.memory_space<smem>>
    %mul3A_602 = vector.broadcast %get3A_601 : f32 to vector<782x128xf32>
    %mul3A_603 = arith.mulf %logistic3A_599, %mul3A_602 : vector<782x128xf32>
    %add3A_604 = arith.addf %add3A_585, %mul3A_603 : vector<782x128xf32>
    %get3A_605 = arith.constant 31 : index
    %get3A_606 = memref.load %arg3[%get3A_605] : memref<35xf32, #tpu.memory_space<smem>>
    %mul3A_607 = vector.broadcast %get3A_606 : f32 to vector<782x128xf32>
    %mul3A_608 = arith.mulf %mul3A, %mul3A_607 : vector<782x128xf32>
    %get3A_609 = arith.constant 31 : index
    %get3A_610 = memref.load %arg4[%get3A_609] : memref<35xf32, #tpu.memory_space<smem>>
    %add3A_611 = vector.broadcast %get3A_610 : f32 to vector<782x128xf32>
    %add3A_612 = arith.addf %mul3A_608, %add3A_611 : vector<782x128xf32>
    %logistic3A_613 = arith.negf %add3A_612 : vector<782x128xf32>
    %logistic3A_614 = math.exp %logistic3A_613 : vector<782x128xf32>
    %logistic3A_615 = arith.constant 1.000000e+00 : f32
    %logistic3A_616 = vector.broadcast %logistic3A_615 : f32 to vector<782x128xf32>
    %logistic3A_617 = arith.addf %logistic3A_616, %logistic3A_614 : vector<782x128xf32>
    %logistic3A_618 = arith.divf %logistic3A_616, %logistic3A_617 : vector<782x128xf32>
    %get3A_619 = arith.constant 31 : index
    %get3A_620 = memref.load %arg5[%get3A_619] : memref<35xf32, #tpu.memory_space<smem>>
    %mul3A_621 = vector.broadcast %get3A_620 : f32 to vector<782x128xf32>
    %mul3A_622 = arith.mulf %logistic3A_618, %mul3A_621 : vector<782x128xf32>
    %add3A_623 = arith.addf %add3A_604, %mul3A_622 : vector<782x128xf32>
    %get3A_624 = arith.constant 32 : index
    %get3A_625 = memref.load %arg3[%get3A_624] : memref<35xf32, #tpu.memory_space<smem>>
    %mul3A_626 = vector.broadcast %get3A_625 : f32 to vector<782x128xf32>
    %mul3A_627 = arith.mulf %mul3A, %mul3A_626 : vector<782x128xf32>
    %get3A_628 = arith.constant 32 : index
    %get3A_629 = memref.load %arg4[%get3A_628] : memref<35xf32, #tpu.memory_space<smem>>
    %add3A_630 = vector.broadcast %get3A_629 : f32 to vector<782x128xf32>
    %add3A_631 = arith.addf %mul3A_627, %add3A_630 : vector<782x128xf32>
    %logistic3A_632 = arith.negf %add3A_631 : vector<782x128xf32>
    %logistic3A_633 = math.exp %logistic3A_632 : vector<782x128xf32>
    %logistic3A_634 = arith.constant 1.000000e+00 : f32
    %logistic3A_635 = vector.broadcast %logistic3A_634 : f32 to vector<782x128xf32>
    %logistic3A_636 = arith.addf %logistic3A_635, %logistic3A_633 : vector<782x128xf32>
    %logistic3A_637 = arith.divf %logistic3A_635, %logistic3A_636 : vector<782x128xf32>
    %get3A_638 = arith.constant 32 : index
    %get3A_639 = memref.load %arg5[%get3A_638] : memref<35xf32, #tpu.memory_space<smem>>
    %mul3A_640 = vector.broadcast %get3A_639 : f32 to vector<782x128xf32>
    %mul3A_641 = arith.mulf %logistic3A_637, %mul3A_640 : vector<782x128xf32>
    %add3A_642 = arith.addf %add3A_623, %mul3A_641 : vector<782x128xf32>
    %get3A_643 = arith.constant 33 : index
    %get3A_644 = memref.load %arg3[%get3A_643] : memref<35xf32, #tpu.memory_space<smem>>
    %mul3A_645 = vector.broadcast %get3A_644 : f32 to vector<782x128xf32>
    %mul3A_646 = arith.mulf %mul3A, %mul3A_645 : vector<782x128xf32>
    %get3A_647 = arith.constant 33 : index
    %get3A_648 = memref.load %arg4[%get3A_647] : memref<35xf32, #tpu.memory_space<smem>>
    %add3A_649 = vector.broadcast %get3A_648 : f32 to vector<782x128xf32>
    %add3A_650 = arith.addf %mul3A_646, %add3A_649 : vector<782x128xf32>
    %logistic3A_651 = arith.negf %add3A_650 : vector<782x128xf32>
    %logistic3A_652 = math.exp %logistic3A_651 : vector<782x128xf32>
    %logistic3A_653 = arith.constant 1.000000e+00 : f32
    %logistic3A_654 = vector.broadcast %logistic3A_653 : f32 to vector<782x128xf32>
    %logistic3A_655 = arith.addf %logistic3A_654, %logistic3A_652 : vector<782x128xf32>
    %logistic3A_656 = arith.divf %logistic3A_654, %logistic3A_655 : vector<782x128xf32>
    %get3A_657 = arith.constant 33 : index
    %get3A_658 = memref.load %arg5[%get3A_657] : memref<35xf32, #tpu.memory_space<smem>>
    %mul3A_659 = vector.broadcast %get3A_658 : f32 to vector<782x128xf32>
    %mul3A_660 = arith.mulf %logistic3A_656, %mul3A_659 : vector<782x128xf32>
    %add3A_661 = arith.addf %add3A_642, %mul3A_660 : vector<782x128xf32>
    %get3A_662 = arith.constant 34 : index
    %get3A_663 = memref.load %arg3[%get3A_662] : memref<35xf32, #tpu.memory_space<smem>>
    %mul3A_664 = vector.broadcast %get3A_663 : f32 to vector<782x128xf32>
    %mul3A_665 = arith.mulf %mul3A, %mul3A_664 : vector<782x128xf32>
    %get3A_666 = arith.constant 34 : index
    %get3A_667 = memref.load %arg4[%get3A_666] : memref<35xf32, #tpu.memory_space<smem>>
    %add3A_668 = vector.broadcast %get3A_667 : f32 to vector<782x128xf32>
    %add3A_669 = arith.addf %mul3A_665, %add3A_668 : vector<782x128xf32>
    %logistic3A_670 = arith.negf %add3A_669 : vector<782x128xf32>
    %logistic3A_671 = math.exp %logistic3A_670 : vector<782x128xf32>
    %logistic3A_672 = arith.constant 1.000000e+00 : f32
    %logistic3A_673 = vector.broadcast %logistic3A_672 : f32 to vector<782x128xf32>
    %logistic3A_674 = arith.addf %logistic3A_673, %logistic3A_671 : vector<782x128xf32>
    %logistic3A_675 = arith.divf %logistic3A_673, %logistic3A_674 : vector<782x128xf32>
    %get3A_676 = arith.constant 34 : index
    %get3A_677 = memref.load %arg5[%get3A_676] : memref<35xf32, #tpu.memory_space<smem>>
    %mul3A_678 = vector.broadcast %get3A_677 : f32 to vector<782x128xf32>
    %mul3A_679 = arith.mulf %logistic3A_675, %mul3A_678 : vector<782x128xf32>
    %add3A_680 = arith.addf %add3A_661, %mul3A_679 : vector<782x128xf32>
    %mul3A_681 = arith.mulf %get3A_1, %add3A_680 : vector<782x128xf32>
    %swap3A = arith.constant 0 : index
    %swap3A_682 = arith.constant 0 : index
    %swap3A_683 = vector.load %arg6[%swap3A, %swap3A_682] : memref<782x128xf32, #tpu.memory_space<vmem>>, vector<782x128xf32>
    tpu.vector_store %arg6[%swap3A, %swap3A_682], %mul3A_681 {strides = array<i32>} : memref<782x128xf32, #tpu.memory_space<vmem>>, vector<782x128xf32>,
    return
  }
}

module attributes {stable_mosaic.version = 14 : i64} {
  func.func @_stage3_body(%arg0: memref<2x782x128xf32, #tpu.memory_space<vmem>>, %arg1: memref<782x128xf32, #tpu.memory_space<vmem>>, %arg2: memref<782x128xf32, #tpu.memory_space<vmem>>, %arg3: memref<1xf32, #tpu.memory_space<smem>>, %arg4: memref<782x128xf32, #tpu.memory_space<vmem>>) attributes {dimension_semantics = [], scalar_prefetch = 0 : i64, scratch_operands = 0 : i64, tpu.core_type = #tpu.core_type<tc>} {
    %get3A = arith.constant 0 : index
    %get3A_0 = arith.constant 0 : index
    %get3A_1 = vector.load %arg2[%get3A, %get3A_0] : memref<782x128xf32, #tpu.memory_space<vmem>>, vector<782x128xf32>
    %get3A_2 = arith.constant 0 : index
    %get3A_3 = arith.constant 0 : index
    %get3A_4 = arith.constant 0 : index
    %get3A_5 = vector.load %arg0[%get3A_2, %get3A_3, %get3A_4] : memref<2x782x128xf32, #tpu.memory_space<vmem>>, vector<1x782x128xf32>
    %get3A_6 = vector.shape_cast %get3A_5 : vector<1x782x128xf32> to vector<782x128xf32>
    %get3A_7 = arith.constant 1 : index
    %get3A_8 = arith.constant 0 : index
    %get3A_9 = arith.constant 0 : index
    %get3A_10 = vector.load %arg0[%get3A_7, %get3A_8, %get3A_9] : memref<2x782x128xf32, #tpu.memory_space<vmem>>, vector<1x782x128xf32>
    %get3A_11 = vector.shape_cast %get3A_10 : vector<1x782x128xf32> to vector<782x128xf32>
    %add3A = arith.addf %get3A_6, %get3A_11 : vector<782x128xf32>
    %get3A_12 = arith.constant 0 : index
    %get3A_13 = arith.constant 0 : index
    %get3A_14 = vector.load %arg1[%get3A_12, %get3A_13] : memref<782x128xf32, #tpu.memory_space<vmem>>, vector<782x128xf32>
    %add3A_15 = arith.addf %add3A, %get3A_14 : vector<782x128xf32>
    %mul3A = arith.mulf %get3A_1, %add3A_15 : vector<782x128xf32>
    %get3A_16 = arith.constant 0 : index
    %get3A_17 = memref.load %arg3[%get3A_16] : memref<1xf32, #tpu.memory_space<smem>>
    %add3A_18 = vector.broadcast %get3A_17 : f32 to vector<782x128xf32>
    %add3A_19 = arith.addf %mul3A, %add3A_18 : vector<782x128xf32>
    %logistic3A = arith.negf %add3A_19 : vector<782x128xf32>
    %logistic3A_20 = math.exp %logistic3A : vector<782x128xf32>
    %logistic3A_21 = arith.constant 1.000000e+00 : f32
    %logistic3A_22 = vector.broadcast %logistic3A_21 : f32 to vector<782x128xf32>
    %logistic3A_23 = arith.addf %logistic3A_22, %logistic3A_20 : vector<782x128xf32>
    %logistic3A_24 = arith.divf %logistic3A_22, %logistic3A_23 : vector<782x128xf32>
    %swap3A = arith.constant 0 : index
    %swap3A_25 = arith.constant 0 : index
    %swap3A_26 = vector.load %arg4[%swap3A, %swap3A_25] : memref<782x128xf32, #tpu.memory_space<vmem>>, vector<782x128xf32>
    tpu.vector_store %arg4[%swap3A, %swap3A_25], %logistic3A_24 {strides = array<i32>} : memref<782x128xf32, #tpu.memory_space<vmem>>, vector<782x128xf32>,
    return
  }
}

</mosaic_0001>

<sc_bundles>
// kernel: kernel.11.cloned.1.call-start
scs
__scs_entry_jumppad:
0x0: {  	(pc) =	sbr.rel $0x88, $3  }
0x1: {  	(tag) =	ssettag $0x0;
	lr =	simm.s32 $0x1  }
0x2: {  	[smem:$0x3F9B] =	sst lr;
	_ =	strace $0xD0000000  }
0x3: {  	_ = 	snop  }
0x4: {  	_ = 	snop  }
0x5: {  	_ = 	snop  }
0x6: {  	_ = 	snop  }
0x7: {  	_ = 	snop  }
__scs_overlays_trampoline_lowered:
0x8: {  	[smem:$0x3FAA] =	sst s0  }
0x9: {  	[smem:$0x3FAB] =	sst s1  }
0xa: {  	[smem:$0x3FAC] =	sst s2  }
0xb: {  	[smem:$0x3FAD] =	sst s3  }
0xc: {  	[smem:$0x3FAE] =	sst s4  }
0xd: {  	[smem:$0x3FAF] =	sst s5  }
0xe: {  	[smem:$0x3FB0] =	sst s6  }
0xf: {  	[smem:$0x3FB1] =	sst s7  }
0x10: {  	[smem:$0x3FB2] =	sst s8  }
0x11: {  	[smem:$0x3FB3] =	sst s9;
	s0 =	simm.s32 @!p0 $0x0  }
0x12: {  	s1 =	sld [smem:$0x3F99];
	s0 =	simm.s32 @p0 $0x1  }
0x13: {  	[smem:$0x3FB4] =	sst s0;
	s0 =	simm.s32 @!p1 $0x0  }
0x14: {  	s2 =	sld [smem:$0x3F98];
	s0 =	simm.s32 @p1 $0x1  }
0x15: {  	[smem:$0x3FB5] =	sst s0;
	s0 =	simm.s32 @!p2 $0x0  }
0x16: {  	s3 =	sld [smem:$0x3FDB];
	s0 =	simm.s32 @p2 $0x1  }
0x17: {  	s4 =	simm.s32 $0x1BF5;
	[smem:$0x3FB7] =	sst s0  }
0x18: {  	s0 =	sld [smem:$0x3F9A];
	_ =	swait.ge [sflag:s4], $0x0  }
0x19: {  	s7 =	sld [smem:$0x3F9B]  }
0x1a: {  	s8 =	sadd.s32 $0xFFFFE003, lr  }
0x1b: {  	s9 =	sadd.s32 $0xFFFFFEF7, lr;
	s5 =	simm.s32 $0xFFFFFFFF;
	p2 =	slt.u32 s8, $0xFFFFF086  }
0x1c: {  	p1 =	slt.u32 s9, $0xF7A;
	s5 =	simm.s32 @!p2 $0x0  }
0x1d: {  	s5 =	simm.s32 @p1 $0x1;
	p0 =	seq.s32 s7, s2  }
0x1e: {  	s7 =	smul.u32 @!p0 $0xF7A, s2;
	p2 =	seq.s32 @!p0 s5, $0x0  }
0x1f: {  	s9 =	smul.u32 $0xF7A, s1;
	s8 =	simm.s32 @!p0 $0x1BF5;
	p2 =	por !p2, p0  }
0x20: {  	[sflag:s8] =	ssyncset.s32 @!p0 $0xFFFFF086;
	s6 =	sadd.s32 @!p0 s3, s7;
	s7 =	simm.s32 @!p0 $0x108  }
0x21: {  	s3 =	sadd.s32 s3, s9;
	s6 =	sadd.s32 @!p0 $0x88, s6;
	s7 =	simm.s32 @p2 $0x1082  }
0x22: {  	[simem:s7], [sflag:s8] =	dma.local @!p0 [hbm:s6], $0xF7A  }
0x23: {  	s9 =	sor.u32 $0xD0000000, s2;
	s6 =	simm.s32 $0x108;
	_ =	swait.ge @!p0 [sflag:s8], $0x0  }
0x24: {  	s3 =	sadd.s32 $0x88, s3;
	s6 =	simm.s32 @!p1 $0x1082;
	[sflag:s4] =	ssyncset.s32 $0xFFFFF086  }
0x25: {  	[simem:s6], [sflag:s4] =	dma.local [hbm:s3], $0xF7A  }
0x26: {  	[smem:$0x3F9B] =	sst s1;
	(tag) =	ssettag s2;
	_ =	strace s9  }
0x27: {  	s1 =	sld [smem:$0x3FAB]  }
0x28: {  	s2 =	sld [smem:$0x3FAC]  }
0x29: {  	s4 =	sld [smem:$0x3FAE]  }
0x2a: {  	p0 =	seq.s32 s5, $0x0;
	s5 =	sld [smem:$0x3FAF]  }
0x2b: {  	s6 =	sld [smem:$0x3FB0]  }
0x2c: {  	s7 =	sld [smem:$0x3FB1]  }
0x2d: {  	s3 =	simm.s32 $0x108;
	s8 =	sld [smem:$0x3FB2]  }
0x2e: {  	s3 =	simm.s32 @!p0 $0x1082;
	s9 =	sld [smem:$0x3FB3]  }
0x2f: {  	lr =	sadd.s32 s0, s3;
	s0 =	sld [smem:$0x3FAA]  }
0x30: {  	s3 =	sld [smem:$0x3FAD]  }
0x31: {  	[smem:$0x3FB6] =	sst s10  }
0x32: {  	s10 =	sld [smem:$0x3FB4];
	_ =	sdelay $0x3  }
0x33: {  	p0 =	seq.s32 s10, $0x1;
	s10 =	sld [smem:$0x3FB6];
	_ =	sdelay $0x3  }
0x34: {  	[smem:$0x3FB6] =	sst s10  }
0x35: {  	s10 =	sld [smem:$0x3FB5];
	_ =	sdelay $0x3  }
0x36: {  	p1 =	seq.s32 s10, $0x1;
	s10 =	sld [smem:$0x3FB6];
	_ =	sdelay $0x3  }
0x37: {  	[smem:$0x3FB6] =	sst s10  }
0x38: {  	s10 =	sld [smem:$0x3FB7]  }
0x39: {  	_ = 	snop;
	(pc) =	sbr.ind lr, $3  }
0x3a: {  	_ = 	snop  }
0x3b: {  	_ = 	snop  }
0x3c: {  	p2 =	seq.s32 s10, $0x1;
	s10 =	sld [smem:$0x3FB6]  }
0x3d: {  	_ =	shalt  }
0x3e: {  	_ =	shalt  }
0x3f: {  	_ =	shalt  }
0x40: {  	_ =	shalt  }
0x41: {  	_ =	shalt  }
0x42: {  	_ =	shalt  }
0x43: {  	_ =	shalt  }
0x44: {  	_ =	shalt  }
0x45: {  	_ =	shalt  }
0x46: {  	_ =	shalt  }
0x47: {  	_ =	shalt  }
0x48: {  	_ =	shalt  }
0x49: {  	_ =	shalt  }
0x4a: {  	_ =	shalt  }
0x4b: {  	_ =	shalt  }
0x4c: {  	_ =	shalt  }
0x4d: {  	_ =	shalt  }
0x4e: {  	_ =	shalt  }
0x4f: {  	_ =	shalt  }
0x50: {  	_ =	shalt  }
0x51: {  	_ =	shalt  }
0x52: {  	_ =	shalt  }
0x53: {  	_ =	shalt  }
0x54: {  	_ =	shalt  }
0x55: {  	_ =	shalt  }
0x56: {  	_ =	shalt  }
0x57: {  	_ =	shalt  }
0x58: {  	_ =	shalt  }
0x59: {  	_ =	shalt  }
0x5a: {  	_ =	shalt  }
0x5b: {  	_ =	shalt  }
0x5c: {  	_ =	shalt  }
0x5d: {  	_ =	shalt  }
0x5e: {  	_ =	shalt  }
0x5f: {  	_ =	shalt  }
0x60: {  	_ =	shalt  }
0x61: {  	_ =	shalt  }
0x62: {  	_ =	shalt  }
0x63: {  	_ =	shalt  }
0x64: {  	_ =	shalt  }
0x65: {  	_ =	shalt  }
0x66: {  	_ =	shalt  }
0x67: {  	_ =	shalt  }
0x68: {  	_ =	shalt  }
0x69: {  	_ =	shalt  }
0x6a: {  	_ =	shalt  }
0x6b: {  	_ =	shalt  }
0x6c: {  	_ =	shalt  }
0x6d: {  	_ =	shalt  }
0x6e: {  	_ =	shalt  }
0x6f: {  	_ =	shalt  }
0x70: {  	_ =	shalt  }
0x71: {  	_ =	shalt  }
0x72: {  	_ =	shalt  }
0x73: {  	_ =	shalt  }
0x74: {  	_ =	shalt  }
0x75: {  	_ =	shalt  }
0x76: {  	_ =	shalt  }
0x77: {  	_ =	shalt  }
0x78: {  	_ =	shalt  }
0x79: {  	_ =	shalt  }
0x7a: {  	_ =	shalt  }
0x7b: {  	_ =	shalt  }
0x7c: {  	_ =	shalt  }
0x7d: {  	_ =	shalt  }
0x7e: {  	_ =	shalt  }
0x7f: {  	_ =	shalt  }
0x80: {  	_ =	shalt  }
0x81: {  	_ =	shalt  }
0x82: {  	_ =	shalt  }
0x83: {  	_ =	shalt  }
0x84: {  	_ =	shalt  }
0x85: {  	_ =	shalt  }
0x86: {  	_ =	shalt  }
0x87: {  	_ =	shalt  }
.Lfunc_end0:
.L_simem_size_0:
called_computation.1_lowered:
.L_overlay_start_0:
0x88: {  	s2 =	sld [smem:$0x3FD9]  }
0x89: {  	s3 =	sld [smem:$0x3FFE];
	_ =	sdelay $0x1  }
0x8a: {  	s1 =	srdreg.scid  }
0x8b: {  	s0 =	sand.u32 $0x1, s1  }
0x8c: {  	s17 =	sshll.u32 s0, $0xA;
	s2 =	sadd.s32 s3, s2  }
0x8d: {  	s2 =	sadd.s32 s2, s17  }
0x8e: {  	[smem:$0x3FC2] =	sst s2  }
0x8f: {  	_ = 	snop  }
0x90: {  	s2 =	sld [smem:$0x3FC8];
	(tm) =	ssettm $0x1  }
0x91: {  	s18 =	sld [smem:$0x3FFB];
	_ =	sdelay $0x3  }
0x92: {  	_ =	strace s18  }
0x93: {  	s3 =	sld [smem:$0x3FFC];
	_ =	sdelay $0x3  }
0x94: {  	_ =	strace s3  }
0x95: {  	s3 =	sld [smem:$0x3FFD];
	_ =	sdelay $0x3  }
0x96: {  	_ =	strace s3  }
0x97: {  	_ =	strace $0x8FFFFFFF  }
0x98: {  	s19 =	sld [smem:$0x3FDB];
	_ =	sdelay $0x1  }
0x99: {  	s4 =	simm.s32 $_scs_section_size  }
0x9a: {  	s5 =	simm.s32 $_size__tile_overlayer_lowered;
	s6 =	simm.s32 $_tile_overlayer_lowered  }
0x9b: {  	s22 =	simm.s32 $0x1BFF;
	s21 =	sshll.u32 s6, $0x1;
	s3 =	sadd.s32 s4, s19  }
0x9c: {  	s7 =	simm.s32 $0x0;
	s20 =	sshll.u32 s5, $0x1;
	s5 =	sadd.s32 s21, s3  }
0x9d: {  	[timem:s7], [sflag:s22] =	dma.local [hbm:s5], s20  }
0x9e: {  	_ =	swait.ge [sflag:s22], s20  }
0x9f: {  	s4 =	ssub.s32 $0x0, s20;
	[sflag:s22] =	ssyncset.done $0x0  }
0xa0: {  	[sflag:s22] =	ssyncadd.s32 s4;
	_ =	sdelay $0x1  }
0xa1: {  	s23 =	simm.s32 $0x1B8B  }
0xa2: {  	_ =	swait.ge [sflag:s23], $0x1  }
0xa3: {  	[sflag:s23] =	ssyncset.done $0x0  }
0xa4: {  	s25 =	simm.s32 $0x1B8E;
	s24 =	sld [smem:$0x3FFE];
	[sflag:s23] =	ssyncadd.s32 $0xFFFFFFFF  }
0xa5: {  	s26 =	simm.s32 $execute0_lowered;
	[smem:$0x3FD2] =	sst s25  }
0xa6: {  	s5 =	sshll.u32 s26, $0x1;
	_ =	strace $0x80000049;
	[dreg:$0x1] =	wrdreg $0xFFFFFFFF  }
0xa7: {  	s28 =	simm.s32 $_size_execute0_lowered;
	s3 =	sadd.s32 s3, s5;
	[dreg:$0x0] =	wrdreg $0x0  }
0xa8: {  	s5 =	sshll.u32 s28, $0x1;
	[dreg:$0x2] =	wrdreg s3  }
0xa9: {  	[dreg:$0x3] =	wrdreg s5  }
0xaa: {  	[dreg:$0x4] =	wrdreg $0xC0  }
0xab: {  	_ =	task [dreg:s7], $0x5FFFF  }
0xac: {  	[dreg:$0x1] =	wrdreg $0xFFFFFFFF  }
0xad: {  	[dreg:$0x0] =	wrdreg $0x60  }
0xae: {  	[dreg:$0x2] =	wrdreg s24  }
0xaf: {  	[dreg:$0x3] =	wrdreg s2  }
0xb0: {  	[dreg:$0x4] =	wrdreg $0x1E1000  }
0xb1: {  	[dreg:$0x5] =	wrdreg $0x9  }
0xb2: {  	_ =	task.clear_ibuf [dreg:s7], $0x6FFFF;
	_ =	strace $0x90000049  }
0xb3: {  	s29 =	simm.s32 $0x9;
	_ =	strace $0x8000004B  }
0xb4: {  	_ =	swait.ge [sflag:s29], $0x1  }
0xb5: {  	[sflag:s29] =	ssyncadd.s32 $0xFFFFFFFF  }
0xb6: {  	_ =	strace $0x9000004B  }
0xb7: {  	_ =	sfence  }
0xb8: {  	s30 =	sld [smem:$0x0];
	_ =	sdelay $0x2  }
0xb9: {  	s31 =	sshll.u32 s1, $0xD;
	s1 =	sshrl.u32 s1, $0x2  }
0xba: {  	s3 =	sand.u32 $0x4000, s31;
	s1 =	sadd.s32 s1, s30  }
0xbb: {  	s0 =	sor.u32 s3, s0;
	s1 =	sshll.u32 s1, $0x11  }
0xbc: {  	s0 =	sor.u32 s1, s0  }
0xbd: {  	s0 =	sadd.s32 $0x8F2B, s0  }
0xbe: {  	[sflag:s0] =	ssyncadd.remote.s32 $0x1  }
0xbf: {  	_ =	sfence.sel $0xFFFF  }
0xc0: {  	[dreg:$0x0] =	wrdreg $0xFFFFFFFF;
	(pc) =	sbr.abs _section_cstart, $3  }
0xc1: {  	[dreg:$0x1] =	wrdreg $0xFFFFFFFF  }
0xc2: {  	_ =	task.clear_ibuf [dreg:s7], $0x2FFFF;
	_ =	strace $0x9FFFFFFF  }
0xc3: {  	(tm) =	ssettm $0x7FFFFFFF  }
tec
execute0_lowered:
.L_overlay_start_1:
0x0: {  	(tag) =	ssettag $0x1  }
0x1: {  	s0 =	rddreg [dreg:$0x0]  }
0x2: {  	s2 =	rddreg [dreg:$0x1]  }
0x3: {  	s1 =	srdreg.scid;
	s13 =	stileid.u32  }
0x4: {  	s3 =	rddreg [dreg:$0x2];
	s4 =	simm.s32 $0x0;
	s18 =	simm.s32 $0x1C300  }
0x5: {  	s28 =	simm.s32 $0xA00;
	s29 =	simm.s32 $0x5;
	s30 =	simm.s32 $0x1B900  }
0x6: {  	s31 =	simm.s32 $0x19B00;
	s14 =	simm.s32 $0x0;
	s1 =	sand.u32 $0x1, s1  }
0x7: {  	s5 =	smul.u32 $0x1870, s13;
	[smem:$0x7FF] =	sst s4;
	s7 =	sadd.s32 $0x1A00, s0  }
0x8: {  	s8 =	sshll.u32 s13, $0x1;
	s11 =	sadd.s32 $0x10, s2;
	p0 =	sgt.u32 s13, $0x1  }
0x9: {  	s6 =	smul.u32 $0x18700, s1;
	_ =	strace $0x8000004A;
	s19 =	ssub.s32 $0x2, s1  }
0xa: {  	[dreg:$0x4] =	wrdreg s7;
	s20 =	sshrl.u32 s19, $0x1;
	s7 =	sadd.s32 s5, s3  }
0xb: {  	s6 =	sadd.s32 s5, s6;
	s12 =	ssub.s32 s19, s20;
	s9 =	sadd.s32 $0x1400, s7  }
0xc: {  	s19 =	simm.s32 $0x7;
	s20 =	simm.s32 $0x4;
	s6 =	sshrl.u32 s6, $0x3  }
0xd: {  	s26 =	smax.u32 s12, $0x1;
	s0 =	sadd.s32 s6, s0;
	s6 =	sor.u32 s1, s8  }
0xe: {  	s8 =	sadd.s32 $0xA00, s7;
	[dreg:$0xa] =	wrdreg s26;
	s26 =	simm.s32 $0x19100  }
0xf: {  	s1 =	ssub.s32 $0x9E3, s6;
	s21 =	smul.u32 $0x280, s6;
	s24 =	sadd.s32 $0x4C00, s0  }
0x10: {  	s25 =	sadd.s32 $0x4D40, s0;
	s0 =	sadd.s32 $0x4E80, s0;
	[dreg:$0x7] =	wrdreg s24  }
.Ltmp0:
0x11: {  	s10 =	sshrl.u32 s1, $0x5;
	[dreg:$0x8] =	wrdreg s25;
	(pc) =	sbr.rel .LBB2_1-.Ltmp0, $4  }
0x12: {  	[dreg:$0x9] =	wrdreg s0;
	s25 =	simm.s32 $0x1AF00;
	s1 =	simm.s32 $0x1CD00  }
0x13: {  	s0 =	simm.s32 $0x6;
	s24 =	simm.s32 $0x1D700;
	s22 =	sadd.s32 s21, s11  }
0x14: {  	s23 =	sadd.s32 s2, s21;
	s21 =	simm.s32 $0x80;
	[dreg:$0x5] =	wrdreg s22  }
0x15: {  	v0 =	vimm.f32 $0.0e+00;
	[dreg:$0x6] =	wrdreg s23;
	s22 =	simm.s32 $0x100;
	s23 =	simm.s32 $0x1A500  }
.LBB2_15:
0x16: {  	s5 =	simm.s32 $0x1  }
0x17: {  	_ =	swait.ge [sflag:s5], $0xA00  }
0x18: {  	[sflag:s5] =	ssyncset.done $0x0  }
0x19: {  	s17 =	simm.s32 $0x2;
	[sflag:s5] =	ssyncadd.s32 $0xFFFFF600  }
0x1a: {  	_ =	swait.ge [sflag:s17], $0xA00  }
0x1b: {  	[sflag:s17] =	ssyncset.done $0x0  }
0x1c: {  	s12 =	simm.s32 $0x3;
	[sflag:s17] =	ssyncadd.s32 $0xFFFFF600  }
0x1d: {  	_ =	swait.ge [sflag:s12], $0xA00  }
0x1e: {  	[sflag:s12] =	ssyncset.done $0x0  }
0x1f: {  	[sflag:s12] =	ssyncadd.s32 $0xFFFFF600  }
0x20: {  	[bflag:$0x0] =	sbarrier.arrive $0xFFFF  }
0x21: {  	[tilespmem:s18], [sflag:$0x7] =	stream.linear.gather [spmem:s7], $0xA00, $0x38;
	[tilespmem:$0x1F970] =	vst v63  }
0x22: {  	_ =	swait.ge [sflag:s19], $0xA00  }
0x23: {  	[sflag:s19] =	ssyncset.done $0x0  }
0x24: {  	s13 =	rddreg [dreg:$0x7];
	[sflag:s19] =	ssyncadd.s32 $0xFFFFF600  }
0x25: {  	[hbm4b:s13+s4] =	stream.linear.scatter [tilespmem:s18], [sflag:$0x7], $0xA00, $0x38;
	[tilespmem:$0x1F970] =	vst v63  }
0x26: {  	_ =	swait.ge [sflag:s19], $0xA00  }
0x27: {  	[sflag:s19] =	ssyncset.done $0x0  }
0x28: {  	[sflag:s19] =	ssyncadd.s32 $0xFFFFF600  }
0x29: {  	[tilespmem:s18], [sflag:$0x7] =	stream.linear.gather [spmem:s8], $0xA00, $0x38;
	[tilespmem:$0x1F970] =	vst v63  }
0x2a: {  	_ =	swait.ge [sflag:s19], $0xA00  }
0x2b: {  	[sflag:s19] =	ssyncset.done $0x0  }
0x2c: {  	s15 =	rddreg [dreg:$0x8];
	[sflag:s19] =	ssyncadd.s32 $0xFFFFF600  }
0x2d: {  	[hbm4b:s15+s4] =	stream.linear.scatter [tilespmem:s18], [sflag:$0x7], $0xA00, $0x38;
	[tilespmem:$0x1F970] =	vst v63  }
0x2e: {  	_ =	swait.ge [sflag:s19], $0xA00  }
0x2f: {  	[sflag:s19] =	ssyncset.done $0x0  }
0x30: {  	[sflag:s19] =	ssyncadd.s32 $0xFFFFF600  }
0x31: {  	[tilespmem:s18], [sflag:$0x7] =	stream.linear.gather [spmem:s9], $0x470, $0x38;
	[tilespmem:$0x1F970] =	vst v63  }
0x32: {  	_ =	swait.ge [sflag:s19], $0x470  }
0x33: {  	[sflag:s19] =	ssyncset.done $0x0  }
0x34: {  	s16 =	rddreg [dreg:$0x9];
	[sflag:s19] =	ssyncadd.s32 $0xFFFFFB90  }
0x35: {  	[hbm4b:s16+s4] =	stream.linear.scatter [tilespmem:s18], [sflag:$0x7], $0x470, $0x38;
	[tilespmem:$0x1F970] =	vst v63  }
0x36: {  	_ =	swait.ge [sflag:s19], $0x470  }
0x37: {  	s14 =	sadd.s32 $0x1, s14;
	s17 =	rddreg [dreg:$0xa]  }
0x38: {  	p1 =	sne.s32 s14, s17  }
.Ltmp1:
0x39: {  	_ = 	snop;
	(pc) =	sbr.rel @!p1 .LBB2_16-.Ltmp1, $3  }
0x3a: {  	_ =	sdelay $0x1  }
0x3b: {  	[sflag:s19] =	ssyncset.done $0x0  }
0x3c: {  	[sflag:s19] =	ssyncadd.s32 $0xFFFFFB90  }
.LBB2_1:
0x3d: {  	s5 =	rddreg [dreg:$0x4]  }
0x3e: {  	[tilespmem:s4], [sflag:$0x4] =	stream.linear.gather [hbm4b:s5+s4], $0x18700, $0x38;
	[tilespmem:$0x1F970] =	vst v63  }
0x3f: {  	s12 =	simm.s32 $0x0;
	s5 =	simm.s32 $0x40  }
.LBB2_2:
0x40: {  	p1 =	sne.s32 s5, $0x27C0;
	[tilespmem:s12+$0x1C300] =	vst v0;
	s12 =	smov.u32 s5;
	s5 =	sadd.s32 $0x40, s5  }
.Ltmp2:
0x41: {  	(pc) =	sbr.rel @p1 .LBB2_2-.Ltmp2, $2  }
0x42: {  	_ =	sdelay $0x2  }
0x43: {  	s12 =	sshra.s32 s12, $0x2  }
0x44: {  	[tilespmem:s12+$0x1C300] =	vst v0  }
0x45: {  	[spmem:s7] =	stream.linear.scatter [tilespmem:s18], [sflag:$0x7], $0xA00, $0x38;
	[tilespmem:$0x1F970] =	vst v63  }
0x46: {  	_ =	swait.ge [sflag:s19], $0xA00  }
0x47: {  	[sflag:s19] =	ssyncset.done $0x0  }
0x48: {  	[sflag:s19] =	ssyncadd.s32 $0xFFFFF600  }
0x49: {  	[spmem:s8] =	stream.linear.scatter [tilespmem:s18], [sflag:$0x7], $0xA00, $0x38;
	[tilespmem:$0x1F970] =	vst v63  }
0x4a: {  	_ =	swait.ge [sflag:s19], $0xA00  }
0x4b: {  	[sflag:s19] =	ssyncset.done $0x0  }
0x4c: {  	[sflag:s19] =	ssyncadd.s32 $0xFFFFF600  }
0x4d: {  	[spmem:s9] =	stream.linear.scatter [tilespmem:s18], [sflag:$0x7], $0x470, $0x38;
	[tilespmem:$0x1F970] =	vst v63  }
0x4e: {  	_ =	swait.ge [sflag:s19], $0x470  }
0x4f: {  	[sflag:s19] =	ssyncset.done $0x0  }
0x50: {  	[sflag:s19] =	ssyncadd.s32 $0xFFFFFB90  }
0x51: {  	_ =	swait.ge [sflag:s20], $0x18700  }
0x52: {  	[sflag:s20] =	ssyncset.done $0x0  }
0x53: {  	[sflag:s20] =	ssyncadd.s32 $0xFFFE7900  }
0x54: {  	[bflag:$0x0] =	sbarrier.arrive $0xFFFF  }
0x55: {  	s5 =	rddreg [dreg:$0x5]  }
0x56: {  	[tilespmem:s23], [sflag:$0x4] =	stream.strided.gather [hbm4b:s5+s21], $0xA00, s22, s21, $0x38;
	[tilespmem:$0x1F970] =	vst v63  }
0x57: {  	s17 =	simm.s32 $0x18700;
	s15 =	simm.s32 $0x0;
	s16 =	rddreg [dreg:$0x6]  }
0x58: {  	[tilespmem:s17], [sflag:$0x4] =	stream.strided.gather [hbm4b:s16+s21], $0xA00, s22, s21, $0x38;
	[tilespmem:$0x1F970] =	vst v63  }
.LBB2_4:
0x59: {  	_ =	swait.ge [sflag:s20], $0xA00  }
0x5a: {  	[sflag:s20] =	ssyncset.done $0x0  }
0x5b: {  	s17 =	smul.u32 $0x60, s15;
	[sflag:s20] =	ssyncadd.s32 $0xFFFFF600  }
0x5c: {  	_ =	swait.ge [sflag:s20], $0xA00  }
0x5d: {  	p1 =	seq.s32 s15, $0x0;
	s5 =	sor.u32 s6, s17;
	[sflag:s20] =	ssyncset.done $0x0  }
0x5e: {  	s12 =	simm.s32 @!p1 $0x2;
	s5 =	smul.u32 $0x280, s5;
	[sflag:s20] =	ssyncadd.s32 $0xFFFFF600  }
0x5f: {  	_ =	swait.ge @!p1 [sflag:s12], $0xA00  }
0x60: {  	s5 =	sadd.s32 $0x5000, s5;
	[sflag:s12] =	ssyncset.done @!p1 $0x0  }
0x61: {  	s13 =	sadd.s32 s5, s11;
	[sflag:s12] =	ssyncadd.s32 @!p1 $0xFFFFF600  }
0x62: {  	[tilespmem:s25], [sflag:$0x5] =	stream.strided.gather [hbm4b:s13+s21], $0xA00, s22, s21, $0x38;
	[tilespmem:$0x1F970] =	vst v63  }
0x63: {  	s16 =	simm.s32 $0x18740;
	s5 =	sadd.s32 s2, s5  }
0x64: {  	[tilespmem:s26], [sflag:$0x5] =	stream.strided.gather [hbm4b:s5+s21], $0xA00, s22, s21, $0x38;
	[tilespmem:$0x1F970] =	vst v63  }
0x65: {  	v1 =	vld [tilespmem:s16+$0x30]  }
0x66: {  	v2 =	vld [tilespmem:s16+$0xFFFFFFD0]  }
0x67: {  	v3 =	vld [tilespmem:s16+$0xFFFFFFE0]  }
0x68: {  	v4 =	vld [tilespmem:s16+$0xFFFFFFF0]  }
0x69: {  	v6 =	vld [tilespmem:s16+$0x0]  }
0x6a: {  	v7 =	vld [tilespmem:s16+$0x10]  }
0x6b: {  	v8 =	vld [tilespmem:s16+$0x20]  }
0x6c: {  	v9 =	vld [tilespmem:s16+$0xFFFFFFC0]  }
0x6d: {  	v10 =	vld.idx.msk [tilespmem:v1+s4+$0x0], $0xffff  }
0x6e: {  	v11 =	vld.idx.msk [tilespmem:v2+s4+$0x0], $0xffff  }
0x6f: {  	v5 =	vld.idx.msk [tilespmem:v3+s4+$0x0], $0xffff  }
0x70: {  	v4 =	vld.idx.msk [tilespmem:v4+s4+$0x0], $0xffff  }
0x71: {  	v1 =	vld.idx.msk [tilespmem:v6+s4+$0x0], $0xffff  }
0x72: {  	s5 =	simm.s32 $0x1C340;
	v2 =	vld.idx.msk [tilespmem:v7+s4+$0x0], $0xffff  }
0x73: {  	v3 =	vld.idx.msk [tilespmem:v8+s4+$0x0], $0xffff;
	[tilespmem:s5+$0x30] =	vst v10  }
0x74: {  	s12 =	simm.s32 $0x0;
	s13 =	simm.s32 $0x187C0;
	s16 =	smul.u32 $0x3, s15;
	v6 =	vld.idx.msk [tilespmem:v9+s4+$0x0], $0xffff;
	[tilespmem:s5+$0xFFFFFFD0] =	vst v11  }
.LBB2_5:
0x75: {  	v7 =	vld [tilespmem:s13+$0x30];
	s12 =	sadd.s32 $0x8, s12;
	[tilespmem:s5+$0xFFFFFFE0] =	vst v5  }
0x76: {  	v5 =	vld [tilespmem:s13+$0xFFFFFFD0];
	p2 =	slt.u32 s12, $0x98;
	[tilespmem:s5+$0xFFFFFFF0] =	vst v4  }
0x77: {  	v4 =	vld [tilespmem:s13+$0xFFFFFFE0];
	[tilespmem:s5+$0x0] =	vst v1  }
0x78: {  	v1 =	vld [tilespmem:s13+$0xFFFFFFF0];
	[tilespmem:s5+$0x10] =	vst v2  }
0x79: {  	v2 =	vld [tilespmem:s13+$0x0];
	[tilespmem:s5+$0x20] =	vst v3  }
0x7a: {  	v3 =	vld [tilespmem:s13+$0x10];
	[tilespmem:s5+$0xFFFFFFC0] =	vst v6  }
0x7b: {  	v6 =	vld [tilespmem:s13+$0x20]  }
0x7c: {  	v8 =	vld [tilespmem:s13+$0xFFFFFFC0]  }
0x7d: {  	v7 =	vld.idx.msk [tilespmem:v7+s4+$0x0], $0xffff  }
0x7e: {  	v9 =	vld.idx.msk [tilespmem:v5+s4+$0x0], $0xffff  }
0x7f: {  	v5 =	vld.idx.msk [tilespmem:v4+s4+$0x0], $0xffff  }
.Ltmp3:
0x80: {  	v4 =	vld.idx.msk [tilespmem:v1+s4+$0x0], $0xffff;
	(pc) =	sbr.rel @p2 .LBB2_5-.Ltmp3, $4  }
0x81: {  	v1 =	vld.idx.msk [tilespmem:v2+s4+$0x0], $0xffff  }
0x82: {  	s5 =	sadd.s32 $0x80, s5;
	v2 =	vld.idx.msk [tilespmem:v3+s4+$0x0], $0xffff  }
0x83: {  	v3 =	vld.idx.msk [tilespmem:v6+s4+$0x0], $0xffff;
	[tilespmem:s5+$0x30] =	vst v7  }
0x84: {  	s13 =	sadd.s32 $0x80, s13;
	v6 =	vld.idx.msk [tilespmem:v8+s4+$0x0], $0xffff;
	[tilespmem:s5+$0xFFFFFFD0] =	vst v9  }
0x85: {  	[tilespmem:s5+$0xFFFFFFE0] =	vst v5  }
0x86: {  	[tilespmem:s5+$0xFFFFFFF0] =	vst v4  }
0x87: {  	[tilespmem:s5+$0x0] =	vst v1  }
0x88: {  	[tilespmem:s5+$0x10] =	vst v2  }
0x89: {  	[tilespmem:s5+$0x20] =	vst v3  }
0x8a: {  	[tilespmem:s5+$0xFFFFFFC0] =	vst v6  }
0x8b: {  	[spmem:s3] =	stream.indirect.scatter.add.f32 [tilespmem:s18], [sflag:$0x1], $0x1, s23, s28, $0xb8;
	[tilespmem:$0x1F970] =	vst v63  }
0x8c: {  	_ =	swait.ge [sflag:s29], $0xA00  }
0x8d: {  	[sflag:s29] =	ssyncset.done $0x0  }
0x8e: {  	[sflag:s29] =	ssyncadd.s32 $0xFFFFF600  }
0x8f: {  	_ =	swait.ge [sflag:s29], $0xA00  }
0x90: {  	s17 =	sadd.s32 s6, s17;
	[sflag:s29] =	ssyncset.done $0x0  }
0x91: {  	s12 =	simm.s32 @!p1 $0x3;
	s5 =	smul.u32 $0x280, s17;
	[sflag:s29] =	ssyncadd.s32 $0xFFFFF600  }
0x92: {  	_ =	swait.ge @!p1 [sflag:s12], $0xA00  }
0x93: {  	s5 =	sadd.s32 $0xA000, s5;
	[sflag:s12] =	ssyncset.done @!p1 $0x0  }
0x94: {  	s13 =	sadd.s32 s5, s11;
	[sflag:s12] =	ssyncadd.s32 @!p1 $0xFFFFF600  }
0x95: {  	[tilespmem:s30], [sflag:$0x6] =	stream.strided.gather [hbm4b:s13+s21], $0xA00, s22, s21, $0x38;
	[tilespmem:$0x1F970] =	vst v63  }
0x96: {  	s17 =	simm.s32 $0x19140;
	s5 =	sadd.s32 s2, s5  }
0x97: {  	[tilespmem:s31], [sflag:$0x6] =	stream.strided.gather [hbm4b:s5+s21], $0xA00, s22, s21, $0x38;
	[tilespmem:$0x1F970] =	vst v63  }
0x98: {  	v1 =	vld [tilespmem:s17+$0x30]  }
0x99: {  	v2 =	vld [tilespmem:s17+$0xFFFFFFD0]  }
0x9a: {  	v3 =	vld [tilespmem:s17+$0xFFFFFFE0]  }
0x9b: {  	v4 =	vld [tilespmem:s17+$0xFFFFFFF0]  }
0x9c: {  	v5 =	vld [tilespmem:s17+$0x0]  }
0x9d: {  	v7 =	vld [tilespmem:s17+$0x10]  }
0x9e: {  	v8 =	vld [tilespmem:s17+$0x20]  }
0x9f: {  	v9 =	vld [tilespmem:s17+$0xFFFFFFC0]  }
0xa0: {  	v10 =	vld.idx.msk [tilespmem:v1+s4+$0x0], $0xffff  }
0xa1: {  	v11 =	vld.idx.msk [tilespmem:v2+s4+$0x0], $0xffff  }
0xa2: {  	v6 =	vld.idx.msk [tilespmem:v3+s4+$0x0], $0xffff  }
0xa3: {  	v4 =	vld.idx.msk [tilespmem:v4+s4+$0x0], $0xffff  }
0xa4: {  	v1 =	vld.idx.msk [tilespmem:v5+s4+$0x0], $0xffff  }
0xa5: {  	s5 =	simm.s32 $0x1CD40;
	v2 =	vld.idx.msk [tilespmem:v7+s4+$0x0], $0xffff  }
0xa6: {  	v3 =	vld.idx.msk [tilespmem:v8+s4+$0x0], $0xffff;
	[tilespmem:s5+$0x30] =	vst v10  }
0xa7: {  	s12 =	simm.s32 $0x0;
	s13 =	simm.s32 $0x191C0;
	v5 =	vld.idx.msk [tilespmem:v9+s4+$0x0], $0xffff;
	[tilespmem:s5+$0xFFFFFFD0] =	vst v11  }
.LBB2_7:
0xa8: {  	v7 =	vld [tilespmem:s13+$0x30];
	s12 =	sadd.s32 $0x8, s12;
	[tilespmem:s5+$0xFFFFFFE0] =	vst v6  }
0xa9: {  	v6 =	vld [tilespmem:s13+$0xFFFFFFD0];
	p1 =	slt.u32 s12, $0x98;
	[tilespmem:s5+$0xFFFFFFF0] =	vst v4  }
0xaa: {  	v4 =	vld [tilespmem:s13+$0xFFFFFFE0];
	[tilespmem:s5+$0x0] =	vst v1  }
0xab: {  	v1 =	vld [tilespmem:s13+$0xFFFFFFF0];
	[tilespmem:s5+$0x10] =	vst v2  }
0xac: {  	v2 =	vld [tilespmem:s13+$0x0];
	[tilespmem:s5+$0x20] =	vst v3  }
0xad: {  	v3 =	vld [tilespmem:s13+$0x10];
	[tilespmem:s5+$0xFFFFFFC0] =	vst v5  }
0xae: {  	v5 =	vld [tilespmem:s13+$0x20]  }
0xaf: {  	v8 =	vld [tilespmem:s13+$0xFFFFFFC0]  }
0xb0: {  	v7 =	vld.idx.msk [tilespmem:v7+s4+$0x0], $0xffff  }
0xb1: {  	v9 =	vld.idx.msk [tilespmem:v6+s4+$0x0], $0xffff  }
0xb2: {  	v6 =	vld.idx.msk [tilespmem:v4+s4+$0x0], $0xffff  }
.Ltmp4:
0xb3: {  	v4 =	vld.idx.msk [tilespmem:v1+s4+$0x0], $0xffff;
	(pc) =	sbr.rel @p1 .LBB2_7-.Ltmp4, $4  }
0xb4: {  	v1 =	vld.idx.msk [tilespmem:v2+s4+$0x0], $0xffff  }
0xb5: {  	s5 =	sadd.s32 $0x80, s5;
	v2 =	vld.idx.msk [tilespmem:v3+s4+$0x0], $0xffff  }
0xb6: {  	v3 =	vld.idx.msk [tilespmem:v5+s4+$0x0], $0xffff;
	[tilespmem:s5+$0x30] =	vst v7  }
0xb7: {  	s13 =	sadd.s32 $0x80, s13;
	v5 =	vld.idx.msk [tilespmem:v8+s4+$0x0], $0xffff;
	[tilespmem:s5+$0xFFFFFFD0] =	vst v9  }
0xb8: {  	[tilespmem:s5+$0xFFFFFFE0] =	vst v6  }
0xb9: {  	[tilespmem:s5+$0xFFFFFFF0] =	vst v4  }
0xba: {  	[tilespmem:s5+$0x0] =	vst v1  }
0xbb: {  	[tilespmem:s5+$0x10] =	vst v2  }
0xbc: {  	[tilespmem:s5+$0x20] =	vst v3  }
0xbd: {  	[tilespmem:s5+$0xFFFFFFC0] =	vst v5  }
0xbe: {  	[spmem:s3] =	stream.indirect.scatter.add.f32 [tilespmem:s1], [sflag:$0x2], $0x1, s25, s28, $0xb8;
	[tilespmem:$0x1F970] =	vst v63  }
0xbf: {  	_ =	swait.ge [sflag:s0], $0xA00  }
0xc0: {  	[sflag:s0] =	ssyncset.done $0x0  }
0xc1: {  	s5 =	sadd.s32 $0x3, s16;
	[sflag:s0] =	ssyncadd.s32 $0xFFFFF600  }
0xc2: {  	p1 =	sge.u32 s5, s10;
	_ =	swait.ge [sflag:s0], $0xA00  }
0xc3: {  	s5 =	sshll.u32 @!p1 s5, $0x5;
	[sflag:s0] =	ssyncset.done $0x0  }
0xc4: {  	s12 =	simm.s32 @!p1 $0x1;
	s5 =	sor.u32 @!p1 s6, s5;
	[sflag:s0] =	ssyncadd.s32 $0xFFFFF600  }
0xc5: {  	s5 =	smul.u32 @!p1 $0x280, s5;
	_ =	swait.ge @!p1 [sflag:s12], $0xA00  }
0xc6: {  	s13 =	simm.s32 @!p1 $0x80;
	s16 =	simm.s32 @!p1 $0x100;
	[sflag:s12] =	ssyncset.done @!p1 $0x0  }
0xc7: {  	s17 =	simm.s32 @!p1 $0x1A500;
	[sflag:s12] =	ssyncadd.s32 @!p1 $0xFFFFF600;
	s12 =	sadd.s32 @!p1 s5, s11  }
0xc8: {  	[tilespmem:s17], [sflag:$0x4] =	stream.strided.gather @!p1 [hbm4b:s12+s13], $0xA00, s16, s13, $0x38;
	[tilespmem:$0x1F970] =	vst v63  }
0xc9: {  	s5 =	sadd.s32 @!p1 s2, s5;
	s12 =	simm.s32 @!p1 $0x18700;
	s17 =	simm.s32 $0x19B40  }
0xca: {  	[tilespmem:s12], [sflag:$0x4] =	stream.strided.gather @!p1 [hbm4b:s5+s13], $0xA00, s16, s13, $0x38;
	[tilespmem:$0x1F970] =	vst v63  }
0xcb: {  	v1 =	vld [tilespmem:s17+$0x30]  }
0xcc: {  	v2 =	vld [tilespmem:s17+$0xFFFFFFD0]  }
0xcd: {  	v3 =	vld [tilespmem:s17+$0xFFFFFFE0]  }
0xce: {  	v4 =	vld [tilespmem:s17+$0xFFFFFFF0]  }
0xcf: {  	v5 =	vld [tilespmem:s17+$0x0]  }
0xd0: {  	v7 =	vld [tilespmem:s17+$0x10]  }
0xd1: {  	v8 =	vld [tilespmem:s17+$0x20]  }
0xd2: {  	v9 =	vld [tilespmem:s17+$0xFFFFFFC0]  }
0xd3: {  	v10 =	vld.idx.msk [tilespmem:v1+s4+$0x0], $0xffff  }
0xd4: {  	v11 =	vld.idx.msk [tilespmem:v2+s4+$0x0], $0xffff  }
0xd5: {  	v6 =	vld.idx.msk [tilespmem:v3+s4+$0x0], $0xffff  }
0xd6: {  	v4 =	vld.idx.msk [tilespmem:v4+s4+$0x0], $0xffff  }
0xd7: {  	v1 =	vld.idx.msk [tilespmem:v5+s4+$0x0], $0xffff  }
0xd8: {  	s5 =	simm.s32 $0x1D740;
	v2 =	vld.idx.msk [tilespmem:v7+s4+$0x0], $0xffff  }
0xd9: {  	v3 =	vld.idx.msk [tilespmem:v8+s4+$0x0], $0xffff;
	[tilespmem:s5+$0x30] =	vst v10  }
0xda: {  	s12 =	simm.s32 $0x0;
	s13 =	simm.s32 $0x19BC0;
	v5 =	vld.idx.msk [tilespmem:v9+s4+$0x0], $0xffff;
	[tilespmem:s5+$0xFFFFFFD0] =	vst v11  }
.LBB2_9:
0xdb: {  	v7 =	vld [tilespmem:s13+$0x30];
	s12 =	sadd.s32 $0x8, s12;
	[tilespmem:s5+$0xFFFFFFE0] =	vst v6  }
0xdc: {  	v6 =	vld [tilespmem:s13+$0xFFFFFFD0];
	p1 =	slt.u32 s12, $0x98;
	[tilespmem:s5+$0xFFFFFFF0] =	vst v4  }
0xdd: {  	v4 =	vld [tilespmem:s13+$0xFFFFFFE0];
	[tilespmem:s5+$0x0] =	vst v1  }
0xde: {  	v1 =	vld [tilespmem:s13+$0xFFFFFFF0];
	[tilespmem:s5+$0x10] =	vst v2  }
0xdf: {  	v2 =	vld [tilespmem:s13+$0x0];
	[tilespmem:s5+$0x20] =	vst v3  }
0xe0: {  	v3 =	vld [tilespmem:s13+$0x10];
	[tilespmem:s5+$0xFFFFFFC0] =	vst v5  }
0xe1: {  	v5 =	vld [tilespmem:s13+$0x20]  }
0xe2: {  	v8 =	vld [tilespmem:s13+$0xFFFFFFC0]  }
0xe3: {  	v7 =	vld.idx.msk [tilespmem:v7+s4+$0x0], $0xffff  }
0xe4: {  	v9 =	vld.idx.msk [tilespmem:v6+s4+$0x0], $0xffff  }
0xe5: {  	v6 =	vld.idx.msk [tilespmem:v4+s4+$0x0], $0xffff  }
.Ltmp5:
0xe6: {  	v4 =	vld.idx.msk [tilespmem:v1+s4+$0x0], $0xffff;
	(pc) =	sbr.rel @p1 .LBB2_9-.Ltmp5, $4  }
0xe7: {  	v1 =	vld.idx.msk [tilespmem:v2+s4+$0x0], $0xffff  }
0xe8: {  	s5 =	sadd.s32 $0x80, s5;
	v2 =	vld.idx.msk [tilespmem:v3+s4+$0x0], $0xffff  }
0xe9: {  	v3 =	vld.idx.msk [tilespmem:v5+s4+$0x0], $0xffff;
	[tilespmem:s5+$0x30] =	vst v7  }
0xea: {  	s13 =	sadd.s32 $0x80, s13;
	v5 =	vld.idx.msk [tilespmem:v8+s4+$0x0], $0xffff;
	[tilespmem:s5+$0xFFFFFFD0] =	vst v9  }
0xeb: {  	[tilespmem:s5+$0xFFFFFFE0] =	vst v6;
	s15 =	sadd.s32 $0x1, s15  }
0xec: {  	[tilespmem:s5+$0xFFFFFFF0] =	vst v4;
	p1 =	sne.s32 s15, $0x1A  }
.Ltmp6:
0xed: {  	[tilespmem:s5+$0x0] =	vst v1;
	(pc) =	sbr.rel @p1 .LBB2_4-.Ltmp6, $4  }
0xee: {  	[tilespmem:s5+$0x10] =	vst v2  }
0xef: {  	[tilespmem:s5+$0x20] =	vst v3  }
0xf0: {  	[tilespmem:s5+$0xFFFFFFC0] =	vst v5  }
0xf1: {  	[spmem:s3] =	stream.indirect.scatter.add.f32 [tilespmem:s24], [sflag:$0x3], $0x1, s30, s28, $0xb8;
	[tilespmem:$0x1F970] =	vst v63  }
.Ltmp7:
0xf2: {  	(pc) =	sbr.rel @p0 .LBB2_15-.Ltmp7, $1  }
0xf3: {  	_ =	sdelay $0x3  }
0xf4: {  	_ =	swait.ge [sflag:s20], $0xA00  }
0xf5: {  	[sflag:s20] =	ssyncset.done $0x0  }
0xf6: {  	[sflag:s20] =	ssyncadd.s32 $0xFFFFF600  }
0xf7: {  	_ =	swait.ge [sflag:s20], $0xA00  }
0xf8: {  	[sflag:s20] =	ssyncset.done $0x0  }
0xf9: {  	s5 =	simm.s32 $0x18740;
	[sflag:s20] =	ssyncadd.s32 $0xFFFFF600  }
0xfa: {  	v1 =	vld [tilespmem:s5+$0x30]  }
0xfb: {  	v2 =	vld [tilespmem:s5+$0xFFFFFFD0]  }
0xfc: {  	v3 =	vld [tilespmem:s5+$0xFFFFFFE0]  }
0xfd: {  	v4 =	vld [tilespmem:s5+$0xFFFFFFF0]  }
0xfe: {  	v5 =	vld [tilespmem:s5+$0x0]  }
0xff: {  	v7 =	vld [tilespmem:s5+$0x10]  }
0x100: {  	v8 =	vld [tilespmem:s5+$0x20]  }
0x101: {  	v9 =	vld [tilespmem:s5+$0xFFFFFFC0]  }
0x102: {  	v10 =	vld.idx.msk [tilespmem:v1+s4+$0x0], $0xffff  }
0x103: {  	v11 =	vld.idx.msk [tilespmem:v2+s4+$0x0], $0xffff  }
0x104: {  	v6 =	vld.idx.msk [tilespmem:v3+s4+$0x0], $0xffff  }
0x105: {  	v4 =	vld.idx.msk [tilespmem:v4+s4+$0x0], $0xffff  }
0x106: {  	v1 =	vld.idx.msk [tilespmem:v5+s4+$0x0], $0xffff  }
0x107: {  	s5 =	simm.s32 $0x1C340;
	v2 =	vld.idx.msk [tilespmem:v7+s4+$0x0], $0xffff  }
0x108: {  	v3 =	vld.idx.msk [tilespmem:v8+s4+$0x0], $0xffff;
	[tilespmem:s5+$0x30] =	vst v10  }
0x109: {  	s12 =	simm.s32 $0x0;
	s13 =	simm.s32 $0x187C0;
	v5 =	vld.idx.msk [tilespmem:v9+s4+$0x0], $0xffff;
	[tilespmem:s5+$0xFFFFFFD0] =	vst v11  }
.LBB2_13:
0x10a: {  	v7 =	vld [tilespmem:s13+$0x30];
	s12 =	sadd.s32 $0x8, s12;
	[tilespmem:s5+$0xFFFFFFE0] =	vst v6  }
0x10b: {  	v6 =	vld [tilespmem:s13+$0xFFFFFFD0];
	p1 =	slt.u32 s12, $0x98;
	[tilespmem:s5+$0xFFFFFFF0] =	vst v4  }
0x10c: {  	v4 =	vld [tilespmem:s13+$0xFFFFFFE0];
	[tilespmem:s5+$0x0] =	vst v1  }
0x10d: {  	v1 =	vld [tilespmem:s13+$0xFFFFFFF0];
	[tilespmem:s5+$0x10] =	vst v2  }
0x10e: {  	v2 =	vld [tilespmem:s13+$0x0];
	[tilespmem:s5+$0x20] =	vst v3  }
0x10f: {  	v3 =	vld [tilespmem:s13+$0x10];
	[tilespmem:s5+$0xFFFFFFC0] =	vst v5  }
0x110: {  	v5 =	vld [tilespmem:s13+$0x20]  }
0x111: {  	v8 =	vld [tilespmem:s13+$0xFFFFFFC0]  }
0x112: {  	v7 =	vld.idx.msk [tilespmem:v7+s4+$0x0], $0xffff  }
0x113: {  	v9 =	vld.idx.msk [tilespmem:v6+s4+$0x0], $0xffff  }
0x114: {  	v6 =	vld.idx.msk [tilespmem:v4+s4+$0x0], $0xffff  }
.Ltmp8:
0x115: {  	v4 =	vld.idx.msk [tilespmem:v1+s4+$0x0], $0xffff;
	(pc) =	sbr.rel @p1 .LBB2_13-.Ltmp8, $4  }
0x116: {  	v1 =	vld.idx.msk [tilespmem:v2+s4+$0x0], $0xffff  }
0x117: {  	s5 =	sadd.s32 $0x80, s5;
	v2 =	vld.idx.msk [tilespmem:v3+s4+$0x0], $0xffff  }
0x118: {  	v3 =	vld.idx.msk [tilespmem:v5+s4+$0x0], $0xffff;
	[tilespmem:s5+$0x30] =	vst v7  }
0x119: {  	s13 =	sadd.s32 $0x80, s13;
	v5 =	vld.idx.msk [tilespmem:v8+s4+$0x0], $0xffff;
	[tilespmem:s5+$0xFFFFFFD0] =	vst v9  }
0x11a: {  	[tilespmem:s5+$0xFFFFFFE0] =	vst v6  }
0x11b: {  	[tilespmem:s5+$0xFFFFFFF0] =	vst v4  }
.Ltmp9:
0x11c: {  	[tilespmem:s5+$0x0] =	vst v1;
	(pc) =	sbr.rel .LBB2_15-.Ltmp9, $4  }
0x11d: {  	[tilespmem:s5+$0x10] =	vst v2  }
0x11e: {  	[tilespmem:s5+$0x20] =	vst v3  }
0x11f: {  	[tilespmem:s5+$0xFFFFFFC0] =	vst v5  }
0x120: {  	[spmem:s3] =	stream.indirect.scatter.add.f32 [tilespmem:s18], [sflag:$0x1], $0x1, s23, s28, $0xb8;
	[tilespmem:$0x1F970] =	vst v63  }
.LBB2_16:
0x121: {  	_ =	sfence.sel $0x180000  }
0x122: {  	[bflag:$0x0] =	sbarrier.arrive $0xFFFF  }
0x123: {  	_ =	strace $0x9000004A  }
0x124: {  	s0 =	stileid.u32;
	[bflag:$0x2] =	sbarrier.arrive $0xFFFF  }
0x125: {  	p0 =	sne.s32 s0, $0x0;
	s0 =	rddreg [dreg:$0x3]  }
0x126: {  	s0 =	sadd.s32 @!p0 $0x100000, s0  }
0x127: {  	[sflag:s0] =	ssyncadd.tile.s32 @!p0 $0x1;
	_ =	shalt  }
.Lfunc_end2:
_tile_overlayer_lowered:
.L_overlay_start_2:
0x128: {  	(tag) =	ssettag $0x2  }
0x129: {  	s0 =	rddreg [dreg:$0x0];
	s2 =	stileid.u32  }
0x12a: {  	s1 =	rddreg [dreg:$0x1];
	p0 =	sne.s32 s2, $0x0  }
0x12b: {  	s3 =	rddreg [dreg:$0x2];
	[bflag:$0x3] =	sbarrier.arrive $0xFFFF;
	s2 =	simm.s32 @!p0 $0x1C07  }
0x12c: {  	[timem:s3], [sflag:s2] =	dma.local @!p0 [hbm:s0], s1  }
0x12d: {  	s0 =	simm.s32 @!p0 $0x7  }
0x12e: {  	_ =	swait.ge @!p0 [sflag:s0], s1  }
0x12f: {  	s1 =	ssub.s32 @!p0 $0x0, s1;
	[sflag:s0] =	ssyncset.done @!p0 $0x0  }
0x130: {  	[sflag:s0] =	ssyncadd.s32 @!p0 s1  }
0x131: {  	[bflag:$0x3] =	sbarrier.arrive $0xFFFF  }
0x132: {  	_ =	shalt  }

// kernel: kernel.14.cloned.1.call-start
scs
__scs_entry_jumppad:
0x0: {  	(pc) =	sbr.rel $0x88, $3  }
0x1: {  	(tag) =	ssettag $0x0;
	lr =	simm.s32 $0x1  }
0x2: {  	[smem:$0x3F9B] =	sst lr;
	_ =	strace $0xD0000000  }
0x3: {  	_ = 	snop  }
0x4: {  	_ = 	snop  }
0x5: {  	_ = 	snop  }
0x6: {  	_ = 	snop  }
0x7: {  	_ = 	snop  }
__scs_overlays_trampoline_lowered:
0x8: {  	[smem:$0x3FAA] =	sst s0  }
0x9: {  	[smem:$0x3FAB] =	sst s1  }
0xa: {  	[smem:$0x3FAC] =	sst s2  }
0xb: {  	[smem:$0x3FAD] =	sst s3  }
0xc: {  	[smem:$0x3FAE] =	sst s4  }
0xd: {  	[smem:$0x3FAF] =	sst s5  }
0xe: {  	[smem:$0x3FB0] =	sst s6  }
0xf: {  	[smem:$0x3FB1] =	sst s7  }
0x10: {  	[smem:$0x3FB2] =	sst s8  }
0x11: {  	[smem:$0x3FB3] =	sst s9;
	s0 =	simm.s32 @!p0 $0x0  }
0x12: {  	s1 =	sld [smem:$0x3F99];
	s0 =	simm.s32 @p0 $0x1  }
0x13: {  	[smem:$0x3FB4] =	sst s0;
	s0 =	simm.s32 @!p1 $0x0  }
0x14: {  	s2 =	sld [smem:$0x3F98];
	s0 =	simm.s32 @p1 $0x1  }
0x15: {  	[smem:$0x3FB5] =	sst s0;
	s0 =	simm.s32 @!p2 $0x0  }
0x16: {  	s3 =	sld [smem:$0x3FDB];
	s0 =	simm.s32 @p2 $0x1  }
0x17: {  	s4 =	simm.s32 $0x1BF5;
	[smem:$0x3FB7] =	sst s0  }
0x18: {  	s0 =	sld [smem:$0x3F9A];
	_ =	swait.ge [sflag:s4], $0x0  }
0x19: {  	s7 =	sld [smem:$0x3F9B]  }
0x1a: {  	s8 =	sadd.s32 $0xFFFFE003, lr  }
0x1b: {  	s9 =	sadd.s32 $0xFFFFFEF7, lr;
	s5 =	simm.s32 $0xFFFFFFFF;
	p2 =	slt.u32 s8, $0xFFFFF086  }
0x1c: {  	p1 =	slt.u32 s9, $0xF7A;
	s5 =	simm.s32 @!p2 $0x0  }
0x1d: {  	s5 =	simm.s32 @p1 $0x1;
	p0 =	seq.s32 s7, s2  }
0x1e: {  	s7 =	smul.u32 @!p0 $0xF7A, s2;
	p2 =	seq.s32 @!p0 s5, $0x0  }
0x1f: {  	s9 =	smul.u32 $0xF7A, s1;
	s8 =	simm.s32 @!p0 $0x1BF5;
	p2 =	por !p2, p0  }
0x20: {  	[sflag:s8] =	ssyncset.s32 @!p0 $0xFFFFF086;
	s6 =	sadd.s32 @!p0 s3, s7;
	s7 =	simm.s32 @!p0 $0x108  }
0x21: {  	s3 =	sadd.s32 s3, s9;
	s6 =	sadd.s32 @!p0 $0x88, s6;
	s7 =	simm.s32 @p2 $0x1082  }
0x22: {  	[simem:s7], [sflag:s8] =	dma.local @!p0 [hbm:s6], $0xF7A  }
0x23: {  	s9 =	sor.u32 $0xD0000000, s2;
	s6 =	simm.s32 $0x108;
	_ =	swait.ge @!p0 [sflag:s8], $0x0  }
0x24: {  	s3 =	sadd.s32 $0x88, s3;
	s6 =	simm.s32 @!p1 $0x1082;
	[sflag:s4] =	ssyncset.s32 $0xFFFFF086  }
0x25: {  	[simem:s6], [sflag:s4] =	dma.local [hbm:s3], $0xF7A  }
0x26: {  	[smem:$0x3F9B] =	sst s1;
	(tag) =	ssettag s2;
	_ =	strace s9  }
0x27: {  	s1 =	sld [smem:$0x3FAB]  }
0x28: {  	s2 =	sld [smem:$0x3FAC]  }
0x29: {  	s4 =	sld [smem:$0x3FAE]  }
0x2a: {  	p0 =	seq.s32 s5, $0x0;
	s5 =	sld [smem:$0x3FAF]  }
0x2b: {  	s6 =	sld [smem:$0x3FB0]  }
0x2c: {  	s7 =	sld [smem:$0x3FB1]  }
0x2d: {  	s3 =	simm.s32 $0x108;
	s8 =	sld [smem:$0x3FB2]  }
0x2e: {  	s3 =	simm.s32 @!p0 $0x1082;
	s9 =	sld [smem:$0x3FB3]  }
0x2f: {  	lr =	sadd.s32 s0, s3;
	s0 =	sld [smem:$0x3FAA]  }
0x30: {  	s3 =	sld [smem:$0x3FAD]  }
0x31: {  	[smem:$0x3FB6] =	sst s10  }
0x32: {  	s10 =	sld [smem:$0x3FB4];
	_ =	sdelay $0x3  }
0x33: {  	p0 =	seq.s32 s10, $0x1;
	s10 =	sld [smem:$0x3FB6];
	_ =	sdelay $0x3  }
0x34: {  	[smem:$0x3FB6] =	sst s10  }
0x35: {  	s10 =	sld [smem:$0x3FB5];
	_ =	sdelay $0x3  }
0x36: {  	p1 =	seq.s32 s10, $0x1;
	s10 =	sld [smem:$0x3FB6];
	_ =	sdelay $0x3  }
0x37: {  	[smem:$0x3FB6] =	sst s10  }
0x38: {  	s10 =	sld [smem:$0x3FB7]  }
0x39: {  	_ = 	snop;
	(pc) =	sbr.ind lr, $3  }
0x3a: {  	_ = 	snop  }
0x3b: {  	_ = 	snop  }
0x3c: {  	p2 =	seq.s32 s10, $0x1;
	s10 =	sld [smem:$0x3FB6]  }
0x3d: {  	_ =	shalt  }
0x3e: {  	_ =	shalt  }
0x3f: {  	_ =	shalt  }
0x40: {  	_ =	shalt  }
0x41: {  	_ =	shalt  }
0x42: {  	_ =	shalt  }
0x43: {  	_ =	shalt  }
0x44: {  	_ =	shalt  }
0x45: {  	_ =	shalt  }
0x46: {  	_ =	shalt  }
0x47: {  	_ =	shalt  }
0x48: {  	_ =	shalt  }
0x49: {  	_ =	shalt  }
0x4a: {  	_ =	shalt  }
0x4b: {  	_ =	shalt  }
0x4c: {  	_ =	shalt  }
0x4d: {  	_ =	shalt  }
0x4e: {  	_ =	shalt  }
0x4f: {  	_ =	shalt  }
0x50: {  	_ =	shalt  }
0x51: {  	_ =	shalt  }
0x52: {  	_ =	shalt  }
0x53: {  	_ =	shalt  }
0x54: {  	_ =	shalt  }
0x55: {  	_ =	shalt  }
0x56: {  	_ =	shalt  }
0x57: {  	_ =	shalt  }
0x58: {  	_ =	shalt  }
0x59: {  	_ =	shalt  }
0x5a: {  	_ =	shalt  }
0x5b: {  	_ =	shalt  }
0x5c: {  	_ =	shalt  }
0x5d: {  	_ =	shalt  }
0x5e: {  	_ =	shalt  }
0x5f: {  	_ =	shalt  }
0x60: {  	_ =	shalt  }
0x61: {  	_ =	shalt  }
0x62: {  	_ =	shalt  }
0x63: {  	_ =	shalt  }
0x64: {  	_ =	shalt  }
0x65: {  	_ =	shalt  }
0x66: {  	_ =	shalt  }
0x67: {  	_ =	shalt  }
0x68: {  	_ =	shalt  }
0x69: {  	_ =	shalt  }
0x6a: {  	_ =	shalt  }
0x6b: {  	_ =	shalt  }
0x6c: {  	_ =	shalt  }
0x6d: {  	_ =	shalt  }
0x6e: {  	_ =	shalt  }
0x6f: {  	_ =	shalt  }
0x70: {  	_ =	shalt  }
0x71: {  	_ =	shalt  }
0x72: {  	_ =	shalt  }
0x73: {  	_ =	shalt  }
0x74: {  	_ =	shalt  }
0x75: {  	_ =	shalt  }
0x76: {  	_ =	shalt  }
0x77: {  	_ =	shalt  }
0x78: {  	_ =	shalt  }
0x79: {  	_ =	shalt  }
0x7a: {  	_ =	shalt  }
0x7b: {  	_ =	shalt  }
0x7c: {  	_ =	shalt  }
0x7d: {  	_ =	shalt  }
0x7e: {  	_ =	shalt  }
0x7f: {  	_ =	shalt  }
0x80: {  	_ =	shalt  }
0x81: {  	_ =	shalt  }
0x82: {  	_ =	shalt  }
0x83: {  	_ =	shalt  }
0x84: {  	_ =	shalt  }
0x85: {  	_ =	shalt  }
0x86: {  	_ =	shalt  }
0x87: {  	_ =	shalt  }
.Lfunc_end0:
.L_simem_size_0:
called_computation.2_lowered:
.L_overlay_start_0:
0x88: {  	s2 =	sld [smem:$0x3FD9]  }
0x89: {  	s3 =	sld [smem:$0x3FFE];
	_ =	sdelay $0x1  }
0x8a: {  	s1 =	srdreg.scid  }
0x8b: {  	s0 =	sand.u32 $0x1, s1  }
0x8c: {  	s17 =	sshll.u32 s0, $0xA;
	s2 =	sadd.s32 s3, s2  }
0x8d: {  	s2 =	sadd.s32 s2, s17  }
0x8e: {  	[smem:$0x3FC2] =	sst s2  }
0x8f: {  	_ = 	snop  }
0x90: {  	s2 =	sld [smem:$0x3FC8];
	(tm) =	ssettm $0x1  }
0x91: {  	s18 =	sld [smem:$0x3FFB];
	_ =	sdelay $0x3  }
0x92: {  	_ =	strace s18  }
0x93: {  	s3 =	sld [smem:$0x3FFC];
	_ =	sdelay $0x3  }
0x94: {  	_ =	strace s3  }
0x95: {  	s3 =	sld [smem:$0x3FFD];
	_ =	sdelay $0x3  }
0x96: {  	_ =	strace s3  }
0x97: {  	_ =	strace $0x8FFFFFFF  }
0x98: {  	s19 =	sld [smem:$0x3FDB];
	_ =	sdelay $0x1  }
0x99: {  	s4 =	simm.s32 $_scs_section_size  }
0x9a: {  	s5 =	simm.s32 $_size__tile_overlayer_lowered;
	s6 =	simm.s32 $_tile_overlayer_lowered  }
0x9b: {  	s22 =	simm.s32 $0x1BFF;
	s21 =	sshll.u32 s6, $0x1;
	s3 =	sadd.s32 s4, s19  }
0x9c: {  	s7 =	simm.s32 $0x0;
	s20 =	sshll.u32 s5, $0x1;
	s5 =	sadd.s32 s21, s3  }
0x9d: {  	[timem:s7], [sflag:s22] =	dma.local [hbm:s5], s20  }
0x9e: {  	_ =	swait.ge [sflag:s22], s20  }
0x9f: {  	s4 =	ssub.s32 $0x0, s20;
	[sflag:s22] =	ssyncset.done $0x0  }
0xa0: {  	[sflag:s22] =	ssyncadd.s32 s4;
	_ =	sdelay $0x1  }
0xa1: {  	s23 =	simm.s32 $0x1B8B  }
0xa2: {  	_ =	swait.ge [sflag:s23], $0x1  }
0xa3: {  	[sflag:s23] =	ssyncset.done $0x0  }
0xa4: {  	s25 =	simm.s32 $0x1B8E;
	s24 =	sld [smem:$0x3FFE];
	[sflag:s23] =	ssyncadd.s32 $0xFFFFFFFF  }
0xa5: {  	s26 =	simm.s32 $execute0_lowered;
	[smem:$0x3FD2] =	sst s25  }
0xa6: {  	s5 =	sshll.u32 s26, $0x1;
	_ =	strace $0x8000004C;
	[dreg:$0x1] =	wrdreg $0xFFFFFFFF  }
0xa7: {  	s28 =	simm.s32 $_size_execute0_lowered;
	s3 =	sadd.s32 s3, s5;
	[dreg:$0x0] =	wrdreg $0x0  }
0xa8: {  	s5 =	sshll.u32 s28, $0x1;
	[dreg:$0x2] =	wrdreg s3  }
0xa9: {  	[dreg:$0x3] =	wrdreg s5  }
0xaa: {  	[dreg:$0x4] =	wrdreg $0xC0  }
0xab: {  	_ =	task [dreg:s7], $0x5FFFF  }
0xac: {  	[dreg:$0x1] =	wrdreg $0xFFFFFFFF  }
0xad: {  	[dreg:$0x0] =	wrdreg $0x60  }
0xae: {  	[dreg:$0x2] =	wrdreg s24  }
0xaf: {  	[dreg:$0x3] =	wrdreg s2  }
0xb0: {  	[dreg:$0x4] =	wrdreg $0x1E1000  }
0xb1: {  	[dreg:$0x5] =	wrdreg $0x9  }
0xb2: {  	_ =	task.clear_ibuf [dreg:s7], $0x6FFFF;
	_ =	strace $0x9000004C  }
0xb3: {  	s29 =	simm.s32 $0x9;
	_ =	strace $0x8000004E  }
0xb4: {  	_ =	swait.ge [sflag:s29], $0x1  }
0xb5: {  	[sflag:s29] =	ssyncadd.s32 $0xFFFFFFFF  }
0xb6: {  	_ =	strace $0x9000004E  }
0xb7: {  	_ =	sfence  }
0xb8: {  	s30 =	sld [smem:$0x0];
	_ =	sdelay $0x2  }
0xb9: {  	s31 =	sshll.u32 s1, $0xD;
	s1 =	sshrl.u32 s1, $0x2  }
0xba: {  	s3 =	sand.u32 $0x4000, s31;
	s1 =	sadd.s32 s1, s30  }
0xbb: {  	s0 =	sor.u32 s3, s0;
	s1 =	sshll.u32 s1, $0x11  }
0xbc: {  	s0 =	sor.u32 s1, s0  }
0xbd: {  	s0 =	sadd.s32 $0x8F2B, s0  }
0xbe: {  	[sflag:s0] =	ssyncadd.remote.s32 $0x1  }
0xbf: {  	_ =	sfence.sel $0xFFFF  }
0xc0: {  	[dreg:$0x0] =	wrdreg $0xFFFFFFFF;
	(pc) =	sbr.abs _section_cstart, $3  }
0xc1: {  	[dreg:$0x1] =	wrdreg $0xFFFFFFFF  }
0xc2: {  	_ =	task.clear_ibuf [dreg:s7], $0x2FFFF;
	_ =	strace $0x9FFFFFFF  }
0xc3: {  	(tm) =	ssettm $0x7FFFFFFF  }
tec
execute0_lowered:
.L_overlay_start_1:
0x0: {  	(tag) =	ssettag $0x1  }
0x1: {  	s0 =	rddreg [dreg:$0x0]  }
0x2: {  	s2 =	rddreg [dreg:$0x1]  }
0x3: {  	s1 =	srdreg.scid;
	s13 =	stileid.u32  }
0x4: {  	s3 =	rddreg [dreg:$0x2];
	s4 =	simm.s32 $0x0;
	s18 =	simm.s32 $0x1C300  }
0x5: {  	s28 =	simm.s32 $0xA00;
	s29 =	simm.s32 $0x5;
	s30 =	simm.s32 $0x1B900  }
0x6: {  	s31 =	simm.s32 $0x19B00;
	s14 =	simm.s32 $0x0;
	s1 =	sand.u32 $0x1, s1  }
0x7: {  	s5 =	smul.u32 $0x1870, s13;
	[smem:$0x7FF] =	sst s4;
	s7 =	sadd.s32 $0x1A00, s0  }
0x8: {  	s8 =	sshll.u32 s13, $0x1;
	s11 =	sadd.s32 $0x10, s2;
	p0 =	sgt.u32 s13, $0x1  }
0x9: {  	s6 =	smul.u32 $0x18700, s1;
	_ =	strace $0x8000004D;
	s19 =	ssub.s32 $0x2, s1  }
0xa: {  	[dreg:$0x4] =	wrdreg s7;
	s20 =	sshrl.u32 s19, $0x1;
	s7 =	sadd.s32 s5, s3  }
0xb: {  	s6 =	sadd.s32 s5, s6;
	s12 =	ssub.s32 s19, s20;
	s9 =	sadd.s32 $0x1400, s7  }
0xc: {  	s19 =	simm.s32 $0x7;
	s20 =	simm.s32 $0x4;
	s6 =	sshrl.u32 s6, $0x3  }
0xd: {  	s26 =	smax.u32 s12, $0x1;
	s0 =	sadd.s32 s6, s0;
	s6 =	sor.u32 s1, s8  }
0xe: {  	s8 =	sadd.s32 $0xA00, s7;
	[dreg:$0xa] =	wrdreg s26;
	s26 =	simm.s32 $0x19100  }
0xf: {  	s1 =	ssub.s32 $0x9E3, s6;
	s21 =	smul.u32 $0x280, s6;
	s24 =	sadd.s32 $0x4C00, s0  }
0x10: {  	s25 =	sadd.s32 $0x4D40, s0;
	s0 =	sadd.s32 $0x4E80, s0;
	[dreg:$0x7] =	wrdreg s24  }
.Ltmp0:
0x11: {  	s10 =	sshrl.u32 s1, $0x5;
	[dreg:$0x8] =	wrdreg s25;
	(pc) =	sbr.rel .LBB2_1-.Ltmp0, $4  }
0x12: {  	[dreg:$0x9] =	wrdreg s0;
	s25 =	simm.s32 $0x1AF00;
	s1 =	simm.s32 $0x1CD00  }
0x13: {  	s0 =	simm.s32 $0x6;
	s24 =	simm.s32 $0x1D700;
	s22 =	sadd.s32 s21, s11  }
0x14: {  	s23 =	sadd.s32 s2, s21;
	s21 =	simm.s32 $0x80;
	[dreg:$0x5] =	wrdreg s22  }
0x15: {  	v0 =	vimm.f32 $0.0e+00;
	[dreg:$0x6] =	wrdreg s23;
	s22 =	simm.s32 $0x100;
	s23 =	simm.s32 $0x1A500  }
.LBB2_15:
0x16: {  	s5 =	simm.s32 $0x1  }
0x17: {  	_ =	swait.ge [sflag:s5], $0xA00  }
0x18: {  	[sflag:s5] =	ssyncset.done $0x0  }
0x19: {  	s17 =	simm.s32 $0x2;
	[sflag:s5] =	ssyncadd.s32 $0xFFFFF600  }
0x1a: {  	_ =	swait.ge [sflag:s17], $0xA00  }
0x1b: {  	[sflag:s17] =	ssyncset.done $0x0  }
0x1c: {  	s12 =	simm.s32 $0x3;
	[sflag:s17] =	ssyncadd.s32 $0xFFFFF600  }
0x1d: {  	_ =	swait.ge [sflag:s12], $0xA00  }
0x1e: {  	[sflag:s12] =	ssyncset.done $0x0  }
0x1f: {  	[sflag:s12] =	ssyncadd.s32 $0xFFFFF600  }
0x20: {  	[bflag:$0x0] =	sbarrier.arrive $0xFFFF  }
0x21: {  	[tilespmem:s18], [sflag:$0x7] =	stream.linear.gather [spmem:s7], $0xA00, $0x38;
	[tilespmem:$0x1F970] =	vst v63  }
0x22: {  	_ =	swait.ge [sflag:s19], $0xA00  }
0x23: {  	[sflag:s19] =	ssyncset.done $0x0  }
0x24: {  	s13 =	rddreg [dreg:$0x7];
	[sflag:s19] =	ssyncadd.s32 $0xFFFFF600  }
0x25: {  	[hbm4b:s13+s4] =	stream.linear.scatter [tilespmem:s18], [sflag:$0x7], $0xA00, $0x38;
	[tilespmem:$0x1F970] =	vst v63  }
0x26: {  	_ =	swait.ge [sflag:s19], $0xA00  }
0x27: {  	[sflag:s19] =	ssyncset.done $0x0  }
0x28: {  	[sflag:s19] =	ssyncadd.s32 $0xFFFFF600  }
0x29: {  	[tilespmem:s18], [sflag:$0x7] =	stream.linear.gather [spmem:s8], $0xA00, $0x38;
	[tilespmem:$0x1F970] =	vst v63  }
0x2a: {  	_ =	swait.ge [sflag:s19], $0xA00  }
0x2b: {  	[sflag:s19] =	ssyncset.done $0x0  }
0x2c: {  	s15 =	rddreg [dreg:$0x8];
	[sflag:s19] =	ssyncadd.s32 $0xFFFFF600  }
0x2d: {  	[hbm4b:s15+s4] =	stream.linear.scatter [tilespmem:s18], [sflag:$0x7], $0xA00, $0x38;
	[tilespmem:$0x1F970] =	vst v63  }
0x2e: {  	_ =	swait.ge [sflag:s19], $0xA00  }
0x2f: {  	[sflag:s19] =	ssyncset.done $0x0  }
0x30: {  	[sflag:s19] =	ssyncadd.s32 $0xFFFFF600  }
0x31: {  	[tilespmem:s18], [sflag:$0x7] =	stream.linear.gather [spmem:s9], $0x470, $0x38;
	[tilespmem:$0x1F970] =	vst v63  }
0x32: {  	_ =	swait.ge [sflag:s19], $0x470  }
0x33: {  	[sflag:s19] =	ssyncset.done $0x0  }
0x34: {  	s16 =	rddreg [dreg:$0x9];
	[sflag:s19] =	ssyncadd.s32 $0xFFFFFB90  }
0x35: {  	[hbm4b:s16+s4] =	stream.linear.scatter [tilespmem:s18], [sflag:$0x7], $0x470, $0x38;
	[tilespmem:$0x1F970] =	vst v63  }
0x36: {  	_ =	swait.ge [sflag:s19], $0x470  }
0x37: {  	s14 =	sadd.s32 $0x1, s14;
	s17 =	rddreg [dreg:$0xa]  }
0x38: {  	p1 =	sne.s32 s14, s17  }
.Ltmp1:
0x39: {  	_ = 	snop;
	(pc) =	sbr.rel @!p1 .LBB2_16-.Ltmp1, $3  }
0x3a: {  	_ =	sdelay $0x1  }
0x3b: {  	[sflag:s19] =	ssyncset.done $0x0  }
0x3c: {  	[sflag:s19] =	ssyncadd.s32 $0xFFFFFB90  }
.LBB2_1:
0x3d: {  	s5 =	rddreg [dreg:$0x4]  }
0x3e: {  	[tilespmem:s4], [sflag:$0x4] =	stream.linear.gather [hbm4b:s5+s4], $0x18700, $0x38;
	[tilespmem:$0x1F970] =	vst v63  }
0x3f: {  	s12 =	simm.s32 $0x0;
	s5 =	simm.s32 $0x40  }
.LBB2_2:
0x40: {  	p1 =	sne.s32 s5, $0x27C0;
	[tilespmem:s12+$0x1C300] =	vst v0;
	s12 =	smov.u32 s5;
	s5 =	sadd.s32 $0x40, s5  }
.Ltmp2:
0x41: {  	(pc) =	sbr.rel @p1 .LBB2_2-.Ltmp2, $2  }
0x42: {  	_ =	sdelay $0x2  }
0x43: {  	s12 =	sshra.s32 s12, $0x2  }
0x44: {  	[tilespmem:s12+$0x1C300] =	vst v0  }
0x45: {  	[spmem:s7] =	stream.linear.scatter [tilespmem:s18], [sflag:$0x7], $0xA00, $0x38;
	[tilespmem:$0x1F970] =	vst v63  }
0x46: {  	_ =	swait.ge [sflag:s19], $0xA00  }
0x47: {  	[sflag:s19] =	ssyncset.done $0x0  }
0x48: {  	[sflag:s19] =	ssyncadd.s32 $0xFFFFF600  }
0x49: {  	[spmem:s8] =	stream.linear.scatter [tilespmem:s18], [sflag:$0x7], $0xA00, $0x38;
	[tilespmem:$0x1F970] =	vst v63  }
0x4a: {  	_ =	swait.ge [sflag:s19], $0xA00  }
0x4b: {  	[sflag:s19] =	ssyncset.done $0x0  }
0x4c: {  	[sflag:s19] =	ssyncadd.s32 $0xFFFFF600  }
0x4d: {  	[spmem:s9] =	stream.linear.scatter [tilespmem:s18], [sflag:$0x7], $0x470, $0x38;
	[tilespmem:$0x1F970] =	vst v63  }
0x4e: {  	_ =	swait.ge [sflag:s19], $0x470  }
0x4f: {  	[sflag:s19] =	ssyncset.done $0x0  }
0x50: {  	[sflag:s19] =	ssyncadd.s32 $0xFFFFFB90  }
0x51: {  	_ =	swait.ge [sflag:s20], $0x18700  }
0x52: {  	[sflag:s20] =	ssyncset.done $0x0  }
0x53: {  	[sflag:s20] =	ssyncadd.s32 $0xFFFE7900  }
0x54: {  	[bflag:$0x0] =	sbarrier.arrive $0xFFFF  }
0x55: {  	s5 =	rddreg [dreg:$0x5]  }
0x56: {  	[tilespmem:s23], [sflag:$0x4] =	stream.strided.gather [hbm4b:s5+s21], $0xA00, s22, s21, $0x38;
	[tilespmem:$0x1F970] =	vst v63  }
0x57: {  	s17 =	simm.s32 $0x18700;
	s15 =	simm.s32 $0x0;
	s16 =	rddreg [dreg:$0x6]  }
0x58: {  	[tilespmem:s17], [sflag:$0x4] =	stream.strided.gather [hbm4b:s16+s21], $0xA00, s22, s21, $0x38;
	[tilespmem:$0x1F970] =	vst v63  }
.LBB2_4:
0x59: {  	_ =	swait.ge [sflag:s20], $0xA00  }
0x5a: {  	[sflag:s20] =	ssyncset.done $0x0  }
0x5b: {  	s17 =	smul.u32 $0x60, s15;
	[sflag:s20] =	ssyncadd.s32 $0xFFFFF600  }
0x5c: {  	_ =	swait.ge [sflag:s20], $0xA00  }
0x5d: {  	p1 =	seq.s32 s15, $0x0;
	s5 =	sor.u32 s6, s17;
	[sflag:s20] =	ssyncset.done $0x0  }
0x5e: {  	s12 =	simm.s32 @!p1 $0x2;
	s5 =	smul.u32 $0x280, s5;
	[sflag:s20] =	ssyncadd.s32 $0xFFFFF600  }
0x5f: {  	_ =	swait.ge @!p1 [sflag:s12], $0xA00  }
0x60: {  	s5 =	sadd.s32 $0x5000, s5;
	[sflag:s12] =	ssyncset.done @!p1 $0x0  }
0x61: {  	s13 =	sadd.s32 s5, s11;
	[sflag:s12] =	ssyncadd.s32 @!p1 $0xFFFFF600  }
0x62: {  	[tilespmem:s25], [sflag:$0x5] =	stream.strided.gather [hbm4b:s13+s21], $0xA00, s22, s21, $0x38;
	[tilespmem:$0x1F970] =	vst v63  }
0x63: {  	s16 =	simm.s32 $0x18740;
	s5 =	sadd.s32 s2, s5  }
0x64: {  	[tilespmem:s26], [sflag:$0x5] =	stream.strided.gather [hbm4b:s5+s21], $0xA00, s22, s21, $0x38;
	[tilespmem:$0x1F970] =	vst v63  }
0x65: {  	v1 =	vld [tilespmem:s16+$0x30]  }
0x66: {  	v2 =	vld [tilespmem:s16+$0xFFFFFFD0]  }
0x67: {  	v3 =	vld [tilespmem:s16+$0xFFFFFFE0]  }
0x68: {  	v4 =	vld [tilespmem:s16+$0xFFFFFFF0]  }
0x69: {  	v6 =	vld [tilespmem:s16+$0x0]  }
0x6a: {  	v7 =	vld [tilespmem:s16+$0x10]  }
0x6b: {  	v8 =	vld [tilespmem:s16+$0x20]  }
0x6c: {  	v9 =	vld [tilespmem:s16+$0xFFFFFFC0]  }
0x6d: {  	v10 =	vld.idx.msk [tilespmem:v1+s4+$0x0], $0xffff  }
0x6e: {  	v11 =	vld.idx.msk [tilespmem:v2+s4+$0x0], $0xffff  }
0x6f: {  	v5 =	vld.idx.msk [tilespmem:v3+s4+$0x0], $0xffff  }
0x70: {  	v4 =	vld.idx.msk [tilespmem:v4+s4+$0x0], $0xffff  }
0x71: {  	v1 =	vld.idx.msk [tilespmem:v6+s4+$0x0], $0xffff  }
0x72: {  	s5 =	simm.s32 $0x1C340;
	v2 =	vld.idx.msk [tilespmem:v7+s4+$0x0], $0xffff  }
0x73: {  	v3 =	vld.idx.msk [tilespmem:v8+s4+$0x0], $0xffff;
	[tilespmem:s5+$0x30] =	vst v10  }
0x74: {  	s12 =	simm.s32 $0x0;
	s13 =	simm.s32 $0x187C0;
	s16 =	smul.u32 $0x3, s15;
	v6 =	vld.idx.msk [tilespmem:v9+s4+$0x0], $0xffff;
	[tilespmem:s5+$0xFFFFFFD0] =	vst v11  }
.LBB2_5:
0x75: {  	v7 =	vld [tilespmem:s13+$0x30];
	s12 =	sadd.s32 $0x8, s12;
	[tilespmem:s5+$0xFFFFFFE0] =	vst v5  }
0x76: {  	v5 =	vld [tilespmem:s13+$0xFFFFFFD0];
	p2 =	slt.u32 s12, $0x98;
	[tilespmem:s5+$0xFFFFFFF0] =	vst v4  }
0x77: {  	v4 =	vld [tilespmem:s13+$0xFFFFFFE0];
	[tilespmem:s5+$0x0] =	vst v1  }
0x78: {  	v1 =	vld [tilespmem:s13+$0xFFFFFFF0];
	[tilespmem:s5+$0x10] =	vst v2  }
0x79: {  	v2 =	vld [tilespmem:s13+$0x0];
	[tilespmem:s5+$0x20] =	vst v3  }
0x7a: {  	v3 =	vld [tilespmem:s13+$0x10];
	[tilespmem:s5+$0xFFFFFFC0] =	vst v6  }
0x7b: {  	v6 =	vld [tilespmem:s13+$0x20]  }
0x7c: {  	v8 =	vld [tilespmem:s13+$0xFFFFFFC0]  }
0x7d: {  	v7 =	vld.idx.msk [tilespmem:v7+s4+$0x0], $0xffff  }
0x7e: {  	v9 =	vld.idx.msk [tilespmem:v5+s4+$0x0], $0xffff  }
0x7f: {  	v5 =	vld.idx.msk [tilespmem:v4+s4+$0x0], $0xffff  }
.Ltmp3:
0x80: {  	v4 =	vld.idx.msk [tilespmem:v1+s4+$0x0], $0xffff;
	(pc) =	sbr.rel @p2 .LBB2_5-.Ltmp3, $4  }
0x81: {  	v1 =	vld.idx.msk [tilespmem:v2+s4+$0x0], $0xffff  }
0x82: {  	s5 =	sadd.s32 $0x80, s5;
	v2 =	vld.idx.msk [tilespmem:v3+s4+$0x0], $0xffff  }
0x83: {  	v3 =	vld.idx.msk [tilespmem:v6+s4+$0x0], $0xffff;
	[tilespmem:s5+$0x30] =	vst v7  }
0x84: {  	s13 =	sadd.s32 $0x80, s13;
	v6 =	vld.idx.msk [tilespmem:v8+s4+$0x0], $0xffff;
	[tilespmem:s5+$0xFFFFFFD0] =	vst v9  }
0x85: {  	[tilespmem:s5+$0xFFFFFFE0] =	vst v5  }
0x86: {  	[tilespmem:s5+$0xFFFFFFF0] =	vst v4  }
0x87: {  	[tilespmem:s5+$0x0] =	vst v1  }
0x88: {  	[tilespmem:s5+$0x10] =	vst v2  }
0x89: {  	[tilespmem:s5+$0x20] =	vst v3  }
0x8a: {  	[tilespmem:s5+$0xFFFFFFC0] =	vst v6  }
0x8b: {  	[spmem:s3] =	stream.indirect.scatter.add.f32 [tilespmem:s18], [sflag:$0x1], $0x1, s23, s28, $0xb8;
	[tilespmem:$0x1F970] =	vst v63  }
0x8c: {  	_ =	swait.ge [sflag:s29], $0xA00  }
0x8d: {  	[sflag:s29] =	ssyncset.done $0x0  }
0x8e: {  	[sflag:s29] =	ssyncadd.s32 $0xFFFFF600  }
0x8f: {  	_ =	swait.ge [sflag:s29], $0xA00  }
0x90: {  	s17 =	sadd.s32 s6, s17;
	[sflag:s29] =	ssyncset.done $0x0  }
0x91: {  	s12 =	simm.s32 @!p1 $0x3;
	s5 =	smul.u32 $0x280, s17;
	[sflag:s29] =	ssyncadd.s32 $0xFFFFF600  }
0x92: {  	_ =	swait.ge @!p1 [sflag:s12], $0xA00  }
0x93: {  	s5 =	sadd.s32 $0xA000, s5;
	[sflag:s12] =	ssyncset.done @!p1 $0x0  }
0x94: {  	s13 =	sadd.s32 s5, s11;
	[sflag:s12] =	ssyncadd.s32 @!p1 $0xFFFFF600  }
0x95: {  	[tilespmem:s30], [sflag:$0x6] =	stream.strided.gather [hbm4b:s13+s21], $0xA00, s22, s21, $0x38;
	[tilespmem:$0x1F970] =	vst v63  }
0x96: {  	s17 =	simm.s32 $0x19140;
	s5 =	sadd.s32 s2, s5  }
0x97: {  	[tilespmem:s31], [sflag:$0x6] =	stream.strided.gather [hbm4b:s5+s21], $0xA00, s22, s21, $0x38;
	[tilespmem:$0x1F970] =	vst v63  }
0x98: {  	v1 =	vld [tilespmem:s17+$0x30]  }
0x99: {  	v2 =	vld [tilespmem:s17+$0xFFFFFFD0]  }
0x9a: {  	v3 =	vld [tilespmem:s17+$0xFFFFFFE0]  }
0x9b: {  	v4 =	vld [tilespmem:s17+$0xFFFFFFF0]  }
0x9c: {  	v5 =	vld [tilespmem:s17+$0x0]  }
0x9d: {  	v7 =	vld [tilespmem:s17+$0x10]  }
0x9e: {  	v8 =	vld [tilespmem:s17+$0x20]  }
0x9f: {  	v9 =	vld [tilespmem:s17+$0xFFFFFFC0]  }
0xa0: {  	v10 =	vld.idx.msk [tilespmem:v1+s4+$0x0], $0xffff  }
0xa1: {  	v11 =	vld.idx.msk [tilespmem:v2+s4+$0x0], $0xffff  }
0xa2: {  	v6 =	vld.idx.msk [tilespmem:v3+s4+$0x0], $0xffff  }
0xa3: {  	v4 =	vld.idx.msk [tilespmem:v4+s4+$0x0], $0xffff  }
0xa4: {  	v1 =	vld.idx.msk [tilespmem:v5+s4+$0x0], $0xffff  }
0xa5: {  	s5 =	simm.s32 $0x1CD40;
	v2 =	vld.idx.msk [tilespmem:v7+s4+$0x0], $0xffff  }
0xa6: {  	v3 =	vld.idx.msk [tilespmem:v8+s4+$0x0], $0xffff;
	[tilespmem:s5+$0x30] =	vst v10  }
0xa7: {  	s12 =	simm.s32 $0x0;
	s13 =	simm.s32 $0x191C0;
	v5 =	vld.idx.msk [tilespmem:v9+s4+$0x0], $0xffff;
	[tilespmem:s5+$0xFFFFFFD0] =	vst v11  }
.LBB2_7:
0xa8: {  	v7 =	vld [tilespmem:s13+$0x30];
	s12 =	sadd.s32 $0x8, s12;
	[tilespmem:s5+$0xFFFFFFE0] =	vst v6  }
0xa9: {  	v6 =	vld [tilespmem:s13+$0xFFFFFFD0];
	p1 =	slt.u32 s12, $0x98;
	[tilespmem:s5+$0xFFFFFFF0] =	vst v4  }
0xaa: {  	v4 =	vld [tilespmem:s13+$0xFFFFFFE0];
	[tilespmem:s5+$0x0] =	vst v1  }
0xab: {  	v1 =	vld [tilespmem:s13+$0xFFFFFFF0];
	[tilespmem:s5+$0x10] =	vst v2  }
0xac: {  	v2 =	vld [tilespmem:s13+$0x0];
	[tilespmem:s5+$0x20] =	vst v3  }
0xad: {  	v3 =	vld [tilespmem:s13+$0x10];
	[tilespmem:s5+$0xFFFFFFC0] =	vst v5  }
0xae: {  	v5 =	vld [tilespmem:s13+$0x20]  }
0xaf: {  	v8 =	vld [tilespmem:s13+$0xFFFFFFC0]  }
0xb0: {  	v7 =	vld.idx.msk [tilespmem:v7+s4+$0x0], $0xffff  }
0xb1: {  	v9 =	vld.idx.msk [tilespmem:v6+s4+$0x0], $0xffff  }
0xb2: {  	v6 =	vld.idx.msk [tilespmem:v4+s4+$0x0], $0xffff  }
.Ltmp4:
0xb3: {  	v4 =	vld.idx.msk [tilespmem:v1+s4+$0x0], $0xffff;
	(pc) =	sbr.rel @p1 .LBB2_7-.Ltmp4, $4  }
0xb4: {  	v1 =	vld.idx.msk [tilespmem:v2+s4+$0x0], $0xffff  }
0xb5: {  	s5 =	sadd.s32 $0x80, s5;
	v2 =	vld.idx.msk [tilespmem:v3+s4+$0x0], $0xffff  }
0xb6: {  	v3 =	vld.idx.msk [tilespmem:v5+s4+$0x0], $0xffff;
	[tilespmem:s5+$0x30] =	vst v7  }
0xb7: {  	s13 =	sadd.s32 $0x80, s13;
	v5 =	vld.idx.msk [tilespmem:v8+s4+$0x0], $0xffff;
	[tilespmem:s5+$0xFFFFFFD0] =	vst v9  }
0xb8: {  	[tilespmem:s5+$0xFFFFFFE0] =	vst v6  }
0xb9: {  	[tilespmem:s5+$0xFFFFFFF0] =	vst v4  }
0xba: {  	[tilespmem:s5+$0x0] =	vst v1  }
0xbb: {  	[tilespmem:s5+$0x10] =	vst v2  }
0xbc: {  	[tilespmem:s5+$0x20] =	vst v3  }
0xbd: {  	[tilespmem:s5+$0xFFFFFFC0] =	vst v5  }
0xbe: {  	[spmem:s3] =	stream.indirect.scatter.add.f32 [tilespmem:s1], [sflag:$0x2], $0x1, s25, s28, $0xb8;
	[tilespmem:$0x1F970] =	vst v63  }
0xbf: {  	_ =	swait.ge [sflag:s0], $0xA00  }
0xc0: {  	[sflag:s0] =	ssyncset.done $0x0  }
0xc1: {  	s5 =	sadd.s32 $0x3, s16;
	[sflag:s0] =	ssyncadd.s32 $0xFFFFF600  }
0xc2: {  	p1 =	sge.u32 s5, s10;
	_ =	swait.ge [sflag:s0], $0xA00  }
0xc3: {  	s5 =	sshll.u32 @!p1 s5, $0x5;
	[sflag:s0] =	ssyncset.done $0x0  }
0xc4: {  	s12 =	simm.s32 @!p1 $0x1;
	s5 =	sor.u32 @!p1 s6, s5;
	[sflag:s0] =	ssyncadd.s32 $0xFFFFF600  }
0xc5: {  	s5 =	smul.u32 @!p1 $0x280, s5;
	_ =	swait.ge @!p1 [sflag:s12], $0xA00  }
0xc6: {  	s13 =	simm.s32 @!p1 $0x80;
	s16 =	simm.s32 @!p1 $0x100;
	[sflag:s12] =	ssyncset.done @!p1 $0x0  }
0xc7: {  	s17 =	simm.s32 @!p1 $0x1A500;
	[sflag:s12] =	ssyncadd.s32 @!p1 $0xFFFFF600;
	s12 =	sadd.s32 @!p1 s5, s11  }
0xc8: {  	[tilespmem:s17], [sflag:$0x4] =	stream.strided.gather @!p1 [hbm4b:s12+s13], $0xA00, s16, s13, $0x38;
	[tilespmem:$0x1F970] =	vst v63  }
0xc9: {  	s5 =	sadd.s32 @!p1 s2, s5;
	s12 =	simm.s32 @!p1 $0x18700;
	s17 =	simm.s32 $0x19B40  }
0xca: {  	[tilespmem:s12], [sflag:$0x4] =	stream.strided.gather @!p1 [hbm4b:s5+s13], $0xA00, s16, s13, $0x38;
	[tilespmem:$0x1F970] =	vst v63  }
0xcb: {  	v1 =	vld [tilespmem:s17+$0x30]  }
0xcc: {  	v2 =	vld [tilespmem:s17+$0xFFFFFFD0]  }
0xcd: {  	v3 =	vld [tilespmem:s17+$0xFFFFFFE0]  }
0xce: {  	v4 =	vld [tilespmem:s17+$0xFFFFFFF0]  }
0xcf: {  	v5 =	vld [tilespmem:s17+$0x0]  }
0xd0: {  	v7 =	vld [tilespmem:s17+$0x10]  }
0xd1: {  	v8 =	vld [tilespmem:s17+$0x20]  }
0xd2: {  	v9 =	vld [tilespmem:s17+$0xFFFFFFC0]  }
0xd3: {  	v10 =	vld.idx.msk [tilespmem:v1+s4+$0x0], $0xffff  }
0xd4: {  	v11 =	vld.idx.msk [tilespmem:v2+s4+$0x0], $0xffff  }
0xd5: {  	v6 =	vld.idx.msk [tilespmem:v3+s4+$0x0], $0xffff  }
0xd6: {  	v4 =	vld.idx.msk [tilespmem:v4+s4+$0x0], $0xffff  }
0xd7: {  	v1 =	vld.idx.msk [tilespmem:v5+s4+$0x0], $0xffff  }
0xd8: {  	s5 =	simm.s32 $0x1D740;
	v2 =	vld.idx.msk [tilespmem:v7+s4+$0x0], $0xffff  }
0xd9: {  	v3 =	vld.idx.msk [tilespmem:v8+s4+$0x0], $0xffff;
	[tilespmem:s5+$0x30] =	vst v10  }
0xda: {  	s12 =	simm.s32 $0x0;
	s13 =	simm.s32 $0x19BC0;
	v5 =	vld.idx.msk [tilespmem:v9+s4+$0x0], $0xffff;
	[tilespmem:s5+$0xFFFFFFD0] =	vst v11  }
.LBB2_9:
0xdb: {  	v7 =	vld [tilespmem:s13+$0x30];
	s12 =	sadd.s32 $0x8, s12;
	[tilespmem:s5+$0xFFFFFFE0] =	vst v6  }
0xdc: {  	v6 =	vld [tilespmem:s13+$0xFFFFFFD0];
	p1 =	slt.u32 s12, $0x98;
	[tilespmem:s5+$0xFFFFFFF0] =	vst v4  }
0xdd: {  	v4 =	vld [tilespmem:s13+$0xFFFFFFE0];
	[tilespmem:s5+$0x0] =	vst v1  }
0xde: {  	v1 =	vld [tilespmem:s13+$0xFFFFFFF0];
	[tilespmem:s5+$0x10] =	vst v2  }
0xdf: {  	v2 =	vld [tilespmem:s13+$0x0];
	[tilespmem:s5+$0x20] =	vst v3  }
0xe0: {  	v3 =	vld [tilespmem:s13+$0x10];
	[tilespmem:s5+$0xFFFFFFC0] =	vst v5  }
0xe1: {  	v5 =	vld [tilespmem:s13+$0x20]  }
0xe2: {  	v8 =	vld [tilespmem:s13+$0xFFFFFFC0]  }
0xe3: {  	v7 =	vld.idx.msk [tilespmem:v7+s4+$0x0], $0xffff  }
0xe4: {  	v9 =	vld.idx.msk [tilespmem:v6+s4+$0x0], $0xffff  }
0xe5: {  	v6 =	vld.idx.msk [tilespmem:v4+s4+$0x0], $0xffff  }
.Ltmp5:
0xe6: {  	v4 =	vld.idx.msk [tilespmem:v1+s4+$0x0], $0xffff;
	(pc) =	sbr.rel @p1 .LBB2_9-.Ltmp5, $4  }
0xe7: {  	v1 =	vld.idx.msk [tilespmem:v2+s4+$0x0], $0xffff  }
0xe8: {  	s5 =	sadd.s32 $0x80, s5;
	v2 =	vld.idx.msk [tilespmem:v3+s4+$0x0], $0xffff  }
0xe9: {  	v3 =	vld.idx.msk [tilespmem:v5+s4+$0x0], $0xffff;
	[tilespmem:s5+$0x30] =	vst v7  }
0xea: {  	s13 =	sadd.s32 $0x80, s13;
	v5 =	vld.idx.msk [tilespmem:v8+s4+$0x0], $0xffff;
	[tilespmem:s5+$0xFFFFFFD0] =	vst v9  }
0xeb: {  	[tilespmem:s5+$0xFFFFFFE0] =	vst v6;
	s15 =	sadd.s32 $0x1, s15  }
0xec: {  	[tilespmem:s5+$0xFFFFFFF0] =	vst v4;
	p1 =	sne.s32 s15, $0x1A  }
.Ltmp6:
0xed: {  	[tilespmem:s5+$0x0] =	vst v1;
	(pc) =	sbr.rel @p1 .LBB2_4-.Ltmp6, $4  }
0xee: {  	[tilespmem:s5+$0x10] =	vst v2  }
0xef: {  	[tilespmem:s5+$0x20] =	vst v3  }
0xf0: {  	[tilespmem:s5+$0xFFFFFFC0] =	vst v5  }
0xf1: {  	[spmem:s3] =	stream.indirect.scatter.add.f32 [tilespmem:s24], [sflag:$0x3], $0x1, s30, s28, $0xb8;
	[tilespmem:$0x1F970] =	vst v63  }
.Ltmp7:
0xf2: {  	(pc) =	sbr.rel @p0 .LBB2_15-.Ltmp7, $1  }
0xf3: {  	_ =	sdelay $0x3  }
0xf4: {  	_ =	swait.ge [sflag:s20], $0xA00  }
0xf5: {  	[sflag:s20] =	ssyncset.done $0x0  }
0xf6: {  	[sflag:s20] =	ssyncadd.s32 $0xFFFFF600  }
0xf7: {  	_ =	swait.ge [sflag:s20], $0xA00  }
0xf8: {  	[sflag:s20] =	ssyncset.done $0x0  }
0xf9: {  	s5 =	simm.s32 $0x18740;
	[sflag:s20] =	ssyncadd.s32 $0xFFFFF600  }
0xfa: {  	v1 =	vld [tilespmem:s5+$0x30]  }
0xfb: {  	v2 =	vld [tilespmem:s5+$0xFFFFFFD0]  }
0xfc: {  	v3 =	vld [tilespmem:s5+$0xFFFFFFE0]  }
0xfd: {  	v4 =	vld [tilespmem:s5+$0xFFFFFFF0]  }
0xfe: {  	v5 =	vld [tilespmem:s5+$0x0]  }
0xff: {  	v7 =	vld [tilespmem:s5+$0x10]  }
0x100: {  	v8 =	vld [tilespmem:s5+$0x20]  }
0x101: {  	v9 =	vld [tilespmem:s5+$0xFFFFFFC0]  }
0x102: {  	v10 =	vld.idx.msk [tilespmem:v1+s4+$0x0], $0xffff  }
0x103: {  	v11 =	vld.idx.msk [tilespmem:v2+s4+$0x0], $0xffff  }
0x104: {  	v6 =	vld.idx.msk [tilespmem:v3+s4+$0x0], $0xffff  }
0x105: {  	v4 =	vld.idx.msk [tilespmem:v4+s4+$0x0], $0xffff  }
0x106: {  	v1 =	vld.idx.msk [tilespmem:v5+s4+$0x0], $0xffff  }
0x107: {  	s5 =	simm.s32 $0x1C340;
	v2 =	vld.idx.msk [tilespmem:v7+s4+$0x0], $0xffff  }
0x108: {  	v3 =	vld.idx.msk [tilespmem:v8+s4+$0x0], $0xffff;
	[tilespmem:s5+$0x30] =	vst v10  }
0x109: {  	s12 =	simm.s32 $0x0;
	s13 =	simm.s32 $0x187C0;
	v5 =	vld.idx.msk [tilespmem:v9+s4+$0x0], $0xffff;
	[tilespmem:s5+$0xFFFFFFD0] =	vst v11  }
.LBB2_13:
0x10a: {  	v7 =	vld [tilespmem:s13+$0x30];
	s12 =	sadd.s32 $0x8, s12;
	[tilespmem:s5+$0xFFFFFFE0] =	vst v6  }
0x10b: {  	v6 =	vld [tilespmem:s13+$0xFFFFFFD0];
	p1 =	slt.u32 s12, $0x98;
	[tilespmem:s5+$0xFFFFFFF0] =	vst v4  }
0x10c: {  	v4 =	vld [tilespmem:s13+$0xFFFFFFE0];
	[tilespmem:s5+$0x0] =	vst v1  }
0x10d: {  	v1 =	vld [tilespmem:s13+$0xFFFFFFF0];
	[tilespmem:s5+$0x10] =	vst v2  }
0x10e: {  	v2 =	vld [tilespmem:s13+$0x0];
	[tilespmem:s5+$0x20] =	vst v3  }
0x10f: {  	v3 =	vld [tilespmem:s13+$0x10];
	[tilespmem:s5+$0xFFFFFFC0] =	vst v5  }
0x110: {  	v5 =	vld [tilespmem:s13+$0x20]  }
0x111: {  	v8 =	vld [tilespmem:s13+$0xFFFFFFC0]  }
0x112: {  	v7 =	vld.idx.msk [tilespmem:v7+s4+$0x0], $0xffff  }
0x113: {  	v9 =	vld.idx.msk [tilespmem:v6+s4+$0x0], $0xffff  }
0x114: {  	v6 =	vld.idx.msk [tilespmem:v4+s4+$0x0], $0xffff  }
.Ltmp8:
0x115: {  	v4 =	vld.idx.msk [tilespmem:v1+s4+$0x0], $0xffff;
	(pc) =	sbr.rel @p1 .LBB2_13-.Ltmp8, $4  }
0x116: {  	v1 =	vld.idx.msk [tilespmem:v2+s4+$0x0], $0xffff  }
0x117: {  	s5 =	sadd.s32 $0x80, s5;
	v2 =	vld.idx.msk [tilespmem:v3+s4+$0x0], $0xffff  }
0x118: {  	v3 =	vld.idx.msk [tilespmem:v5+s4+$0x0], $0xffff;
	[tilespmem:s5+$0x30] =	vst v7  }
0x119: {  	s13 =	sadd.s32 $0x80, s13;
	v5 =	vld.idx.msk [tilespmem:v8+s4+$0x0], $0xffff;
	[tilespmem:s5+$0xFFFFFFD0] =	vst v9  }
0x11a: {  	[tilespmem:s5+$0xFFFFFFE0] =	vst v6  }
0x11b: {  	[tilespmem:s5+$0xFFFFFFF0] =	vst v4  }
.Ltmp9:
0x11c: {  	[tilespmem:s5+$0x0] =	vst v1;
	(pc) =	sbr.rel .LBB2_15-.Ltmp9, $4  }
0x11d: {  	[tilespmem:s5+$0x10] =	vst v2  }
0x11e: {  	[tilespmem:s5+$0x20] =	vst v3  }
0x11f: {  	[tilespmem:s5+$0xFFFFFFC0] =	vst v5  }
0x120: {  	[spmem:s3] =	stream.indirect.scatter.add.f32 [tilespmem:s18], [sflag:$0x1], $0x1, s23, s28, $0xb8;
	[tilespmem:$0x1F970] =	vst v63  }
.LBB2_16:
0x121: {  	_ =	sfence.sel $0x180000  }
0x122: {  	[bflag:$0x0] =	sbarrier.arrive $0xFFFF  }
0x123: {  	_ =	strace $0x9000004D  }
0x124: {  	s0 =	stileid.u32;
	[bflag:$0x2] =	sbarrier.arrive $0xFFFF  }
0x125: {  	p0 =	sne.s32 s0, $0x0;
	s0 =	rddreg [dreg:$0x3]  }
0x126: {  	s0 =	sadd.s32 @!p0 $0x100000, s0  }
0x127: {  	[sflag:s0] =	ssyncadd.tile.s32 @!p0 $0x1;
	_ =	shalt  }
.Lfunc_end2:
_tile_overlayer_lowered:
.L_overlay_start_2:
0x128: {  	(tag) =	ssettag $0x2  }
0x129: {  	s0 =	rddreg [dreg:$0x0];
	s2 =	stileid.u32  }
0x12a: {  	s1 =	rddreg [dreg:$0x1];
	p0 =	sne.s32 s2, $0x0  }
0x12b: {  	s3 =	rddreg [dreg:$0x2];
	[bflag:$0x3] =	sbarrier.arrive $0xFFFF;
	s2 =	simm.s32 @!p0 $0x1C07  }
0x12c: {  	[timem:s3], [sflag:s2] =	dma.local @!p0 [hbm:s0], s1  }
0x12d: {  	s0 =	simm.s32 @!p0 $0x7  }
0x12e: {  	_ =	swait.ge @!p0 [sflag:s0], s1  }
0x12f: {  	s1 =	ssub.s32 @!p0 $0x0, s1;
	[sflag:s0] =	ssyncset.done @!p0 $0x0  }
0x130: {  	[sflag:s0] =	ssyncadd.s32 @!p0 s1  }
0x131: {  	[bflag:$0x3] =	sbarrier.arrive $0xFFFF  }
0x132: {  	_ =	shalt  }

// kernel: kernel.8.cloned.1.call-start
scs
__scs_entry_jumppad:
0x0: {  	(pc) =	sbr.rel $0x88, $3  }
0x1: {  	(tag) =	ssettag $0x0;
	lr =	simm.s32 $0x1  }
0x2: {  	[smem:$0x3F9B] =	sst lr;
	_ =	strace $0xD0000000  }
0x3: {  	_ = 	snop  }
0x4: {  	_ = 	snop  }
0x5: {  	_ = 	snop  }
0x6: {  	_ = 	snop  }
0x7: {  	_ = 	snop  }
__scs_overlays_trampoline_lowered:
0x8: {  	[smem:$0x3FAA] =	sst s0  }
0x9: {  	[smem:$0x3FAB] =	sst s1  }
0xa: {  	[smem:$0x3FAC] =	sst s2  }
0xb: {  	[smem:$0x3FAD] =	sst s3  }
0xc: {  	[smem:$0x3FAE] =	sst s4  }
0xd: {  	[smem:$0x3FAF] =	sst s5  }
0xe: {  	[smem:$0x3FB0] =	sst s6  }
0xf: {  	[smem:$0x3FB1] =	sst s7  }
0x10: {  	[smem:$0x3FB2] =	sst s8  }
0x11: {  	[smem:$0x3FB3] =	sst s9;
	s0 =	simm.s32 @!p0 $0x0  }
0x12: {  	s1 =	sld [smem:$0x3F99];
	s0 =	simm.s32 @p0 $0x1  }
0x13: {  	[smem:$0x3FB4] =	sst s0;
	s0 =	simm.s32 @!p1 $0x0  }
0x14: {  	s2 =	sld [smem:$0x3F98];
	s0 =	simm.s32 @p1 $0x1  }
0x15: {  	[smem:$0x3FB5] =	sst s0;
	s0 =	simm.s32 @!p2 $0x0  }
0x16: {  	s3 =	sld [smem:$0x3FDB];
	s0 =	simm.s32 @p2 $0x1  }
0x17: {  	s4 =	simm.s32 $0x1BF5;
	[smem:$0x3FB7] =	sst s0  }
0x18: {  	s0 =	sld [smem:$0x3F9A];
	_ =	swait.ge [sflag:s4], $0x0  }
0x19: {  	s7 =	sld [smem:$0x3F9B]  }
0x1a: {  	s8 =	sadd.s32 $0xFFFFE003, lr  }
0x1b: {  	s9 =	sadd.s32 $0xFFFFFEF7, lr;
	s5 =	simm.s32 $0xFFFFFFFF;
	p2 =	slt.u32 s8, $0xFFFFF086  }
0x1c: {  	p1 =	slt.u32 s9, $0xF7A;
	s5 =	simm.s32 @!p2 $0x0  }
0x1d: {  	s5 =	simm.s32 @p1 $0x1;
	p0 =	seq.s32 s7, s2  }
0x1e: {  	s7 =	smul.u32 @!p0 $0xF7A, s2;
	p2 =	seq.s32 @!p0 s5, $0x0  }
0x1f: {  	s9 =	smul.u32 $0xF7A, s1;
	s8 =	simm.s32 @!p0 $0x1BF5;
	p2 =	por !p2, p0  }
0x20: {  	[sflag:s8] =	ssyncset.s32 @!p0 $0xFFFFF086;
	s6 =	sadd.s32 @!p0 s3, s7;
	s7 =	simm.s32 @!p0 $0x108  }
0x21: {  	s3 =	sadd.s32 s3, s9;
	s6 =	sadd.s32 @!p0 $0x88, s6;
	s7 =	simm.s32 @p2 $0x1082  }
0x22: {  	[simem:s7], [sflag:s8] =	dma.local @!p0 [hbm:s6], $0xF7A  }
0x23: {  	s9 =	sor.u32 $0xD0000000, s2;
	s6 =	simm.s32 $0x108;
	_ =	swait.ge @!p0 [sflag:s8], $0x0  }
0x24: {  	s3 =	sadd.s32 $0x88, s3;
	s6 =	simm.s32 @!p1 $0x1082;
	[sflag:s4] =	ssyncset.s32 $0xFFFFF086  }
0x25: {  	[simem:s6], [sflag:s4] =	dma.local [hbm:s3], $0xF7A  }
0x26: {  	[smem:$0x3F9B] =	sst s1;
	(tag) =	ssettag s2;
	_ =	strace s9  }
0x27: {  	s1 =	sld [smem:$0x3FAB]  }
0x28: {  	s2 =	sld [smem:$0x3FAC]  }
0x29: {  	s4 =	sld [smem:$0x3FAE]  }
0x2a: {  	p0 =	seq.s32 s5, $0x0;
	s5 =	sld [smem:$0x3FAF]  }
0x2b: {  	s6 =	sld [smem:$0x3FB0]  }
0x2c: {  	s7 =	sld [smem:$0x3FB1]  }
0x2d: {  	s3 =	simm.s32 $0x108;
	s8 =	sld [smem:$0x3FB2]  }
0x2e: {  	s3 =	simm.s32 @!p0 $0x1082;
	s9 =	sld [smem:$0x3FB3]  }
0x2f: {  	lr =	sadd.s32 s0, s3;
	s0 =	sld [smem:$0x3FAA]  }
0x30: {  	s3 =	sld [smem:$0x3FAD]  }
0x31: {  	[smem:$0x3FB6] =	sst s10  }
0x32: {  	s10 =	sld [smem:$0x3FB4];
	_ =	sdelay $0x3  }
0x33: {  	p0 =	seq.s32 s10, $0x1;
	s10 =	sld [smem:$0x3FB6];
	_ =	sdelay $0x3  }
0x34: {  	[smem:$0x3FB6] =	sst s10  }
0x35: {  	s10 =	sld [smem:$0x3FB5];
	_ =	sdelay $0x3  }
0x36: {  	p1 =	seq.s32 s10, $0x1;
	s10 =	sld [smem:$0x3FB6];
	_ =	sdelay $0x3  }
0x37: {  	[smem:$0x3FB6] =	sst s10  }
0x38: {  	s10 =	sld [smem:$0x3FB7]  }
0x39: {  	_ = 	snop;
	(pc) =	sbr.ind lr, $3  }
0x3a: {  	_ = 	snop  }
0x3b: {  	_ = 	snop  }
0x3c: {  	p2 =	seq.s32 s10, $0x1;
	s10 =	sld [smem:$0x3FB6]  }
0x3d: {  	_ =	shalt  }
0x3e: {  	_ =	shalt  }
0x3f: {  	_ =	shalt  }
0x40: {  	_ =	shalt  }
0x41: {  	_ =	shalt  }
0x42: {  	_ =	shalt  }
0x43: {  	_ =	shalt  }
0x44: {  	_ =	shalt  }
0x45: {  	_ =	shalt  }
0x46: {  	_ =	shalt  }
0x47: {  	_ =	shalt  }
0x48: {  	_ =	shalt  }
0x49: {  	_ =	shalt  }
0x4a: {  	_ =	shalt  }
0x4b: {  	_ =	shalt  }
0x4c: {  	_ =	shalt  }
0x4d: {  	_ =	shalt  }
0x4e: {  	_ =	shalt  }
0x4f: {  	_ =	shalt  }
0x50: {  	_ =	shalt  }
0x51: {  	_ =	shalt  }
0x52: {  	_ =	shalt  }
0x53: {  	_ =	shalt  }
0x54: {  	_ =	shalt  }
0x55: {  	_ =	shalt  }
0x56: {  	_ =	shalt  }
0x57: {  	_ =	shalt  }
0x58: {  	_ =	shalt  }
0x59: {  	_ =	shalt  }
0x5a: {  	_ =	shalt  }
0x5b: {  	_ =	shalt  }
0x5c: {  	_ =	shalt  }
0x5d: {  	_ =	shalt  }
0x5e: {  	_ =	shalt  }
0x5f: {  	_ =	shalt  }
0x60: {  	_ =	shalt  }
0x61: {  	_ =	shalt  }
0x62: {  	_ =	shalt  }
0x63: {  	_ =	shalt  }
0x64: {  	_ =	shalt  }
0x65: {  	_ =	shalt  }
0x66: {  	_ =	shalt  }
0x67: {  	_ =	shalt  }
0x68: {  	_ =	shalt  }
0x69: {  	_ =	shalt  }
0x6a: {  	_ =	shalt  }
0x6b: {  	_ =	shalt  }
0x6c: {  	_ =	shalt  }
0x6d: {  	_ =	shalt  }
0x6e: {  	_ =	shalt  }
0x6f: {  	_ =	shalt  }
0x70: {  	_ =	shalt  }
0x71: {  	_ =	shalt  }
0x72: {  	_ =	shalt  }
0x73: {  	_ =	shalt  }
0x74: {  	_ =	shalt  }
0x75: {  	_ =	shalt  }
0x76: {  	_ =	shalt  }
0x77: {  	_ =	shalt  }
0x78: {  	_ =	shalt  }
0x79: {  	_ =	shalt  }
0x7a: {  	_ =	shalt  }
0x7b: {  	_ =	shalt  }
0x7c: {  	_ =	shalt  }
0x7d: {  	_ =	shalt  }
0x7e: {  	_ =	shalt  }
0x7f: {  	_ =	shalt  }
0x80: {  	_ =	shalt  }
0x81: {  	_ =	shalt  }
0x82: {  	_ =	shalt  }
0x83: {  	_ =	shalt  }
0x84: {  	_ =	shalt  }
0x85: {  	_ =	shalt  }
0x86: {  	_ =	shalt  }
0x87: {  	_ =	shalt  }
.Lfunc_end0:
.L_simem_size_0:
called_computation_lowered:
.L_overlay_start_0:
0x88: {  	s2 =	sld [smem:$0x3FD9]  }
0x89: {  	s3 =	sld [smem:$0x3FFE];
	_ =	sdelay $0x1  }
0x8a: {  	s1 =	srdreg.scid  }
0x8b: {  	s0 =	sand.u32 $0x1, s1  }
0x8c: {  	s17 =	sshll.u32 s0, $0xA;
	s2 =	sadd.s32 s3, s2  }
0x8d: {  	s2 =	sadd.s32 s2, s17  }
0x8e: {  	[smem:$0x3FC2] =	sst s2  }
0x8f: {  	_ = 	snop  }
0x90: {  	s2 =	sld [smem:$0x3FC8];
	(tm) =	ssettm $0x1  }
0x91: {  	s18 =	sld [smem:$0x3FFB];
	_ =	sdelay $0x3  }
0x92: {  	_ =	strace s18  }
0x93: {  	s3 =	sld [smem:$0x3FFC];
	_ =	sdelay $0x3  }
0x94: {  	_ =	strace s3  }
0x95: {  	s3 =	sld [smem:$0x3FFD];
	_ =	sdelay $0x3  }
0x96: {  	_ =	strace s3  }
0x97: {  	_ =	strace $0x8FFFFFFF  }
0x98: {  	s19 =	sld [smem:$0x3FDB];
	_ =	sdelay $0x1  }
0x99: {  	s4 =	simm.s32 $_scs_section_size  }
0x9a: {  	s5 =	simm.s32 $_size__tile_overlayer_lowered;
	s6 =	simm.s32 $_tile_overlayer_lowered  }
0x9b: {  	s22 =	simm.s32 $0x1BFF;
	s21 =	sshll.u32 s6, $0x1;
	s3 =	sadd.s32 s4, s19  }
0x9c: {  	s7 =	simm.s32 $0x0;
	s20 =	sshll.u32 s5, $0x1;
	s5 =	sadd.s32 s21, s3  }
0x9d: {  	[timem:s7], [sflag:s22] =	dma.local [hbm:s5], s20  }
0x9e: {  	_ =	swait.ge [sflag:s22], s20  }
0x9f: {  	s4 =	ssub.s32 $0x0, s20;
	[sflag:s22] =	ssyncset.done $0x0  }
0xa0: {  	[sflag:s22] =	ssyncadd.s32 s4;
	_ =	sdelay $0x1  }
0xa1: {  	s23 =	simm.s32 $0x1B8B  }
0xa2: {  	_ =	swait.ge [sflag:s23], $0x1  }
0xa3: {  	[sflag:s23] =	ssyncset.done $0x0  }
0xa4: {  	s25 =	simm.s32 $0x1B8E;
	s24 =	sld [smem:$0x3FFE];
	[sflag:s23] =	ssyncadd.s32 $0xFFFFFFFF  }
0xa5: {  	s26 =	simm.s32 $execute0_lowered;
	[smem:$0x3FD2] =	sst s25  }
0xa6: {  	s5 =	sshll.u32 s26, $0x1;
	_ =	strace $0x80000046;
	[dreg:$0x1] =	wrdreg $0xFFFFFFFF  }
0xa7: {  	s28 =	simm.s32 $_size_execute0_lowered;
	s3 =	sadd.s32 s3, s5;
	[dreg:$0x0] =	wrdreg $0x0  }
0xa8: {  	s5 =	sshll.u32 s28, $0x1;
	[dreg:$0x2] =	wrdreg s3  }
0xa9: {  	[dreg:$0x3] =	wrdreg s5  }
0xaa: {  	[dreg:$0x4] =	wrdreg $0xC0  }
0xab: {  	_ =	task [dreg:s7], $0x5FFFF  }
0xac: {  	[dreg:$0x1] =	wrdreg $0xFFFFFFFF  }
0xad: {  	[dreg:$0x0] =	wrdreg $0x60  }
0xae: {  	[dreg:$0x2] =	wrdreg s2  }
0xaf: {  	[dreg:$0x3] =	wrdreg s24  }
0xb0: {  	[dreg:$0x4] =	wrdreg $0x28000  }
0xb1: {  	[dreg:$0x5] =	wrdreg $0x9  }
0xb2: {  	_ =	task.clear_ibuf [dreg:s7], $0x6FFFF;
	_ =	strace $0x90000046  }
0xb3: {  	s29 =	simm.s32 $0x9;
	_ =	strace $0x80000048  }
0xb4: {  	_ =	swait.ge [sflag:s29], $0x1  }
0xb5: {  	[sflag:s29] =	ssyncadd.s32 $0xFFFFFFFF  }
0xb6: {  	_ =	strace $0x90000048  }
0xb7: {  	_ =	sfence  }
0xb8: {  	s30 =	sld [smem:$0x0];
	_ =	sdelay $0x2  }
0xb9: {  	s31 =	sshll.u32 s1, $0xD;
	s1 =	sshrl.u32 s1, $0x2  }
0xba: {  	s3 =	sand.u32 $0x4000, s31;
	s1 =	sadd.s32 s1, s30  }
0xbb: {  	s0 =	sor.u32 s3, s0;
	s1 =	sshll.u32 s1, $0x11  }
0xbc: {  	s0 =	sor.u32 s1, s0  }
0xbd: {  	s0 =	sadd.s32 $0x8F2B, s0  }
0xbe: {  	[sflag:s0] =	ssyncadd.remote.s32 $0x1  }
0xbf: {  	_ =	sfence.sel $0xFFFF  }
0xc0: {  	[dreg:$0x0] =	wrdreg $0xFFFFFFFF;
	(pc) =	sbr.abs _section_cstart, $3  }
0xc1: {  	[dreg:$0x1] =	wrdreg $0xFFFFFFFF  }
0xc2: {  	_ =	task.clear_ibuf [dreg:s7], $0x2FFFF;
	_ =	strace $0x9FFFFFFF  }
0xc3: {  	(tm) =	ssettm $0x7FFFFFFF  }
tec
execute0_lowered:
.L_overlay_start_1:
0x0: {  	(tag) =	ssettag $0x1  }
0x1: {  	s1 =	rddreg [dreg:$0x0]  }
0x2: {  	s5 =	rddreg [dreg:$0x1]  }
0x3: {  	s3 =	srdreg.scid;
	s0 =	stileid.u32  }
0x4: {  	s2 =	rddreg [dreg:$0x2];
	s18 =	simm.s32 $0x7;
	s19 =	simm.s32 $0x80  }
0x5: {  	s20 =	simm.s32 $0x100;
	s21 =	simm.s32 $0x4;
	s22 =	simm.s32 $0xA00  }
0x6: {  	s23 =	simm.s32 $0x5;
	s24 =	simm.s32 $0x1400;
	s28 =	simm.s32 $0x3  }
0x7: {  	s29 =	simm.s32 $0x6;
	s30 =	simm.s32 $0x0;
	s4 =	smul.u32 $0x1870, s0  }
0x8: {  	s14 =	sand.u32 $0x1, s3;
	s3 =	simm.s32 $0x0;
	s16 =	smul.u32 $0x500, s0  }
0x9: {  	s7 =	sshll.u32 s0, $0x1;
	p0 =	sgt.u32 s0, $0x1;
	s6 =	smul.u32 $0x18700, s14  }
0xa: {  	[smem:$0x7FF] =	sst s3;
	s8 =	ssub.s32 $0x2, s14;
	s7 =	sor.u32 s14, s7  }
0xb: {  	s17 =	smul.u32 $0x280, s14;
	_ =	strace $0x80000047;
	s9 =	sshrl.u32 s8, $0x1  }
0xc: {  	s10 =	smul.u32 $0x280, s7;
	s7 =	ssub.s32 $0x9E3, s7;
	s6 =	sadd.s32 s4, s6  }
0xd: {  	s4 =	sadd.s32 s4, s2;
	s12 =	ssub.s32 s8, s9;
	s7 =	sshrl.u32 s7, $0x5  }
0xe: {  	s6 =	sshrl.u32 s6, $0x3;
	s15 =	sadd.s32 s10, s1;
	s12 =	smax.u32 s12, $0x1  }
0xf: {  	s1 =	sadd.s32 s16, s1;
	s11 =	sadd.s32 s6, s5;
	s5 =	sadd.s32 $0xA00, s4  }
0x10: {  	s6 =	sadd.s32 $0x1400, s4;
	s25 =	sadd.s32 $0x10, s15;
	s13 =	sadd.s32 $0x5010, s15  }
0x11: {  	s14 =	sadd.s32 $0xA010, s15;
	s15 =	sadd.s32 $0xF010, s15;
	s16 =	sadd.s32 s17, s1  }
0x12: {  	s17 =	simm.s32 $0x1E00;
	[dreg:$0x4] =	wrdreg s25;
	s26 =	sadd.s32 $0x1A00, s11  }
0x13: {  	s31 =	sadd.s32 $0x1B40, s11;
	s11 =	sadd.s32 $0x1C80, s11;
	[dreg:$0x5] =	wrdreg s26  }
0x14: {  	v0 =	vimm.f32 $0.0e+00;
	v1 =	vimm.f32 $1.000000000e+00;
	s25 =	simm.s32 $0x1;
	[dreg:$0x6] =	wrdreg s31;
	s26 =	simm.s32 $0x2  }
.LBB2_1:
0x15: {  	s1 =	simm.s32 $0x40;
	s31 =	simm.s32 $0x0  }
.LBB2_2:
0x16: {  	p1 =	sne.s32 s1, $0x27C0;
	[tilespmem:s31+$0x1E00] =	vst v0;
	s31 =	smov.u32 s1;
	s1 =	sadd.s32 $0x40, s1  }
.Ltmp0:
0x17: {  	(pc) =	sbr.rel @p1 .LBB2_2-.Ltmp0, $2  }
0x18: {  	_ =	sdelay $0x2  }
0x19: {  	s31 =	sshra.s32 s31, $0x2  }
0x1a: {  	[tilespmem:s31+$0x1E00] =	vst v0  }
0x1b: {  	[spmem:s4] =	stream.linear.scatter [tilespmem:s17], [sflag:$0x7], $0xA00, $0x38;
	[tilespmem:$0x4070] =	vst v63  }
0x1c: {  	_ =	swait.ge [sflag:s18], $0xA00  }
0x1d: {  	[sflag:s18] =	ssyncset.done $0x0  }
0x1e: {  	[sflag:s18] =	ssyncadd.s32 $0xFFFFF600  }
0x1f: {  	[spmem:s5] =	stream.linear.scatter [tilespmem:s17], [sflag:$0x7], $0xA00, $0x38;
	[tilespmem:$0x4070] =	vst v63  }
0x20: {  	_ =	swait.ge [sflag:s18], $0xA00  }
0x21: {  	[sflag:s18] =	ssyncset.done $0x0  }
0x22: {  	[sflag:s18] =	ssyncadd.s32 $0xFFFFF600  }
0x23: {  	[spmem:s6] =	stream.linear.scatter [tilespmem:s17], [sflag:$0x7], $0x470, $0x38;
	[tilespmem:$0x4070] =	vst v63  }
0x24: {  	_ =	swait.ge [sflag:s18], $0x470  }
0x25: {  	[sflag:s18] =	ssyncset.done $0x0  }
0x26: {  	s1 =	simm.s32 $0x40;
	s31 =	simm.s32 $0x0;
	[sflag:s18] =	ssyncadd.s32 $0xFFFFFB90  }
.LBB2_4:
0x27: {  	p1 =	sne.s32 s1, $0x27C0;
	[tilespmem:s31+$0x1E00] =	vst v1;
	s31 =	smov.u32 s1;
	s1 =	sadd.s32 $0x40, s1  }
.Ltmp1:
0x28: {  	(pc) =	sbr.rel @p1 .LBB2_4-.Ltmp1, $2  }
0x29: {  	_ =	sdelay $0x2  }
0x2a: {  	s31 =	sshra.s32 s31, $0x2  }
0x2b: {  	[tilespmem:s31+$0x1E00] =	vst v1  }
0x2c: {  	[bflag:$0x0] =	sbarrier.arrive $0xFFFF  }
0x2d: {  	s1 =	simm.s32 $0x0;
	s0 =	rddreg [dreg:$0x4]  }
0x2e: {  	[tilespmem:s1], [sflag:$0x4] =	stream.strided.gather [hbm4b:s0+s19], $0xA00, s20, s19, $0x38;
	[tilespmem:$0x4070] =	vst v63  }
0x2f: {  	_ =	swait.ge [sflag:s21], $0xA00  }
0x30: {  	[sflag:s21] =	ssyncset.done $0x0  }
0x31: {  	[sflag:s21] =	ssyncadd.s32 $0xFFFFF600  }
0x32: {  	[tilespmem:s22], [sflag:$0x5] =	stream.strided.gather [hbm4b:s13+s19], $0xA00, s20, s19, $0x38;
	[tilespmem:$0x4070] =	vst v63  }
0x33: {  	_ = 	snop  }
0x34: {  	[spmem:s2] =	stream.indirect.scatter.add.f32 [tilespmem:s17], [sflag:$0x1], $0x1, s1, s22, $0xb8;
	[tilespmem:$0x4070] =	vst v63  }
0x35: {  	_ =	swait.ge [sflag:s23], $0xA00  }
0x36: {  	[sflag:s23] =	ssyncset.done $0x0  }
0x37: {  	[sflag:s23] =	ssyncadd.s32 $0xFFFFF600  }
0x38: {  	[tilespmem:s24], [sflag:$0x6] =	stream.strided.gather [hbm4b:s14+s19], $0xA00, s20, s19, $0x38;
	[tilespmem:$0x4070] =	vst v63  }
0x39: {  	s31 =	simm.s32 $0x6  }
0x3a: {  	[spmem:s2] =	stream.indirect.scatter.add.f32 [tilespmem:s17], [sflag:$0x2], $0x1, s22, s22, $0xb8;
	[tilespmem:$0x4070] =	vst v63  }
0x3b: {  	_ =	swait.ge [sflag:s31], $0xA00  }
0x3c: {  	[sflag:s31] =	ssyncset.done $0x0  }
0x3d: {  	[sflag:s31] =	ssyncadd.s32 $0xFFFFF600  }
0x3e: {  	_ =	swait.ge [sflag:s25], $0xA00  }
0x3f: {  	[sflag:s25] =	ssyncset.done $0x0  }
0x40: {  	[sflag:s25] =	ssyncadd.s32 $0xFFFFF600  }
0x41: {  	[tilespmem:s1], [sflag:$0x4] =	stream.strided.gather [hbm4b:s15+s19], $0xA00, s20, s19, $0x38;
	[tilespmem:$0x4070] =	vst v63  }
0x42: {  	_ = 	snop  }
0x43: {  	[spmem:s2] =	stream.indirect.scatter.add.f32 [tilespmem:s17], [sflag:$0x3], $0x1, s24, s22, $0xb8;
	[tilespmem:$0x4070] =	vst v63  }
0x44: {  	_ =	swait.ge [sflag:s21], $0xA00  }
0x45: {  	[sflag:s21] =	ssyncset.done $0x0  }
0x46: {  	[sflag:s21] =	ssyncadd.s32 $0xFFFFF600  }
0x47: {  	_ =	swait.ge [sflag:s26], $0xA00  }
0x48: {  	s10 =	sadd.s32 $0x0, s16;
	[sflag:s26] =	ssyncset.done $0x0  }
0x49: {  	s31 =	sadd.s32 $0x14010, s10;
	[sflag:s26] =	ssyncadd.s32 $0xFFFFF600  }
0x4a: {  	[tilespmem:s22], [sflag:$0x5] =	stream.strided.gather [hbm4b:s31+s19], $0xA00, s20, s19, $0x38;
	[tilespmem:$0x4070] =	vst v63  }
0x4b: {  	_ = 	snop  }
0x4c: {  	[spmem:s2] =	stream.indirect.scatter.add.f32 [tilespmem:s17], [sflag:$0x1], $0x1, s3, s22, $0xb8;
	[tilespmem:$0x4070] =	vst v63  }
0x4d: {  	_ =	swait.ge [sflag:s23], $0xA00  }
0x4e: {  	[sflag:s23] =	ssyncset.done $0x0  }
0x4f: {  	[sflag:s23] =	ssyncadd.s32 $0xFFFFF600  }
0x50: {  	_ =	swait.ge [sflag:s28], $0xA00  }
0x51: {  	[sflag:s28] =	ssyncset.done $0x0  }
0x52: {  	s1 =	sadd.s32 $0x19010, s10;
	[sflag:s28] =	ssyncadd.s32 $0xFFFFF600  }
0x53: {  	[tilespmem:s24], [sflag:$0x6] =	stream.strided.gather [hbm4b:s1+s19], $0xA00, s20, s19, $0x38;
	[tilespmem:$0x4070] =	vst v63  }
0x54: {  	_ = 	snop  }
0x55: {  	[spmem:s2] =	stream.indirect.scatter.add.f32 [tilespmem:s17], [sflag:$0x2], $0x1, s22, s22, $0xb8;
	[tilespmem:$0x4070] =	vst v63  }
0x56: {  	_ =	swait.ge [sflag:s29], $0xA00  }
0x57: {  	p1 =	sle.u32 s7, $0x6;
	[sflag:s29] =	ssyncset.done $0x0  }
0x58: {  	s1 =	simm.s32 @!p1 $0x1;
	[sflag:s29] =	ssyncadd.s32 $0xFFFFF600  }
0x59: {  	s8 =	simm.s32 @!p1 $0x100;
	_ =	swait.ge @!p1 [sflag:s1], $0xA00  }
0x5a: {  	s0 =	simm.s32 @!p1 $0x0;
	s31 =	sadd.s32 @!p1 $0x0, s16;
	[sflag:s1] =	ssyncset.done @!p1 $0x0  }
0x5b: {  	s31 =	sadd.s32 @!p1 $0x1E010, s31;
	[sflag:s1] =	ssyncadd.s32 @!p1 $0xFFFFF600;
	s1 =	simm.s32 @!p1 $0x80  }
0x5c: {  	[tilespmem:s0], [sflag:$0x4] =	stream.strided.gather @!p1 [hbm4b:s31+s1], $0xA00, s8, s1, $0x38;
	[tilespmem:$0x4070] =	vst v63  }
0x5d: {  	s31 =	simm.s32 $0xF000;
	s1 =	simm.s32 $0x9  }
.LBB2_6:
0x5e: {  	[spmem:s2] =	stream.indirect.scatter.add.f32 [tilespmem:s17], [sflag:$0x3], $0x1, s24, s22, $0xb8;
	[tilespmem:$0x4070] =	vst v63  }
0x5f: {  	s0 =	smov.u32 s31;
	s31 =	sadd.s32 $0xF000, s31;
	_ =	swait.ge [sflag:s21], $0xA00  }
0x60: {  	p1 =	sne.s32 s31, $0x177000;
	[sflag:s21] =	ssyncset.done $0x0  }
0x61: {  	[sflag:s21] =	ssyncadd.s32 $0xFFFFF600  }
0x62: {  	_ =	swait.ge [sflag:s26], $0xA00  }
0x63: {  	s8 =	sadd.s32 s0, s16;
	[sflag:s26] =	ssyncset.done $0x0  }
0x64: {  	s9 =	sadd.s32 $0x14010, s8;
	[sflag:s26] =	ssyncadd.s32 $0xFFFFF600  }
0x65: {  	[tilespmem:s22], [sflag:$0x5] =	stream.strided.gather [hbm4b:s9+s19], $0xA00, s20, s19, $0x38;
	[tilespmem:$0x4070] =	vst v63  }
0x66: {  	_ = 	snop  }
0x67: {  	[spmem:s2] =	stream.indirect.scatter.add.f32 [tilespmem:s17], [sflag:$0x1], $0x1, s3, s22, $0xb8;
	[tilespmem:$0x4070] =	vst v63  }
0x68: {  	_ =	swait.ge [sflag:s23], $0xA00  }
0x69: {  	[sflag:s23] =	ssyncset.done $0x0  }
0x6a: {  	[sflag:s23] =	ssyncadd.s32 $0xFFFFF600  }
0x6b: {  	_ =	swait.ge [sflag:s28], $0xA00  }
0x6c: {  	[sflag:s28] =	ssyncset.done $0x0  }
0x6d: {  	s8 =	sadd.s32 $0x19010, s8;
	[sflag:s28] =	ssyncadd.s32 $0xFFFFF600  }
0x6e: {  	[tilespmem:s24], [sflag:$0x6] =	stream.strided.gather [hbm4b:s8+s19], $0xA00, s20, s19, $0x38;
	[tilespmem:$0x4070] =	vst v63  }
0x6f: {  	_ = 	snop  }
0x70: {  	[spmem:s2] =	stream.indirect.scatter.add.f32 [tilespmem:s17], [sflag:$0x2], $0x1, s22, s22, $0xb8;
	[tilespmem:$0x4070] =	vst v63  }
0x71: {  	_ =	swait.ge [sflag:s29], $0xA00  }
0x72: {  	p2 =	sge.u32 s1, s7;
	[sflag:s29] =	ssyncset.done $0x0  }
0x73: {  	s0 =	sadd.s32 @!p2 s0, s16;
	s8 =	simm.s32 @!p2 $0x1;
	[sflag:s29] =	ssyncadd.s32 $0xFFFFF600  }
.Ltmp2:
0x74: {  	s0 =	sadd.s32 @!p2 $0x1E010, s0;
	_ =	swait.ge @!p2 [sflag:s8], $0xA00;
	(pc) =	sbr.rel @p1 .LBB2_6-.Ltmp2, $4  }
0x75: {  	s9 =	simm.s32 @!p2 $0x0;
	[sflag:s8] =	ssyncset.done @!p2 $0x0  }
0x76: {  	s10 =	simm.s32 @!p2 $0x100;
	[sflag:s8] =	ssyncadd.s32 @!p2 $0xFFFFF600;
	s8 =	simm.s32 @!p2 $0x80  }
0x77: {  	[tilespmem:s9], [sflag:$0x4] =	stream.strided.gather @!p2 [hbm4b:s0+s8], $0xA00, s10, s8, $0x38;
	[tilespmem:$0x4070] =	vst v63  }
0x78: {  	s1 =	sadd.s32 $0x3, s1  }
0x79: {  	[spmem:s2] =	stream.indirect.scatter.add.f32 [tilespmem:s17], [sflag:$0x3], $0x1, s24, s22, $0xb8;
	[tilespmem:$0x4070] =	vst v63  }
0x7a: {  	s0 =	simm.s32 @!p0 $0x4  }
0x7b: {  	_ =	swait.ge @!p0 [sflag:s0], $0xA00  }
0x7c: {  	s1 =	simm.s32 @!p0 $0x0;
	[sflag:s0] =	ssyncset.done @!p0 $0x0  }
0x7d: {  	s8 =	simm.s32 @!p0 $0x1E00;
	[sflag:s0] =	ssyncadd.s32 @!p0 $0xFFFFF600;
	s0 =	simm.s32 @!p0 $0xA00  }
0x7e: {  	[spmem:s2] =	stream.indirect.scatter.add.f32 @!p0 [tilespmem:s8], [sflag:$0x1], $0x1, s1, s0, $0xb8;
	[tilespmem:$0x4070] =	vst v63  }
0x7f: {  	_ =	swait.ge [sflag:s25], $0xA00  }
0x80: {  	[sflag:s25] =	ssyncset.done $0x0  }
0x81: {  	[sflag:s25] =	ssyncadd.s32 $0xFFFFF600  }
0x82: {  	_ =	swait.ge [sflag:s26], $0xA00  }
0x83: {  	[sflag:s26] =	ssyncset.done $0x0  }
0x84: {  	[sflag:s26] =	ssyncadd.s32 $0xFFFFF600  }
0x85: {  	_ =	swait.ge [sflag:s28], $0xA00  }
0x86: {  	[sflag:s28] =	ssyncset.done $0x0  }
0x87: {  	[sflag:s28] =	ssyncadd.s32 $0xFFFFF600  }
0x88: {  	[bflag:$0x0] =	sbarrier.arrive $0xFFFF  }
0x89: {  	[tilespmem:s17], [sflag:$0x7] =	stream.linear.gather [spmem:s4], $0xA00, $0x38;
	[tilespmem:$0x4070] =	vst v63  }
0x8a: {  	_ =	swait.ge [sflag:s18], $0xA00  }
0x8b: {  	[sflag:s18] =	ssyncset.done $0x0  }
0x8c: {  	s10 =	rddreg [dreg:$0x5];
	[sflag:s18] =	ssyncadd.s32 $0xFFFFF600  }
0x8d: {  	[hbm4b:s10+s3] =	stream.linear.scatter [tilespmem:s17], [sflag:$0x7], $0xA00, $0x38;
	[tilespmem:$0x4070] =	vst v63  }
0x8e: {  	_ =	swait.ge [sflag:s18], $0xA00  }
0x8f: {  	[sflag:s18] =	ssyncset.done $0x0  }
0x90: {  	[sflag:s18] =	ssyncadd.s32 $0xFFFFF600  }
0x91: {  	[tilespmem:s17], [sflag:$0x7] =	stream.linear.gather [spmem:s5], $0xA00, $0x38;
	[tilespmem:$0x4070] =	vst v63  }
0x92: {  	_ =	swait.ge [sflag:s18], $0xA00  }
0x93: {  	[sflag:s18] =	ssyncset.done $0x0  }
0x94: {  	s31 =	rddreg [dreg:$0x6];
	[sflag:s18] =	ssyncadd.s32 $0xFFFFF600  }
0x95: {  	[hbm4b:s31+s3] =	stream.linear.scatter [tilespmem:s17], [sflag:$0x7], $0xA00, $0x38;
	[tilespmem:$0x4070] =	vst v63  }
0x96: {  	_ =	swait.ge [sflag:s18], $0xA00  }
0x97: {  	[sflag:s18] =	ssyncset.done $0x0  }
0x98: {  	[sflag:s18] =	ssyncadd.s32 $0xFFFFF600  }
0x99: {  	[tilespmem:s17], [sflag:$0x7] =	stream.linear.gather [spmem:s6], $0x470, $0x38;
	[tilespmem:$0x4070] =	vst v63  }
0x9a: {  	s30 =	sadd.s32 $0x1, s30;
	_ =	swait.ge [sflag:s18], $0x470  }
0x9b: {  	p1 =	sne.s32 s30, s12;
	[sflag:s18] =	ssyncset.done $0x0  }
.Ltmp3:
0x9c: {  	[sflag:s18] =	ssyncadd.s32 $0xFFFFFB90;
	(pc) =	sbr.rel @p1 .LBB2_1-.Ltmp3, $4  }
0x9d: {  	[hbm4b:s11+s3] =	stream.linear.scatter [tilespmem:s17], [sflag:$0x7], $0x470, $0x38;
	[tilespmem:$0x4070] =	vst v63  }
0x9e: {  	_ =	swait.ge [sflag:s18], $0x470  }
0x9f: {  	[sflag:s18] =	ssyncset.done $0x0  }
0xa0: {  	[sflag:s18] =	ssyncadd.s32 $0xFFFFFB90  }
0xa1: {  	_ =	sfence.sel $0x180000  }
0xa2: {  	[bflag:$0x0] =	sbarrier.arrive $0xFFFF  }
0xa3: {  	_ =	strace $0x90000047  }
0xa4: {  	s0 =	stileid.u32;
	[bflag:$0x2] =	sbarrier.arrive $0xFFFF  }
0xa5: {  	p0 =	sne.s32 s0, $0x0;
	s0 =	rddreg [dreg:$0x3]  }
0xa6: {  	s0 =	sadd.s32 @!p0 $0x100000, s0  }
0xa7: {  	[sflag:s0] =	ssyncadd.tile.s32 @!p0 $0x1;
	_ =	shalt  }
.Lfunc_end2:
_tile_overlayer_lowered:
.L_overlay_start_2:
0xa8: {  	(tag) =	ssettag $0x2  }
0xa9: {  	s0 =	rddreg [dreg:$0x0];
	s2 =	stileid.u32  }
0xaa: {  	s1 =	rddreg [dreg:$0x1];
	p0 =	sne.s32 s2, $0x0  }
0xab: {  	s3 =	rddreg [dreg:$0x2];
	[bflag:$0x3] =	sbarrier.arrive $0xFFFF;
	s2 =	simm.s32 @!p0 $0x1C07  }
0xac: {  	[timem:s3], [sflag:s2] =	dma.local @!p0 [hbm:s0], s1  }
0xad: {  	s0 =	simm.s32 @!p0 $0x7  }
0xae: {  	_ =	swait.ge @!p0 [sflag:s0], s1  }
0xaf: {  	s1 =	ssub.s32 @!p0 $0x0, s1;
	[sflag:s0] =	ssyncset.done @!p0 $0x0  }
0xb0: {  	[sflag:s0] =	ssyncadd.s32 @!p0 s1  }
0xb1: {  	[bflag:$0x3] =	sbarrier.arrive $0xFFFF  }
0xb2: {  	_ =	shalt  }

</sc_bundles>
